<compile_context>
chip_gen: v7x
topology: tpu7x:2x2x1
jax: 0.10.2.dev20260603
libtpu: 0.0.44.dev20260713+nightly
codegen_flags: <defaults>
</compile_context>

<pallas_src>
import functools

import jax
import jax.numpy as jnp
import numpy as np
from jax import lax
from jax.experimental import pallas as pl
from jax.experimental.pallas import tpu as pltpu
from jax.experimental.pallas import tpu_sc as plsc

_EMBED = 128
_TIME = 100
_EDGE = 16
_QDIM = _EMBED + _TIME
_DH = _QDIM // 2
_NN = 100000
_B0 = 2048
_K = 16
_B1 = _B0 * _K
_NU = _B0 + _B1

_NC = 2
_NS = 16
_NW = _NC * _NS
_L = 16
_C = 128


def _wid():
    return lax.axis_index("s") * _NC + lax.axis_index("c")


def _sc_elem_gather(table, idx):
    n = idx.shape[0]
    t = table.shape[0]
    per_w = n // _NW
    nv = per_w // _L
    mesh = plsc.VectorSubcoreMesh(core_axis_name="c", subcore_axis_name="s")

    @functools.partial(
        pl.kernel,
        mesh=mesh,
        compiler_params=pltpu.CompilerParams(needs_layout_passes=False),
        out_type=jax.ShapeDtypeStruct((n,), jnp.int32),
        scratch_types=[
            pltpu.VMEM((t,), jnp.int32),
            pltpu.VMEM((per_w,), jnp.int32),
            pltpu.VMEM((per_w,), jnp.int32),
        ],
    )
    def k(table_hbm, idx_hbm, out_hbm, table_v, idx_v, out_v):
        w = _wid()
        base = w * per_w
        pltpu.sync_copy(table_hbm, table_v)
        pltpu.sync_copy(idx_hbm.at[pl.ds(base, per_w)], idx_v)

        def body(i, carry):
            iv = idx_v[pl.ds(i * _L, _L)]
            out_v[pl.ds(i * _L, _L)] = plsc.load_gather(table_v, [iv])
            return carry

        lax.fori_loop(0, nv, body, 0)
        pltpu.sync_copy(out_v, out_hbm.at[pl.ds(base, per_w)])

    return k(table, idx)


_NB = 4


def _sc_row_gather(table, idx, nb=_NB):
    n = idx.shape[0]
    d = table.shape[1]
    per_w = n // _NW
    chunks = per_w // _C
    ngroups = chunks // nb
    mesh = plsc.VectorSubcoreMesh(core_axis_name="c", subcore_axis_name="s")

    @functools.partial(
        pl.kernel,
        mesh=mesh,
        compiler_params=pltpu.CompilerParams(needs_layout_passes=False),
        cost_estimate=pl.CostEstimate(
            flops=0, transcendentals=0,
            bytes_accessed=2 * n * d * 4 + n * 4),
        out_type=jax.ShapeDtypeStruct((n, d), jnp.float32),
        scratch_types=[
            pltpu.VMEM((per_w,), jnp.int32),
        ] + [pltpu.VMEM((_C, d), jnp.float32)] * nb
          + [pltpu.SemaphoreType.DMA] * (2 * nb),
    )
    def k(table_hbm, idx_hbm, out_hbm, idx_v, *rest):
        bufs = rest[:nb]
        gs = rest[nb:2 * nb]
        ws = rest[2 * nb:]
        w = _wid()
        base = w * per_w
        pltpu.sync_copy(idx_hbm.at[pl.ds(base, per_w)], idx_v)

        def g_start(c, j):
            pltpu.async_copy(
                table_hbm.at[idx_v.at[pl.ds(c * _C, _C)]], bufs[j], gs[j])

        def g_wait(j):
            pltpu.make_async_copy(
                table_hbm.at[idx_v.at[pl.ds(0, _C)]], bufs[j], gs[j]).wait()

        def w_start(c, j):
            pltpu.async_copy(bufs[j], out_hbm.at[pl.ds(base + c * _C, _C)],
                             ws[j])

        def w_wait(j):
            pltpu.make_async_copy(bufs[j], out_hbm.at[pl.ds(base, _C)],
                                  ws[j]).wait()

        for j in range(nb):
            g_start(j, j)

        def body(g, carry):
            c0 = g * nb
            for j in range(nb):
                g_wait(j)
                w_start(c0 + j, j)
            for j in range(nb):
                w_wait(j)
                g_start(c0 + nb + j, j)
            return carry

        lax.fori_loop(0, ngroups - 1, body, 0)
        c0 = (ngroups - 1) * nb
        for j in range(nb):
            g_wait(j)
            w_start(c0 + j, j)
        for j in range(nb):
            w_wait(j)

    return k(table, idx)


_COS_COEF = (0.9999999889445765, -19.739204466576158, 64.93911592834692,
             -85.45011342750767, 60.16742979194585, -25.966884612550658,
             6.527705962902734)


def _fast_cos(x):
    y = x * jnp.float32(1.0 / (2.0 * np.pi))
    big = jnp.float32(12582912.0)
    r = (y + big) - big
    y = y - r
    z = y * y
    acc = jnp.float32(_COS_COEF[-1])
    for c in _COS_COEF[-2::-1]:
        acc = acc * z + jnp.float32(c)
    return acc


def _layer_block(combine, bn, *refs):
    if combine:
        (tbl_r, nf_r, nbrf_r, ef_r, dt_r, mk_r, nbrz_r, selz_r, sels_r,
         wqa_r, qc_r, wk_r, bk_r, wv_r, bv_r,
         wo_r, w1a_r, w1b_r, b1_r, w2_r, b2_r, twp_r, tbp_r, out_r) = refs
    else:
        (tbl_r, nf_r, nbrf_r, ef_r, dt_r, mk_r,
         wqa_r, qc_r, wk_r, bk_r, wv_r, bv_r,
         wo_r, w1a_r, w1b_r, b1_r, w2_r, b2_r, twp_r, tbp_r, out_r) = refs
    del tbl_r

    nf = nf_r[...]
    nbr = nbrf_r[...]
    if combine:
        nbr = selz_r[...] * nbrz_r[...] + sels_r[...] * nbr
    tfx = _fast_cos(dt_r[...] * twp_r[...] + tbp_r[...])
    lane = lax.broadcasted_iota(jnp.int32, (1, _EMBED), 1)
    ef_pad = jnp.pad(ef_r[...], ((0, 0), (0, _EMBED - _EDGE)))
    eftf = jnp.where(lane < _EDGE, ef_pad, tfx)
    kin = jnp.concatenate([nbr, eftf], axis=1)

    kmat = jnp.dot(kin, wk_r[...], preferred_element_type=jnp.float32) + bk_r[...]
    vmat = jnp.dot(kin, wv_r[...], preferred_element_type=jnp.float32) + bv_r[...]
    q = jnp.dot(nf, wqa_r[...], preferred_element_type=jnp.float32) + qc_r[...]

    k3 = kmat.reshape(bn, _K, _QDIM)
    v3 = vmat.reshape(bn, _K, _QDIM)
    prod = q[:, None, :] * k3
    didx = lax.broadcasted_iota(jnp.int32, (1, 1, _QDIM), 2)
    head0 = didx < _DH
    s_all = jnp.sum(prod, axis=2)
    s0 = jnp.sum(jnp.where(head0, prod, 0.0), axis=2)
    s1 = s_all - s0
    scale = jnp.float32(1.0 / np.sqrt(_DH))
    m = mk_r[...] > 0.0
    s0 = jnp.where(m, s0 * scale, jnp.float32(-1e30))
    s1 = jnp.where(m, s1 * scale, jnp.float32(-1e30))
    e0 = jnp.exp(s0 - jnp.max(s0, axis=1, keepdims=True))
    e1 = jnp.exp(s1 - jnp.max(s1, axis=1, keepdims=True))
    a0 = e0 / jnp.sum(e0, axis=1, keepdims=True)
    a1 = e1 / jnp.sum(e1, axis=1, keepdims=True)
    attn = jnp.where(head0, a0[:, :, None], a1[:, :, None])
    outf = jnp.sum(attn * v3, axis=1)

    h = jnp.dot(outf, wo_r[...], preferred_element_type=jnp.float32)
    x = jnp.maximum(
        jnp.dot(h, w1a_r[...], preferred_element_type=jnp.float32)
        + jnp.dot(nf, w1b_r[...], preferred_element_type=jnp.float32)
        + b1_r[...], 0.0)
    out_r[...] = jnp.dot(x, w2_r[...], preferred_element_type=jnp.float32) + b2_r[...]


def _tc_layer(table, row_off, nf, nbrf, ef, dt, maskf, nbrz, selz, sels,
              weights, combine):
    n = nf.shape[0]
    bn = 256
    nb = n // bn
    bnk = bn * _K
    off = row_off // bn

    def rep(shape):
        return pl.BlockSpec(shape, lambda i: (0, 0))

    in_specs = [
        pl.BlockSpec((8, _EMBED), lambda i: (0, 0)),
        pl.BlockSpec((bn, _EMBED), lambda i: (i, 0)),
        pl.BlockSpec((bnk, _EMBED), lambda i: (i, 0)),
        pl.BlockSpec((bnk, _EDGE), lambda i: (i, 0)),
        pl.BlockSpec((bnk, 1), lambda i: (i, 0)),
        pl.BlockSpec((bn, _K), lambda i: (i, 0)),
    ]
    args = [table, nf, nbrf, ef, dt, maskf]
    if combine:
        in_specs += [
            pl.BlockSpec((bnk, _EMBED), lambda i: (i, 0)),
            pl.BlockSpec((bnk, 1), lambda i: (i, 0)),
            pl.BlockSpec((bnk, 1), lambda i: (i, 0)),
        ]
        args += [nbrz, selz, sels]
    in_specs += [rep(w.shape) for w in weights]
    args += list(weights)

    return pl.pallas_call(
        functools.partial(_layer_block, combine, bn),
        grid=(nb,),
        in_specs=in_specs,
        out_specs=pl.BlockSpec((bn, _EMBED), lambda i: (i + off, 0)),
        out_shape=jax.ShapeDtypeStruct(table.shape, jnp.float32),
        input_output_aliases={0: 0},
    )(*args)


def _prep_weights(Wq, bq, Wk, bk, Wv, bv, Wo, bo, W1, b1, W2, b2, tw, tb):
    qc = (jnp.cos(tb)[None, :] @ Wq[:, _EMBED:].T + bq[None, :])
    wqa = Wq[:, :_EMBED].T
    wk = jnp.pad(Wk.T, ((0, 12), (0, 0)))
    wv = jnp.pad(Wv.T, ((0, 12), (0, 0)))
    wo = Wo.T
    w1a = W1[:, :_QDIM].T
    w1b = W1[:, _QDIM:].T
    b1e = (b1 + bo @ W1[:, :_QDIM].T)[None, :]
    w2 = W2.T
    zeros16 = jnp.zeros((_EDGE,), jnp.float32)
    zeros12 = jnp.zeros((12,), jnp.float32)
    twp = jnp.concatenate([zeros16, tw, zeros12])[None, :]
    tbp = jnp.concatenate([zeros16, tb, zeros12])[None, :]
    return (wqa, qc, wk, bk[None, :], wv, bv[None, :],
            wo, w1a, w1b, b1e, w2, b2[None, :], twp, tbp)


def kernel(static_node_feat, nids0, nids1, nbr_nids0, nbr_nids1, nbr_mask0,
           nbr_mask1, times0, times1, nbr_times0, nbr_times1, nbr_feats0,
           nbr_feats1, g2l, tw, tb,
           Wq0, bq0, Wk0, bk0, Wv0, bv0, Wo0, bo0, W10, b10, W20, b20,
           Wq1, bq1, Wk1, bk1, Wv1, bv1, Wo1, bo1, W11, b11, W21, b21):
    f32 = jnp.float32
    i32 = jnp.int32

    remap_idx = jnp.concatenate(
        [nids1, nbr_nids0.reshape(-1), nids0])
    remap = _sc_elem_gather(g2l, remap_idx)
    l1 = remap[:_B1]
    lnbr0 = remap[_B1:_B1 + _B1]
    l0 = remap[_B1 + _B1:]

    feat_idx0 = jnp.concatenate([
        nids0, nbr_nids0.reshape(-1),
        jnp.arange(2048, dtype=i32),
    ])
    rows0 = _sc_row_gather(static_node_feat, feat_idx0, nb=3)
    nf0 = rows0[:_B0]
    nbrf0 = rows0[_B0:_B0 + _B0 * _K]

    p1 = _prep_weights(Wq1, bq1, Wk1, bk1, Wv1, bv1, Wo1, bo1, W11, b11,
                       W21, b21, tw, tb)
    m1f = nbr_mask1.astype(f32)
    dt1 = jnp.where(nbr_mask1, times1[:, None] - nbr_times1, 0.0)
    half = _B1 // 2
    table = jnp.zeros((_B1 + _B0 + 32, _EMBED), f32)
    for ci in range(2):
        sl = slice(ci * half, (ci + 1) * half)
        fidx = jnp.concatenate([nids1[sl], nbr_nids1[sl].reshape(-1)])
        rows1 = _sc_row_gather(static_node_feat, fidx)
        table = _tc_layer(
            table, ci * half, rows1[:half], rows1[half:],
            nbr_feats1[sl].reshape(half * _K, _EDGE),
            dt1[sl].reshape(half * _K, 1), m1f[sl], None, None, None,
            p1, combine=False)

    win1 = jnp.full((_NU,), -1, i32).at[l1].max(jnp.arange(_B1, dtype=i32))
    win0 = jnp.full((_NU,), -1, i32).at[l0].max(jnp.arange(_B0, dtype=i32))

    w = _sc_elem_gather(win1, lnbr0)
    valid = w >= 0
    zidx = jnp.where(valid, w, jnp.arange(_B1, dtype=i32))
    nbrz = _sc_row_gather(table, zidx)
    m0flat = nbr_mask0.reshape(-1)
    selz = (m0flat & valid).astype(f32)[:, None]
    sels = (~m0flat).astype(f32)[:, None]

    p0 = _prep_weights(Wq0, bq0, Wk0, bk0, Wv0, bv0, Wo0, bo0, W10, b10,
                       W20, b20, tw, tb)
    m0f = nbr_mask0.astype(f32)
    dt0 = jnp.where(nbr_mask0, times0[:, None] - nbr_times0, 0.0)
    table = _tc_layer(table, _B1, nf0, nbrf0,
                      nbr_feats0.reshape(_B0 * _K, _EDGE),
                      dt0.reshape(_B0 * _K, 1), m0f, nbrz, selz, sels,
                      p0, combine=True)

    u = jnp.arange(_NU, dtype=i32)
    winf = jnp.where(win0 >= 0, _B1 + win0,
                     jnp.where(win1 >= 0, win1, _B1 + _B0 + (u % 32)))
    pad = _B1 + _B0 + (jnp.arange(40960 - _NU, dtype=i32) % 32)
    zrows = _sc_row_gather(table, jnp.concatenate([winf, pad]), nb=2)
    return zrows[:_NU]

# --- scband reference (transcript-rebuilt; emitter-appended) ---
"""Pipeline reference for scband-tgat-52570399703201 (READ-ONLY COPY).

The authoritative reference and input builder live on the scoring server;
editing this copy changes nothing except your own understanding.
"""

import jax, jax.numpy as jnp
import numpy as np

EMBED_DIM = 128
TIME_DIM = 100
EDGE_DIM = 16
N_HEADS = 2
QDIM = EMBED_DIM + TIME_DIM
KDIM = EMBED_DIM + EDGE_DIM + TIME_DIM
N_NODES = 100000
B0 = 2048
K = 16
B1 = B0 * K
N_UNIQUE = B0 + B1


def _time2vec(t, tw, tb):
    # Time2Vec / TGAT time encoder: cos(t * w + b)
    return jnp.cos(t[..., None] * tw + tb)


def _mha(q_in, k_in, mask, Wq, bq, Wk, bk, Wv, bv, Wo, bo):
    # torch.nn.MultiheadAttention(embed_dim=QDIM, kdim=vdim=KDIM, batch_first=True), eval mode (no dropout)
    q = q_in @ Wq.T + bq                      # [N, QDIM]
    k = k_in @ Wk.T + bk                      # [N, K, QDIM]
    v = k_in @ Wv.T + bv                      # [N, K, QDIM]
    N, Kn = k.shape[0], k.shape[1]
    dh = QDIM // N_HEADS
    qh = q.reshape(N, N_HEADS, dh)
    kh = k.reshape(N, Kn, N_HEADS, dh)
    vh = v.reshape(N, Kn, N_HEADS, dh)
    scores = jnp.einsum('nhd,nkhd->nhk', qh, kh) / float(np.sqrt(dh))
    scores = jnp.where(mask[:, None, :], scores, jnp.float32(-1e30))
    attn = jax.nn.softmax(scores, axis=-1)
    out = jnp.einsum('nhk,nkhd->nhd', attn, vh).reshape(N, QDIM)
    return out @ Wo.T + bo


def _layer(node_feat, time_feat, edge_feat, nbr_node_feat, nbr_time_feat, mask, p):
    (Wq, bq, Wk, bk, Wv, bv, Wo, bo, W1, b1, W2, b2) = p
    q_in = jnp.concatenate([node_feat, time_feat], axis=-1)               # [N, QDIM]
    k_in = jnp.concatenate([nbr_node_feat, edge_feat, nbr_time_feat], axis=-1)  # [N, K, KDIM]
    h = _mha(q_in, k_in, mask, Wq, bq, Wk, bk, Wv, bv, Wo, bo)
    # MergeLayer: fc2(relu(fc1(cat(attn_out, node_feat))))
    x = jnp.concatenate([h, node_feat], axis=-1)
    x = jax.nn.relu(x @ W1.T + b1)
    return x @ W2.T + b2


def _tgat(static_node_feat, times0, times1, nbr_times0, nbr_times1, nbr_feats0, nbr_feats1, tw, tb, p0, p1,
          nids0, nids1, nbr_nids0, nbr_nids1, nbr_mask0, nbr_mask1, g2l):
    # hop 1 (deepest hop, processed first in reversed loop): neighbor feats are static
    node_feat = static_node_feat[nids1]
    node_tf = _time2vec(jnp.zeros(nids1.shape, dtype=jnp.float32), tw, tb)
    nbr_feat = static_node_feat[nbr_nids1]
    dt1 = jnp.where(nbr_mask1, times1[:, None] - nbr_times1, 0.0)
    nbr_tf = _time2vec(dt1, tw, tb)
    out1 = _layer(node_feat, node_tf, nbr_feats1, nbr_feat, nbr_tf, nbr_mask1, p1)
    z = jnp.zeros((N_UNIQUE, EMBED_DIM), dtype=jnp.float32)
    z = z.at[g2l[nids1]].set(out1)
    # hop 0: valid neighbors pull previously computed embeddings from z
    node_feat = static_node_feat[nids0]
    node_tf = _time2vec(jnp.zeros(nids0.shape, dtype=jnp.float32), tw, tb)
    nbr_feat = static_node_feat[nbr_nids0]
    nbr_feat = jnp.where(nbr_mask0[..., None], z[g2l[nbr_nids0]], nbr_feat)
    dt0 = jnp.where(nbr_mask0, times0[:, None] - nbr_times0, 0.0)
    nbr_tf = _time2vec(dt0, tw, tb)
    out0 = _layer(node_feat, node_tf, nbr_feats0, nbr_feat, nbr_tf, nbr_mask0, p0)
    z = z.at[g2l[nids0]].set(out0)
    return z


def _make_params(key):
    def lin(k, out_d, in_d):
        return jax.random.normal(k, (out_d, in_d), dtype=jnp.float32) / float(np.sqrt(in_d))
    ks = jax.random.split(key, 6)
    Wq = lin(ks[0], QDIM, QDIM); bq = jnp.zeros((QDIM,), jnp.float32)
    Wk = lin(ks[1], QDIM, KDIM); bk = jnp.zeros((QDIM,), jnp.float32)
    Wv = lin(ks[2], QDIM, KDIM); bv = jnp.zeros((QDIM,), jnp.float32)
    Wo = lin(ks[3], QDIM, QDIM); bo = jnp.zeros((QDIM,), jnp.float32)
    W1 = lin(ks[4], EMBED_DIM, QDIM + EMBED_DIM); b1 = jnp.zeros((EMBED_DIM,), jnp.float32)
    W2 = lin(ks[5], EMBED_DIM, EMBED_DIM); b2 = jnp.zeros((EMBED_DIM,), jnp.float32)
    return (Wq, bq, Wk, bk, Wv, bv, Wo, bo, W1, b1, W2, b2)


def setup_inputs(seed: int = 0):
    key = jax.random.key(seed)
    ks = jax.random.split(key, 20)
    inp = {}
    inp['static_node_feat'] = jax.random.normal(ks[0], (N_NODES, EMBED_DIM), dtype=jnp.float32)
    inp['nids0'] = jax.random.randint(ks[1], (B0,), 0, N_NODES, dtype=jnp.int32)
    inp['nids1'] = jax.random.randint(ks[2], (B1,), 0, N_NODES, dtype=jnp.int32)
    inp['nbr_nids0'] = jax.random.randint(ks[3], (B0, K), 0, N_NODES, dtype=jnp.int32)
    inp['nbr_nids1'] = jax.random.randint(ks[4], (B1, K), 0, N_NODES, dtype=jnp.int32)
    m0 = jax.random.randint(ks[5], (B0, K), 0, 2) > 0
    m1 = jax.random.randint(ks[6], (B1, K), 0, 2) > 0
    inp['nbr_mask0'] = m0.at[:, 0].set(True)  # guarantee >=1 valid neighbor per row
    inp['nbr_mask1'] = m1.at[:, 0].set(True)
    inp['times0'] = jax.random.uniform(ks[7], (B0,), minval=0.0, maxval=100.0, dtype=jnp.float32)
    inp['times1'] = jax.random.uniform(ks[8], (B1,), minval=0.0, maxval=100.0, dtype=jnp.float32)
    inp['nbr_times0'] = jax.random.uniform(ks[9], (B0, K), minval=0.0, maxval=100.0, dtype=jnp.float32)
    inp['nbr_times1'] = jax.random.uniform(ks[10], (B1, K), minval=0.0, maxval=100.0, dtype=jnp.float32)
    inp['nbr_feats0'] = jax.random.normal(ks[11], (B0, K, EDGE_DIM), dtype=jnp.float32)
    inp['nbr_feats1'] = jax.random.normal(ks[12], (B1, K, EDGE_DIM), dtype=jnp.float32)
    inp['g2l'] = jax.random.randint(ks[13], (N_NODES,), 0, N_UNIQUE, dtype=jnp.int32)
    inp['tw'] = (1.0 / (10.0 ** jnp.linspace(0.0, 9.0, TIME_DIM))).astype(jnp.float32)
    inp['tb'] = jnp.zeros((TIME_DIM,), jnp.float32)
    names = ['Wq', 'bq', 'Wk', 'bk', 'Wv', 'bv', 'Wo', 'bo', 'W1', 'b1', 'W2', 'b2']
    for n, v in zip(names, _make_params(ks[14])):
        inp[n + '0'] = v
    for n, v in zip(names, _make_params(ks[15])):
        inp[n + '1'] = v
    return inp


def reference(static_node_feat, nids0, nids1, nbr_nids0, nbr_nids1, nbr_mask0, nbr_mask1,
              times0, times1, nbr_times0, nbr_times1, nbr_feats0, nbr_feats1, g2l, tw, tb,
              Wq0, bq0, Wk0, bk0, Wv0, bv0, Wo0, bo0, W10, b10, W20, b20,
              Wq1, bq1, Wk1, bk1, Wv1, bv1, Wo1, bo1, W11, b11, W21, b21):
    p0 = (Wq0, bq0, Wk0, bk0, Wv0, bv0, Wo0, bo0, W10, b10, W20, b20)
    p1 = (Wq1, bq1, Wk1, bk1, Wv1, bv1, Wo1, bo1, W11, b11, W21, b21)
    return _tgat(static_node_feat, times0, times1, nbr_times0, nbr_times1, nbr_feats0, nbr_feats1,
                 tw, tb, p0, p1, nids0, nids1, nbr_nids0, nbr_nids1, nbr_mask0, nbr_mask1, g2l)

if __name__ == "__main__":
    import jax
    _d = setup_inputs()
    print(jax.jit(kernel)(*tuple(_d.values())))

</pallas_src>

<mosaic_0001>
#map = affine_map<(d0, d1) -> (0, 0)>
#map1 = affine_map<(d0, d1) -> (0)>
module attributes {stable_mosaic.version = 14 : i64} {
  func.func @k(%arg0: i32, %arg1: i32, %arg2: memref<100000x128xf32, #tpu.memory_space<hbm>>, %arg3: memref<278528xi32, #tpu.memory_space<hbm>>, %arg4: memref<278528x128xf32, #tpu.memory_space<hbm>>, %arg5: memref<8704xi32, #tpu.memory_space<vmem>>, %arg6: memref<128x128xf32, #tpu.memory_space<vmem>>, %arg7: memref<128x128xf32, #tpu.memory_space<vmem>>, %arg8: memref<128x128xf32, #tpu.memory_space<vmem>>, %arg9: memref<128x128xf32, #tpu.memory_space<vmem>>, %arg10: memref<!tpu.dma_semaphore, #tpu.memory_space<semaphore_mem>>, %arg11: memref<!tpu.dma_semaphore, #tpu.memory_space<semaphore_mem>>, %arg12: memref<!tpu.dma_semaphore, #tpu.memory_space<semaphore_mem>>, %arg13: memref<!tpu.dma_semaphore, #tpu.memory_space<semaphore_mem>>, %arg14: memref<!tpu.dma_semaphore, #tpu.memory_space<semaphore_mem>>, %arg15: memref<!tpu.dma_semaphore, #tpu.memory_space<semaphore_mem>>, %arg16: memref<!tpu.dma_semaphore, #tpu.memory_space<semaphore_mem>>, %arg17: memref<!tpu.dma_semaphore, #tpu.memory_space<semaphore_mem>>) attributes {dimension_semantics = [#tpu.dimension_semantics<core_parallel>, #tpu.dimension_semantics<subcore_parallel>], iteration_bounds = array<i64: 2, 16>, scalar_prefetch = 0 : i64, scratch_operands = 13 : i64, tpu.core_type = #tpu.core_type<sc_vector_subcore>, window_params = [{transform_indices = #map}, {transform_indices = #map1}, {transform_indices = #map}]} {
    %mul3A = arith.constant 2 : i32
    %mul3A_0 = arith.muli %arg1, %mul3A : i32
    %add3A = arith.addi %mul3A_0, %arg0 : i32
    %mul3A_1 = arith.constant 8704 : i32
    %mul3A_2 = arith.muli %add3A, %mul3A_1 : i32
    "tpu.region"() ({
      %run_scoped3A = tpu.sem_alloc : memref<!tpu.dma_semaphore, #tpu.memory_space<semaphore_mem>>
      %dma_start3A_86 = tpu.memref_slice %arg3[%mul3A_2] : memref<278528xi32, #tpu.memory_space<hbm>> -> memref<8704xi32, #tpu.memory_space<hbm>>
      %dma_start3A_87 = tpu.memref_slice %arg3[%mul3A_2] : memref<278528xi32, #tpu.memory_space<hbm>> -> memref<8704xi32, #tpu.memory_space<hbm>>
      tpu.enqueue_dma source(%dma_start3A_87 : memref<8704xi32, #tpu.memory_space<hbm>>) target(%arg5 : memref<8704xi32, #tpu.memory_space<vmem>>) target_semaphore(%run_scoped3A : memref<!tpu.dma_semaphore, #tpu.memory_space<semaphore_mem>>)
      %dma_wait3A_88 = tpu.memref_slice %arg3[%mul3A_2] : memref<278528xi32, #tpu.memory_space<hbm>> -> memref<8704xi32, #tpu.memory_space<hbm>>
      %dma_wait3A_89 = tpu.memref_slice %arg3[%mul3A_2] : memref<278528xi32, #tpu.memory_space<hbm>> -> memref<8704xi32, #tpu.memory_space<hbm>>
      tpu.wait_dma2 semaphore(%run_scoped3A : memref<!tpu.dma_semaphore, #tpu.memory_space<semaphore_mem>>) src(%dma_wait3A_89 : memref<8704xi32, #tpu.memory_space<hbm>>) dst(%arg5 : memref<8704xi32, #tpu.memory_space<vmem>>)
      tpu.yield
    }) : () -> ()
    %dma_start3A = arith.constant 0 : i32
    %dma_start3A_3 = tpu.memref_slice %arg5[%dma_start3A] : memref<8704xi32, #tpu.memory_space<vmem>> -> memref<128xi32, #tpu.memory_space<vmem>>
    %dma_start3A_4 = arith.constant 0 : i32
    %dma_start3A_5 = arith.constant 0 : i32
    %dma_start3A_6 = tpu.memref_slice %arg2[%dma_start3A_4, %dma_start3A_5] : memref<100000x128xf32, #tpu.memory_space<hbm>> -> memref<100000x128xf32, #tpu.memory_space<hbm>>
    tpu.enqueue_indirect_dma source(%dma_start3A_6 : memref<100000x128xf32, #tpu.memory_space<hbm>>) target(%arg6 : memref<128x128xf32, #tpu.memory_space<vmem>>) offsets(%dma_start3A_3 : memref<128xi32, #tpu.memory_space<vmem>>) semaphore(%arg10 : memref<!tpu.dma_semaphore, #tpu.memory_space<semaphore_mem>>)
    %dma_start3A_7 = arith.constant 128 : i32
    %dma_start3A_8 = tpu.memref_slice %arg5[%dma_start3A_7] : memref<8704xi32, #tpu.memory_space<vmem>> -> memref<128xi32, #tpu.memory_space<vmem>>
    %dma_start3A_9 = arith.constant 0 : i32
    %dma_start3A_10 = arith.constant 0 : i32
    %dma_start3A_11 = tpu.memref_slice %arg2[%dma_start3A_9, %dma_start3A_10] : memref<100000x128xf32, #tpu.memory_space<hbm>> -> memref<100000x128xf32, #tpu.memory_space<hbm>>
    tpu.enqueue_indirect_dma source(%dma_start3A_11 : memref<100000x128xf32, #tpu.memory_space<hbm>>) target(%arg7 : memref<128x128xf32, #tpu.memory_space<vmem>>) offsets(%dma_start3A_8 : memref<128xi32, #tpu.memory_space<vmem>>) semaphore(%arg11 : memref<!tpu.dma_semaphore, #tpu.memory_space<semaphore_mem>>)
    %dma_start3A_12 = arith.constant 256 : i32
    %dma_start3A_13 = tpu.memref_slice %arg5[%dma_start3A_12] : memref<8704xi32, #tpu.memory_space<vmem>> -> memref<128xi32, #tpu.memory_space<vmem>>
    %dma_start3A_14 = arith.constant 0 : i32
    %dma_start3A_15 = arith.constant 0 : i32
    %dma_start3A_16 = tpu.memref_slice %arg2[%dma_start3A_14, %dma_start3A_15] : memref<100000x128xf32, #tpu.memory_space<hbm>> -> memref<100000x128xf32, #tpu.memory_space<hbm>>
    tpu.enqueue_indirect_dma source(%dma_start3A_16 : memref<100000x128xf32, #tpu.memory_space<hbm>>) target(%arg8 : memref<128x128xf32, #tpu.memory_space<vmem>>) offsets(%dma_start3A_13 : memref<128xi32, #tpu.memory_space<vmem>>) semaphore(%arg12 : memref<!tpu.dma_semaphore, #tpu.memory_space<semaphore_mem>>)
    %dma_start3A_17 = arith.constant 384 : i32
    %dma_start3A_18 = tpu.memref_slice %arg5[%dma_start3A_17] : memref<8704xi32, #tpu.memory_space<vmem>> -> memref<128xi32, #tpu.memory_space<vmem>>
    %dma_start3A_19 = arith.constant 0 : i32
    %dma_start3A_20 = arith.constant 0 : i32
    %dma_start3A_21 = tpu.memref_slice %arg2[%dma_start3A_19, %dma_start3A_20] : memref<100000x128xf32, #tpu.memory_space<hbm>> -> memref<100000x128xf32, #tpu.memory_space<hbm>>
    tpu.enqueue_indirect_dma source(%dma_start3A_21 : memref<100000x128xf32, #tpu.memory_space<hbm>>) target(%arg9 : memref<128x128xf32, #tpu.memory_space<vmem>>) offsets(%dma_start3A_18 : memref<128xi32, #tpu.memory_space<vmem>>) semaphore(%arg13 : memref<!tpu.dma_semaphore, #tpu.memory_space<semaphore_mem>>)
    %scan3A = arith.constant 0 : i32
    %scan3A_22 = arith.constant 0 : i32
    %scan3A_23 = arith.constant 16 : i32
    %scan3A_24 = arith.addi %scan3A_22, %scan3A_23 : i32
    %scan3A_25 = arith.constant 1 : i32
    scf.for %scan3A_86 = %scan3A_22 to %scan3A_24 step %scan3A_25  : i32 {
      %mul3A_87 = arith.constant 4 : i32
      %mul3A_88 = arith.muli %scan3A_86, %mul3A_87 : i32
      %dma_wait3A_89 = arith.constant 0 : i32
      %dma_wait3A_90 = tpu.memref_slice %arg5[%dma_wait3A_89] : memref<8704xi32, #tpu.memory_space<vmem>> -> memref<128xi32, #tpu.memory_space<vmem>>
      %dma_wait3A_91 = arith.constant 0 : i32
      %dma_wait3A_92 = arith.constant 0 : i32
      %dma_wait3A_93 = tpu.memref_slice %arg2[%dma_wait3A_91, %dma_wait3A_92] : memref<100000x128xf32, #tpu.memory_space<hbm>> -> memref<100000x128xf32, #tpu.memory_space<hbm>>
      tpu.wait_indirect_dma semaphore(%arg10 : memref<!tpu.dma_semaphore, #tpu.memory_space<semaphore_mem>>) src(%dma_wait3A_93 : memref<100000x128xf32, #tpu.memory_space<hbm>>) dst(%arg6 : memref<128x128xf32, #tpu.memory_space<vmem>>)
      %add3A_94 = arith.constant 0 : i32
      %add3A_95 = arith.addi %mul3A_88, %add3A_94 : i32
      %mul3A_96 = arith.constant 128 : i32
      %mul3A_97 = arith.muli %add3A_95, %mul3A_96 : i32
      %add3A_98 = arith.addi %mul3A_2, %mul3A_97 : i32
      %dma_start3A_99 = arith.constant 0 : i32
      %dma_start3A_100 = tpu.memref_slice %arg4[%add3A_98, %dma_start3A_99] : memref<278528x128xf32, #tpu.memory_space<hbm>> -> memref<128x128xf32, #tpu.memory_space<hbm>>
      %dma_start3A_101 = arith.constant 0 : i32
      %dma_start3A_102 = tpu.memref_slice %arg4[%add3A_98, %dma_start3A_101] : memref<278528x128xf32, #tpu.memory_space<hbm>> -> memref<128x128xf32, #tpu.memory_space<hbm>>
      tpu.enqueue_dma source(%arg6 : memref<128x128xf32, #tpu.memory_space<vmem>>) target(%dma_start3A_102 : memref<128x128xf32, #tpu.memory_space<hbm>>) target_semaphore(%arg14 : memref<!tpu.dma_semaphore, #tpu.memory_space<semaphore_mem>>)
      %dma_wait3A_103 = arith.constant 0 : i32
      %dma_wait3A_104 = tpu.memref_slice %arg5[%dma_wait3A_103] : memref<8704xi32, #tpu.memory_space<vmem>> -> memref<128xi32, #tpu.memory_space<vmem>>
      %dma_wait3A_105 = arith.constant 0 : i32
      %dma_wait3A_106 = arith.constant 0 : i32
      %dma_wait3A_107 = tpu.memref_slice %arg2[%dma_wait3A_105, %dma_wait3A_106] : memref<100000x128xf32, #tpu.memory_space<hbm>> -> memref<100000x128xf32, #tpu.memory_space<hbm>>
      tpu.wait_indirect_dma semaphore(%arg11 : memref<!tpu.dma_semaphore, #tpu.memory_space<semaphore_mem>>) src(%dma_wait3A_107 : memref<100000x128xf32, #tpu.memory_space<hbm>>) dst(%arg7 : memref<128x128xf32, #tpu.memory_space<vmem>>)
      %add3A_108 = arith.constant 1 : i32
      %add3A_109 = arith.addi %mul3A_88, %add3A_108 : i32
      %mul3A_110 = arith.constant 128 : i32
      %mul3A_111 = arith.muli %add3A_109, %mul3A_110 : i32
      %add3A_112 = arith.addi %mul3A_2, %mul3A_111 : i32
      %dma_start3A_113 = arith.constant 0 : i32
      %dma_start3A_114 = tpu.memref_slice %arg4[%add3A_112, %dma_start3A_113] : memref<278528x128xf32, #tpu.memory_space<hbm>> -> memref<128x128xf32, #tpu.memory_space<hbm>>
      %dma_start3A_115 = arith.constant 0 : i32
      %dma_start3A_116 = tpu.memref_slice %arg4[%add3A_112, %dma_start3A_115] : memref<278528x128xf32, #tpu.memory_space<hbm>> -> memref<128x128xf32, #tpu.memory_space<hbm>>
      tpu.enqueue_dma source(%arg7 : memref<128x128xf32, #tpu.memory_space<vmem>>) target(%dma_start3A_116 : memref<128x128xf32, #tpu.memory_space<hbm>>) target_semaphore(%arg15 : memref<!tpu.dma_semaphore, #tpu.memory_space<semaphore_mem>>)
      %dma_wait3A_117 = arith.constant 0 : i32
      %dma_wait3A_118 = tpu.memref_slice %arg5[%dma_wait3A_117] : memref<8704xi32, #tpu.memory_space<vmem>> -> memref<128xi32, #tpu.memory_space<vmem>>
      %dma_wait3A_119 = arith.constant 0 : i32
      %dma_wait3A_120 = arith.constant 0 : i32
      %dma_wait3A_121 = tpu.memref_slice %arg2[%dma_wait3A_119, %dma_wait3A_120] : memref<100000x128xf32, #tpu.memory_space<hbm>> -> memref<100000x128xf32, #tpu.memory_space<hbm>>
      tpu.wait_indirect_dma semaphore(%arg12 : memref<!tpu.dma_semaphore, #tpu.memory_space<semaphore_mem>>) src(%dma_wait3A_121 : memref<100000x128xf32, #tpu.memory_space<hbm>>) dst(%arg8 : memref<128x128xf32, #tpu.memory_space<vmem>>)
      %add3A_122 = arith.constant 2 : i32
      %add3A_123 = arith.addi %mul3A_88, %add3A_122 : i32
      %mul3A_124 = arith.constant 128 : i32
      %mul3A_125 = arith.muli %add3A_123, %mul3A_124 : i32
      %add3A_126 = arith.addi %mul3A_2, %mul3A_125 : i32
      %dma_start3A_127 = arith.constant 0 : i32
      %dma_start3A_128 = tpu.memref_slice %arg4[%add3A_126, %dma_start3A_127] : memref<278528x128xf32, #tpu.memory_space<hbm>> -> memref<128x128xf32, #tpu.memory_space<hbm>>
      %dma_start3A_129 = arith.constant 0 : i32
      %dma_start3A_130 = tpu.memref_slice %arg4[%add3A_126, %dma_start3A_129] : memref<278528x128xf32, #tpu.memory_space<hbm>> -> memref<128x128xf32, #tpu.memory_space<hbm>>
      tpu.enqueue_dma source(%arg8 : memref<128x128xf32, #tpu.memory_space<vmem>>) target(%dma_start3A_130 : memref<128x128xf32, #tpu.memory_space<hbm>>) target_semaphore(%arg16 : memref<!tpu.dma_semaphore, #tpu.memory_space<semaphore_mem>>)
      %dma_wait3A_131 = arith.constant 0 : i32
      %dma_wait3A_132 = tpu.memref_slice %arg5[%dma_wait3A_131] : memref<8704xi32, #tpu.memory_space<vmem>> -> memref<128xi32, #tpu.memory_space<vmem>>
      %dma_wait3A_133 = arith.constant 0 : i32
      %dma_wait3A_134 = arith.constant 0 : i32
      %dma_wait3A_135 = tpu.memref_slice %arg2[%dma_wait3A_133, %dma_wait3A_134] : memref<100000x128xf32, #tpu.memory_space<hbm>> -> memref<100000x128xf32, #tpu.memory_space<hbm>>
      tpu.wait_indirect_dma semaphore(%arg13 : memref<!tpu.dma_semaphore, #tpu.memory_space<semaphore_mem>>) src(%dma_wait3A_135 : memref<100000x128xf32, #tpu.memory_space<hbm>>) dst(%arg9 : memref<128x128xf32, #tpu.memory_space<vmem>>)
      %add3A_136 = arith.constant 3 : i32
      %add3A_137 = arith.addi %mul3A_88, %add3A_136 : i32
      %mul3A_138 = arith.constant 128 : i32
      %mul3A_139 = arith.muli %add3A_137, %mul3A_138 : i32
      %add3A_140 = arith.addi %mul3A_2, %mul3A_139 : i32
      %dma_start3A_141 = arith.constant 0 : i32
      %dma_start3A_142 = tpu.memref_slice %arg4[%add3A_140, %dma_start3A_141] : memref<278528x128xf32, #tpu.memory_space<hbm>> -> memref<128x128xf32, #tpu.memory_space<hbm>>
      %dma_start3A_143 = arith.constant 0 : i32
      %dma_start3A_144 = tpu.memref_slice %arg4[%add3A_140, %dma_start3A_143] : memref<278528x128xf32, #tpu.memory_space<hbm>> -> memref<128x128xf32, #tpu.memory_space<hbm>>
      tpu.enqueue_dma source(%arg9 : memref<128x128xf32, #tpu.memory_space<vmem>>) target(%dma_start3A_144 : memref<128x128xf32, #tpu.memory_space<hbm>>) target_semaphore(%arg17 : memref<!tpu.dma_semaphore, #tpu.memory_space<semaphore_mem>>)
      %dma_wait3A_145 = arith.constant 0 : i32
      %dma_wait3A_146 = tpu.memref_slice %arg4[%mul3A_2, %dma_wait3A_145] : memref<278528x128xf32, #tpu.memory_space<hbm>> -> memref<128x128xf32, #tpu.memory_space<hbm>>
      %dma_wait3A_147 = arith.constant 0 : i32
      %dma_wait3A_148 = tpu.memref_slice %arg4[%mul3A_2, %dma_wait3A_147] : memref<278528x128xf32, #tpu.memory_space<hbm>> -> memref<128x128xf32, #tpu.memory_space<hbm>>
      tpu.wait_dma2 semaphore(%arg14 : memref<!tpu.dma_semaphore, #tpu.memory_space<semaphore_mem>>) src(%arg6 : memref<128x128xf32, #tpu.memory_space<vmem>>) dst(%dma_wait3A_148 : memref<128x128xf32, #tpu.memory_space<hbm>>)
      %add3A_149 = arith.constant 4 : i32
      %add3A_150 = arith.addi %mul3A_88, %add3A_149 : i32
      %add3A_151 = arith.constant 0 : i32
      %add3A_152 = arith.addi %add3A_150, %add3A_151 : i32
      %mul3A_153 = arith.constant 128 : i32
      %mul3A_154 = arith.muli %add3A_152, %mul3A_153 : i32
      %dma_start3A_155 = tpu.memref_slice %arg5[%mul3A_154] : memref<8704xi32, #tpu.memory_space<vmem>> -> memref<128xi32, #tpu.memory_space<vmem>>
      %dma_start3A_156 = arith.constant 0 : i32
      %dma_start3A_157 = arith.constant 0 : i32
      %dma_start3A_158 = tpu.memref_slice %arg2[%dma_start3A_156, %dma_start3A_157] : memref<100000x128xf32, #tpu.memory_space<hbm>> -> memref<100000x128xf32, #tpu.memory_space<hbm>>
      tpu.enqueue_indirect_dma source(%dma_start3A_158 : memref<100000x128xf32, #tpu.memory_space<hbm>>) target(%arg6 : memref<128x128xf32, #tpu.memory_space<vmem>>) offsets(%dma_start3A_155 : memref<128xi32, #tpu.memory_space<vmem>>) semaphore(%arg10 : memref<!tpu.dma_semaphore, #tpu.memory_space<semaphore_mem>>)
      %dma_wait3A_159 = arith.constant 0 : i32
      %dma_wait3A_160 = tpu.memref_slice %arg4[%mul3A_2, %dma_wait3A_159] : memref<278528x128xf32, #tpu.memory_space<hbm>> -> memref<128x128xf32, #tpu.memory_space<hbm>>
      %dma_wait3A_161 = arith.constant 0 : i32
      %dma_wait3A_162 = tpu.memref_slice %arg4[%mul3A_2, %dma_wait3A_161] : memref<278528x128xf32, #tpu.memory_space<hbm>> -> memref<128x128xf32, #tpu.memory_space<hbm>>
      tpu.wait_dma2 semaphore(%arg15 : memref<!tpu.dma_semaphore, #tpu.memory_space<semaphore_mem>>) src(%arg7 : memref<128x128xf32, #tpu.memory_space<vmem>>) dst(%dma_wait3A_162 : memref<128x128xf32, #tpu.memory_space<hbm>>)
      %add3A_163 = arith.constant 4 : i32
      %add3A_164 = arith.addi %mul3A_88, %add3A_163 : i32
      %add3A_165 = arith.constant 1 : i32
      %add3A_166 = arith.addi %add3A_164, %add3A_165 : i32
      %mul3A_167 = arith.constant 128 : i32
      %mul3A_168 = arith.muli %add3A_166, %mul3A_167 : i32
      %dma_start3A_169 = tpu.memref_slice %arg5[%mul3A_168] : memref<8704xi32, #tpu.memory_space<vmem>> -> memref<128xi32, #tpu.memory_space<vmem>>
      %dma_start3A_170 = arith.constant 0 : i32
      %dma_start3A_171 = arith.constant 0 : i32
      %dma_start3A_172 = tpu.memref_slice %arg2[%dma_start3A_170, %dma_start3A_171] : memref<100000x128xf32, #tpu.memory_space<hbm>> -> memref<100000x128xf32, #tpu.memory_space<hbm>>
      tpu.enqueue_indirect_dma source(%dma_start3A_172 : memref<100000x128xf32, #tpu.memory_space<hbm>>) target(%arg7 : memref<128x128xf32, #tpu.memory_space<vmem>>) offsets(%dma_start3A_169 : memref<128xi32, #tpu.memory_space<vmem>>) semaphore(%arg11 : memref<!tpu.dma_semaphore, #tpu.memory_space<semaphore_mem>>)
      %dma_wait3A_173 = arith.constant 0 : i32
      %dma_wait3A_174 = tpu.memref_slice %arg4[%mul3A_2, %dma_wait3A_173] : memref<278528x128xf32, #tpu.memory_space<hbm>> -> memref<128x128xf32, #tpu.memory_space<hbm>>
      %dma_wait3A_175 = arith.constant 0 : i32
      %dma_wait3A_176 = tpu.memref_slice %arg4[%mul3A_2, %dma_wait3A_175] : memref<278528x128xf32, #tpu.memory_space<hbm>> -> memref<128x128xf32, #tpu.memory_space<hbm>>
      tpu.wait_dma2 semaphore(%arg16 : memref<!tpu.dma_semaphore, #tpu.memory_space<semaphore_mem>>) src(%arg8 : memref<128x128xf32, #tpu.memory_space<vmem>>) dst(%dma_wait3A_176 : memref<128x128xf32, #tpu.memory_space<hbm>>)
      %add3A_177 = arith.constant 4 : i32
      %add3A_178 = arith.addi %mul3A_88, %add3A_177 : i32
      %add3A_179 = arith.constant 2 : i32
      %add3A_180 = arith.addi %add3A_178, %add3A_179 : i32
      %mul3A_181 = arith.constant 128 : i32
      %mul3A_182 = arith.muli %add3A_180, %mul3A_181 : i32
      %dma_start3A_183 = tpu.memref_slice %arg5[%mul3A_182] : memref<8704xi32, #tpu.memory_space<vmem>> -> memref<128xi32, #tpu.memory_space<vmem>>
      %dma_start3A_184 = arith.constant 0 : i32
      %dma_start3A_185 = arith.constant 0 : i32
      %dma_start3A_186 = tpu.memref_slice %arg2[%dma_start3A_184, %dma_start3A_185] : memref<100000x128xf32, #tpu.memory_space<hbm>> -> memref<100000x128xf32, #tpu.memory_space<hbm>>
      tpu.enqueue_indirect_dma source(%dma_start3A_186 : memref<100000x128xf32, #tpu.memory_space<hbm>>) target(%arg8 : memref<128x128xf32, #tpu.memory_space<vmem>>) offsets(%dma_start3A_183 : memref<128xi32, #tpu.memory_space<vmem>>) semaphore(%arg12 : memref<!tpu.dma_semaphore, #tpu.memory_space<semaphore_mem>>)
      %dma_wait3A_187 = arith.constant 0 : i32
      %dma_wait3A_188 = tpu.memref_slice %arg4[%mul3A_2, %dma_wait3A_187] : memref<278528x128xf32, #tpu.memory_space<hbm>> -> memref<128x128xf32, #tpu.memory_space<hbm>>
      %dma_wait3A_189 = arith.constant 0 : i32
      %dma_wait3A_190 = tpu.memref_slice %arg4[%mul3A_2, %dma_wait3A_189] : memref<278528x128xf32, #tpu.memory_space<hbm>> -> memref<128x128xf32, #tpu.memory_space<hbm>>
      tpu.wait_dma2 semaphore(%arg17 : memref<!tpu.dma_semaphore, #tpu.memory_space<semaphore_mem>>) src(%arg9 : memref<128x128xf32, #tpu.memory_space<vmem>>) dst(%dma_wait3A_190 : memref<128x128xf32, #tpu.memory_space<hbm>>)
      %add3A_191 = arith.constant 4 : i32
      %add3A_192 = arith.addi %mul3A_88, %add3A_191 : i32
      %add3A_193 = arith.constant 3 : i32
      %add3A_194 = arith.addi %add3A_192, %add3A_193 : i32
      %mul3A_195 = arith.constant 128 : i32
      %mul3A_196 = arith.muli %add3A_194, %mul3A_195 : i32
      %dma_start3A_197 = tpu.memref_slice %arg5[%mul3A_196] : memref<8704xi32, #tpu.memory_space<vmem>> -> memref<128xi32, #tpu.memory_space<vmem>>
      %dma_start3A_198 = arith.constant 0 : i32
      %dma_start3A_199 = arith.constant 0 : i32
      %dma_start3A_200 = tpu.memref_slice %arg2[%dma_start3A_198, %dma_start3A_199] : memref<100000x128xf32, #tpu.memory_space<hbm>> -> memref<100000x128xf32, #tpu.memory_space<hbm>>
      tpu.enqueue_indirect_dma source(%dma_start3A_200 : memref<100000x128xf32, #tpu.memory_space<hbm>>) target(%arg9 : memref<128x128xf32, #tpu.memory_space<vmem>>) offsets(%dma_start3A_197 : memref<128xi32, #tpu.memory_space<vmem>>) semaphore(%arg13 : memref<!tpu.dma_semaphore, #tpu.memory_space<semaphore_mem>>)
    }
    %scan3A_26 = arith.constant 16 : i32
    %dma_wait3A = arith.constant 0 : i32
    %dma_wait3A_27 = tpu.memref_slice %arg5[%dma_wait3A] : memref<8704xi32, #tpu.memory_space<vmem>> -> memref<128xi32, #tpu.memory_space<vmem>>
    %dma_wait3A_28 = arith.constant 0 : i32
    %dma_wait3A_29 = arith.constant 0 : i32
    %dma_wait3A_30 = tpu.memref_slice %arg2[%dma_wait3A_28, %dma_wait3A_29] : memref<100000x128xf32, #tpu.memory_space<hbm>> -> memref<100000x128xf32, #tpu.memory_space<hbm>>
    tpu.wait_indirect_dma semaphore(%arg10 : memref<!tpu.dma_semaphore, #tpu.memory_space<semaphore_mem>>) src(%dma_wait3A_30 : memref<100000x128xf32, #tpu.memory_space<hbm>>) dst(%arg6 : memref<128x128xf32, #tpu.memory_space<vmem>>)
    %add3A_31 = arith.constant 8192 : i32
    %add3A_32 = arith.addi %mul3A_2, %add3A_31 : i32
    %dma_start3A_33 = arith.constant 0 : i32
    %dma_start3A_34 = tpu.memref_slice %arg4[%add3A_32, %dma_start3A_33] : memref<278528x128xf32, #tpu.memory_space<hbm>> -> memref<128x128xf32, #tpu.memory_space<hbm>>
    %dma_start3A_35 = arith.constant 0 : i32
    %dma_start3A_36 = tpu.memref_slice %arg4[%add3A_32, %dma_start3A_35] : memref<278528x128xf32, #tpu.memory_space<hbm>> -> memref<128x128xf32, #tpu.memory_space<hbm>>
    tpu.enqueue_dma source(%arg6 : memref<128x128xf32, #tpu.memory_space<vmem>>) target(%dma_start3A_36 : memref<128x128xf32, #tpu.memory_space<hbm>>) target_semaphore(%arg14 : memref<!tpu.dma_semaphore, #tpu.memory_space<semaphore_mem>>)
    %dma_wait3A_37 = arith.constant 0 : i32
    %dma_wait3A_38 = tpu.memref_slice %arg5[%dma_wait3A_37] : memref<8704xi32, #tpu.memory_space<vmem>> -> memref<128xi32, #tpu.memory_space<vmem>>
    %dma_wait3A_39 = arith.constant 0 : i32
    %dma_wait3A_40 = arith.constant 0 : i32
    %dma_wait3A_41 = tpu.memref_slice %arg2[%dma_wait3A_39, %dma_wait3A_40] : memref<100000x128xf32, #tpu.memory_space<hbm>> -> memref<100000x128xf32, #tpu.memory_space<hbm>>
    tpu.wait_indirect_dma semaphore(%arg11 : memref<!tpu.dma_semaphore, #tpu.memory_space<semaphore_mem>>) src(%dma_wait3A_41 : memref<100000x128xf32, #tpu.memory_space<hbm>>) dst(%arg7 : memref<128x128xf32, #tpu.memory_space<vmem>>)
    %add3A_42 = arith.constant 8320 : i32
    %add3A_43 = arith.addi %mul3A_2, %add3A_42 : i32
    %dma_start3A_44 = arith.constant 0 : i32
    %dma_start3A_45 = tpu.memref_slice %arg4[%add3A_43, %dma_start3A_44] : memref<278528x128xf32, #tpu.memory_space<hbm>> -> memref<128x128xf32, #tpu.memory_space<hbm>>
    %dma_start3A_46 = arith.constant 0 : i32
    %dma_start3A_47 = tpu.memref_slice %arg4[%add3A_43, %dma_start3A_46] : memref<278528x128xf32, #tpu.memory_space<hbm>> -> memref<128x128xf32, #tpu.memory_space<hbm>>
    tpu.enqueue_dma source(%arg7 : memref<128x128xf32, #tpu.memory_space<vmem>>) target(%dma_start3A_47 : memref<128x128xf32, #tpu.memory_space<hbm>>) target_semaphore(%arg15 : memref<!tpu.dma_semaphore, #tpu.memory_space<semaphore_mem>>)
    %dma_wait3A_48 = arith.constant 0 : i32
    %dma_wait3A_49 = tpu.memref_slice %arg5[%dma_wait3A_48] : memref<8704xi32, #tpu.memory_space<vmem>> -> memref<128xi32, #tpu.memory_space<vmem>>
    %dma_wait3A_50 = arith.constant 0 : i32
    %dma_wait3A_51 = arith.constant 0 : i32
    %dma_wait3A_52 = tpu.memref_slice %arg2[%dma_wait3A_50, %dma_wait3A_51] : memref<100000x128xf32, #tpu.memory_space<hbm>> -> memref<100000x128xf32, #tpu.memory_space<hbm>>
    tpu.wait_indirect_dma semaphore(%arg12 : memref<!tpu.dma_semaphore, #tpu.memory_space<semaphore_mem>>) src(%dma_wait3A_52 : memref<100000x128xf32, #tpu.memory_space<hbm>>) dst(%arg8 : memref<128x128xf32, #tpu.memory_space<vmem>>)
    %add3A_53 = arith.constant 8448 : i32
    %add3A_54 = arith.addi %mul3A_2, %add3A_53 : i32
    %dma_start3A_55 = arith.constant 0 : i32
    %dma_start3A_56 = tpu.memref_slice %arg4[%add3A_54, %dma_start3A_55] : memref<278528x128xf32, #tpu.memory_space<hbm>> -> memref<128x128xf32, #tpu.memory_space<hbm>>
    %dma_start3A_57 = arith.constant 0 : i32
    %dma_start3A_58 = tpu.memref_slice %arg4[%add3A_54, %dma_start3A_57] : memref<278528x128xf32, #tpu.memory_space<hbm>> -> memref<128x128xf32, #tpu.memory_space<hbm>>
    tpu.enqueue_dma source(%arg8 : memref<128x128xf32, #tpu.memory_space<vmem>>) target(%dma_start3A_58 : memref<128x128xf32, #tpu.memory_space<hbm>>) target_semaphore(%arg16 : memref<!tpu.dma_semaphore, #tpu.memory_space<semaphore_mem>>)
    %dma_wait3A_59 = arith.constant 0 : i32
    %dma_wait3A_60 = tpu.memref_slice %arg5[%dma_wait3A_59] : memref<8704xi32, #tpu.memory_space<vmem>> -> memref<128xi32, #tpu.memory_space<vmem>>
    %dma_wait3A_61 = arith.constant 0 : i32
    %dma_wait3A_62 = arith.constant 0 : i32
    %dma_wait3A_63 = tpu.memref_slice %arg2[%dma_wait3A_61, %dma_wait3A_62] : memref<100000x128xf32, #tpu.memory_space<hbm>> -> memref<100000x128xf32, #tpu.memory_space<hbm>>
    tpu.wait_indirect_dma semaphore(%arg13 : memref<!tpu.dma_semaphore, #tpu.memory_space<semaphore_mem>>) src(%dma_wait3A_63 : memref<100000x128xf32, #tpu.memory_space<hbm>>) dst(%arg9 : memref<128x128xf32, #tpu.memory_space<vmem>>)
    %add3A_64 = arith.constant 8576 : i32
    %add3A_65 = arith.addi %mul3A_2, %add3A_64 : i32
    %dma_start3A_66 = arith.constant 0 : i32
    %dma_start3A_67 = tpu.memref_slice %arg4[%add3A_65, %dma_start3A_66] : memref<278528x128xf32, #tpu.memory_space<hbm>> -> memref<128x128xf32, #tpu.memory_space<hbm>>
    %dma_start3A_68 = arith.constant 0 : i32
    %dma_start3A_69 = tpu.memref_slice %arg4[%add3A_65, %dma_start3A_68] : memref<278528x128xf32, #tpu.memory_space<hbm>> -> memref<128x128xf32, #tpu.memory_space<hbm>>
    tpu.enqueue_dma source(%arg9 : memref<128x128xf32, #tpu.memory_space<vmem>>) target(%dma_start3A_69 : memref<128x128xf32, #tpu.memory_space<hbm>>) target_semaphore(%arg17 : memref<!tpu.dma_semaphore, #tpu.memory_space<semaphore_mem>>)
    %dma_wait3A_70 = arith.constant 0 : i32
    %dma_wait3A_71 = tpu.memref_slice %arg4[%mul3A_2, %dma_wait3A_70] : memref<278528x128xf32, #tpu.memory_space<hbm>> -> memref<128x128xf32, #tpu.memory_space<hbm>>
    %dma_wait3A_72 = arith.constant 0 : i32
    %dma_wait3A_73 = tpu.memref_slice %arg4[%mul3A_2, %dma_wait3A_72] : memref<278528x128xf32, #tpu.memory_space<hbm>> -> memref<128x128xf32, #tpu.memory_space<hbm>>
    tpu.wait_dma2 semaphore(%arg14 : memref<!tpu.dma_semaphore, #tpu.memory_space<semaphore_mem>>) src(%arg6 : memref<128x128xf32, #tpu.memory_space<vmem>>) dst(%dma_wait3A_73 : memref<128x128xf32, #tpu.memory_space<hbm>>)
    %dma_wait3A_74 = arith.constant 0 : i32
    %dma_wait3A_75 = tpu.memref_slice %arg4[%mul3A_2, %dma_wait3A_74] : memref<278528x128xf32, #tpu.memory_space<hbm>> -> memref<128x128xf32, #tpu.memory_space<hbm>>
    %dma_wait3A_76 = arith.constant 0 : i32
    %dma_wait3A_77 = tpu.memref_slice %arg4[%mul3A_2, %dma_wait3A_76] : memref<278528x128xf32, #tpu.memory_space<hbm>> -> memref<128x128xf32, #tpu.memory_space<hbm>>
    tpu.wait_dma2 semaphore(%arg15 : memref<!tpu.dma_semaphore, #tpu.memory_space<semaphore_mem>>) src(%arg7 : memref<128x128xf32, #tpu.memory_space<vmem>>) dst(%dma_wait3A_77 : memref<128x128xf32, #tpu.memory_space<hbm>>)
    %dma_wait3A_78 = arith.constant 0 : i32
    %dma_wait3A_79 = tpu.memref_slice %arg4[%mul3A_2, %dma_wait3A_78] : memref<278528x128xf32, #tpu.memory_space<hbm>> -> memref<128x128xf32, #tpu.memory_space<hbm>>
    %dma_wait3A_80 = arith.constant 0 : i32
    %dma_wait3A_81 = tpu.memref_slice %arg4[%mul3A_2, %dma_wait3A_80] : memref<278528x128xf32, #tpu.memory_space<hbm>> -> memref<128x128xf32, #tpu.memory_space<hbm>>
    tpu.wait_dma2 semaphore(%arg16 : memref<!tpu.dma_semaphore, #tpu.memory_space<semaphore_mem>>) src(%arg8 : memref<128x128xf32, #tpu.memory_space<vmem>>) dst(%dma_wait3A_81 : memref<128x128xf32, #tpu.memory_space<hbm>>)
    %dma_wait3A_82 = arith.constant 0 : i32
    %dma_wait3A_83 = tpu.memref_slice %arg4[%mul3A_2, %dma_wait3A_82] : memref<278528x128xf32, #tpu.memory_space<hbm>> -> memref<128x128xf32, #tpu.memory_space<hbm>>
    %dma_wait3A_84 = arith.constant 0 : i32
    %dma_wait3A_85 = tpu.memref_slice %arg4[%mul3A_2, %dma_wait3A_84] : memref<278528x128xf32, #tpu.memory_space<hbm>> -> memref<128x128xf32, #tpu.memory_space<hbm>>
    tpu.wait_dma2 semaphore(%arg17 : memref<!tpu.dma_semaphore, #tpu.memory_space<semaphore_mem>>) src(%arg9 : memref<128x128xf32, #tpu.memory_space<vmem>>) dst(%dma_wait3A_85 : memref<128x128xf32, #tpu.memory_space<hbm>>)
    return
  }
}

#map = affine_map<(d0, d1) -> (0)>
module attributes {stable_mosaic.version = 14 : i64} {
  func.func @k(%arg0: i32, %arg1: i32, %arg2: memref<100000xi32, #tpu.memory_space<hbm>>, %arg3: memref<67584xi32, #tpu.memory_space<hbm>>, %arg4: memref<67584xi32, #tpu.memory_space<hbm>>, %arg5: memref<100000xi32, #tpu.memory_space<vmem>>, %arg6: memref<2112xi32, #tpu.memory_space<vmem>>, %arg7: memref<2112xi32, #tpu.memory_space<vmem>>) attributes {dimension_semantics = [#tpu.dimension_semantics<core_parallel>, #tpu.dimension_semantics<subcore_parallel>], iteration_bounds = array<i64: 2, 16>, scalar_prefetch = 0 : i64, scratch_operands = 3 : i64, tpu.core_type = #tpu.core_type<sc_vector_subcore>, window_params = [{transform_indices = #map}, {transform_indices = #map}, {transform_indices = #map}]} {
    %mul3A = arith.constant 2 : i32
    %mul3A_0 = arith.muli %arg1, %mul3A : i32
    %add3A = arith.addi %mul3A_0, %arg0 : i32
    %mul3A_1 = arith.constant 2112 : i32
    %mul3A_2 = arith.muli %add3A, %mul3A_1 : i32
    "tpu.region"() ({
      %run_scoped3A = tpu.sem_alloc : memref<!tpu.dma_semaphore, #tpu.memory_space<semaphore_mem>>
      tpu.enqueue_dma source(%arg2 : memref<100000xi32, #tpu.memory_space<hbm>>) target(%arg5 : memref<100000xi32, #tpu.memory_space<vmem>>) target_semaphore(%run_scoped3A : memref<!tpu.dma_semaphore, #tpu.memory_space<semaphore_mem>>)
      tpu.wait_dma2 semaphore(%run_scoped3A : memref<!tpu.dma_semaphore, #tpu.memory_space<semaphore_mem>>) src(%arg2 : memref<100000xi32, #tpu.memory_space<hbm>>) dst(%arg5 : memref<100000xi32, #tpu.memory_space<vmem>>)
      tpu.yield
    }) : () -> ()
    "tpu.region"() ({
      %run_scoped3A = tpu.sem_alloc : memref<!tpu.dma_semaphore, #tpu.memory_space<semaphore_mem>>
      %dma_start3A = tpu.memref_slice %arg3[%mul3A_2] : memref<67584xi32, #tpu.memory_space<hbm>> -> memref<2112xi32, #tpu.memory_space<hbm>>
      %dma_start3A_8 = tpu.memref_slice %arg3[%mul3A_2] : memref<67584xi32, #tpu.memory_space<hbm>> -> memref<2112xi32, #tpu.memory_space<hbm>>
      tpu.enqueue_dma source(%dma_start3A_8 : memref<2112xi32, #tpu.memory_space<hbm>>) target(%arg6 : memref<2112xi32, #tpu.memory_space<vmem>>) target_semaphore(%run_scoped3A : memref<!tpu.dma_semaphore, #tpu.memory_space<semaphore_mem>>)
      %dma_wait3A = tpu.memref_slice %arg3[%mul3A_2] : memref<67584xi32, #tpu.memory_space<hbm>> -> memref<2112xi32, #tpu.memory_space<hbm>>
      %dma_wait3A_9 = tpu.memref_slice %arg3[%mul3A_2] : memref<67584xi32, #tpu.memory_space<hbm>> -> memref<2112xi32, #tpu.memory_space<hbm>>
      tpu.wait_dma2 semaphore(%run_scoped3A : memref<!tpu.dma_semaphore, #tpu.memory_space<semaphore_mem>>) src(%dma_wait3A_9 : memref<2112xi32, #tpu.memory_space<hbm>>) dst(%arg6 : memref<2112xi32, #tpu.memory_space<vmem>>)
      tpu.yield
    }) : () -> ()
    %scan3A = arith.constant 0 : i32
    %scan3A_3 = arith.constant 0 : i32
    %scan3A_4 = arith.constant 132 : i32
    %scan3A_5 = arith.addi %scan3A_3, %scan3A_4 : i32
    %scan3A_6 = arith.constant 1 : i32
    scf.for %scan3A_8 = %scan3A_3 to %scan3A_5 step %scan3A_6  : i32 {
      %mul3A_9 = arith.constant 16 : i32
      %mul3A_10 = arith.muli %scan3A_8, %mul3A_9 : i32
      %get3A = arith.index_cast %mul3A_10 : i32 to index
      %get3A_11 = tpu.vector_load %arg6[%get3A] {strides = array<i32>} : memref<2112xi32, #tpu.memory_space<vmem>>, vector<16xi32>,
      %gather3A = tpu.vector_load_idx %arg5[%get3A_11] : memref<100000xi32, #tpu.memory_space<vmem>>[vector<16xi32>], vector<16xi32>,
      %mul3A_12 = arith.constant 16 : i32
      %mul3A_13 = arith.muli %scan3A_8, %mul3A_12 : i32
      %swap3A = arith.index_cast %mul3A_13 : i32 to index
      %swap3A_14 = tpu.vector_load %arg7[%swap3A] {strides = array<i32>} : memref<2112xi32, #tpu.memory_space<vmem>>, vector<16xi32>,
      tpu.vector_store %arg7[%swap3A], %gather3A {strides = array<i32>} : memref<2112xi32, #tpu.memory_space<vmem>>, vector<16xi32>,
    }
    %scan3A_7 = arith.constant 132 : i32
    "tpu.region"() ({
      %run_scoped3A = tpu.sem_alloc : memref<!tpu.dma_semaphore, #tpu.memory_space<semaphore_mem>>
      %dma_start3A = tpu.memref_slice %arg4[%mul3A_2] : memref<67584xi32, #tpu.memory_space<hbm>> -> memref<2112xi32, #tpu.memory_space<hbm>>
      %dma_start3A_8 = tpu.memref_slice %arg4[%mul3A_2] : memref<67584xi32, #tpu.memory_space<hbm>> -> memref<2112xi32, #tpu.memory_space<hbm>>
      tpu.enqueue_dma source(%arg7 : memref<2112xi32, #tpu.memory_space<vmem>>) target(%dma_start3A_8 : memref<2112xi32, #tpu.memory_space<hbm>>) target_semaphore(%run_scoped3A : memref<!tpu.dma_semaphore, #tpu.memory_space<semaphore_mem>>)
      %dma_wait3A = tpu.memref_slice %arg4[%mul3A_2] : memref<67584xi32, #tpu.memory_space<hbm>> -> memref<2112xi32, #tpu.memory_space<hbm>>
      %dma_wait3A_9 = tpu.memref_slice %arg4[%mul3A_2] : memref<67584xi32, #tpu.memory_space<hbm>> -> memref<2112xi32, #tpu.memory_space<hbm>>
      tpu.wait_dma2 semaphore(%run_scoped3A : memref<!tpu.dma_semaphore, #tpu.memory_space<semaphore_mem>>) src(%arg7 : memref<2112xi32, #tpu.memory_space<vmem>>) dst(%dma_wait3A_9 : memref<2112xi32, #tpu.memory_space<hbm>>)
      tpu.yield
    }) : () -> ()
    return
  }
}

#map = affine_map<(d0, d1) -> (0, 0)>
#map1 = affine_map<(d0, d1) -> (0)>
module attributes {stable_mosaic.version = 14 : i64} {
  func.func @k(%arg0: i32, %arg1: i32, %arg2: memref<100000x128xf32, #tpu.memory_space<hbm>>, %arg3: memref<36864xi32, #tpu.memory_space<hbm>>, %arg4: memref<36864x128xf32, #tpu.memory_space<hbm>>, %arg5: memref<1152xi32, #tpu.memory_space<vmem>>, %arg6: memref<128x128xf32, #tpu.memory_space<vmem>>, %arg7: memref<128x128xf32, #tpu.memory_space<vmem>>, %arg8: memref<128x128xf32, #tpu.memory_space<vmem>>, %arg9: memref<!tpu.dma_semaphore, #tpu.memory_space<semaphore_mem>>, %arg10: memref<!tpu.dma_semaphore, #tpu.memory_space<semaphore_mem>>, %arg11: memref<!tpu.dma_semaphore, #tpu.memory_space<semaphore_mem>>, %arg12: memref<!tpu.dma_semaphore, #tpu.memory_space<semaphore_mem>>, %arg13: memref<!tpu.dma_semaphore, #tpu.memory_space<semaphore_mem>>, %arg14: memref<!tpu.dma_semaphore, #tpu.memory_space<semaphore_mem>>) attributes {dimension_semantics = [#tpu.dimension_semantics<core_parallel>, #tpu.dimension_semantics<subcore_parallel>], iteration_bounds = array<i64: 2, 16>, scalar_prefetch = 0 : i64, scratch_operands = 10 : i64, tpu.core_type = #tpu.core_type<sc_vector_subcore>, window_params = [{transform_indices = #map}, {transform_indices = #map1}, {transform_indices = #map}]} {
    %mul3A = arith.constant 2 : i32
    %mul3A_0 = arith.muli %arg1, %mul3A : i32
    %add3A = arith.addi %mul3A_0, %arg0 : i32
    %mul3A_1 = arith.constant 1152 : i32
    %mul3A_2 = arith.muli %add3A, %mul3A_1 : i32
    "tpu.region"() ({
      %run_scoped3A = tpu.sem_alloc : memref<!tpu.dma_semaphore, #tpu.memory_space<semaphore_mem>>
      %dma_start3A_66 = tpu.memref_slice %arg3[%mul3A_2] : memref<36864xi32, #tpu.memory_space<hbm>> -> memref<1152xi32, #tpu.memory_space<hbm>>
      %dma_start3A_67 = tpu.memref_slice %arg3[%mul3A_2] : memref<36864xi32, #tpu.memory_space<hbm>> -> memref<1152xi32, #tpu.memory_space<hbm>>
      tpu.enqueue_dma source(%dma_start3A_67 : memref<1152xi32, #tpu.memory_space<hbm>>) target(%arg5 : memref<1152xi32, #tpu.memory_space<vmem>>) target_semaphore(%run_scoped3A : memref<!tpu.dma_semaphore, #tpu.memory_space<semaphore_mem>>)
      %dma_wait3A_68 = tpu.memref_slice %arg3[%mul3A_2] : memref<36864xi32, #tpu.memory_space<hbm>> -> memref<1152xi32, #tpu.memory_space<hbm>>
      %dma_wait3A_69 = tpu.memref_slice %arg3[%mul3A_2] : memref<36864xi32, #tpu.memory_space<hbm>> -> memref<1152xi32, #tpu.memory_space<hbm>>
      tpu.wait_dma2 semaphore(%run_scoped3A : memref<!tpu.dma_semaphore, #tpu.memory_space<semaphore_mem>>) src(%dma_wait3A_69 : memref<1152xi32, #tpu.memory_space<hbm>>) dst(%arg5 : memref<1152xi32, #tpu.memory_space<vmem>>)
      tpu.yield
    }) : () -> ()
    %dma_start3A = arith.constant 0 : i32
    %dma_start3A_3 = tpu.memref_slice %arg5[%dma_start3A] : memref<1152xi32, #tpu.memory_space<vmem>> -> memref<128xi32, #tpu.memory_space<vmem>>
    %dma_start3A_4 = arith.constant 0 : i32
    %dma_start3A_5 = arith.constant 0 : i32
    %dma_start3A_6 = tpu.memref_slice %arg2[%dma_start3A_4, %dma_start3A_5] : memref<100000x128xf32, #tpu.memory_space<hbm>> -> memref<100000x128xf32, #tpu.memory_space<hbm>>
    tpu.enqueue_indirect_dma source(%dma_start3A_6 : memref<100000x128xf32, #tpu.memory_space<hbm>>) target(%arg6 : memref<128x128xf32, #tpu.memory_space<vmem>>) offsets(%dma_start3A_3 : memref<128xi32, #tpu.memory_space<vmem>>) semaphore(%arg9 : memref<!tpu.dma_semaphore, #tpu.memory_space<semaphore_mem>>)
    %dma_start3A_7 = arith.constant 128 : i32
    %dma_start3A_8 = tpu.memref_slice %arg5[%dma_start3A_7] : memref<1152xi32, #tpu.memory_space<vmem>> -> memref<128xi32, #tpu.memory_space<vmem>>
    %dma_start3A_9 = arith.constant 0 : i32
    %dma_start3A_10 = arith.constant 0 : i32
    %dma_start3A_11 = tpu.memref_slice %arg2[%dma_start3A_9, %dma_start3A_10] : memref<100000x128xf32, #tpu.memory_space<hbm>> -> memref<100000x128xf32, #tpu.memory_space<hbm>>
    tpu.enqueue_indirect_dma source(%dma_start3A_11 : memref<100000x128xf32, #tpu.memory_space<hbm>>) target(%arg7 : memref<128x128xf32, #tpu.memory_space<vmem>>) offsets(%dma_start3A_8 : memref<128xi32, #tpu.memory_space<vmem>>) semaphore(%arg10 : memref<!tpu.dma_semaphore, #tpu.memory_space<semaphore_mem>>)
    %dma_start3A_12 = arith.constant 256 : i32
    %dma_start3A_13 = tpu.memref_slice %arg5[%dma_start3A_12] : memref<1152xi32, #tpu.memory_space<vmem>> -> memref<128xi32, #tpu.memory_space<vmem>>
    %dma_start3A_14 = arith.constant 0 : i32
    %dma_start3A_15 = arith.constant 0 : i32
    %dma_start3A_16 = tpu.memref_slice %arg2[%dma_start3A_14, %dma_start3A_15] : memref<100000x128xf32, #tpu.memory_space<hbm>> -> memref<100000x128xf32, #tpu.memory_space<hbm>>
    tpu.enqueue_indirect_dma source(%dma_start3A_16 : memref<100000x128xf32, #tpu.memory_space<hbm>>) target(%arg8 : memref<128x128xf32, #tpu.memory_space<vmem>>) offsets(%dma_start3A_13 : memref<128xi32, #tpu.memory_space<vmem>>) semaphore(%arg11 : memref<!tpu.dma_semaphore, #tpu.memory_space<semaphore_mem>>)
    %scan3A = arith.constant 0 : i32
    %scan3A_17 = arith.constant 0 : i32
    %scan3A_18 = arith.constant 2 : i32
    %scan3A_19 = arith.addi %scan3A_17, %scan3A_18 : i32
    %scan3A_20 = arith.constant 1 : i32
    scf.for %scan3A_66 = %scan3A_17 to %scan3A_19 step %scan3A_20  : i32 {
      %mul3A_67 = arith.constant 3 : i32
      %mul3A_68 = arith.muli %scan3A_66, %mul3A_67 : i32
      %dma_wait3A_69 = arith.constant 0 : i32
      %dma_wait3A_70 = tpu.memref_slice %arg5[%dma_wait3A_69] : memref<1152xi32, #tpu.memory_space<vmem>> -> memref<128xi32, #tpu.memory_space<vmem>>
      %dma_wait3A_71 = arith.constant 0 : i32
      %dma_wait3A_72 = arith.constant 0 : i32
      %dma_wait3A_73 = tpu.memref_slice %arg2[%dma_wait3A_71, %dma_wait3A_72] : memref<100000x128xf32, #tpu.memory_space<hbm>> -> memref<100000x128xf32, #tpu.memory_space<hbm>>
      tpu.wait_indirect_dma semaphore(%arg9 : memref<!tpu.dma_semaphore, #tpu.memory_space<semaphore_mem>>) src(%dma_wait3A_73 : memref<100000x128xf32, #tpu.memory_space<hbm>>) dst(%arg6 : memref<128x128xf32, #tpu.memory_space<vmem>>)
      %add3A_74 = arith.constant 0 : i32
      %add3A_75 = arith.addi %mul3A_68, %add3A_74 : i32
      %mul3A_76 = arith.constant 128 : i32
      %mul3A_77 = arith.muli %add3A_75, %mul3A_76 : i32
      %add3A_78 = arith.addi %mul3A_2, %mul3A_77 : i32
      %dma_start3A_79 = arith.constant 0 : i32
      %dma_start3A_80 = tpu.memref_slice %arg4[%add3A_78, %dma_start3A_79] : memref<36864x128xf32, #tpu.memory_space<hbm>> -> memref<128x128xf32, #tpu.memory_space<hbm>>
      %dma_start3A_81 = arith.constant 0 : i32
      %dma_start3A_82 = tpu.memref_slice %arg4[%add3A_78, %dma_start3A_81] : memref<36864x128xf32, #tpu.memory_space<hbm>> -> memref<128x128xf32, #tpu.memory_space<hbm>>
      tpu.enqueue_dma source(%arg6 : memref<128x128xf32, #tpu.memory_space<vmem>>) target(%dma_start3A_82 : memref<128x128xf32, #tpu.memory_space<hbm>>) target_semaphore(%arg12 : memref<!tpu.dma_semaphore, #tpu.memory_space<semaphore_mem>>)
      %dma_wait3A_83 = arith.constant 0 : i32
      %dma_wait3A_84 = tpu.memref_slice %arg5[%dma_wait3A_83] : memref<1152xi32, #tpu.memory_space<vmem>> -> memref<128xi32, #tpu.memory_space<vmem>>
      %dma_wait3A_85 = arith.constant 0 : i32
      %dma_wait3A_86 = arith.constant 0 : i32
      %dma_wait3A_87 = tpu.memref_slice %arg2[%dma_wait3A_85, %dma_wait3A_86] : memref<100000x128xf32, #tpu.memory_space<hbm>> -> memref<100000x128xf32, #tpu.memory_space<hbm>>
      tpu.wait_indirect_dma semaphore(%arg10 : memref<!tpu.dma_semaphore, #tpu.memory_space<semaphore_mem>>) src(%dma_wait3A_87 : memref<100000x128xf32, #tpu.memory_space<hbm>>) dst(%arg7 : memref<128x128xf32, #tpu.memory_space<vmem>>)
      %add3A_88 = arith.constant 1 : i32
      %add3A_89 = arith.addi %mul3A_68, %add3A_88 : i32
      %mul3A_90 = arith.constant 128 : i32
      %mul3A_91 = arith.muli %add3A_89, %mul3A_90 : i32
      %add3A_92 = arith.addi %mul3A_2, %mul3A_91 : i32
      %dma_start3A_93 = arith.constant 0 : i32
      %dma_start3A_94 = tpu.memref_slice %arg4[%add3A_92, %dma_start3A_93] : memref<36864x128xf32, #tpu.memory_space<hbm>> -> memref<128x128xf32, #tpu.memory_space<hbm>>
      %dma_start3A_95 = arith.constant 0 : i32
      %dma_start3A_96 = tpu.memref_slice %arg4[%add3A_92, %dma_start3A_95] : memref<36864x128xf32, #tpu.memory_space<hbm>> -> memref<128x128xf32, #tpu.memory_space<hbm>>
      tpu.enqueue_dma source(%arg7 : memref<128x128xf32, #tpu.memory_space<vmem>>) target(%dma_start3A_96 : memref<128x128xf32, #tpu.memory_space<hbm>>) target_semaphore(%arg13 : memref<!tpu.dma_semaphore, #tpu.memory_space<semaphore_mem>>)
      %dma_wait3A_97 = arith.constant 0 : i32
      %dma_wait3A_98 = tpu.memref_slice %arg5[%dma_wait3A_97] : memref<1152xi32, #tpu.memory_space<vmem>> -> memref<128xi32, #tpu.memory_space<vmem>>
      %dma_wait3A_99 = arith.constant 0 : i32
      %dma_wait3A_100 = arith.constant 0 : i32
      %dma_wait3A_101 = tpu.memref_slice %arg2[%dma_wait3A_99, %dma_wait3A_100] : memref<100000x128xf32, #tpu.memory_space<hbm>> -> memref<100000x128xf32, #tpu.memory_space<hbm>>
      tpu.wait_indirect_dma semaphore(%arg11 : memref<!tpu.dma_semaphore, #tpu.memory_space<semaphore_mem>>) src(%dma_wait3A_101 : memref<100000x128xf32, #tpu.memory_space<hbm>>) dst(%arg8 : memref<128x128xf32, #tpu.memory_space<vmem>>)
      %add3A_102 = arith.constant 2 : i32
      %add3A_103 = arith.addi %mul3A_68, %add3A_102 : i32
      %mul3A_104 = arith.constant 128 : i32
      %mul3A_105 = arith.muli %add3A_103, %mul3A_104 : i32
      %add3A_106 = arith.addi %mul3A_2, %mul3A_105 : i32
      %dma_start3A_107 = arith.constant 0 : i32
      %dma_start3A_108 = tpu.memref_slice %arg4[%add3A_106, %dma_start3A_107] : memref<36864x128xf32, #tpu.memory_space<hbm>> -> memref<128x128xf32, #tpu.memory_space<hbm>>
      %dma_start3A_109 = arith.constant 0 : i32
      %dma_start3A_110 = tpu.memref_slice %arg4[%add3A_106, %dma_start3A_109] : memref<36864x128xf32, #tpu.memory_space<hbm>> -> memref<128x128xf32, #tpu.memory_space<hbm>>
      tpu.enqueue_dma source(%arg8 : memref<128x128xf32, #tpu.memory_space<vmem>>) target(%dma_start3A_110 : memref<128x128xf32, #tpu.memory_space<hbm>>) target_semaphore(%arg14 : memref<!tpu.dma_semaphore, #tpu.memory_space<semaphore_mem>>)
      %dma_wait3A_111 = arith.constant 0 : i32
      %dma_wait3A_112 = tpu.memref_slice %arg4[%mul3A_2, %dma_wait3A_111] : memref<36864x128xf32, #tpu.memory_space<hbm>> -> memref<128x128xf32, #tpu.memory_space<hbm>>
      %dma_wait3A_113 = arith.constant 0 : i32
      %dma_wait3A_114 = tpu.memref_slice %arg4[%mul3A_2, %dma_wait3A_113] : memref<36864x128xf32, #tpu.memory_space<hbm>> -> memref<128x128xf32, #tpu.memory_space<hbm>>
      tpu.wait_dma2 semaphore(%arg12 : memref<!tpu.dma_semaphore, #tpu.memory_space<semaphore_mem>>) src(%arg6 : memref<128x128xf32, #tpu.memory_space<vmem>>) dst(%dma_wait3A_114 : memref<128x128xf32, #tpu.memory_space<hbm>>)
      %add3A_115 = arith.constant 3 : i32
      %add3A_116 = arith.addi %mul3A_68, %add3A_115 : i32
      %add3A_117 = arith.constant 0 : i32
      %add3A_118 = arith.addi %add3A_116, %add3A_117 : i32
      %mul3A_119 = arith.constant 128 : i32
      %mul3A_120 = arith.muli %add3A_118, %mul3A_119 : i32
      %dma_start3A_121 = tpu.memref_slice %arg5[%mul3A_120] : memref<1152xi32, #tpu.memory_space<vmem>> -> memref<128xi32, #tpu.memory_space<vmem>>
      %dma_start3A_122 = arith.constant 0 : i32
      %dma_start3A_123 = arith.constant 0 : i32
      %dma_start3A_124 = tpu.memref_slice %arg2[%dma_start3A_122, %dma_start3A_123] : memref<100000x128xf32, #tpu.memory_space<hbm>> -> memref<100000x128xf32, #tpu.memory_space<hbm>>
      tpu.enqueue_indirect_dma source(%dma_start3A_124 : memref<100000x128xf32, #tpu.memory_space<hbm>>) target(%arg6 : memref<128x128xf32, #tpu.memory_space<vmem>>) offsets(%dma_start3A_121 : memref<128xi32, #tpu.memory_space<vmem>>) semaphore(%arg9 : memref<!tpu.dma_semaphore, #tpu.memory_space<semaphore_mem>>)
      %dma_wait3A_125 = arith.constant 0 : i32
      %dma_wait3A_126 = tpu.memref_slice %arg4[%mul3A_2, %dma_wait3A_125] : memref<36864x128xf32, #tpu.memory_space<hbm>> -> memref<128x128xf32, #tpu.memory_space<hbm>>
      %dma_wait3A_127 = arith.constant 0 : i32
      %dma_wait3A_128 = tpu.memref_slice %arg4[%mul3A_2, %dma_wait3A_127] : memref<36864x128xf32, #tpu.memory_space<hbm>> -> memref<128x128xf32, #tpu.memory_space<hbm>>
      tpu.wait_dma2 semaphore(%arg13 : memref<!tpu.dma_semaphore, #tpu.memory_space<semaphore_mem>>) src(%arg7 : memref<128x128xf32, #tpu.memory_space<vmem>>) dst(%dma_wait3A_128 : memref<128x128xf32, #tpu.memory_space<hbm>>)
      %add3A_129 = arith.constant 3 : i32
      %add3A_130 = arith.addi %mul3A_68, %add3A_129 : i32
      %add3A_131 = arith.constant 1 : i32
      %add3A_132 = arith.addi %add3A_130, %add3A_131 : i32
      %mul3A_133 = arith.constant 128 : i32
      %mul3A_134 = arith.muli %add3A_132, %mul3A_133 : i32
      %dma_start3A_135 = tpu.memref_slice %arg5[%mul3A_134] : memref<1152xi32, #tpu.memory_space<vmem>> -> memref<128xi32, #tpu.memory_space<vmem>>
      %dma_start3A_136 = arith.constant 0 : i32
      %dma_start3A_137 = arith.constant 0 : i32
      %dma_start3A_138 = tpu.memref_slice %arg2[%dma_start3A_136, %dma_start3A_137] : memref<100000x128xf32, #tpu.memory_space<hbm>> -> memref<100000x128xf32, #tpu.memory_space<hbm>>
      tpu.enqueue_indirect_dma source(%dma_start3A_138 : memref<100000x128xf32, #tpu.memory_space<hbm>>) target(%arg7 : memref<128x128xf32, #tpu.memory_space<vmem>>) offsets(%dma_start3A_135 : memref<128xi32, #tpu.memory_space<vmem>>) semaphore(%arg10 : memref<!tpu.dma_semaphore, #tpu.memory_space<semaphore_mem>>)
      %dma_wait3A_139 = arith.constant 0 : i32
      %dma_wait3A_140 = tpu.memref_slice %arg4[%mul3A_2, %dma_wait3A_139] : memref<36864x128xf32, #tpu.memory_space<hbm>> -> memref<128x128xf32, #tpu.memory_space<hbm>>
      %dma_wait3A_141 = arith.constant 0 : i32
      %dma_wait3A_142 = tpu.memref_slice %arg4[%mul3A_2, %dma_wait3A_141] : memref<36864x128xf32, #tpu.memory_space<hbm>> -> memref<128x128xf32, #tpu.memory_space<hbm>>
      tpu.wait_dma2 semaphore(%arg14 : memref<!tpu.dma_semaphore, #tpu.memory_space<semaphore_mem>>) src(%arg8 : memref<128x128xf32, #tpu.memory_space<vmem>>) dst(%dma_wait3A_142 : memref<128x128xf32, #tpu.memory_space<hbm>>)
      %add3A_143 = arith.constant 3 : i32
      %add3A_144 = arith.addi %mul3A_68, %add3A_143 : i32
      %add3A_145 = arith.constant 2 : i32
      %add3A_146 = arith.addi %add3A_144, %add3A_145 : i32
      %mul3A_147 = arith.constant 128 : i32
      %mul3A_148 = arith.muli %add3A_146, %mul3A_147 : i32
      %dma_start3A_149 = tpu.memref_slice %arg5[%mul3A_148] : memref<1152xi32, #tpu.memory_space<vmem>> -> memref<128xi32, #tpu.memory_space<vmem>>
      %dma_start3A_150 = arith.constant 0 : i32
      %dma_start3A_151 = arith.constant 0 : i32
      %dma_start3A_152 = tpu.memref_slice %arg2[%dma_start3A_150, %dma_start3A_151] : memref<100000x128xf32, #tpu.memory_space<hbm>> -> memref<100000x128xf32, #tpu.memory_space<hbm>>
      tpu.enqueue_indirect_dma source(%dma_start3A_152 : memref<100000x128xf32, #tpu.memory_space<hbm>>) target(%arg8 : memref<128x128xf32, #tpu.memory_space<vmem>>) offsets(%dma_start3A_149 : memref<128xi32, #tpu.memory_space<vmem>>) semaphore(%arg11 : memref<!tpu.dma_semaphore, #tpu.memory_space<semaphore_mem>>)
    }
    %scan3A_21 = arith.constant 2 : i32
    %dma_wait3A = arith.constant 0 : i32
    %dma_wait3A_22 = tpu.memref_slice %arg5[%dma_wait3A] : memref<1152xi32, #tpu.memory_space<vmem>> -> memref<128xi32, #tpu.memory_space<vmem>>
    %dma_wait3A_23 = arith.constant 0 : i32
    %dma_wait3A_24 = arith.constant 0 : i32
    %dma_wait3A_25 = tpu.memref_slice %arg2[%dma_wait3A_23, %dma_wait3A_24] : memref<100000x128xf32, #tpu.memory_space<hbm>> -> memref<100000x128xf32, #tpu.memory_space<hbm>>
    tpu.wait_indirect_dma semaphore(%arg9 : memref<!tpu.dma_semaphore, #tpu.memory_space<semaphore_mem>>) src(%dma_wait3A_25 : memref<100000x128xf32, #tpu.memory_space<hbm>>) dst(%arg6 : memref<128x128xf32, #tpu.memory_space<vmem>>)
    %add3A_26 = arith.constant 768 : i32
    %add3A_27 = arith.addi %mul3A_2, %add3A_26 : i32
    %dma_start3A_28 = arith.constant 0 : i32
    %dma_start3A_29 = tpu.memref_slice %arg4[%add3A_27, %dma_start3A_28] : memref<36864x128xf32, #tpu.memory_space<hbm>> -> memref<128x128xf32, #tpu.memory_space<hbm>>
    %dma_start3A_30 = arith.constant 0 : i32
    %dma_start3A_31 = tpu.memref_slice %arg4[%add3A_27, %dma_start3A_30] : memref<36864x128xf32, #tpu.memory_space<hbm>> -> memref<128x128xf32, #tpu.memory_space<hbm>>
    tpu.enqueue_dma source(%arg6 : memref<128x128xf32, #tpu.memory_space<vmem>>) target(%dma_start3A_31 : memref<128x128xf32, #tpu.memory_space<hbm>>) target_semaphore(%arg12 : memref<!tpu.dma_semaphore, #tpu.memory_space<semaphore_mem>>)
    %dma_wait3A_32 = arith.constant 0 : i32
    %dma_wait3A_33 = tpu.memref_slice %arg5[%dma_wait3A_32] : memref<1152xi32, #tpu.memory_space<vmem>> -> memref<128xi32, #tpu.memory_space<vmem>>
    %dma_wait3A_34 = arith.constant 0 : i32
    %dma_wait3A_35 = arith.constant 0 : i32
    %dma_wait3A_36 = tpu.memref_slice %arg2[%dma_wait3A_34, %dma_wait3A_35] : memref<100000x128xf32, #tpu.memory_space<hbm>> -> memref<100000x128xf32, #tpu.memory_space<hbm>>
    tpu.wait_indirect_dma semaphore(%arg10 : memref<!tpu.dma_semaphore, #tpu.memory_space<semaphore_mem>>) src(%dma_wait3A_36 : memref<100000x128xf32, #tpu.memory_space<hbm>>) dst(%arg7 : memref<128x128xf32, #tpu.memory_space<vmem>>)
    %add3A_37 = arith.constant 896 : i32
    %add3A_38 = arith.addi %mul3A_2, %add3A_37 : i32
    %dma_start3A_39 = arith.constant 0 : i32
    %dma_start3A_40 = tpu.memref_slice %arg4[%add3A_38, %dma_start3A_39] : memref<36864x128xf32, #tpu.memory_space<hbm>> -> memref<128x128xf32, #tpu.memory_space<hbm>>
    %dma_start3A_41 = arith.constant 0 : i32
    %dma_start3A_42 = tpu.memref_slice %arg4[%add3A_38, %dma_start3A_41] : memref<36864x128xf32, #tpu.memory_space<hbm>> -> memref<128x128xf32, #tpu.memory_space<hbm>>
    tpu.enqueue_dma source(%arg7 : memref<128x128xf32, #tpu.memory_space<vmem>>) target(%dma_start3A_42 : memref<128x128xf32, #tpu.memory_space<hbm>>) target_semaphore(%arg13 : memref<!tpu.dma_semaphore, #tpu.memory_space<semaphore_mem>>)
    %dma_wait3A_43 = arith.constant 0 : i32
    %dma_wait3A_44 = tpu.memref_slice %arg5[%dma_wait3A_43] : memref<1152xi32, #tpu.memory_space<vmem>> -> memref<128xi32, #tpu.memory_space<vmem>>
    %dma_wait3A_45 = arith.constant 0 : i32
    %dma_wait3A_46 = arith.constant 0 : i32
    %dma_wait3A_47 = tpu.memref_slice %arg2[%dma_wait3A_45, %dma_wait3A_46] : memref<100000x128xf32, #tpu.memory_space<hbm>> -> memref<100000x128xf32, #tpu.memory_space<hbm>>
    tpu.wait_indirect_dma semaphore(%arg11 : memref<!tpu.dma_semaphore, #tpu.memory_space<semaphore_mem>>) src(%dma_wait3A_47 : memref<100000x128xf32, #tpu.memory_space<hbm>>) dst(%arg8 : memref<128x128xf32, #tpu.memory_space<vmem>>)
    %add3A_48 = arith.constant 1024 : i32
    %add3A_49 = arith.addi %mul3A_2, %add3A_48 : i32
    %dma_start3A_50 = arith.constant 0 : i32
    %dma_start3A_51 = tpu.memref_slice %arg4[%add3A_49, %dma_start3A_50] : memref<36864x128xf32, #tpu.memory_space<hbm>> -> memref<128x128xf32, #tpu.memory_space<hbm>>
    %dma_start3A_52 = arith.constant 0 : i32
    %dma_start3A_53 = tpu.memref_slice %arg4[%add3A_49, %dma_start3A_52] : memref<36864x128xf32, #tpu.memory_space<hbm>> -> memref<128x128xf32, #tpu.memory_space<hbm>>
    tpu.enqueue_dma source(%arg8 : memref<128x128xf32, #tpu.memory_space<vmem>>) target(%dma_start3A_53 : memref<128x128xf32, #tpu.memory_space<hbm>>) target_semaphore(%arg14 : memref<!tpu.dma_semaphore, #tpu.memory_space<semaphore_mem>>)
    %dma_wait3A_54 = arith.constant 0 : i32
    %dma_wait3A_55 = tpu.memref_slice %arg4[%mul3A_2, %dma_wait3A_54] : memref<36864x128xf32, #tpu.memory_space<hbm>> -> memref<128x128xf32, #tpu.memory_space<hbm>>
    %dma_wait3A_56 = arith.constant 0 : i32
    %dma_wait3A_57 = tpu.memref_slice %arg4[%mul3A_2, %dma_wait3A_56] : memref<36864x128xf32, #tpu.memory_space<hbm>> -> memref<128x128xf32, #tpu.memory_space<hbm>>
    tpu.wait_dma2 semaphore(%arg12 : memref<!tpu.dma_semaphore, #tpu.memory_space<semaphore_mem>>) src(%arg6 : memref<128x128xf32, #tpu.memory_space<vmem>>) dst(%dma_wait3A_57 : memref<128x128xf32, #tpu.memory_space<hbm>>)
    %dma_wait3A_58 = arith.constant 0 : i32
    %dma_wait3A_59 = tpu.memref_slice %arg4[%mul3A_2, %dma_wait3A_58] : memref<36864x128xf32, #tpu.memory_space<hbm>> -> memref<128x128xf32, #tpu.memory_space<hbm>>
    %dma_wait3A_60 = arith.constant 0 : i32
    %dma_wait3A_61 = tpu.memref_slice %arg4[%mul3A_2, %dma_wait3A_60] : memref<36864x128xf32, #tpu.memory_space<hbm>> -> memref<128x128xf32, #tpu.memory_space<hbm>>
    tpu.wait_dma2 semaphore(%arg13 : memref<!tpu.dma_semaphore, #tpu.memory_space<semaphore_mem>>) src(%arg7 : memref<128x128xf32, #tpu.memory_space<vmem>>) dst(%dma_wait3A_61 : memref<128x128xf32, #tpu.memory_space<hbm>>)
    %dma_wait3A_62 = arith.constant 0 : i32
    %dma_wait3A_63 = tpu.memref_slice %arg4[%mul3A_2, %dma_wait3A_62] : memref<36864x128xf32, #tpu.memory_space<hbm>> -> memref<128x128xf32, #tpu.memory_space<hbm>>
    %dma_wait3A_64 = arith.constant 0 : i32
    %dma_wait3A_65 = tpu.memref_slice %arg4[%mul3A_2, %dma_wait3A_64] : memref<36864x128xf32, #tpu.memory_space<hbm>> -> memref<128x128xf32, #tpu.memory_space<hbm>>
    tpu.wait_dma2 semaphore(%arg14 : memref<!tpu.dma_semaphore, #tpu.memory_space<semaphore_mem>>) src(%arg8 : memref<128x128xf32, #tpu.memory_space<vmem>>) dst(%dma_wait3A_65 : memref<128x128xf32, #tpu.memory_space<hbm>>)
    return
  }
}

#map = affine_map<(d0, d1) -> (0, 0)>
#map1 = affine_map<(d0, d1) -> (0)>
module attributes {stable_mosaic.version = 14 : i64} {
  func.func @k(%arg0: i32, %arg1: i32, %arg2: memref<100000x128xf32, #tpu.memory_space<hbm>>, %arg3: memref<278528xi32, #tpu.memory_space<hbm>>, %arg4: memref<278528x128xf32, #tpu.memory_space<hbm>>, %arg5: memref<8704xi32, #tpu.memory_space<vmem>>, %arg6: memref<128x128xf32, #tpu.memory_space<vmem>>, %arg7: memref<128x128xf32, #tpu.memory_space<vmem>>, %arg8: memref<128x128xf32, #tpu.memory_space<vmem>>, %arg9: memref<128x128xf32, #tpu.memory_space<vmem>>, %arg10: memref<!tpu.dma_semaphore, #tpu.memory_space<semaphore_mem>>, %arg11: memref<!tpu.dma_semaphore, #tpu.memory_space<semaphore_mem>>, %arg12: memref<!tpu.dma_semaphore, #tpu.memory_space<semaphore_mem>>, %arg13: memref<!tpu.dma_semaphore, #tpu.memory_space<semaphore_mem>>, %arg14: memref<!tpu.dma_semaphore, #tpu.memory_space<semaphore_mem>>, %arg15: memref<!tpu.dma_semaphore, #tpu.memory_space<semaphore_mem>>, %arg16: memref<!tpu.dma_semaphore, #tpu.memory_space<semaphore_mem>>, %arg17: memref<!tpu.dma_semaphore, #tpu.memory_space<semaphore_mem>>) attributes {dimension_semantics = [#tpu.dimension_semantics<core_parallel>, #tpu.dimension_semantics<subcore_parallel>], iteration_bounds = array<i64: 2, 16>, scalar_prefetch = 0 : i64, scratch_operands = 13 : i64, tpu.core_type = #tpu.core_type<sc_vector_subcore>, window_params = [{transform_indices = #map}, {transform_indices = #map1}, {transform_indices = #map}]} {
    %mul3A = arith.constant 2 : i32
    %mul3A_0 = arith.muli %arg1, %mul3A : i32
    %add3A = arith.addi %mul3A_0, %arg0 : i32
    %mul3A_1 = arith.constant 8704 : i32
    %mul3A_2 = arith.muli %add3A, %mul3A_1 : i32
    "tpu.region"() ({
      %run_scoped3A = tpu.sem_alloc : memref<!tpu.dma_semaphore, #tpu.memory_space<semaphore_mem>>
      %dma_start3A_86 = tpu.memref_slice %arg3[%mul3A_2] : memref<278528xi32, #tpu.memory_space<hbm>> -> memref<8704xi32, #tpu.memory_space<hbm>>
      %dma_start3A_87 = tpu.memref_slice %arg3[%mul3A_2] : memref<278528xi32, #tpu.memory_space<hbm>> -> memref<8704xi32, #tpu.memory_space<hbm>>
      tpu.enqueue_dma source(%dma_start3A_87 : memref<8704xi32, #tpu.memory_space<hbm>>) target(%arg5 : memref<8704xi32, #tpu.memory_space<vmem>>) target_semaphore(%run_scoped3A : memref<!tpu.dma_semaphore, #tpu.memory_space<semaphore_mem>>)
      %dma_wait3A_88 = tpu.memref_slice %arg3[%mul3A_2] : memref<278528xi32, #tpu.memory_space<hbm>> -> memref<8704xi32, #tpu.memory_space<hbm>>
      %dma_wait3A_89 = tpu.memref_slice %arg3[%mul3A_2] : memref<278528xi32, #tpu.memory_space<hbm>> -> memref<8704xi32, #tpu.memory_space<hbm>>
      tpu.wait_dma2 semaphore(%run_scoped3A : memref<!tpu.dma_semaphore, #tpu.memory_space<semaphore_mem>>) src(%dma_wait3A_89 : memref<8704xi32, #tpu.memory_space<hbm>>) dst(%arg5 : memref<8704xi32, #tpu.memory_space<vmem>>)
      tpu.yield
    }) : () -> ()
    %dma_start3A = arith.constant 0 : i32
    %dma_start3A_3 = tpu.memref_slice %arg5[%dma_start3A] : memref<8704xi32, #tpu.memory_space<vmem>> -> memref<128xi32, #tpu.memory_space<vmem>>
    %dma_start3A_4 = arith.constant 0 : i32
    %dma_start3A_5 = arith.constant 0 : i32
    %dma_start3A_6 = tpu.memref_slice %arg2[%dma_start3A_4, %dma_start3A_5] : memref<100000x128xf32, #tpu.memory_space<hbm>> -> memref<100000x128xf32, #tpu.memory_space<hbm>>
    tpu.enqueue_indirect_dma source(%dma_start3A_6 : memref<100000x128xf32, #tpu.memory_space<hbm>>) target(%arg6 : memref<128x128xf32, #tpu.memory_space<vmem>>) offsets(%dma_start3A_3 : memref<128xi32, #tpu.memory_space<vmem>>) semaphore(%arg10 : memref<!tpu.dma_semaphore, #tpu.memory_space<semaphore_mem>>)
    %dma_start3A_7 = arith.constant 128 : i32
    %dma_start3A_8 = tpu.memref_slice %arg5[%dma_start3A_7] : memref<8704xi32, #tpu.memory_space<vmem>> -> memref<128xi32, #tpu.memory_space<vmem>>
    %dma_start3A_9 = arith.constant 0 : i32
    %dma_start3A_10 = arith.constant 0 : i32
    %dma_start3A_11 = tpu.memref_slice %arg2[%dma_start3A_9, %dma_start3A_10] : memref<100000x128xf32, #tpu.memory_space<hbm>> -> memref<100000x128xf32, #tpu.memory_space<hbm>>
    tpu.enqueue_indirect_dma source(%dma_start3A_11 : memref<100000x128xf32, #tpu.memory_space<hbm>>) target(%arg7 : memref<128x128xf32, #tpu.memory_space<vmem>>) offsets(%dma_start3A_8 : memref<128xi32, #tpu.memory_space<vmem>>) semaphore(%arg11 : memref<!tpu.dma_semaphore, #tpu.memory_space<semaphore_mem>>)
    %dma_start3A_12 = arith.constant 256 : i32
    %dma_start3A_13 = tpu.memref_slice %arg5[%dma_start3A_12] : memref<8704xi32, #tpu.memory_space<vmem>> -> memref<128xi32, #tpu.memory_space<vmem>>
    %dma_start3A_14 = arith.constant 0 : i32
    %dma_start3A_15 = arith.constant 0 : i32
    %dma_start3A_16 = tpu.memref_slice %arg2[%dma_start3A_14, %dma_start3A_15] : memref<100000x128xf32, #tpu.memory_space<hbm>> -> memref<100000x128xf32, #tpu.memory_space<hbm>>
    tpu.enqueue_indirect_dma source(%dma_start3A_16 : memref<100000x128xf32, #tpu.memory_space<hbm>>) target(%arg8 : memref<128x128xf32, #tpu.memory_space<vmem>>) offsets(%dma_start3A_13 : memref<128xi32, #tpu.memory_space<vmem>>) semaphore(%arg12 : memref<!tpu.dma_semaphore, #tpu.memory_space<semaphore_mem>>)
    %dma_start3A_17 = arith.constant 384 : i32
    %dma_start3A_18 = tpu.memref_slice %arg5[%dma_start3A_17] : memref<8704xi32, #tpu.memory_space<vmem>> -> memref<128xi32, #tpu.memory_space<vmem>>
    %dma_start3A_19 = arith.constant 0 : i32
    %dma_start3A_20 = arith.constant 0 : i32
    %dma_start3A_21 = tpu.memref_slice %arg2[%dma_start3A_19, %dma_start3A_20] : memref<100000x128xf32, #tpu.memory_space<hbm>> -> memref<100000x128xf32, #tpu.memory_space<hbm>>
    tpu.enqueue_indirect_dma source(%dma_start3A_21 : memref<100000x128xf32, #tpu.memory_space<hbm>>) target(%arg9 : memref<128x128xf32, #tpu.memory_space<vmem>>) offsets(%dma_start3A_18 : memref<128xi32, #tpu.memory_space<vmem>>) semaphore(%arg13 : memref<!tpu.dma_semaphore, #tpu.memory_space<semaphore_mem>>)
    %scan3A = arith.constant 0 : i32
    %scan3A_22 = arith.constant 0 : i32
    %scan3A_23 = arith.constant 16 : i32
    %scan3A_24 = arith.addi %scan3A_22, %scan3A_23 : i32
    %scan3A_25 = arith.constant 1 : i32
    scf.for %scan3A_86 = %scan3A_22 to %scan3A_24 step %scan3A_25  : i32 {
      %mul3A_87 = arith.constant 4 : i32
      %mul3A_88 = arith.muli %scan3A_86, %mul3A_87 : i32
      %dma_wait3A_89 = arith.constant 0 : i32
      %dma_wait3A_90 = tpu.memref_slice %arg5[%dma_wait3A_89] : memref<8704xi32, #tpu.memory_space<vmem>> -> memref<128xi32, #tpu.memory_space<vmem>>
      %dma_wait3A_91 = arith.constant 0 : i32
      %dma_wait3A_92 = arith.constant 0 : i32
      %dma_wait3A_93 = tpu.memref_slice %arg2[%dma_wait3A_91, %dma_wait3A_92] : memref<100000x128xf32, #tpu.memory_space<hbm>> -> memref<100000x128xf32, #tpu.memory_space<hbm>>
      tpu.wait_indirect_dma semaphore(%arg10 : memref<!tpu.dma_semaphore, #tpu.memory_space<semaphore_mem>>) src(%dma_wait3A_93 : memref<100000x128xf32, #tpu.memory_space<hbm>>) dst(%arg6 : memref<128x128xf32, #tpu.memory_space<vmem>>)
      %add3A_94 = arith.constant 0 : i32
      %add3A_95 = arith.addi %mul3A_88, %add3A_94 : i32
      %mul3A_96 = arith.constant 128 : i32
      %mul3A_97 = arith.muli %add3A_95, %mul3A_96 : i32
      %add3A_98 = arith.addi %mul3A_2, %mul3A_97 : i32
      %dma_start3A_99 = arith.constant 0 : i32
      %dma_start3A_100 = tpu.memref_slice %arg4[%add3A_98, %dma_start3A_99] : memref<278528x128xf32, #tpu.memory_space<hbm>> -> memref<128x128xf32, #tpu.memory_space<hbm>>
      %dma_start3A_101 = arith.constant 0 : i32
      %dma_start3A_102 = tpu.memref_slice %arg4[%add3A_98, %dma_start3A_101] : memref<278528x128xf32, #tpu.memory_space<hbm>> -> memref<128x128xf32, #tpu.memory_space<hbm>>
      tpu.enqueue_dma source(%arg6 : memref<128x128xf32, #tpu.memory_space<vmem>>) target(%dma_start3A_102 : memref<128x128xf32, #tpu.memory_space<hbm>>) target_semaphore(%arg14 : memref<!tpu.dma_semaphore, #tpu.memory_space<semaphore_mem>>)
      %dma_wait3A_103 = arith.constant 0 : i32
      %dma_wait3A_104 = tpu.memref_slice %arg5[%dma_wait3A_103] : memref<8704xi32, #tpu.memory_space<vmem>> -> memref<128xi32, #tpu.memory_space<vmem>>
      %dma_wait3A_105 = arith.constant 0 : i32
      %dma_wait3A_106 = arith.constant 0 : i32
      %dma_wait3A_107 = tpu.memref_slice %arg2[%dma_wait3A_105, %dma_wait3A_106] : memref<100000x128xf32, #tpu.memory_space<hbm>> -> memref<100000x128xf32, #tpu.memory_space<hbm>>
      tpu.wait_indirect_dma semaphore(%arg11 : memref<!tpu.dma_semaphore, #tpu.memory_space<semaphore_mem>>) src(%dma_wait3A_107 : memref<100000x128xf32, #tpu.memory_space<hbm>>) dst(%arg7 : memref<128x128xf32, #tpu.memory_space<vmem>>)
      %add3A_108 = arith.constant 1 : i32
      %add3A_109 = arith.addi %mul3A_88, %add3A_108 : i32
      %mul3A_110 = arith.constant 128 : i32
      %mul3A_111 = arith.muli %add3A_109, %mul3A_110 : i32
      %add3A_112 = arith.addi %mul3A_2, %mul3A_111 : i32
      %dma_start3A_113 = arith.constant 0 : i32
      %dma_start3A_114 = tpu.memref_slice %arg4[%add3A_112, %dma_start3A_113] : memref<278528x128xf32, #tpu.memory_space<hbm>> -> memref<128x128xf32, #tpu.memory_space<hbm>>
      %dma_start3A_115 = arith.constant 0 : i32
      %dma_start3A_116 = tpu.memref_slice %arg4[%add3A_112, %dma_start3A_115] : memref<278528x128xf32, #tpu.memory_space<hbm>> -> memref<128x128xf32, #tpu.memory_space<hbm>>
      tpu.enqueue_dma source(%arg7 : memref<128x128xf32, #tpu.memory_space<vmem>>) target(%dma_start3A_116 : memref<128x128xf32, #tpu.memory_space<hbm>>) target_semaphore(%arg15 : memref<!tpu.dma_semaphore, #tpu.memory_space<semaphore_mem>>)
      %dma_wait3A_117 = arith.constant 0 : i32
      %dma_wait3A_118 = tpu.memref_slice %arg5[%dma_wait3A_117] : memref<8704xi32, #tpu.memory_space<vmem>> -> memref<128xi32, #tpu.memory_space<vmem>>
      %dma_wait3A_119 = arith.constant 0 : i32
      %dma_wait3A_120 = arith.constant 0 : i32
      %dma_wait3A_121 = tpu.memref_slice %arg2[%dma_wait3A_119, %dma_wait3A_120] : memref<100000x128xf32, #tpu.memory_space<hbm>> -> memref<100000x128xf32, #tpu.memory_space<hbm>>
      tpu.wait_indirect_dma semaphore(%arg12 : memref<!tpu.dma_semaphore, #tpu.memory_space<semaphore_mem>>) src(%dma_wait3A_121 : memref<100000x128xf32, #tpu.memory_space<hbm>>) dst(%arg8 : memref<128x128xf32, #tpu.memory_space<vmem>>)
      %add3A_122 = arith.constant 2 : i32
      %add3A_123 = arith.addi %mul3A_88, %add3A_122 : i32
      %mul3A_124 = arith.constant 128 : i32
      %mul3A_125 = arith.muli %add3A_123, %mul3A_124 : i32
      %add3A_126 = arith.addi %mul3A_2, %mul3A_125 : i32
      %dma_start3A_127 = arith.constant 0 : i32
      %dma_start3A_128 = tpu.memref_slice %arg4[%add3A_126, %dma_start3A_127] : memref<278528x128xf32, #tpu.memory_space<hbm>> -> memref<128x128xf32, #tpu.memory_space<hbm>>
      %dma_start3A_129 = arith.constant 0 : i32
      %dma_start3A_130 = tpu.memref_slice %arg4[%add3A_126, %dma_start3A_129] : memref<278528x128xf32, #tpu.memory_space<hbm>> -> memref<128x128xf32, #tpu.memory_space<hbm>>
      tpu.enqueue_dma source(%arg8 : memref<128x128xf32, #tpu.memory_space<vmem>>) target(%dma_start3A_130 : memref<128x128xf32, #tpu.memory_space<hbm>>) target_semaphore(%arg16 : memref<!tpu.dma_semaphore, #tpu.memory_space<semaphore_mem>>)
      %dma_wait3A_131 = arith.constant 0 : i32
      %dma_wait3A_132 = tpu.memref_slice %arg5[%dma_wait3A_131] : memref<8704xi32, #tpu.memory_space<vmem>> -> memref<128xi32, #tpu.memory_space<vmem>>
      %dma_wait3A_133 = arith.constant 0 : i32
      %dma_wait3A_134 = arith.constant 0 : i32
      %dma_wait3A_135 = tpu.memref_slice %arg2[%dma_wait3A_133, %dma_wait3A_134] : memref<100000x128xf32, #tpu.memory_space<hbm>> -> memref<100000x128xf32, #tpu.memory_space<hbm>>
      tpu.wait_indirect_dma semaphore(%arg13 : memref<!tpu.dma_semaphore, #tpu.memory_space<semaphore_mem>>) src(%dma_wait3A_135 : memref<100000x128xf32, #tpu.memory_space<hbm>>) dst(%arg9 : memref<128x128xf32, #tpu.memory_space<vmem>>)
      %add3A_136 = arith.constant 3 : i32
      %add3A_137 = arith.addi %mul3A_88, %add3A_136 : i32
      %mul3A_138 = arith.constant 128 : i32
      %mul3A_139 = arith.muli %add3A_137, %mul3A_138 : i32
      %add3A_140 = arith.addi %mul3A_2, %mul3A_139 : i32
      %dma_start3A_141 = arith.constant 0 : i32
      %dma_start3A_142 = tpu.memref_slice %arg4[%add3A_140, %dma_start3A_141] : memref<278528x128xf32, #tpu.memory_space<hbm>> -> memref<128x128xf32, #tpu.memory_space<hbm>>
      %dma_start3A_143 = arith.constant 0 : i32
      %dma_start3A_144 = tpu.memref_slice %arg4[%add3A_140, %dma_start3A_143] : memref<278528x128xf32, #tpu.memory_space<hbm>> -> memref<128x128xf32, #tpu.memory_space<hbm>>
      tpu.enqueue_dma source(%arg9 : memref<128x128xf32, #tpu.memory_space<vmem>>) target(%dma_start3A_144 : memref<128x128xf32, #tpu.memory_space<hbm>>) target_semaphore(%arg17 : memref<!tpu.dma_semaphore, #tpu.memory_space<semaphore_mem>>)
      %dma_wait3A_145 = arith.constant 0 : i32
      %dma_wait3A_146 = tpu.memref_slice %arg4[%mul3A_2, %dma_wait3A_145] : memref<278528x128xf32, #tpu.memory_space<hbm>> -> memref<128x128xf32, #tpu.memory_space<hbm>>
      %dma_wait3A_147 = arith.constant 0 : i32
      %dma_wait3A_148 = tpu.memref_slice %arg4[%mul3A_2, %dma_wait3A_147] : memref<278528x128xf32, #tpu.memory_space<hbm>> -> memref<128x128xf32, #tpu.memory_space<hbm>>
      tpu.wait_dma2 semaphore(%arg14 : memref<!tpu.dma_semaphore, #tpu.memory_space<semaphore_mem>>) src(%arg6 : memref<128x128xf32, #tpu.memory_space<vmem>>) dst(%dma_wait3A_148 : memref<128x128xf32, #tpu.memory_space<hbm>>)
      %add3A_149 = arith.constant 4 : i32
      %add3A_150 = arith.addi %mul3A_88, %add3A_149 : i32
      %add3A_151 = arith.constant 0 : i32
      %add3A_152 = arith.addi %add3A_150, %add3A_151 : i32
      %mul3A_153 = arith.constant 128 : i32
      %mul3A_154 = arith.muli %add3A_152, %mul3A_153 : i32
      %dma_start3A_155 = tpu.memref_slice %arg5[%mul3A_154] : memref<8704xi32, #tpu.memory_space<vmem>> -> memref<128xi32, #tpu.memory_space<vmem>>
      %dma_start3A_156 = arith.constant 0 : i32
      %dma_start3A_157 = arith.constant 0 : i32
      %dma_start3A_158 = tpu.memref_slice %arg2[%dma_start3A_156, %dma_start3A_157] : memref<100000x128xf32, #tpu.memory_space<hbm>> -> memref<100000x128xf32, #tpu.memory_space<hbm>>
      tpu.enqueue_indirect_dma source(%dma_start3A_158 : memref<100000x128xf32, #tpu.memory_space<hbm>>) target(%arg6 : memref<128x128xf32, #tpu.memory_space<vmem>>) offsets(%dma_start3A_155 : memref<128xi32, #tpu.memory_space<vmem>>) semaphore(%arg10 : memref<!tpu.dma_semaphore, #tpu.memory_space<semaphore_mem>>)
      %dma_wait3A_159 = arith.constant 0 : i32
      %dma_wait3A_160 = tpu.memref_slice %arg4[%mul3A_2, %dma_wait3A_159] : memref<278528x128xf32, #tpu.memory_space<hbm>> -> memref<128x128xf32, #tpu.memory_space<hbm>>
      %dma_wait3A_161 = arith.constant 0 : i32
      %dma_wait3A_162 = tpu.memref_slice %arg4[%mul3A_2, %dma_wait3A_161] : memref<278528x128xf32, #tpu.memory_space<hbm>> -> memref<128x128xf32, #tpu.memory_space<hbm>>
      tpu.wait_dma2 semaphore(%arg15 : memref<!tpu.dma_semaphore, #tpu.memory_space<semaphore_mem>>) src(%arg7 : memref<128x128xf32, #tpu.memory_space<vmem>>) dst(%dma_wait3A_162 : memref<128x128xf32, #tpu.memory_space<hbm>>)
      %add3A_163 = arith.constant 4 : i32
      %add3A_164 = arith.addi %mul3A_88, %add3A_163 : i32
      %add3A_165 = arith.constant 1 : i32
      %add3A_166 = arith.addi %add3A_164, %add3A_165 : i32
      %mul3A_167 = arith.constant 128 : i32
      %mul3A_168 = arith.muli %add3A_166, %mul3A_167 : i32
      %dma_start3A_169 = tpu.memref_slice %arg5[%mul3A_168] : memref<8704xi32, #tpu.memory_space<vmem>> -> memref<128xi32, #tpu.memory_space<vmem>>
      %dma_start3A_170 = arith.constant 0 : i32
      %dma_start3A_171 = arith.constant 0 : i32
      %dma_start3A_172 = tpu.memref_slice %arg2[%dma_start3A_170, %dma_start3A_171] : memref<100000x128xf32, #tpu.memory_space<hbm>> -> memref<100000x128xf32, #tpu.memory_space<hbm>>
      tpu.enqueue_indirect_dma source(%dma_start3A_172 : memref<100000x128xf32, #tpu.memory_space<hbm>>) target(%arg7 : memref<128x128xf32, #tpu.memory_space<vmem>>) offsets(%dma_start3A_169 : memref<128xi32, #tpu.memory_space<vmem>>) semaphore(%arg11 : memref<!tpu.dma_semaphore, #tpu.memory_space<semaphore_mem>>)
      %dma_wait3A_173 = arith.constant 0 : i32
      %dma_wait3A_174 = tpu.memref_slice %arg4[%mul3A_2, %dma_wait3A_173] : memref<278528x128xf32, #tpu.memory_space<hbm>> -> memref<128x128xf32, #tpu.memory_space<hbm>>
      %dma_wait3A_175 = arith.constant 0 : i32
      %dma_wait3A_176 = tpu.memref_slice %arg4[%mul3A_2, %dma_wait3A_175] : memref<278528x128xf32, #tpu.memory_space<hbm>> -> memref<128x128xf32, #tpu.memory_space<hbm>>
      tpu.wait_dma2 semaphore(%arg16 : memref<!tpu.dma_semaphore, #tpu.memory_space<semaphore_mem>>) src(%arg8 : memref<128x128xf32, #tpu.memory_space<vmem>>) dst(%dma_wait3A_176 : memref<128x128xf32, #tpu.memory_space<hbm>>)
      %add3A_177 = arith.constant 4 : i32
      %add3A_178 = arith.addi %mul3A_88, %add3A_177 : i32
      %add3A_179 = arith.constant 2 : i32
      %add3A_180 = arith.addi %add3A_178, %add3A_179 : i32
      %mul3A_181 = arith.constant 128 : i32
      %mul3A_182 = arith.muli %add3A_180, %mul3A_181 : i32
      %dma_start3A_183 = tpu.memref_slice %arg5[%mul3A_182] : memref<8704xi32, #tpu.memory_space<vmem>> -> memref<128xi32, #tpu.memory_space<vmem>>
      %dma_start3A_184 = arith.constant 0 : i32
      %dma_start3A_185 = arith.constant 0 : i32
      %dma_start3A_186 = tpu.memref_slice %arg2[%dma_start3A_184, %dma_start3A_185] : memref<100000x128xf32, #tpu.memory_space<hbm>> -> memref<100000x128xf32, #tpu.memory_space<hbm>>
      tpu.enqueue_indirect_dma source(%dma_start3A_186 : memref<100000x128xf32, #tpu.memory_space<hbm>>) target(%arg8 : memref<128x128xf32, #tpu.memory_space<vmem>>) offsets(%dma_start3A_183 : memref<128xi32, #tpu.memory_space<vmem>>) semaphore(%arg12 : memref<!tpu.dma_semaphore, #tpu.memory_space<semaphore_mem>>)
      %dma_wait3A_187 = arith.constant 0 : i32
      %dma_wait3A_188 = tpu.memref_slice %arg4[%mul3A_2, %dma_wait3A_187] : memref<278528x128xf32, #tpu.memory_space<hbm>> -> memref<128x128xf32, #tpu.memory_space<hbm>>
      %dma_wait3A_189 = arith.constant 0 : i32
      %dma_wait3A_190 = tpu.memref_slice %arg4[%mul3A_2, %dma_wait3A_189] : memref<278528x128xf32, #tpu.memory_space<hbm>> -> memref<128x128xf32, #tpu.memory_space<hbm>>
      tpu.wait_dma2 semaphore(%arg17 : memref<!tpu.dma_semaphore, #tpu.memory_space<semaphore_mem>>) src(%arg9 : memref<128x128xf32, #tpu.memory_space<vmem>>) dst(%dma_wait3A_190 : memref<128x128xf32, #tpu.memory_space<hbm>>)
      %add3A_191 = arith.constant 4 : i32
      %add3A_192 = arith.addi %mul3A_88, %add3A_191 : i32
      %add3A_193 = arith.constant 3 : i32
      %add3A_194 = arith.addi %add3A_192, %add3A_193 : i32
      %mul3A_195 = arith.constant 128 : i32
      %mul3A_196 = arith.muli %add3A_194, %mul3A_195 : i32
      %dma_start3A_197 = tpu.memref_slice %arg5[%mul3A_196] : memref<8704xi32, #tpu.memory_space<vmem>> -> memref<128xi32, #tpu.memory_space<vmem>>
      %dma_start3A_198 = arith.constant 0 : i32
      %dma_start3A_199 = arith.constant 0 : i32
      %dma_start3A_200 = tpu.memref_slice %arg2[%dma_start3A_198, %dma_start3A_199] : memref<100000x128xf32, #tpu.memory_space<hbm>> -> memref<100000x128xf32, #tpu.memory_space<hbm>>
      tpu.enqueue_indirect_dma source(%dma_start3A_200 : memref<100000x128xf32, #tpu.memory_space<hbm>>) target(%arg9 : memref<128x128xf32, #tpu.memory_space<vmem>>) offsets(%dma_start3A_197 : memref<128xi32, #tpu.memory_space<vmem>>) semaphore(%arg13 : memref<!tpu.dma_semaphore, #tpu.memory_space<semaphore_mem>>)
    }
    %scan3A_26 = arith.constant 16 : i32
    %dma_wait3A = arith.constant 0 : i32
    %dma_wait3A_27 = tpu.memref_slice %arg5[%dma_wait3A] : memref<8704xi32, #tpu.memory_space<vmem>> -> memref<128xi32, #tpu.memory_space<vmem>>
    %dma_wait3A_28 = arith.constant 0 : i32
    %dma_wait3A_29 = arith.constant 0 : i32
    %dma_wait3A_30 = tpu.memref_slice %arg2[%dma_wait3A_28, %dma_wait3A_29] : memref<100000x128xf32, #tpu.memory_space<hbm>> -> memref<100000x128xf32, #tpu.memory_space<hbm>>
    tpu.wait_indirect_dma semaphore(%arg10 : memref<!tpu.dma_semaphore, #tpu.memory_space<semaphore_mem>>) src(%dma_wait3A_30 : memref<100000x128xf32, #tpu.memory_space<hbm>>) dst(%arg6 : memref<128x128xf32, #tpu.memory_space<vmem>>)
    %add3A_31 = arith.constant 8192 : i32
    %add3A_32 = arith.addi %mul3A_2, %add3A_31 : i32
    %dma_start3A_33 = arith.constant 0 : i32
    %dma_start3A_34 = tpu.memref_slice %arg4[%add3A_32, %dma_start3A_33] : memref<278528x128xf32, #tpu.memory_space<hbm>> -> memref<128x128xf32, #tpu.memory_space<hbm>>
    %dma_start3A_35 = arith.constant 0 : i32
    %dma_start3A_36 = tpu.memref_slice %arg4[%add3A_32, %dma_start3A_35] : memref<278528x128xf32, #tpu.memory_space<hbm>> -> memref<128x128xf32, #tpu.memory_space<hbm>>
    tpu.enqueue_dma source(%arg6 : memref<128x128xf32, #tpu.memory_space<vmem>>) target(%dma_start3A_36 : memref<128x128xf32, #tpu.memory_space<hbm>>) target_semaphore(%arg14 : memref<!tpu.dma_semaphore, #tpu.memory_space<semaphore_mem>>)
    %dma_wait3A_37 = arith.constant 0 : i32
    %dma_wait3A_38 = tpu.memref_slice %arg5[%dma_wait3A_37] : memref<8704xi32, #tpu.memory_space<vmem>> -> memref<128xi32, #tpu.memory_space<vmem>>
    %dma_wait3A_39 = arith.constant 0 : i32
    %dma_wait3A_40 = arith.constant 0 : i32
    %dma_wait3A_41 = tpu.memref_slice %arg2[%dma_wait3A_39, %dma_wait3A_40] : memref<100000x128xf32, #tpu.memory_space<hbm>> -> memref<100000x128xf32, #tpu.memory_space<hbm>>
    tpu.wait_indirect_dma semaphore(%arg11 : memref<!tpu.dma_semaphore, #tpu.memory_space<semaphore_mem>>) src(%dma_wait3A_41 : memref<100000x128xf32, #tpu.memory_space<hbm>>) dst(%arg7 : memref<128x128xf32, #tpu.memory_space<vmem>>)
    %add3A_42 = arith.constant 8320 : i32
    %add3A_43 = arith.addi %mul3A_2, %add3A_42 : i32
    %dma_start3A_44 = arith.constant 0 : i32
    %dma_start3A_45 = tpu.memref_slice %arg4[%add3A_43, %dma_start3A_44] : memref<278528x128xf32, #tpu.memory_space<hbm>> -> memref<128x128xf32, #tpu.memory_space<hbm>>
    %dma_start3A_46 = arith.constant 0 : i32
    %dma_start3A_47 = tpu.memref_slice %arg4[%add3A_43, %dma_start3A_46] : memref<278528x128xf32, #tpu.memory_space<hbm>> -> memref<128x128xf32, #tpu.memory_space<hbm>>
    tpu.enqueue_dma source(%arg7 : memref<128x128xf32, #tpu.memory_space<vmem>>) target(%dma_start3A_47 : memref<128x128xf32, #tpu.memory_space<hbm>>) target_semaphore(%arg15 : memref<!tpu.dma_semaphore, #tpu.memory_space<semaphore_mem>>)
    %dma_wait3A_48 = arith.constant 0 : i32
    %dma_wait3A_49 = tpu.memref_slice %arg5[%dma_wait3A_48] : memref<8704xi32, #tpu.memory_space<vmem>> -> memref<128xi32, #tpu.memory_space<vmem>>
    %dma_wait3A_50 = arith.constant 0 : i32
    %dma_wait3A_51 = arith.constant 0 : i32
    %dma_wait3A_52 = tpu.memref_slice %arg2[%dma_wait3A_50, %dma_wait3A_51] : memref<100000x128xf32, #tpu.memory_space<hbm>> -> memref<100000x128xf32, #tpu.memory_space<hbm>>
    tpu.wait_indirect_dma semaphore(%arg12 : memref<!tpu.dma_semaphore, #tpu.memory_space<semaphore_mem>>) src(%dma_wait3A_52 : memref<100000x128xf32, #tpu.memory_space<hbm>>) dst(%arg8 : memref<128x128xf32, #tpu.memory_space<vmem>>)
    %add3A_53 = arith.constant 8448 : i32
    %add3A_54 = arith.addi %mul3A_2, %add3A_53 : i32
    %dma_start3A_55 = arith.constant 0 : i32
    %dma_start3A_56 = tpu.memref_slice %arg4[%add3A_54, %dma_start3A_55] : memref<278528x128xf32, #tpu.memory_space<hbm>> -> memref<128x128xf32, #tpu.memory_space<hbm>>
    %dma_start3A_57 = arith.constant 0 : i32
    %dma_start3A_58 = tpu.memref_slice %arg4[%add3A_54, %dma_start3A_57] : memref<278528x128xf32, #tpu.memory_space<hbm>> -> memref<128x128xf32, #tpu.memory_space<hbm>>
    tpu.enqueue_dma source(%arg8 : memref<128x128xf32, #tpu.memory_space<vmem>>) target(%dma_start3A_58 : memref<128x128xf32, #tpu.memory_space<hbm>>) target_semaphore(%arg16 : memref<!tpu.dma_semaphore, #tpu.memory_space<semaphore_mem>>)
    %dma_wait3A_59 = arith.constant 0 : i32
    %dma_wait3A_60 = tpu.memref_slice %arg5[%dma_wait3A_59] : memref<8704xi32, #tpu.memory_space<vmem>> -> memref<128xi32, #tpu.memory_space<vmem>>
    %dma_wait3A_61 = arith.constant 0 : i32
    %dma_wait3A_62 = arith.constant 0 : i32
    %dma_wait3A_63 = tpu.memref_slice %arg2[%dma_wait3A_61, %dma_wait3A_62] : memref<100000x128xf32, #tpu.memory_space<hbm>> -> memref<100000x128xf32, #tpu.memory_space<hbm>>
    tpu.wait_indirect_dma semaphore(%arg13 : memref<!tpu.dma_semaphore, #tpu.memory_space<semaphore_mem>>) src(%dma_wait3A_63 : memref<100000x128xf32, #tpu.memory_space<hbm>>) dst(%arg9 : memref<128x128xf32, #tpu.memory_space<vmem>>)
    %add3A_64 = arith.constant 8576 : i32
    %add3A_65 = arith.addi %mul3A_2, %add3A_64 : i32
    %dma_start3A_66 = arith.constant 0 : i32
    %dma_start3A_67 = tpu.memref_slice %arg4[%add3A_65, %dma_start3A_66] : memref<278528x128xf32, #tpu.memory_space<hbm>> -> memref<128x128xf32, #tpu.memory_space<hbm>>
    %dma_start3A_68 = arith.constant 0 : i32
    %dma_start3A_69 = tpu.memref_slice %arg4[%add3A_65, %dma_start3A_68] : memref<278528x128xf32, #tpu.memory_space<hbm>> -> memref<128x128xf32, #tpu.memory_space<hbm>>
    tpu.enqueue_dma source(%arg9 : memref<128x128xf32, #tpu.memory_space<vmem>>) target(%dma_start3A_69 : memref<128x128xf32, #tpu.memory_space<hbm>>) target_semaphore(%arg17 : memref<!tpu.dma_semaphore, #tpu.memory_space<semaphore_mem>>)
    %dma_wait3A_70 = arith.constant 0 : i32
    %dma_wait3A_71 = tpu.memref_slice %arg4[%mul3A_2, %dma_wait3A_70] : memref<278528x128xf32, #tpu.memory_space<hbm>> -> memref<128x128xf32, #tpu.memory_space<hbm>>
    %dma_wait3A_72 = arith.constant 0 : i32
    %dma_wait3A_73 = tpu.memref_slice %arg4[%mul3A_2, %dma_wait3A_72] : memref<278528x128xf32, #tpu.memory_space<hbm>> -> memref<128x128xf32, #tpu.memory_space<hbm>>
    tpu.wait_dma2 semaphore(%arg14 : memref<!tpu.dma_semaphore, #tpu.memory_space<semaphore_mem>>) src(%arg6 : memref<128x128xf32, #tpu.memory_space<vmem>>) dst(%dma_wait3A_73 : memref<128x128xf32, #tpu.memory_space<hbm>>)
    %dma_wait3A_74 = arith.constant 0 : i32
    %dma_wait3A_75 = tpu.memref_slice %arg4[%mul3A_2, %dma_wait3A_74] : memref<278528x128xf32, #tpu.memory_space<hbm>> -> memref<128x128xf32, #tpu.memory_space<hbm>>
    %dma_wait3A_76 = arith.constant 0 : i32
    %dma_wait3A_77 = tpu.memref_slice %arg4[%mul3A_2, %dma_wait3A_76] : memref<278528x128xf32, #tpu.memory_space<hbm>> -> memref<128x128xf32, #tpu.memory_space<hbm>>
    tpu.wait_dma2 semaphore(%arg15 : memref<!tpu.dma_semaphore, #tpu.memory_space<semaphore_mem>>) src(%arg7 : memref<128x128xf32, #tpu.memory_space<vmem>>) dst(%dma_wait3A_77 : memref<128x128xf32, #tpu.memory_space<hbm>>)
    %dma_wait3A_78 = arith.constant 0 : i32
    %dma_wait3A_79 = tpu.memref_slice %arg4[%mul3A_2, %dma_wait3A_78] : memref<278528x128xf32, #tpu.memory_space<hbm>> -> memref<128x128xf32, #tpu.memory_space<hbm>>
    %dma_wait3A_80 = arith.constant 0 : i32
    %dma_wait3A_81 = tpu.memref_slice %arg4[%mul3A_2, %dma_wait3A_80] : memref<278528x128xf32, #tpu.memory_space<hbm>> -> memref<128x128xf32, #tpu.memory_space<hbm>>
    tpu.wait_dma2 semaphore(%arg16 : memref<!tpu.dma_semaphore, #tpu.memory_space<semaphore_mem>>) src(%arg8 : memref<128x128xf32, #tpu.memory_space<vmem>>) dst(%dma_wait3A_81 : memref<128x128xf32, #tpu.memory_space<hbm>>)
    %dma_wait3A_82 = arith.constant 0 : i32
    %dma_wait3A_83 = tpu.memref_slice %arg4[%mul3A_2, %dma_wait3A_82] : memref<278528x128xf32, #tpu.memory_space<hbm>> -> memref<128x128xf32, #tpu.memory_space<hbm>>
    %dma_wait3A_84 = arith.constant 0 : i32
    %dma_wait3A_85 = tpu.memref_slice %arg4[%mul3A_2, %dma_wait3A_84] : memref<278528x128xf32, #tpu.memory_space<hbm>> -> memref<128x128xf32, #tpu.memory_space<hbm>>
    tpu.wait_dma2 semaphore(%arg17 : memref<!tpu.dma_semaphore, #tpu.memory_space<semaphore_mem>>) src(%arg9 : memref<128x128xf32, #tpu.memory_space<vmem>>) dst(%dma_wait3A_85 : memref<128x128xf32, #tpu.memory_space<hbm>>)
    return
  }
}

#map = affine_map<(d0, d1) -> (0)>
module attributes {stable_mosaic.version = 14 : i64} {
  func.func @k(%arg0: i32, %arg1: i32, %arg2: memref<34816xi32, #tpu.memory_space<hbm>>, %arg3: memref<32768xi32, #tpu.memory_space<hbm>>, %arg4: memref<32768xi32, #tpu.memory_space<hbm>>, %arg5: memref<34816xi32, #tpu.memory_space<vmem>>, %arg6: memref<1024xi32, #tpu.memory_space<vmem>>, %arg7: memref<1024xi32, #tpu.memory_space<vmem>>) attributes {dimension_semantics = [#tpu.dimension_semantics<core_parallel>, #tpu.dimension_semantics<subcore_parallel>], iteration_bounds = array<i64: 2, 16>, scalar_prefetch = 0 : i64, scratch_operands = 3 : i64, tpu.core_type = #tpu.core_type<sc_vector_subcore>, window_params = [{transform_indices = #map}, {transform_indices = #map}, {transform_indices = #map}]} {
    %mul3A = arith.constant 2 : i32
    %mul3A_0 = arith.muli %arg1, %mul3A : i32
    %add3A = arith.addi %mul3A_0, %arg0 : i32
    %mul3A_1 = arith.constant 1024 : i32
    %mul3A_2 = arith.muli %add3A, %mul3A_1 : i32
    "tpu.region"() ({
      %run_scoped3A = tpu.sem_alloc : memref<!tpu.dma_semaphore, #tpu.memory_space<semaphore_mem>>
      tpu.enqueue_dma source(%arg2 : memref<34816xi32, #tpu.memory_space<hbm>>) target(%arg5 : memref<34816xi32, #tpu.memory_space<vmem>>) target_semaphore(%run_scoped3A : memref<!tpu.dma_semaphore, #tpu.memory_space<semaphore_mem>>)
      tpu.wait_dma2 semaphore(%run_scoped3A : memref<!tpu.dma_semaphore, #tpu.memory_space<semaphore_mem>>) src(%arg2 : memref<34816xi32, #tpu.memory_space<hbm>>) dst(%arg5 : memref<34816xi32, #tpu.memory_space<vmem>>)
      tpu.yield
    }) : () -> ()
    "tpu.region"() ({
      %run_scoped3A = tpu.sem_alloc : memref<!tpu.dma_semaphore, #tpu.memory_space<semaphore_mem>>
      %dma_start3A = tpu.memref_slice %arg3[%mul3A_2] : memref<32768xi32, #tpu.memory_space<hbm>> -> memref<1024xi32, #tpu.memory_space<hbm>>
      %dma_start3A_8 = tpu.memref_slice %arg3[%mul3A_2] : memref<32768xi32, #tpu.memory_space<hbm>> -> memref<1024xi32, #tpu.memory_space<hbm>>
      tpu.enqueue_dma source(%dma_start3A_8 : memref<1024xi32, #tpu.memory_space<hbm>>) target(%arg6 : memref<1024xi32, #tpu.memory_space<vmem>>) target_semaphore(%run_scoped3A : memref<!tpu.dma_semaphore, #tpu.memory_space<semaphore_mem>>)
      %dma_wait3A = tpu.memref_slice %arg3[%mul3A_2] : memref<32768xi32, #tpu.memory_space<hbm>> -> memref<1024xi32, #tpu.memory_space<hbm>>
      %dma_wait3A_9 = tpu.memref_slice %arg3[%mul3A_2] : memref<32768xi32, #tpu.memory_space<hbm>> -> memref<1024xi32, #tpu.memory_space<hbm>>
      tpu.wait_dma2 semaphore(%run_scoped3A : memref<!tpu.dma_semaphore, #tpu.memory_space<semaphore_mem>>) src(%dma_wait3A_9 : memref<1024xi32, #tpu.memory_space<hbm>>) dst(%arg6 : memref<1024xi32, #tpu.memory_space<vmem>>)
      tpu.yield
    }) : () -> ()
    %scan3A = arith.constant 0 : i32
    %scan3A_3 = arith.constant 0 : i32
    %scan3A_4 = arith.constant 64 : i32
    %scan3A_5 = arith.addi %scan3A_3, %scan3A_4 : i32
    %scan3A_6 = arith.constant 1 : i32
    scf.for %scan3A_8 = %scan3A_3 to %scan3A_5 step %scan3A_6  : i32 {
      %mul3A_9 = arith.constant 16 : i32
      %mul3A_10 = arith.muli %scan3A_8, %mul3A_9 : i32
      %get3A = arith.index_cast %mul3A_10 : i32 to index
      %get3A_11 = tpu.vector_load %arg6[%get3A] {strides = array<i32>} : memref<1024xi32, #tpu.memory_space<vmem>>, vector<16xi32>,
      %gather3A = tpu.vector_load_idx %arg5[%get3A_11] : memref<34816xi32, #tpu.memory_space<vmem>>[vector<16xi32>], vector<16xi32>,
      %mul3A_12 = arith.constant 16 : i32
      %mul3A_13 = arith.muli %scan3A_8, %mul3A_12 : i32
      %swap3A = arith.index_cast %mul3A_13 : i32 to index
      %swap3A_14 = tpu.vector_load %arg7[%swap3A] {strides = array<i32>} : memref<1024xi32, #tpu.memory_space<vmem>>, vector<16xi32>,
      tpu.vector_store %arg7[%swap3A], %gather3A {strides = array<i32>} : memref<1024xi32, #tpu.memory_space<vmem>>, vector<16xi32>,
    }
    %scan3A_7 = arith.constant 64 : i32
    "tpu.region"() ({
      %run_scoped3A = tpu.sem_alloc : memref<!tpu.dma_semaphore, #tpu.memory_space<semaphore_mem>>
      %dma_start3A = tpu.memref_slice %arg4[%mul3A_2] : memref<32768xi32, #tpu.memory_space<hbm>> -> memref<1024xi32, #tpu.memory_space<hbm>>
      %dma_start3A_8 = tpu.memref_slice %arg4[%mul3A_2] : memref<32768xi32, #tpu.memory_space<hbm>> -> memref<1024xi32, #tpu.memory_space<hbm>>
      tpu.enqueue_dma source(%arg7 : memref<1024xi32, #tpu.memory_space<vmem>>) target(%dma_start3A_8 : memref<1024xi32, #tpu.memory_space<hbm>>) target_semaphore(%run_scoped3A : memref<!tpu.dma_semaphore, #tpu.memory_space<semaphore_mem>>)
      %dma_wait3A = tpu.memref_slice %arg4[%mul3A_2] : memref<32768xi32, #tpu.memory_space<hbm>> -> memref<1024xi32, #tpu.memory_space<hbm>>
      %dma_wait3A_9 = tpu.memref_slice %arg4[%mul3A_2] : memref<32768xi32, #tpu.memory_space<hbm>> -> memref<1024xi32, #tpu.memory_space<hbm>>
      tpu.wait_dma2 semaphore(%run_scoped3A : memref<!tpu.dma_semaphore, #tpu.memory_space<semaphore_mem>>) src(%arg7 : memref<1024xi32, #tpu.memory_space<vmem>>) dst(%dma_wait3A_9 : memref<1024xi32, #tpu.memory_space<hbm>>)
      tpu.yield
    }) : () -> ()
    return
  }
}

#map = affine_map<(d0, d1) -> (0, 0)>
#map1 = affine_map<(d0, d1) -> (0)>
module attributes {stable_mosaic.version = 14 : i64} {
  func.func @k(%arg0: i32, %arg1: i32, %arg2: memref<34848x128xf32, #tpu.memory_space<hbm>>, %arg3: memref<32768xi32, #tpu.memory_space<hbm>>, %arg4: memref<32768x128xf32, #tpu.memory_space<hbm>>, %arg5: memref<1024xi32, #tpu.memory_space<vmem>>, %arg6: memref<128x128xf32, #tpu.memory_space<vmem>>, %arg7: memref<128x128xf32, #tpu.memory_space<vmem>>, %arg8: memref<128x128xf32, #tpu.memory_space<vmem>>, %arg9: memref<128x128xf32, #tpu.memory_space<vmem>>, %arg10: memref<!tpu.dma_semaphore, #tpu.memory_space<semaphore_mem>>, %arg11: memref<!tpu.dma_semaphore, #tpu.memory_space<semaphore_mem>>, %arg12: memref<!tpu.dma_semaphore, #tpu.memory_space<semaphore_mem>>, %arg13: memref<!tpu.dma_semaphore, #tpu.memory_space<semaphore_mem>>, %arg14: memref<!tpu.dma_semaphore, #tpu.memory_space<semaphore_mem>>, %arg15: memref<!tpu.dma_semaphore, #tpu.memory_space<semaphore_mem>>, %arg16: memref<!tpu.dma_semaphore, #tpu.memory_space<semaphore_mem>>, %arg17: memref<!tpu.dma_semaphore, #tpu.memory_space<semaphore_mem>>) attributes {dimension_semantics = [#tpu.dimension_semantics<core_parallel>, #tpu.dimension_semantics<subcore_parallel>], iteration_bounds = array<i64: 2, 16>, scalar_prefetch = 0 : i64, scratch_operands = 13 : i64, tpu.core_type = #tpu.core_type<sc_vector_subcore>, window_params = [{transform_indices = #map}, {transform_indices = #map1}, {transform_indices = #map}]} {
    %mul3A = arith.constant 2 : i32
    %mul3A_0 = arith.muli %arg1, %mul3A : i32
    %add3A = arith.addi %mul3A_0, %arg0 : i32
    %mul3A_1 = arith.constant 1024 : i32
    %mul3A_2 = arith.muli %add3A, %mul3A_1 : i32
    "tpu.region"() ({
      %run_scoped3A = tpu.sem_alloc : memref<!tpu.dma_semaphore, #tpu.memory_space<semaphore_mem>>
      %dma_start3A_197 = tpu.memref_slice %arg3[%mul3A_2] : memref<32768xi32, #tpu.memory_space<hbm>> -> memref<1024xi32, #tpu.memory_space<hbm>>
      %dma_start3A_198 = tpu.memref_slice %arg3[%mul3A_2] : memref<32768xi32, #tpu.memory_space<hbm>> -> memref<1024xi32, #tpu.memory_space<hbm>>
      tpu.enqueue_dma source(%dma_start3A_198 : memref<1024xi32, #tpu.memory_space<hbm>>) target(%arg5 : memref<1024xi32, #tpu.memory_space<vmem>>) target_semaphore(%run_scoped3A : memref<!tpu.dma_semaphore, #tpu.memory_space<semaphore_mem>>)
      %dma_wait3A_199 = tpu.memref_slice %arg3[%mul3A_2] : memref<32768xi32, #tpu.memory_space<hbm>> -> memref<1024xi32, #tpu.memory_space<hbm>>
      %dma_wait3A_200 = tpu.memref_slice %arg3[%mul3A_2] : memref<32768xi32, #tpu.memory_space<hbm>> -> memref<1024xi32, #tpu.memory_space<hbm>>
      tpu.wait_dma2 semaphore(%run_scoped3A : memref<!tpu.dma_semaphore, #tpu.memory_space<semaphore_mem>>) src(%dma_wait3A_200 : memref<1024xi32, #tpu.memory_space<hbm>>) dst(%arg5 : memref<1024xi32, #tpu.memory_space<vmem>>)
      tpu.yield
    }) : () -> ()
    %dma_start3A = arith.constant 0 : i32
    %dma_start3A_3 = tpu.memref_slice %arg5[%dma_start3A] : memref<1024xi32, #tpu.memory_space<vmem>> -> memref<128xi32, #tpu.memory_space<vmem>>
    %dma_start3A_4 = arith.constant 0 : i32
    %dma_start3A_5 = arith.constant 0 : i32
    %dma_start3A_6 = tpu.memref_slice %arg2[%dma_start3A_4, %dma_start3A_5] : memref<34848x128xf32, #tpu.memory_space<hbm>> -> memref<34848x128xf32, #tpu.memory_space<hbm>>
    tpu.enqueue_indirect_dma source(%dma_start3A_6 : memref<34848x128xf32, #tpu.memory_space<hbm>>) target(%arg6 : memref<128x128xf32, #tpu.memory_space<vmem>>) offsets(%dma_start3A_3 : memref<128xi32, #tpu.memory_space<vmem>>) semaphore(%arg10 : memref<!tpu.dma_semaphore, #tpu.memory_space<semaphore_mem>>)
    %dma_start3A_7 = arith.constant 128 : i32
    %dma_start3A_8 = tpu.memref_slice %arg5[%dma_start3A_7] : memref<1024xi32, #tpu.memory_space<vmem>> -> memref<128xi32, #tpu.memory_space<vmem>>
    %dma_start3A_9 = arith.constant 0 : i32
    %dma_start3A_10 = arith.constant 0 : i32
    %dma_start3A_11 = tpu.memref_slice %arg2[%dma_start3A_9, %dma_start3A_10] : memref<34848x128xf32, #tpu.memory_space<hbm>> -> memref<34848x128xf32, #tpu.memory_space<hbm>>
    tpu.enqueue_indirect_dma source(%dma_start3A_11 : memref<34848x128xf32, #tpu.memory_space<hbm>>) target(%arg7 : memref<128x128xf32, #tpu.memory_space<vmem>>) offsets(%dma_start3A_8 : memref<128xi32, #tpu.memory_space<vmem>>) semaphore(%arg11 : memref<!tpu.dma_semaphore, #tpu.memory_space<semaphore_mem>>)
    %dma_start3A_12 = arith.constant 256 : i32
    %dma_start3A_13 = tpu.memref_slice %arg5[%dma_start3A_12] : memref<1024xi32, #tpu.memory_space<vmem>> -> memref<128xi32, #tpu.memory_space<vmem>>
    %dma_start3A_14 = arith.constant 0 : i32
    %dma_start3A_15 = arith.constant 0 : i32
    %dma_start3A_16 = tpu.memref_slice %arg2[%dma_start3A_14, %dma_start3A_15] : memref<34848x128xf32, #tpu.memory_space<hbm>> -> memref<34848x128xf32, #tpu.memory_space<hbm>>
    tpu.enqueue_indirect_dma source(%dma_start3A_16 : memref<34848x128xf32, #tpu.memory_space<hbm>>) target(%arg8 : memref<128x128xf32, #tpu.memory_space<vmem>>) offsets(%dma_start3A_13 : memref<128xi32, #tpu.memory_space<vmem>>) semaphore(%arg12 : memref<!tpu.dma_semaphore, #tpu.memory_space<semaphore_mem>>)
    %dma_start3A_17 = arith.constant 384 : i32
    %dma_start3A_18 = tpu.memref_slice %arg5[%dma_start3A_17] : memref<1024xi32, #tpu.memory_space<vmem>> -> memref<128xi32, #tpu.memory_space<vmem>>
    %dma_start3A_19 = arith.constant 0 : i32
    %dma_start3A_20 = arith.constant 0 : i32
    %dma_start3A_21 = tpu.memref_slice %arg2[%dma_start3A_19, %dma_start3A_20] : memref<34848x128xf32, #tpu.memory_space<hbm>> -> memref<34848x128xf32, #tpu.memory_space<hbm>>
    tpu.enqueue_indirect_dma source(%dma_start3A_21 : memref<34848x128xf32, #tpu.memory_space<hbm>>) target(%arg9 : memref<128x128xf32, #tpu.memory_space<vmem>>) offsets(%dma_start3A_18 : memref<128xi32, #tpu.memory_space<vmem>>) semaphore(%arg13 : memref<!tpu.dma_semaphore, #tpu.memory_space<semaphore_mem>>)
    %scan3A = arith.constant 0 : i32
    %scan3A_22 = arith.constant 0 : i32
    %mul3A_23 = arith.constant 4 : i32
    %mul3A_24 = arith.muli %scan3A_22, %mul3A_23 : i32
    %dma_wait3A = arith.constant 0 : i32
    %dma_wait3A_25 = tpu.memref_slice %arg5[%dma_wait3A] : memref<1024xi32, #tpu.memory_space<vmem>> -> memref<128xi32, #tpu.memory_space<vmem>>
    %dma_wait3A_26 = arith.constant 0 : i32
    %dma_wait3A_27 = arith.constant 0 : i32
    %dma_wait3A_28 = tpu.memref_slice %arg2[%dma_wait3A_26, %dma_wait3A_27] : memref<34848x128xf32, #tpu.memory_space<hbm>> -> memref<34848x128xf32, #tpu.memory_space<hbm>>
    tpu.wait_indirect_dma semaphore(%arg10 : memref<!tpu.dma_semaphore, #tpu.memory_space<semaphore_mem>>) src(%dma_wait3A_28 : memref<34848x128xf32, #tpu.memory_space<hbm>>) dst(%arg6 : memref<128x128xf32, #tpu.memory_space<vmem>>)
    %add3A_29 = arith.constant 0 : i32
    %add3A_30 = arith.addi %mul3A_24, %add3A_29 : i32
    %mul3A_31 = arith.constant 128 : i32
    %mul3A_32 = arith.muli %add3A_30, %mul3A_31 : i32
    %add3A_33 = arith.addi %mul3A_2, %mul3A_32 : i32
    %dma_start3A_34 = arith.constant 0 : i32
    %dma_start3A_35 = tpu.memref_slice %arg4[%add3A_33, %dma_start3A_34] : memref<32768x128xf32, #tpu.memory_space<hbm>> -> memref<128x128xf32, #tpu.memory_space<hbm>>
    %dma_start3A_36 = arith.constant 0 : i32
    %dma_start3A_37 = tpu.memref_slice %arg4[%add3A_33, %dma_start3A_36] : memref<32768x128xf32, #tpu.memory_space<hbm>> -> memref<128x128xf32, #tpu.memory_space<hbm>>
    tpu.enqueue_dma source(%arg6 : memref<128x128xf32, #tpu.memory_space<vmem>>) target(%dma_start3A_37 : memref<128x128xf32, #tpu.memory_space<hbm>>) target_semaphore(%arg14 : memref<!tpu.dma_semaphore, #tpu.memory_space<semaphore_mem>>)
    %dma_wait3A_38 = arith.constant 0 : i32
    %dma_wait3A_39 = tpu.memref_slice %arg5[%dma_wait3A_38] : memref<1024xi32, #tpu.memory_space<vmem>> -> memref<128xi32, #tpu.memory_space<vmem>>
    %dma_wait3A_40 = arith.constant 0 : i32
    %dma_wait3A_41 = arith.constant 0 : i32
    %dma_wait3A_42 = tpu.memref_slice %arg2[%dma_wait3A_40, %dma_wait3A_41] : memref<34848x128xf32, #tpu.memory_space<hbm>> -> memref<34848x128xf32, #tpu.memory_space<hbm>>
    tpu.wait_indirect_dma semaphore(%arg11 : memref<!tpu.dma_semaphore, #tpu.memory_space<semaphore_mem>>) src(%dma_wait3A_42 : memref<34848x128xf32, #tpu.memory_space<hbm>>) dst(%arg7 : memref<128x128xf32, #tpu.memory_space<vmem>>)
    %add3A_43 = arith.constant 1 : i32
    %add3A_44 = arith.addi %mul3A_24, %add3A_43 : i32
    %mul3A_45 = arith.constant 128 : i32
    %mul3A_46 = arith.muli %add3A_44, %mul3A_45 : i32
    %add3A_47 = arith.addi %mul3A_2, %mul3A_46 : i32
    %dma_start3A_48 = arith.constant 0 : i32
    %dma_start3A_49 = tpu.memref_slice %arg4[%add3A_47, %dma_start3A_48] : memref<32768x128xf32, #tpu.memory_space<hbm>> -> memref<128x128xf32, #tpu.memory_space<hbm>>
    %dma_start3A_50 = arith.constant 0 : i32
    %dma_start3A_51 = tpu.memref_slice %arg4[%add3A_47, %dma_start3A_50] : memref<32768x128xf32, #tpu.memory_space<hbm>> -> memref<128x128xf32, #tpu.memory_space<hbm>>
    tpu.enqueue_dma source(%arg7 : memref<128x128xf32, #tpu.memory_space<vmem>>) target(%dma_start3A_51 : memref<128x128xf32, #tpu.memory_space<hbm>>) target_semaphore(%arg15 : memref<!tpu.dma_semaphore, #tpu.memory_space<semaphore_mem>>)
    %dma_wait3A_52 = arith.constant 0 : i32
    %dma_wait3A_53 = tpu.memref_slice %arg5[%dma_wait3A_52] : memref<1024xi32, #tpu.memory_space<vmem>> -> memref<128xi32, #tpu.memory_space<vmem>>
    %dma_wait3A_54 = arith.constant 0 : i32
    %dma_wait3A_55 = arith.constant 0 : i32
    %dma_wait3A_56 = tpu.memref_slice %arg2[%dma_wait3A_54, %dma_wait3A_55] : memref<34848x128xf32, #tpu.memory_space<hbm>> -> memref<34848x128xf32, #tpu.memory_space<hbm>>
    tpu.wait_indirect_dma semaphore(%arg12 : memref<!tpu.dma_semaphore, #tpu.memory_space<semaphore_mem>>) src(%dma_wait3A_56 : memref<34848x128xf32, #tpu.memory_space<hbm>>) dst(%arg8 : memref<128x128xf32, #tpu.memory_space<vmem>>)
    %add3A_57 = arith.constant 2 : i32
    %add3A_58 = arith.addi %mul3A_24, %add3A_57 : i32
    %mul3A_59 = arith.constant 128 : i32
    %mul3A_60 = arith.muli %add3A_58, %mul3A_59 : i32
    %add3A_61 = arith.addi %mul3A_2, %mul3A_60 : i32
    %dma_start3A_62 = arith.constant 0 : i32
    %dma_start3A_63 = tpu.memref_slice %arg4[%add3A_61, %dma_start3A_62] : memref<32768x128xf32, #tpu.memory_space<hbm>> -> memref<128x128xf32, #tpu.memory_space<hbm>>
    %dma_start3A_64 = arith.constant 0 : i32
    %dma_start3A_65 = tpu.memref_slice %arg4[%add3A_61, %dma_start3A_64] : memref<32768x128xf32, #tpu.memory_space<hbm>> -> memref<128x128xf32, #tpu.memory_space<hbm>>
    tpu.enqueue_dma source(%arg8 : memref<128x128xf32, #tpu.memory_space<vmem>>) target(%dma_start3A_65 : memref<128x128xf32, #tpu.memory_space<hbm>>) target_semaphore(%arg16 : memref<!tpu.dma_semaphore, #tpu.memory_space<semaphore_mem>>)
    %dma_wait3A_66 = arith.constant 0 : i32
    %dma_wait3A_67 = tpu.memref_slice %arg5[%dma_wait3A_66] : memref<1024xi32, #tpu.memory_space<vmem>> -> memref<128xi32, #tpu.memory_space<vmem>>
    %dma_wait3A_68 = arith.constant 0 : i32
    %dma_wait3A_69 = arith.constant 0 : i32
    %dma_wait3A_70 = tpu.memref_slice %arg2[%dma_wait3A_68, %dma_wait3A_69] : memref<34848x128xf32, #tpu.memory_space<hbm>> -> memref<34848x128xf32, #tpu.memory_space<hbm>>
    tpu.wait_indirect_dma semaphore(%arg13 : memref<!tpu.dma_semaphore, #tpu.memory_space<semaphore_mem>>) src(%dma_wait3A_70 : memref<34848x128xf32, #tpu.memory_space<hbm>>) dst(%arg9 : memref<128x128xf32, #tpu.memory_space<vmem>>)
    %add3A_71 = arith.constant 3 : i32
    %add3A_72 = arith.addi %mul3A_24, %add3A_71 : i32
    %mul3A_73 = arith.constant 128 : i32
    %mul3A_74 = arith.muli %add3A_72, %mul3A_73 : i32
    %add3A_75 = arith.addi %mul3A_2, %mul3A_74 : i32
    %dma_start3A_76 = arith.constant 0 : i32
    %dma_start3A_77 = tpu.memref_slice %arg4[%add3A_75, %dma_start3A_76] : memref<32768x128xf32, #tpu.memory_space<hbm>> -> memref<128x128xf32, #tpu.memory_space<hbm>>
    %dma_start3A_78 = arith.constant 0 : i32
    %dma_start3A_79 = tpu.memref_slice %arg4[%add3A_75, %dma_start3A_78] : memref<32768x128xf32, #tpu.memory_space<hbm>> -> memref<128x128xf32, #tpu.memory_space<hbm>>
    tpu.enqueue_dma source(%arg9 : memref<128x128xf32, #tpu.memory_space<vmem>>) target(%dma_start3A_79 : memref<128x128xf32, #tpu.memory_space<hbm>>) target_semaphore(%arg17 : memref<!tpu.dma_semaphore, #tpu.memory_space<semaphore_mem>>)
    %dma_wait3A_80 = arith.constant 0 : i32
    %dma_wait3A_81 = tpu.memref_slice %arg4[%mul3A_2, %dma_wait3A_80] : memref<32768x128xf32, #tpu.memory_space<hbm>> -> memref<128x128xf32, #tpu.memory_space<hbm>>
    %dma_wait3A_82 = arith.constant 0 : i32
    %dma_wait3A_83 = tpu.memref_slice %arg4[%mul3A_2, %dma_wait3A_82] : memref<32768x128xf32, #tpu.memory_space<hbm>> -> memref<128x128xf32, #tpu.memory_space<hbm>>
    tpu.wait_dma2 semaphore(%arg14 : memref<!tpu.dma_semaphore, #tpu.memory_space<semaphore_mem>>) src(%arg6 : memref<128x128xf32, #tpu.memory_space<vmem>>) dst(%dma_wait3A_83 : memref<128x128xf32, #tpu.memory_space<hbm>>)
    %add3A_84 = arith.constant 4 : i32
    %add3A_85 = arith.addi %mul3A_24, %add3A_84 : i32
    %add3A_86 = arith.constant 0 : i32
    %add3A_87 = arith.addi %add3A_85, %add3A_86 : i32
    %mul3A_88 = arith.constant 128 : i32
    %mul3A_89 = arith.muli %add3A_87, %mul3A_88 : i32
    %dma_start3A_90 = tpu.memref_slice %arg5[%mul3A_89] : memref<1024xi32, #tpu.memory_space<vmem>> -> memref<128xi32, #tpu.memory_space<vmem>>
    %dma_start3A_91 = arith.constant 0 : i32
    %dma_start3A_92 = arith.constant 0 : i32
    %dma_start3A_93 = tpu.memref_slice %arg2[%dma_start3A_91, %dma_start3A_92] : memref<34848x128xf32, #tpu.memory_space<hbm>> -> memref<34848x128xf32, #tpu.memory_space<hbm>>
    tpu.enqueue_indirect_dma source(%dma_start3A_93 : memref<34848x128xf32, #tpu.memory_space<hbm>>) target(%arg6 : memref<128x128xf32, #tpu.memory_space<vmem>>) offsets(%dma_start3A_90 : memref<128xi32, #tpu.memory_space<vmem>>) semaphore(%arg10 : memref<!tpu.dma_semaphore, #tpu.memory_space<semaphore_mem>>)
    %dma_wait3A_94 = arith.constant 0 : i32
    %dma_wait3A_95 = tpu.memref_slice %arg4[%mul3A_2, %dma_wait3A_94] : memref<32768x128xf32, #tpu.memory_space<hbm>> -> memref<128x128xf32, #tpu.memory_space<hbm>>
    %dma_wait3A_96 = arith.constant 0 : i32
    %dma_wait3A_97 = tpu.memref_slice %arg4[%mul3A_2, %dma_wait3A_96] : memref<32768x128xf32, #tpu.memory_space<hbm>> -> memref<128x128xf32, #tpu.memory_space<hbm>>
    tpu.wait_dma2 semaphore(%arg15 : memref<!tpu.dma_semaphore, #tpu.memory_space<semaphore_mem>>) src(%arg7 : memref<128x128xf32, #tpu.memory_space<vmem>>) dst(%dma_wait3A_97 : memref<128x128xf32, #tpu.memory_space<hbm>>)
    %add3A_98 = arith.constant 4 : i32
    %add3A_99 = arith.addi %mul3A_24, %add3A_98 : i32
    %add3A_100 = arith.constant 1 : i32
    %add3A_101 = arith.addi %add3A_99, %add3A_100 : i32
    %mul3A_102 = arith.constant 128 : i32
    %mul3A_103 = arith.muli %add3A_101, %mul3A_102 : i32
    %dma_start3A_104 = tpu.memref_slice %arg5[%mul3A_103] : memref<1024xi32, #tpu.memory_space<vmem>> -> memref<128xi32, #tpu.memory_space<vmem>>
    %dma_start3A_105 = arith.constant 0 : i32
    %dma_start3A_106 = arith.constant 0 : i32
    %dma_start3A_107 = tpu.memref_slice %arg2[%dma_start3A_105, %dma_start3A_106] : memref<34848x128xf32, #tpu.memory_space<hbm>> -> memref<34848x128xf32, #tpu.memory_space<hbm>>
    tpu.enqueue_indirect_dma source(%dma_start3A_107 : memref<34848x128xf32, #tpu.memory_space<hbm>>) target(%arg7 : memref<128x128xf32, #tpu.memory_space<vmem>>) offsets(%dma_start3A_104 : memref<128xi32, #tpu.memory_space<vmem>>) semaphore(%arg11 : memref<!tpu.dma_semaphore, #tpu.memory_space<semaphore_mem>>)
    %dma_wait3A_108 = arith.constant 0 : i32
    %dma_wait3A_109 = tpu.memref_slice %arg4[%mul3A_2, %dma_wait3A_108] : memref<32768x128xf32, #tpu.memory_space<hbm>> -> memref<128x128xf32, #tpu.memory_space<hbm>>
    %dma_wait3A_110 = arith.constant 0 : i32
    %dma_wait3A_111 = tpu.memref_slice %arg4[%mul3A_2, %dma_wait3A_110] : memref<32768x128xf32, #tpu.memory_space<hbm>> -> memref<128x128xf32, #tpu.memory_space<hbm>>
    tpu.wait_dma2 semaphore(%arg16 : memref<!tpu.dma_semaphore, #tpu.memory_space<semaphore_mem>>) src(%arg8 : memref<128x128xf32, #tpu.memory_space<vmem>>) dst(%dma_wait3A_111 : memref<128x128xf32, #tpu.memory_space<hbm>>)
    %add3A_112 = arith.constant 4 : i32
    %add3A_113 = arith.addi %mul3A_24, %add3A_112 : i32
    %add3A_114 = arith.constant 2 : i32
    %add3A_115 = arith.addi %add3A_113, %add3A_114 : i32
    %mul3A_116 = arith.constant 128 : i32
    %mul3A_117 = arith.muli %add3A_115, %mul3A_116 : i32
    %dma_start3A_118 = tpu.memref_slice %arg5[%mul3A_117] : memref<1024xi32, #tpu.memory_space<vmem>> -> memref<128xi32, #tpu.memory_space<vmem>>
    %dma_start3A_119 = arith.constant 0 : i32
    %dma_start3A_120 = arith.constant 0 : i32
    %dma_start3A_121 = tpu.memref_slice %arg2[%dma_start3A_119, %dma_start3A_120] : memref<34848x128xf32, #tpu.memory_space<hbm>> -> memref<34848x128xf32, #tpu.memory_space<hbm>>
    tpu.enqueue_indirect_dma source(%dma_start3A_121 : memref<34848x128xf32, #tpu.memory_space<hbm>>) target(%arg8 : memref<128x128xf32, #tpu.memory_space<vmem>>) offsets(%dma_start3A_118 : memref<128xi32, #tpu.memory_space<vmem>>) semaphore(%arg12 : memref<!tpu.dma_semaphore, #tpu.memory_space<semaphore_mem>>)
    %dma_wait3A_122 = arith.constant 0 : i32
    %dma_wait3A_123 = tpu.memref_slice %arg4[%mul3A_2, %dma_wait3A_122] : memref<32768x128xf32, #tpu.memory_space<hbm>> -> memref<128x128xf32, #tpu.memory_space<hbm>>
    %dma_wait3A_124 = arith.constant 0 : i32
    %dma_wait3A_125 = tpu.memref_slice %arg4[%mul3A_2, %dma_wait3A_124] : memref<32768x128xf32, #tpu.memory_space<hbm>> -> memref<128x128xf32, #tpu.memory_space<hbm>>
    tpu.wait_dma2 semaphore(%arg17 : memref<!tpu.dma_semaphore, #tpu.memory_space<semaphore_mem>>) src(%arg9 : memref<128x128xf32, #tpu.memory_space<vmem>>) dst(%dma_wait3A_125 : memref<128x128xf32, #tpu.memory_space<hbm>>)
    %add3A_126 = arith.constant 4 : i32
    %add3A_127 = arith.addi %mul3A_24, %add3A_126 : i32
    %add3A_128 = arith.constant 3 : i32
    %add3A_129 = arith.addi %add3A_127, %add3A_128 : i32
    %mul3A_130 = arith.constant 128 : i32
    %mul3A_131 = arith.muli %add3A_129, %mul3A_130 : i32
    %dma_start3A_132 = tpu.memref_slice %arg5[%mul3A_131] : memref<1024xi32, #tpu.memory_space<vmem>> -> memref<128xi32, #tpu.memory_space<vmem>>
    %dma_start3A_133 = arith.constant 0 : i32
    %dma_start3A_134 = arith.constant 0 : i32
    %dma_start3A_135 = tpu.memref_slice %arg2[%dma_start3A_133, %dma_start3A_134] : memref<34848x128xf32, #tpu.memory_space<hbm>> -> memref<34848x128xf32, #tpu.memory_space<hbm>>
    tpu.enqueue_indirect_dma source(%dma_start3A_135 : memref<34848x128xf32, #tpu.memory_space<hbm>>) target(%arg9 : memref<128x128xf32, #tpu.memory_space<vmem>>) offsets(%dma_start3A_132 : memref<128xi32, #tpu.memory_space<vmem>>) semaphore(%arg13 : memref<!tpu.dma_semaphore, #tpu.memory_space<semaphore_mem>>)
    %scan3A_136 = arith.constant 1 : i32
    %dma_wait3A_137 = arith.constant 0 : i32
    %dma_wait3A_138 = tpu.memref_slice %arg5[%dma_wait3A_137] : memref<1024xi32, #tpu.memory_space<vmem>> -> memref<128xi32, #tpu.memory_space<vmem>>
    %dma_wait3A_139 = arith.constant 0 : i32
    %dma_wait3A_140 = arith.constant 0 : i32
    %dma_wait3A_141 = tpu.memref_slice %arg2[%dma_wait3A_139, %dma_wait3A_140] : memref<34848x128xf32, #tpu.memory_space<hbm>> -> memref<34848x128xf32, #tpu.memory_space<hbm>>
    tpu.wait_indirect_dma semaphore(%arg10 : memref<!tpu.dma_semaphore, #tpu.memory_space<semaphore_mem>>) src(%dma_wait3A_141 : memref<34848x128xf32, #tpu.memory_space<hbm>>) dst(%arg6 : memref<128x128xf32, #tpu.memory_space<vmem>>)
    %add3A_142 = arith.constant 512 : i32
    %add3A_143 = arith.addi %mul3A_2, %add3A_142 : i32
    %dma_start3A_144 = arith.constant 0 : i32
    %dma_start3A_145 = tpu.memref_slice %arg4[%add3A_143, %dma_start3A_144] : memref<32768x128xf32, #tpu.memory_space<hbm>> -> memref<128x128xf32, #tpu.memory_space<hbm>>
    %dma_start3A_146 = arith.constant 0 : i32
    %dma_start3A_147 = tpu.memref_slice %arg4[%add3A_143, %dma_start3A_146] : memref<32768x128xf32, #tpu.memory_space<hbm>> -> memref<128x128xf32, #tpu.memory_space<hbm>>
    tpu.enqueue_dma source(%arg6 : memref<128x128xf32, #tpu.memory_space<vmem>>) target(%dma_start3A_147 : memref<128x128xf32, #tpu.memory_space<hbm>>) target_semaphore(%arg14 : memref<!tpu.dma_semaphore, #tpu.memory_space<semaphore_mem>>)
    %dma_wait3A_148 = arith.constant 0 : i32
    %dma_wait3A_149 = tpu.memref_slice %arg5[%dma_wait3A_148] : memref<1024xi32, #tpu.memory_space<vmem>> -> memref<128xi32, #tpu.memory_space<vmem>>
    %dma_wait3A_150 = arith.constant 0 : i32
    %dma_wait3A_151 = arith.constant 0 : i32
    %dma_wait3A_152 = tpu.memref_slice %arg2[%dma_wait3A_150, %dma_wait3A_151] : memref<34848x128xf32, #tpu.memory_space<hbm>> -> memref<34848x128xf32, #tpu.memory_space<hbm>>
    tpu.wait_indirect_dma semaphore(%arg11 : memref<!tpu.dma_semaphore, #tpu.memory_space<semaphore_mem>>) src(%dma_wait3A_152 : memref<34848x128xf32, #tpu.memory_space<hbm>>) dst(%arg7 : memref<128x128xf32, #tpu.memory_space<vmem>>)
    %add3A_153 = arith.constant 640 : i32
    %add3A_154 = arith.addi %mul3A_2, %add3A_153 : i32
    %dma_start3A_155 = arith.constant 0 : i32
    %dma_start3A_156 = tpu.memref_slice %arg4[%add3A_154, %dma_start3A_155] : memref<32768x128xf32, #tpu.memory_space<hbm>> -> memref<128x128xf32, #tpu.memory_space<hbm>>
    %dma_start3A_157 = arith.constant 0 : i32
    %dma_start3A_158 = tpu.memref_slice %arg4[%add3A_154, %dma_start3A_157] : memref<32768x128xf32, #tpu.memory_space<hbm>> -> memref<128x128xf32, #tpu.memory_space<hbm>>
    tpu.enqueue_dma source(%arg7 : memref<128x128xf32, #tpu.memory_space<vmem>>) target(%dma_start3A_158 : memref<128x128xf32, #tpu.memory_space<hbm>>) target_semaphore(%arg15 : memref<!tpu.dma_semaphore, #tpu.memory_space<semaphore_mem>>)
    %dma_wait3A_159 = arith.constant 0 : i32
    %dma_wait3A_160 = tpu.memref_slice %arg5[%dma_wait3A_159] : memref<1024xi32, #tpu.memory_space<vmem>> -> memref<128xi32, #tpu.memory_space<vmem>>
    %dma_wait3A_161 = arith.constant 0 : i32
    %dma_wait3A_162 = arith.constant 0 : i32
    %dma_wait3A_163 = tpu.memref_slice %arg2[%dma_wait3A_161, %dma_wait3A_162] : memref<34848x128xf32, #tpu.memory_space<hbm>> -> memref<34848x128xf32, #tpu.memory_space<hbm>>
    tpu.wait_indirect_dma semaphore(%arg12 : memref<!tpu.dma_semaphore, #tpu.memory_space<semaphore_mem>>) src(%dma_wait3A_163 : memref<34848x128xf32, #tpu.memory_space<hbm>>) dst(%arg8 : memref<128x128xf32, #tpu.memory_space<vmem>>)
    %add3A_164 = arith.constant 768 : i32
    %add3A_165 = arith.addi %mul3A_2, %add3A_164 : i32
    %dma_start3A_166 = arith.constant 0 : i32
    %dma_start3A_167 = tpu.memref_slice %arg4[%add3A_165, %dma_start3A_166] : memref<32768x128xf32, #tpu.memory_space<hbm>> -> memref<128x128xf32, #tpu.memory_space<hbm>>
    %dma_start3A_168 = arith.constant 0 : i32
    %dma_start3A_169 = tpu.memref_slice %arg4[%add3A_165, %dma_start3A_168] : memref<32768x128xf32, #tpu.memory_space<hbm>> -> memref<128x128xf32, #tpu.memory_space<hbm>>
    tpu.enqueue_dma source(%arg8 : memref<128x128xf32, #tpu.memory_space<vmem>>) target(%dma_start3A_169 : memref<128x128xf32, #tpu.memory_space<hbm>>) target_semaphore(%arg16 : memref<!tpu.dma_semaphore, #tpu.memory_space<semaphore_mem>>)
    %dma_wait3A_170 = arith.constant 0 : i32
    %dma_wait3A_171 = tpu.memref_slice %arg5[%dma_wait3A_170] : memref<1024xi32, #tpu.memory_space<vmem>> -> memref<128xi32, #tpu.memory_space<vmem>>
    %dma_wait3A_172 = arith.constant 0 : i32
    %dma_wait3A_173 = arith.constant 0 : i32
    %dma_wait3A_174 = tpu.memref_slice %arg2[%dma_wait3A_172, %dma_wait3A_173] : memref<34848x128xf32, #tpu.memory_space<hbm>> -> memref<34848x128xf32, #tpu.memory_space<hbm>>
    tpu.wait_indirect_dma semaphore(%arg13 : memref<!tpu.dma_semaphore, #tpu.memory_space<semaphore_mem>>) src(%dma_wait3A_174 : memref<34848x128xf32, #tpu.memory_space<hbm>>) dst(%arg9 : memref<128x128xf32, #tpu.memory_space<vmem>>)
    %add3A_175 = arith.constant 896 : i32
    %add3A_176 = arith.addi %mul3A_2, %add3A_175 : i32
    %dma_start3A_177 = arith.constant 0 : i32
    %dma_start3A_178 = tpu.memref_slice %arg4[%add3A_176, %dma_start3A_177] : memref<32768x128xf32, #tpu.memory_space<hbm>> -> memref<128x128xf32, #tpu.memory_space<hbm>>
    %dma_start3A_179 = arith.constant 0 : i32
    %dma_start3A_180 = tpu.memref_slice %arg4[%add3A_176, %dma_start3A_179] : memref<32768x128xf32, #tpu.memory_space<hbm>> -> memref<128x128xf32, #tpu.memory_space<hbm>>
    tpu.enqueue_dma source(%arg9 : memref<128x128xf32, #tpu.memory_space<vmem>>) target(%dma_start3A_180 : memref<128x128xf32, #tpu.memory_space<hbm>>) target_semaphore(%arg17 : memref<!tpu.dma_semaphore, #tpu.memory_space<semaphore_mem>>)
    %dma_wait3A_181 = arith.constant 0 : i32
    %dma_wait3A_182 = tpu.memref_slice %arg4[%mul3A_2, %dma_wait3A_181] : memref<32768x128xf32, #tpu.memory_space<hbm>> -> memref<128x128xf32, #tpu.memory_space<hbm>>
    %dma_wait3A_183 = arith.constant 0 : i32
    %dma_wait3A_184 = tpu.memref_slice %arg4[%mul3A_2, %dma_wait3A_183] : memref<32768x128xf32, #tpu.memory_space<hbm>> -> memref<128x128xf32, #tpu.memory_space<hbm>>
    tpu.wait_dma2 semaphore(%arg14 : memref<!tpu.dma_semaphore, #tpu.memory_space<semaphore_mem>>) src(%arg6 : memref<128x128xf32, #tpu.memory_space<vmem>>) dst(%dma_wait3A_184 : memref<128x128xf32, #tpu.memory_space<hbm>>)
    %dma_wait3A_185 = arith.constant 0 : i32
    %dma_wait3A_186 = tpu.memref_slice %arg4[%mul3A_2, %dma_wait3A_185] : memref<32768x128xf32, #tpu.memory_space<hbm>> -> memref<128x128xf32, #tpu.memory_space<hbm>>
    %dma_wait3A_187 = arith.constant 0 : i32
    %dma_wait3A_188 = tpu.memref_slice %arg4[%mul3A_2, %dma_wait3A_187] : memref<32768x128xf32, #tpu.memory_space<hbm>> -> memref<128x128xf32, #tpu.memory_space<hbm>>
    tpu.wait_dma2 semaphore(%arg15 : memref<!tpu.dma_semaphore, #tpu.memory_space<semaphore_mem>>) src(%arg7 : memref<128x128xf32, #tpu.memory_space<vmem>>) dst(%dma_wait3A_188 : memref<128x128xf32, #tpu.memory_space<hbm>>)
    %dma_wait3A_189 = arith.constant 0 : i32
    %dma_wait3A_190 = tpu.memref_slice %arg4[%mul3A_2, %dma_wait3A_189] : memref<32768x128xf32, #tpu.memory_space<hbm>> -> memref<128x128xf32, #tpu.memory_space<hbm>>
    %dma_wait3A_191 = arith.constant 0 : i32
    %dma_wait3A_192 = tpu.memref_slice %arg4[%mul3A_2, %dma_wait3A_191] : memref<32768x128xf32, #tpu.memory_space<hbm>> -> memref<128x128xf32, #tpu.memory_space<hbm>>
    tpu.wait_dma2 semaphore(%arg16 : memref<!tpu.dma_semaphore, #tpu.memory_space<semaphore_mem>>) src(%arg8 : memref<128x128xf32, #tpu.memory_space<vmem>>) dst(%dma_wait3A_192 : memref<128x128xf32, #tpu.memory_space<hbm>>)
    %dma_wait3A_193 = arith.constant 0 : i32
    %dma_wait3A_194 = tpu.memref_slice %arg4[%mul3A_2, %dma_wait3A_193] : memref<32768x128xf32, #tpu.memory_space<hbm>> -> memref<128x128xf32, #tpu.memory_space<hbm>>
    %dma_wait3A_195 = arith.constant 0 : i32
    %dma_wait3A_196 = tpu.memref_slice %arg4[%mul3A_2, %dma_wait3A_195] : memref<32768x128xf32, #tpu.memory_space<hbm>> -> memref<128x128xf32, #tpu.memory_space<hbm>>
    tpu.wait_dma2 semaphore(%arg17 : memref<!tpu.dma_semaphore, #tpu.memory_space<semaphore_mem>>) src(%arg9 : memref<128x128xf32, #tpu.memory_space<vmem>>) dst(%dma_wait3A_196 : memref<128x128xf32, #tpu.memory_space<hbm>>)
    return
  }
}

#map = affine_map<(d0, d1) -> (0, 0)>
#map1 = affine_map<(d0, d1) -> (0)>
module attributes {stable_mosaic.version = 14 : i64} {
  func.func @k(%arg0: i32, %arg1: i32, %arg2: memref<34848x128xf32, #tpu.memory_space<hbm>>, %arg3: memref<40960xi32, #tpu.memory_space<hbm>>, %arg4: memref<40960x128xf32, #tpu.memory_space<hbm>>, %arg5: memref<1280xi32, #tpu.memory_space<vmem>>, %arg6: memref<128x128xf32, #tpu.memory_space<vmem>>, %arg7: memref<128x128xf32, #tpu.memory_space<vmem>>, %arg8: memref<!tpu.dma_semaphore, #tpu.memory_space<semaphore_mem>>, %arg9: memref<!tpu.dma_semaphore, #tpu.memory_space<semaphore_mem>>, %arg10: memref<!tpu.dma_semaphore, #tpu.memory_space<semaphore_mem>>, %arg11: memref<!tpu.dma_semaphore, #tpu.memory_space<semaphore_mem>>) attributes {dimension_semantics = [#tpu.dimension_semantics<core_parallel>, #tpu.dimension_semantics<subcore_parallel>], iteration_bounds = array<i64: 2, 16>, scalar_prefetch = 0 : i64, scratch_operands = 7 : i64, tpu.core_type = #tpu.core_type<sc_vector_subcore>, window_params = [{transform_indices = #map}, {transform_indices = #map1}, {transform_indices = #map}]} {
    %mul3A = arith.constant 2 : i32
    %mul3A_0 = arith.muli %arg1, %mul3A : i32
    %add3A = arith.addi %mul3A_0, %arg0 : i32
    %mul3A_1 = arith.constant 1280 : i32
    %mul3A_2 = arith.muli %add3A, %mul3A_1 : i32
    "tpu.region"() ({
      %run_scoped3A = tpu.sem_alloc : memref<!tpu.dma_semaphore, #tpu.memory_space<semaphore_mem>>
      %dma_start3A_46 = tpu.memref_slice %arg3[%mul3A_2] : memref<40960xi32, #tpu.memory_space<hbm>> -> memref<1280xi32, #tpu.memory_space<hbm>>
      %dma_start3A_47 = tpu.memref_slice %arg3[%mul3A_2] : memref<40960xi32, #tpu.memory_space<hbm>> -> memref<1280xi32, #tpu.memory_space<hbm>>
      tpu.enqueue_dma source(%dma_start3A_47 : memref<1280xi32, #tpu.memory_space<hbm>>) target(%arg5 : memref<1280xi32, #tpu.memory_space<vmem>>) target_semaphore(%run_scoped3A : memref<!tpu.dma_semaphore, #tpu.memory_space<semaphore_mem>>)
      %dma_wait3A_48 = tpu.memref_slice %arg3[%mul3A_2] : memref<40960xi32, #tpu.memory_space<hbm>> -> memref<1280xi32, #tpu.memory_space<hbm>>
      %dma_wait3A_49 = tpu.memref_slice %arg3[%mul3A_2] : memref<40960xi32, #tpu.memory_space<hbm>> -> memref<1280xi32, #tpu.memory_space<hbm>>
      tpu.wait_dma2 semaphore(%run_scoped3A : memref<!tpu.dma_semaphore, #tpu.memory_space<semaphore_mem>>) src(%dma_wait3A_49 : memref<1280xi32, #tpu.memory_space<hbm>>) dst(%arg5 : memref<1280xi32, #tpu.memory_space<vmem>>)
      tpu.yield
    }) : () -> ()
    %dma_start3A = arith.constant 0 : i32
    %dma_start3A_3 = tpu.memref_slice %arg5[%dma_start3A] : memref<1280xi32, #tpu.memory_space<vmem>> -> memref<128xi32, #tpu.memory_space<vmem>>
    %dma_start3A_4 = arith.constant 0 : i32
    %dma_start3A_5 = arith.constant 0 : i32
    %dma_start3A_6 = tpu.memref_slice %arg2[%dma_start3A_4, %dma_start3A_5] : memref<34848x128xf32, #tpu.memory_space<hbm>> -> memref<34848x128xf32, #tpu.memory_space<hbm>>
    tpu.enqueue_indirect_dma source(%dma_start3A_6 : memref<34848x128xf32, #tpu.memory_space<hbm>>) target(%arg6 : memref<128x128xf32, #tpu.memory_space<vmem>>) offsets(%dma_start3A_3 : memref<128xi32, #tpu.memory_space<vmem>>) semaphore(%arg8 : memref<!tpu.dma_semaphore, #tpu.memory_space<semaphore_mem>>)
    %dma_start3A_7 = arith.constant 128 : i32
    %dma_start3A_8 = tpu.memref_slice %arg5[%dma_start3A_7] : memref<1280xi32, #tpu.memory_space<vmem>> -> memref<128xi32, #tpu.memory_space<vmem>>
    %dma_start3A_9 = arith.constant 0 : i32
    %dma_start3A_10 = arith.constant 0 : i32
    %dma_start3A_11 = tpu.memref_slice %arg2[%dma_start3A_9, %dma_start3A_10] : memref<34848x128xf32, #tpu.memory_space<hbm>> -> memref<34848x128xf32, #tpu.memory_space<hbm>>
    tpu.enqueue_indirect_dma source(%dma_start3A_11 : memref<34848x128xf32, #tpu.memory_space<hbm>>) target(%arg7 : memref<128x128xf32, #tpu.memory_space<vmem>>) offsets(%dma_start3A_8 : memref<128xi32, #tpu.memory_space<vmem>>) semaphore(%arg9 : memref<!tpu.dma_semaphore, #tpu.memory_space<semaphore_mem>>)
    %scan3A = arith.constant 0 : i32
    %scan3A_12 = arith.constant 0 : i32
    %scan3A_13 = arith.constant 4 : i32
    %scan3A_14 = arith.addi %scan3A_12, %scan3A_13 : i32
    %scan3A_15 = arith.constant 1 : i32
    scf.for %scan3A_46 = %scan3A_12 to %scan3A_14 step %scan3A_15  : i32 {
      %mul3A_47 = arith.constant 2 : i32
      %mul3A_48 = arith.muli %scan3A_46, %mul3A_47 : i32
      %dma_wait3A_49 = arith.constant 0 : i32
      %dma_wait3A_50 = tpu.memref_slice %arg5[%dma_wait3A_49] : memref<1280xi32, #tpu.memory_space<vmem>> -> memref<128xi32, #tpu.memory_space<vmem>>
      %dma_wait3A_51 = arith.constant 0 : i32
      %dma_wait3A_52 = arith.constant 0 : i32
      %dma_wait3A_53 = tpu.memref_slice %arg2[%dma_wait3A_51, %dma_wait3A_52] : memref<34848x128xf32, #tpu.memory_space<hbm>> -> memref<34848x128xf32, #tpu.memory_space<hbm>>
      tpu.wait_indirect_dma semaphore(%arg8 : memref<!tpu.dma_semaphore, #tpu.memory_space<semaphore_mem>>) src(%dma_wait3A_53 : memref<34848x128xf32, #tpu.memory_space<hbm>>) dst(%arg6 : memref<128x128xf32, #tpu.memory_space<vmem>>)
      %add3A_54 = arith.constant 0 : i32
      %add3A_55 = arith.addi %mul3A_48, %add3A_54 : i32
      %mul3A_56 = arith.constant 128 : i32
      %mul3A_57 = arith.muli %add3A_55, %mul3A_56 : i32
      %add3A_58 = arith.addi %mul3A_2, %mul3A_57 : i32
      %dma_start3A_59 = arith.constant 0 : i32
      %dma_start3A_60 = tpu.memref_slice %arg4[%add3A_58, %dma_start3A_59] : memref<40960x128xf32, #tpu.memory_space<hbm>> -> memref<128x128xf32, #tpu.memory_space<hbm>>
      %dma_start3A_61 = arith.constant 0 : i32
      %dma_start3A_62 = tpu.memref_slice %arg4[%add3A_58, %dma_start3A_61] : memref<40960x128xf32, #tpu.memory_space<hbm>> -> memref<128x128xf32, #tpu.memory_space<hbm>>
      tpu.enqueue_dma source(%arg6 : memref<128x128xf32, #tpu.memory_space<vmem>>) target(%dma_start3A_62 : memref<128x128xf32, #tpu.memory_space<hbm>>) target_semaphore(%arg10 : memref<!tpu.dma_semaphore, #tpu.memory_space<semaphore_mem>>)
      %dma_wait3A_63 = arith.constant 0 : i32
      %dma_wait3A_64 = tpu.memref_slice %arg5[%dma_wait3A_63] : memref<1280xi32, #tpu.memory_space<vmem>> -> memref<128xi32, #tpu.memory_space<vmem>>
      %dma_wait3A_65 = arith.constant 0 : i32
      %dma_wait3A_66 = arith.constant 0 : i32
      %dma_wait3A_67 = tpu.memref_slice %arg2[%dma_wait3A_65, %dma_wait3A_66] : memref<34848x128xf32, #tpu.memory_space<hbm>> -> memref<34848x128xf32, #tpu.memory_space<hbm>>
      tpu.wait_indirect_dma semaphore(%arg9 : memref<!tpu.dma_semaphore, #tpu.memory_space<semaphore_mem>>) src(%dma_wait3A_67 : memref<34848x128xf32, #tpu.memory_space<hbm>>) dst(%arg7 : memref<128x128xf32, #tpu.memory_space<vmem>>)
      %add3A_68 = arith.constant 1 : i32
      %add3A_69 = arith.addi %mul3A_48, %add3A_68 : i32
      %mul3A_70 = arith.constant 128 : i32
      %mul3A_71 = arith.muli %add3A_69, %mul3A_70 : i32
      %add3A_72 = arith.addi %mul3A_2, %mul3A_71 : i32
      %dma_start3A_73 = arith.constant 0 : i32
      %dma_start3A_74 = tpu.memref_slice %arg4[%add3A_72, %dma_start3A_73] : memref<40960x128xf32, #tpu.memory_space<hbm>> -> memref<128x128xf32, #tpu.memory_space<hbm>>
      %dma_start3A_75 = arith.constant 0 : i32
      %dma_start3A_76 = tpu.memref_slice %arg4[%add3A_72, %dma_start3A_75] : memref<40960x128xf32, #tpu.memory_space<hbm>> -> memref<128x128xf32, #tpu.memory_space<hbm>>
      tpu.enqueue_dma source(%arg7 : memref<128x128xf32, #tpu.memory_space<vmem>>) target(%dma_start3A_76 : memref<128x128xf32, #tpu.memory_space<hbm>>) target_semaphore(%arg11 : memref<!tpu.dma_semaphore, #tpu.memory_space<semaphore_mem>>)
      %dma_wait3A_77 = arith.constant 0 : i32
      %dma_wait3A_78 = tpu.memref_slice %arg4[%mul3A_2, %dma_wait3A_77] : memref<40960x128xf32, #tpu.memory_space<hbm>> -> memref<128x128xf32, #tpu.memory_space<hbm>>
      %dma_wait3A_79 = arith.constant 0 : i32
      %dma_wait3A_80 = tpu.memref_slice %arg4[%mul3A_2, %dma_wait3A_79] : memref<40960x128xf32, #tpu.memory_space<hbm>> -> memref<128x128xf32, #tpu.memory_space<hbm>>
      tpu.wait_dma2 semaphore(%arg10 : memref<!tpu.dma_semaphore, #tpu.memory_space<semaphore_mem>>) src(%arg6 : memref<128x128xf32, #tpu.memory_space<vmem>>) dst(%dma_wait3A_80 : memref<128x128xf32, #tpu.memory_space<hbm>>)
      %add3A_81 = arith.constant 2 : i32
      %add3A_82 = arith.addi %mul3A_48, %add3A_81 : i32
      %add3A_83 = arith.constant 0 : i32
      %add3A_84 = arith.addi %add3A_82, %add3A_83 : i32
      %mul3A_85 = arith.constant 128 : i32
      %mul3A_86 = arith.muli %add3A_84, %mul3A_85 : i32
      %dma_start3A_87 = tpu.memref_slice %arg5[%mul3A_86] : memref<1280xi32, #tpu.memory_space<vmem>> -> memref<128xi32, #tpu.memory_space<vmem>>
      %dma_start3A_88 = arith.constant 0 : i32
      %dma_start3A_89 = arith.constant 0 : i32
      %dma_start3A_90 = tpu.memref_slice %arg2[%dma_start3A_88, %dma_start3A_89] : memref<34848x128xf32, #tpu.memory_space<hbm>> -> memref<34848x128xf32, #tpu.memory_space<hbm>>
      tpu.enqueue_indirect_dma source(%dma_start3A_90 : memref<34848x128xf32, #tpu.memory_space<hbm>>) target(%arg6 : memref<128x128xf32, #tpu.memory_space<vmem>>) offsets(%dma_start3A_87 : memref<128xi32, #tpu.memory_space<vmem>>) semaphore(%arg8 : memref<!tpu.dma_semaphore, #tpu.memory_space<semaphore_mem>>)
      %dma_wait3A_91 = arith.constant 0 : i32
      %dma_wait3A_92 = tpu.memref_slice %arg4[%mul3A_2, %dma_wait3A_91] : memref<40960x128xf32, #tpu.memory_space<hbm>> -> memref<128x128xf32, #tpu.memory_space<hbm>>
      %dma_wait3A_93 = arith.constant 0 : i32
      %dma_wait3A_94 = tpu.memref_slice %arg4[%mul3A_2, %dma_wait3A_93] : memref<40960x128xf32, #tpu.memory_space<hbm>> -> memref<128x128xf32, #tpu.memory_space<hbm>>
      tpu.wait_dma2 semaphore(%arg11 : memref<!tpu.dma_semaphore, #tpu.memory_space<semaphore_mem>>) src(%arg7 : memref<128x128xf32, #tpu.memory_space<vmem>>) dst(%dma_wait3A_94 : memref<128x128xf32, #tpu.memory_space<hbm>>)
      %add3A_95 = arith.constant 2 : i32
      %add3A_96 = arith.addi %mul3A_48, %add3A_95 : i32
      %add3A_97 = arith.constant 1 : i32
      %add3A_98 = arith.addi %add3A_96, %add3A_97 : i32
      %mul3A_99 = arith.constant 128 : i32
      %mul3A_100 = arith.muli %add3A_98, %mul3A_99 : i32
      %dma_start3A_101 = tpu.memref_slice %arg5[%mul3A_100] : memref<1280xi32, #tpu.memory_space<vmem>> -> memref<128xi32, #tpu.memory_space<vmem>>
      %dma_start3A_102 = arith.constant 0 : i32
      %dma_start3A_103 = arith.constant 0 : i32
      %dma_start3A_104 = tpu.memref_slice %arg2[%dma_start3A_102, %dma_start3A_103] : memref<34848x128xf32, #tpu.memory_space<hbm>> -> memref<34848x128xf32, #tpu.memory_space<hbm>>
      tpu.enqueue_indirect_dma source(%dma_start3A_104 : memref<34848x128xf32, #tpu.memory_space<hbm>>) target(%arg7 : memref<128x128xf32, #tpu.memory_space<vmem>>) offsets(%dma_start3A_101 : memref<128xi32, #tpu.memory_space<vmem>>) semaphore(%arg9 : memref<!tpu.dma_semaphore, #tpu.memory_space<semaphore_mem>>)
    }
    %scan3A_16 = arith.constant 4 : i32
    %dma_wait3A = arith.constant 0 : i32
    %dma_wait3A_17 = tpu.memref_slice %arg5[%dma_wait3A] : memref<1280xi32, #tpu.memory_space<vmem>> -> memref<128xi32, #tpu.memory_space<vmem>>
    %dma_wait3A_18 = arith.constant 0 : i32
    %dma_wait3A_19 = arith.constant 0 : i32
    %dma_wait3A_20 = tpu.memref_slice %arg2[%dma_wait3A_18, %dma_wait3A_19] : memref<34848x128xf32, #tpu.memory_space<hbm>> -> memref<34848x128xf32, #tpu.memory_space<hbm>>
    tpu.wait_indirect_dma semaphore(%arg8 : memref<!tpu.dma_semaphore, #tpu.memory_space<semaphore_mem>>) src(%dma_wait3A_20 : memref<34848x128xf32, #tpu.memory_space<hbm>>) dst(%arg6 : memref<128x128xf32, #tpu.memory_space<vmem>>)
    %add3A_21 = arith.constant 1024 : i32
    %add3A_22 = arith.addi %mul3A_2, %add3A_21 : i32
    %dma_start3A_23 = arith.constant 0 : i32
    %dma_start3A_24 = tpu.memref_slice %arg4[%add3A_22, %dma_start3A_23] : memref<40960x128xf32, #tpu.memory_space<hbm>> -> memref<128x128xf32, #tpu.memory_space<hbm>>
    %dma_start3A_25 = arith.constant 0 : i32
    %dma_start3A_26 = tpu.memref_slice %arg4[%add3A_22, %dma_start3A_25] : memref<40960x128xf32, #tpu.memory_space<hbm>> -> memref<128x128xf32, #tpu.memory_space<hbm>>
    tpu.enqueue_dma source(%arg6 : memref<128x128xf32, #tpu.memory_space<vmem>>) target(%dma_start3A_26 : memref<128x128xf32, #tpu.memory_space<hbm>>) target_semaphore(%arg10 : memref<!tpu.dma_semaphore, #tpu.memory_space<semaphore_mem>>)
    %dma_wait3A_27 = arith.constant 0 : i32
    %dma_wait3A_28 = tpu.memref_slice %arg5[%dma_wait3A_27] : memref<1280xi32, #tpu.memory_space<vmem>> -> memref<128xi32, #tpu.memory_space<vmem>>
    %dma_wait3A_29 = arith.constant 0 : i32
    %dma_wait3A_30 = arith.constant 0 : i32
    %dma_wait3A_31 = tpu.memref_slice %arg2[%dma_wait3A_29, %dma_wait3A_30] : memref<34848x128xf32, #tpu.memory_space<hbm>> -> memref<34848x128xf32, #tpu.memory_space<hbm>>
    tpu.wait_indirect_dma semaphore(%arg9 : memref<!tpu.dma_semaphore, #tpu.memory_space<semaphore_mem>>) src(%dma_wait3A_31 : memref<34848x128xf32, #tpu.memory_space<hbm>>) dst(%arg7 : memref<128x128xf32, #tpu.memory_space<vmem>>)
    %add3A_32 = arith.constant 1152 : i32
    %add3A_33 = arith.addi %mul3A_2, %add3A_32 : i32
    %dma_start3A_34 = arith.constant 0 : i32
    %dma_start3A_35 = tpu.memref_slice %arg4[%add3A_33, %dma_start3A_34] : memref<40960x128xf32, #tpu.memory_space<hbm>> -> memref<128x128xf32, #tpu.memory_space<hbm>>
    %dma_start3A_36 = arith.constant 0 : i32
    %dma_start3A_37 = tpu.memref_slice %arg4[%add3A_33, %dma_start3A_36] : memref<40960x128xf32, #tpu.memory_space<hbm>> -> memref<128x128xf32, #tpu.memory_space<hbm>>
    tpu.enqueue_dma source(%arg7 : memref<128x128xf32, #tpu.memory_space<vmem>>) target(%dma_start3A_37 : memref<128x128xf32, #tpu.memory_space<hbm>>) target_semaphore(%arg11 : memref<!tpu.dma_semaphore, #tpu.memory_space<semaphore_mem>>)
    %dma_wait3A_38 = arith.constant 0 : i32
    %dma_wait3A_39 = tpu.memref_slice %arg4[%mul3A_2, %dma_wait3A_38] : memref<40960x128xf32, #tpu.memory_space<hbm>> -> memref<128x128xf32, #tpu.memory_space<hbm>>
    %dma_wait3A_40 = arith.constant 0 : i32
    %dma_wait3A_41 = tpu.memref_slice %arg4[%mul3A_2, %dma_wait3A_40] : memref<40960x128xf32, #tpu.memory_space<hbm>> -> memref<128x128xf32, #tpu.memory_space<hbm>>
    tpu.wait_dma2 semaphore(%arg10 : memref<!tpu.dma_semaphore, #tpu.memory_space<semaphore_mem>>) src(%arg6 : memref<128x128xf32, #tpu.memory_space<vmem>>) dst(%dma_wait3A_41 : memref<128x128xf32, #tpu.memory_space<hbm>>)
    %dma_wait3A_42 = arith.constant 0 : i32
    %dma_wait3A_43 = tpu.memref_slice %arg4[%mul3A_2, %dma_wait3A_42] : memref<40960x128xf32, #tpu.memory_space<hbm>> -> memref<128x128xf32, #tpu.memory_space<hbm>>
    %dma_wait3A_44 = arith.constant 0 : i32
    %dma_wait3A_45 = tpu.memref_slice %arg4[%mul3A_2, %dma_wait3A_44] : memref<40960x128xf32, #tpu.memory_space<hbm>> -> memref<128x128xf32, #tpu.memory_space<hbm>>
    tpu.wait_dma2 semaphore(%arg11 : memref<!tpu.dma_semaphore, #tpu.memory_space<semaphore_mem>>) src(%arg7 : memref<128x128xf32, #tpu.memory_space<vmem>>) dst(%dma_wait3A_45 : memref<128x128xf32, #tpu.memory_space<hbm>>)
    return
  }
}

module attributes {stable_mosaic.version = 14 : i64} {
  func.func @_layer_block(%arg0: i32, %arg1: memref<8x128xf32, #tpu.memory_space<vmem>>, %arg2: memref<256x128xf32, #tpu.memory_space<vmem>>, %arg3: memref<4096x128xf32, #tpu.memory_space<vmem>>, %arg4: memref<4096x16xf32, #tpu.memory_space<vmem>>, %arg5: memref<4096x1xf32, #tpu.memory_space<vmem>>, %arg6: memref<256x16xf32, #tpu.memory_space<vmem>>, %arg7: memref<128x228xf32, #tpu.memory_space<vmem>>, %arg8: memref<1x228xf32, #tpu.memory_space<vmem>>, %arg9: memref<256x228xf32, #tpu.memory_space<vmem>>, %arg10: memref<1x228xf32, #tpu.memory_space<vmem>>, %arg11: memref<256x228xf32, #tpu.memory_space<vmem>>, %arg12: memref<1x228xf32, #tpu.memory_space<vmem>>, %arg13: memref<228x228xf32, #tpu.memory_space<vmem>>, %arg14: memref<228x128xf32, #tpu.memory_space<vmem>>, %arg15: memref<128x128xf32, #tpu.memory_space<vmem>>, %arg16: memref<1x128xf32, #tpu.memory_space<vmem>>, %arg17: memref<128x128xf32, #tpu.memory_space<vmem>>, %arg18: memref<1x128xf32, #tpu.memory_space<vmem>>, %arg19: memref<1x128xf32, #tpu.memory_space<vmem>>, %arg20: memref<1x128xf32, #tpu.memory_space<vmem>>, %arg21: memref<256x128xf32, #tpu.memory_space<vmem>>) attributes {dimension_semantics = [#tpu.dimension_semantics<arbitrary>], iteration_bounds = array<i64: 64>, scalar_prefetch = 0 : i64, scratch_operands = 0 : i64, tpu.core_type = #tpu.core_type<tc>, window_params = [{transform_indices = @transform_0, window_bounds = array<i64: 8, 128>}, {transform_indices = @transform_1, window_bounds = array<i64: 256, 128>}, {transform_indices = @transform_2, window_bounds = array<i64: 4096, 128>}, {transform_indices = @transform_3, window_bounds = array<i64: 4096, 16>}, {transform_indices = @transform_4, window_bounds = array<i64: 4096, 1>}, {transform_indices = @transform_5, window_bounds = array<i64: 256, 16>}, {pipeline_mode = #tpu.pipeline_mode<synchronous>, transform_indices = @transform_6, window_bounds = array<i64: 128, 228>}, {pipeline_mode = #tpu.pipeline_mode<synchronous>, transform_indices = @transform_7, window_bounds = array<i64: 1, 228>}, {pipeline_mode = #tpu.pipeline_mode<synchronous>, transform_indices = @transform_8, window_bounds = array<i64: 256, 228>}, {pipeline_mode = #tpu.pipeline_mode<synchronous>, transform_indices = @transform_9, window_bounds = array<i64: 1, 228>}, {pipeline_mode = #tpu.pipeline_mode<synchronous>, transform_indices = @transform_10, window_bounds = array<i64: 256, 228>}, {pipeline_mode = #tpu.pipeline_mode<synchronous>, transform_indices = @transform_11, window_bounds = array<i64: 1, 228>}, {pipeline_mode = #tpu.pipeline_mode<synchronous>, transform_indices = @transform_12, window_bounds = array<i64: 228, 228>}, {pipeline_mode = #tpu.pipeline_mode<synchronous>, transform_indices = @transform_13, window_bounds = array<i64: 228, 128>}, {pipeline_mode = #tpu.pipeline_mode<synchronous>, transform_indices = @transform_14, window_bounds = array<i64: 128, 128>}, {pipeline_mode = #tpu.pipeline_mode<synchronous>, transform_indices = @transform_15, window_bounds = array<i64: 1, 128>}, {pipeline_mode = #tpu.pipeline_mode<synchronous>, transform_indices = @transform_16, window_bounds = array<i64: 128, 128>}, {pipeline_mode = #tpu.pipeline_mode<synchronous>, transform_indices = @transform_17, window_bounds = array<i64: 1, 128>}, {pipeline_mode = #tpu.pipeline_mode<synchronous>, transform_indices = @transform_18, window_bounds = array<i64: 1, 128>}, {pipeline_mode = #tpu.pipeline_mode<synchronous>, transform_indices = @transform_19, window_bounds = array<i64: 1, 128>}, {transform_indices = @transform_20, window_bounds = array<i64: 256, 128>}]} {
    %get3A = arith.constant 0 : index
    %get3A_0 = arith.constant 0 : index
    %get3A_1 = vector.load %arg2[%get3A, %get3A_0] : memref<256x128xf32, #tpu.memory_space<vmem>>, vector<256x128xf32>
    %get3A_2 = arith.constant 0 : index
    %get3A_3 = arith.constant 0 : index
    %get3A_4 = vector.load %arg3[%get3A_2, %get3A_3] : memref<4096x128xf32, #tpu.memory_space<vmem>>, vector<4096x128xf32>
    %get3A_5 = arith.constant 0 : index
    %get3A_6 = arith.constant 0 : index
    %get3A_7 = vector.load %arg5[%get3A_5, %get3A_6] : memref<4096x1xf32, #tpu.memory_space<vmem>>, vector<4096x1xf32>
    %get3A_8 = arith.constant 0 : index
    %get3A_9 = arith.constant 0 : index
    %get3A_10 = vector.load %arg19[%get3A_8, %get3A_9] : memref<1x128xf32, #tpu.memory_space<vmem>>, vector<1x128xf32>
    %mul3A = vector.broadcast %get3A_7 : vector<4096x1xf32> to vector<4096x128xf32>
    %mul3A_11 = vector.broadcast %get3A_10 : vector<1x128xf32> to vector<4096x128xf32>
    %mul3A_12 = arith.mulf %mul3A, %mul3A_11 : vector<4096x128xf32>
    %get3A_13 = arith.constant 0 : index
    %get3A_14 = arith.constant 0 : index
    %get3A_15 = vector.load %arg20[%get3A_13, %get3A_14] : memref<1x128xf32, #tpu.memory_space<vmem>>, vector<1x128xf32>
    %add3A = vector.broadcast %get3A_15 : vector<1x128xf32> to vector<4096x128xf32>
    %add3A_16 = arith.addf %mul3A_12, %add3A : vector<4096x128xf32>
    %mul3A_17 = arith.constant 0.159154937 : f32
    %mul3A_18 = vector.broadcast %mul3A_17 : f32 to vector<4096x128xf32>
    %mul3A_19 = arith.mulf %add3A_16, %mul3A_18 : vector<4096x128xf32>
    %add3A_20 = arith.constant 0x4B400000 : f32
    %add3A_21 = vector.broadcast %add3A_20 : f32 to vector<4096x128xf32>
    %add3A_22 = arith.addf %mul3A_19, %add3A_21 : vector<4096x128xf32>
    %sub3A = arith.constant 0x4B400000 : f32
    %sub3A_23 = vector.broadcast %sub3A : f32 to vector<4096x128xf32>
    %sub3A_24 = arith.subf %add3A_22, %sub3A_23 : vector<4096x128xf32>
    %sub3A_25 = arith.subf %mul3A_19, %sub3A_24 : vector<4096x128xf32>
    %mul3A_26 = arith.mulf %sub3A_25, %sub3A_25 : vector<4096x128xf32>
    %mul3A_27 = arith.constant 6.52770615 : f32
    %mul3A_28 = vector.broadcast %mul3A_27 : f32 to vector<4096x128xf32>
    %mul3A_29 = arith.mulf %mul3A_28, %mul3A_26 : vector<4096x128xf32>
    %add3A_30 = arith.constant -25.9668846 : f32
    %add3A_31 = vector.broadcast %add3A_30 : f32 to vector<4096x128xf32>
    %add3A_32 = arith.addf %mul3A_29, %add3A_31 : vector<4096x128xf32>
    %mul3A_33 = arith.mulf %add3A_32, %mul3A_26 : vector<4096x128xf32>
    %add3A_34 = arith.constant 60.1674309 : f32
    %add3A_35 = vector.broadcast %add3A_34 : f32 to vector<4096x128xf32>
    %add3A_36 = arith.addf %mul3A_33, %add3A_35 : vector<4096x128xf32>
    %mul3A_37 = arith.mulf %add3A_36, %mul3A_26 : vector<4096x128xf32>
    %add3A_38 = arith.constant -85.4501114 : f32
    %add3A_39 = vector.broadcast %add3A_38 : f32 to vector<4096x128xf32>
    %add3A_40 = arith.addf %mul3A_37, %add3A_39 : vector<4096x128xf32>
    %mul3A_41 = arith.mulf %add3A_40, %mul3A_26 : vector<4096x128xf32>
    %add3A_42 = arith.constant 64.9391174 : f32
    %add3A_43 = vector.broadcast %add3A_42 : f32 to vector<4096x128xf32>
    %add3A_44 = arith.addf %mul3A_41, %add3A_43 : vector<4096x128xf32>
    %mul3A_45 = arith.mulf %add3A_44, %mul3A_26 : vector<4096x128xf32>
    %add3A_46 = arith.constant -19.7392044 : f32
    %add3A_47 = vector.broadcast %add3A_46 : f32 to vector<4096x128xf32>
    %add3A_48 = arith.addf %mul3A_45, %add3A_47 : vector<4096x128xf32>
    %mul3A_49 = arith.mulf %add3A_48, %mul3A_26 : vector<4096x128xf32>
    %add3A_50 = arith.constant 1.000000e+00 : f32
    %add3A_51 = vector.broadcast %add3A_50 : f32 to vector<4096x128xf32>
    %add3A_52 = arith.addf %mul3A_49, %add3A_51 : vector<4096x128xf32>
    %iota3A = tpu.iota {dimensions = array<i32: 1>} : vector<1x128xi32>
    %get3A_53 = arith.constant 0 : index
    %get3A_54 = arith.constant 0 : index
    %get3A_55 = vector.load %arg4[%get3A_53, %get3A_54] : memref<4096x16xf32, #tpu.memory_space<vmem>>, vector<4096x16xf32>
    %jit3A = arith.constant 0 : i32
    %convert_element_type3A = arith.sitofp %jit3A : i32 to f32
    %pad3A = vector.broadcast %convert_element_type3A : f32 to vector<4096x112xf32>
    %pad3A_56 = tpu.concatenate %get3A_55, %pad3A in 1 : vector<4096x16xf32>, vector<4096x112xf32> -> vector<4096x128xf32>
    %lt3A = arith.constant 16 : i32
    %lt3A_57 = vector.broadcast %lt3A : i32 to vector<1x128xi32>
    %lt3A_58 = arith.cmpi slt, %iota3A, %lt3A_57 : vector<1x128xi32>
    %broadcast_in_dim3A = vector.shape_cast %lt3A_58 : vector<1x128xi1> to vector<1x128xi1>
    %broadcast_in_dim3A_59 = vector.broadcast %broadcast_in_dim3A : vector<1x128xi1> to vector<4096x128xi1>
    %select_n3A = arith.select %broadcast_in_dim3A_59, %pad3A_56, %add3A_52 : vector<4096x128xi1>, vector<4096x128xf32>
    %concatenate3A = tpu.concatenate %get3A_4, %select_n3A in 1 : vector<4096x128xf32>, vector<4096x128xf32> -> vector<4096x256xf32>
    %get3A_60 = arith.constant 0 : index
    %get3A_61 = arith.constant 0 : index
    %get3A_62 = vector.load %arg9[%get3A_60, %get3A_61] : memref<256x228xf32, #tpu.memory_space<vmem>>, vector<256x228xf32>
    %dot_general3A = arith.constant dense<0.000000e+00> : vector<4096x228xf32>
    %dot_general3A_63 = tpu.matmul %concatenate3A, %get3A_62, %dot_general3A {dimension_numbers = #tpu.dot_dimension_numbers<[1], [0], [0], [1], [0, 0, 1, 1], [], []>, transpose_lhs_hint = false} : vector<4096x256xf32>, vector<256x228xf32>, vector<4096x228xf32> -> vector<4096x228xf32>
    %get3A_64 = arith.constant 0 : index
    %get3A_65 = arith.constant 0 : index
    %get3A_66 = vector.load %arg10[%get3A_64, %get3A_65] : memref<1x228xf32, #tpu.memory_space<vmem>>, vector<1x228xf32>
    %add3A_67 = vector.broadcast %get3A_66 : vector<1x228xf32> to vector<4096x228xf32>
    %add3A_68 = arith.addf %dot_general3A_63, %add3A_67 : vector<4096x228xf32>
    %get3A_69 = arith.constant 0 : index
    %get3A_70 = arith.constant 0 : index
    %get3A_71 = vector.load %arg11[%get3A_69, %get3A_70] : memref<256x228xf32, #tpu.memory_space<vmem>>, vector<256x228xf32>
    %dot_general3A_72 = arith.constant dense<0.000000e+00> : vector<4096x228xf32>
    %dot_general3A_73 = tpu.matmul %concatenate3A, %get3A_71, %dot_general3A_72 {dimension_numbers = #tpu.dot_dimension_numbers<[1], [0], [0], [1], [0, 0, 1, 1], [], []>, transpose_lhs_hint = false} : vector<4096x256xf32>, vector<256x228xf32>, vector<4096x228xf32> -> vector<4096x228xf32>
    %get3A_74 = arith.constant 0 : index
    %get3A_75 = arith.constant 0 : index
    %get3A_76 = vector.load %arg12[%get3A_74, %get3A_75] : memref<1x228xf32, #tpu.memory_space<vmem>>, vector<1x228xf32>
    %add3A_77 = vector.broadcast %get3A_76 : vector<1x228xf32> to vector<4096x228xf32>
    %add3A_78 = arith.addf %dot_general3A_73, %add3A_77 : vector<4096x228xf32>
    %get3A_79 = arith.constant 0 : index
    %get3A_80 = arith.constant 0 : index
    %get3A_81 = vector.load %arg7[%get3A_79, %get3A_80] : memref<128x228xf32, #tpu.memory_space<vmem>>, vector<128x228xf32>
    %dot_general3A_82 = arith.constant dense<0.000000e+00> : vector<256x228xf32>
    %dot_general3A_83 = tpu.matmul %get3A_1, %get3A_81, %dot_general3A_82 {dimension_numbers = #tpu.dot_dimension_numbers<[1], [0], [0], [1], [0, 0, 1, 1], [], []>, transpose_lhs_hint = false} : vector<256x128xf32>, vector<128x228xf32>, vector<256x228xf32> -> vector<256x228xf32>
    %get3A_84 = arith.constant 0 : index
    %get3A_85 = arith.constant 0 : index
    %get3A_86 = vector.load %arg8[%get3A_84, %get3A_85] : memref<1x228xf32, #tpu.memory_space<vmem>>, vector<1x228xf32>
    %add3A_87 = vector.broadcast %get3A_86 : vector<1x228xf32> to vector<256x228xf32>
    %add3A_88 = arith.addf %dot_general3A_83, %add3A_87 : vector<256x228xf32>
    %reshape3A = vector.shape_cast %add3A_68 : vector<4096x228xf32> to vector<256x16x228xf32>
    %reshape3A_89 = vector.shape_cast %add3A_78 : vector<4096x228xf32> to vector<256x16x228xf32>
    %broadcast_in_dim3A_90 = vector.shape_cast %add3A_88 : vector<256x228xf32> to vector<256x1x228xf32>
    %mul3A_91 = vector.broadcast %broadcast_in_dim3A_90 : vector<256x1x228xf32> to vector<256x16x228xf32>
    %mul3A_92 = arith.mulf %mul3A_91, %reshape3A : vector<256x16x228xf32>
    %iota3A_93 = tpu.iota {dimensions = array<i32: 2>} : vector<1x1x228xi32>
    %lt3A_94 = arith.constant 114 : i32
    %lt3A_95 = vector.broadcast %lt3A_94 : i32 to vector<1x1x228xi32>
    %lt3A_96 = arith.cmpi slt, %iota3A_93, %lt3A_95 : vector<1x1x228xi32>
    %reduce_sum3A = arith.constant dense<0.000000e+00> : vector<256x16xf32>
    %reduce_sum3A_97 = vector.multi_reduction <add>, %mul3A_92, %reduce_sum3A [2] : vector<256x16x228xf32> to vector<256x16xf32>
    %jit3A_98 = arith.constant 0.000000e+00 : f32
    %broadcast_in_dim3A_99 = vector.shape_cast %lt3A_96 : vector<1x1x228xi1> to vector<1x1x228xi1>
    %broadcast_in_dim3A_100 = vector.broadcast %broadcast_in_dim3A_99 : vector<1x1x228xi1> to vector<256x16x228xi1>
    %broadcast_in_dim3A_101 = vector.broadcast %jit3A_98 : f32 to vector<256x16x228xf32>
    %select_n3A_102 = arith.select %broadcast_in_dim3A_100, %mul3A_92, %broadcast_in_dim3A_101 : vector<256x16x228xi1>, vector<256x16x228xf32>
    %reduce_sum3A_103 = arith.constant dense<0.000000e+00> : vector<256x16xf32>
    %reduce_sum3A_104 = vector.multi_reduction <add>, %select_n3A_102, %reduce_sum3A_103 [2] : vector<256x16x228xf32> to vector<256x16xf32>
    %sub3A_105 = arith.subf %reduce_sum3A_97, %reduce_sum3A_104 : vector<256x16xf32>
    %get3A_106 = arith.constant 0 : index
    %get3A_107 = arith.constant 0 : index
    %get3A_108 = vector.load %arg6[%get3A_106, %get3A_107] : memref<256x16xf32, #tpu.memory_space<vmem>>, vector<256x16xf32>
    %gt3A = arith.constant 0.000000e+00 : f32
    %gt3A_109 = vector.broadcast %gt3A : f32 to vector<256x16xf32>
    %gt3A_110 = arith.cmpf ogt, %get3A_108, %gt3A_109 : vector<256x16xf32>
    %mul3A_111 = arith.constant 0.0936585814 : f32
    %mul3A_112 = vector.broadcast %mul3A_111 : f32 to vector<256x16xf32>
    %mul3A_113 = arith.mulf %reduce_sum3A_104, %mul3A_112 : vector<256x16xf32>
    %jit3A_114 = arith.constant -1.000000e+30 : f32
    %broadcast_in_dim3A_115 = vector.broadcast %jit3A_114 : f32 to vector<256x16xf32>
    %select_n3A_116 = arith.select %gt3A_110, %mul3A_113, %broadcast_in_dim3A_115 : vector<256x16xi1>, vector<256x16xf32>
    %mul3A_117 = arith.constant 0.0936585814 : f32
    %mul3A_118 = vector.broadcast %mul3A_117 : f32 to vector<256x16xf32>
    %mul3A_119 = arith.mulf %sub3A_105, %mul3A_118 : vector<256x16xf32>
    %jit3A_120 = arith.constant -1.000000e+30 : f32
    %broadcast_in_dim3A_121 = vector.broadcast %jit3A_120 : f32 to vector<256x16xf32>
    %select_n3A_122 = arith.select %gt3A_110, %mul3A_119, %broadcast_in_dim3A_121 : vector<256x16xi1>, vector<256x16xf32>
    %reduce_max3A = arith.constant dense<0xFF800000> : vector<256xf32>
    %reduce_max3A_123 = vector.multi_reduction <maximumf>, %select_n3A_116, %reduce_max3A [1] : vector<256x16xf32> to vector<256xf32>
    %broadcast_in_dim3A_124 = vector.shape_cast %reduce_max3A_123 : vector<256xf32> to vector<256x1xf32>
    %sub3A_125 = vector.broadcast %broadcast_in_dim3A_124 : vector<256x1xf32> to vector<256x16xf32>
    %sub3A_126 = arith.subf %select_n3A_116, %sub3A_125 : vector<256x16xf32>
    %exp3A = math.exp %sub3A_126 : vector<256x16xf32>
    %reduce_max3A_127 = arith.constant dense<0xFF800000> : vector<256xf32>
    %reduce_max3A_128 = vector.multi_reduction <maximumf>, %select_n3A_122, %reduce_max3A_127 [1] : vector<256x16xf32> to vector<256xf32>
    %broadcast_in_dim3A_129 = vector.shape_cast %reduce_max3A_128 : vector<256xf32> to vector<256x1xf32>
    %sub3A_130 = vector.broadcast %broadcast_in_dim3A_129 : vector<256x1xf32> to vector<256x16xf32>
    %sub3A_131 = arith.subf %select_n3A_122, %sub3A_130 : vector<256x16xf32>
    %exp3A_132 = math.exp %sub3A_131 : vector<256x16xf32>
    %reduce_sum3A_133 = arith.constant dense<0.000000e+00> : vector<256xf32>
    %reduce_sum3A_134 = vector.multi_reduction <add>, %exp3A, %reduce_sum3A_133 [1] : vector<256x16xf32> to vector<256xf32>
    %broadcast_in_dim3A_135 = vector.shape_cast %reduce_sum3A_134 : vector<256xf32> to vector<256x1xf32>
    %div3A = vector.broadcast %broadcast_in_dim3A_135 : vector<256x1xf32> to vector<256x16xf32>
    %div3A_136 = arith.divf %exp3A, %div3A : vector<256x16xf32>
    %reduce_sum3A_137 = arith.constant dense<0.000000e+00> : vector<256xf32>
    %reduce_sum3A_138 = vector.multi_reduction <add>, %exp3A_132, %reduce_sum3A_137 [1] : vector<256x16xf32> to vector<256xf32>
    %broadcast_in_dim3A_139 = vector.shape_cast %reduce_sum3A_138 : vector<256xf32> to vector<256x1xf32>
    %div3A_140 = vector.broadcast %broadcast_in_dim3A_139 : vector<256x1xf32> to vector<256x16xf32>
    %div3A_141 = arith.divf %exp3A_132, %div3A_140 : vector<256x16xf32>
    %broadcast_in_dim3A_142 = vector.shape_cast %div3A_136 : vector<256x16xf32> to vector<256x16x1xf32>
    %broadcast_in_dim3A_143 = vector.shape_cast %div3A_141 : vector<256x16xf32> to vector<256x16x1xf32>
    %broadcast_in_dim3A_144 = vector.shape_cast %lt3A_96 : vector<1x1x228xi1> to vector<1x1x228xi1>
    %broadcast_in_dim3A_145 = vector.broadcast %broadcast_in_dim3A_144 : vector<1x1x228xi1> to vector<256x16x228xi1>
    %broadcast_in_dim3A_146 = vector.shape_cast %broadcast_in_dim3A_142 : vector<256x16x1xf32> to vector<256x16x1xf32>
    %broadcast_in_dim3A_147 = vector.broadcast %broadcast_in_dim3A_146 : vector<256x16x1xf32> to vector<256x16x228xf32>
    %broadcast_in_dim3A_148 = vector.shape_cast %broadcast_in_dim3A_143 : vector<256x16x1xf32> to vector<256x16x1xf32>
    %broadcast_in_dim3A_149 = vector.broadcast %broadcast_in_dim3A_148 : vector<256x16x1xf32> to vector<256x16x228xf32>
    %select_n3A_150 = arith.select %broadcast_in_dim3A_145, %broadcast_in_dim3A_147, %broadcast_in_dim3A_149 : vector<256x16x228xi1>, vector<256x16x228xf32>
    %mul3A_151 = arith.mulf %select_n3A_150, %reshape3A_89 : vector<256x16x228xf32>
    %reduce_sum3A_152 = arith.constant dense<0.000000e+00> : vector<256x228xf32>
    %reduce_sum3A_153 = vector.multi_reduction <add>, %mul3A_151, %reduce_sum3A_152 [1] : vector<256x16x228xf32> to vector<256x228xf32>
    %get3A_154 = arith.constant 0 : index
    %get3A_155 = arith.constant 0 : index
    %get3A_156 = vector.load %arg13[%get3A_154, %get3A_155] : memref<228x228xf32, #tpu.memory_space<vmem>>, vector<228x228xf32>
    %dot_general3A_157 = arith.constant dense<0.000000e+00> : vector<256x228xf32>
    %dot_general3A_158 = tpu.matmul %reduce_sum3A_153, %get3A_156, %dot_general3A_157 {dimension_numbers = #tpu.dot_dimension_numbers<[1], [0], [0], [1], [0, 0, 1, 1], [], []>, transpose_lhs_hint = false} : vector<256x228xf32>, vector<228x228xf32>, vector<256x228xf32> -> vector<256x228xf32>
    %get3A_159 = arith.constant 0 : index
    %get3A_160 = arith.constant 0 : index
    %get3A_161 = vector.load %arg14[%get3A_159, %get3A_160] : memref<228x128xf32, #tpu.memory_space<vmem>>, vector<228x128xf32>
    %dot_general3A_162 = arith.constant dense<0.000000e+00> : vector<256x128xf32>
    %dot_general3A_163 = tpu.matmul %dot_general3A_158, %get3A_161, %dot_general3A_162 {dimension_numbers = #tpu.dot_dimension_numbers<[1], [0], [0], [1], [0, 0, 1, 1], [], []>, transpose_lhs_hint = false} : vector<256x228xf32>, vector<228x128xf32>, vector<256x128xf32> -> vector<256x128xf32>
    %get3A_164 = arith.constant 0 : index
    %get3A_165 = arith.constant 0 : index
    %get3A_166 = vector.load %arg15[%get3A_164, %get3A_165] : memref<128x128xf32, #tpu.memory_space<vmem>>, vector<128x128xf32>
    %dot_general3A_167 = arith.constant dense<0.000000e+00> : vector<256x128xf32>
    %dot_general3A_168 = tpu.matmul %get3A_1, %get3A_166, %dot_general3A_167 {dimension_numbers = #tpu.dot_dimension_numbers<[1], [0], [0], [1], [0, 0, 1, 1], [], []>, transpose_lhs_hint = false} : vector<256x128xf32>, vector<128x128xf32>, vector<256x128xf32> -> vector<256x128xf32>
    %add3A_169 = arith.addf %dot_general3A_163, %dot_general3A_168 : vector<256x128xf32>
    %get3A_170 = arith.constant 0 : index
    %get3A_171 = arith.constant 0 : index
    %get3A_172 = vector.load %arg16[%get3A_170, %get3A_171] : memref<1x128xf32, #tpu.memory_space<vmem>>, vector<1x128xf32>
    %add3A_173 = vector.broadcast %get3A_172 : vector<1x128xf32> to vector<256x128xf32>
    %add3A_174 = arith.addf %add3A_169, %add3A_173 : vector<256x128xf32>
    %max3A = arith.constant 0.000000e+00 : f32
    %max3A_175 = vector.broadcast %max3A : f32 to vector<256x128xf32>
    %max3A_176 = arith.maximumf %add3A_174, %max3A_175 : vector<256x128xf32>
    %get3A_177 = arith.constant 0 : index
    %get3A_178 = arith.constant 0 : index
    %get3A_179 = vector.load %arg17[%get3A_177, %get3A_178] : memref<128x128xf32, #tpu.memory_space<vmem>>, vector<128x128xf32>
    %dot_general3A_180 = arith.constant dense<0.000000e+00> : vector<256x128xf32>
    %dot_general3A_181 = tpu.matmul %max3A_176, %get3A_179, %dot_general3A_180 {dimension_numbers = #tpu.dot_dimension_numbers<[1], [0], [0], [1], [0, 0, 1, 1], [], []>, transpose_lhs_hint = false} : vector<256x128xf32>, vector<128x128xf32>, vector<256x128xf32> -> vector<256x128xf32>
    %get3A_182 = arith.constant 0 : index
    %get3A_183 = arith.constant 0 : index
    %get3A_184 = vector.load %arg18[%get3A_182, %get3A_183] : memref<1x128xf32, #tpu.memory_space<vmem>>, vector<1x128xf32>
    %add3A_185 = vector.broadcast %get3A_184 : vector<1x128xf32> to vector<256x128xf32>
    %add3A_186 = arith.addf %dot_general3A_181, %add3A_185 : vector<256x128xf32>
    %swap3A = arith.constant 0 : index
    %swap3A_187 = arith.constant 0 : index
    %swap3A_188 = vector.load %arg21[%swap3A, %swap3A_187] : memref<256x128xf32, #tpu.memory_space<vmem>>, vector<256x128xf32>
    tpu.vector_store %arg21[%swap3A, %swap3A_187], %add3A_186 {strides = array<i32>} : memref<256x128xf32, #tpu.memory_space<vmem>>, vector<256x128xf32>,
    return
  }
  func.func @transform_0(%arg0: i32) -> (i32, i32) {
    %c0_i32 = arith.constant 0 : i32
    %c0_i32_0 = arith.constant 0 : i32
    %c0_i32_1 = arith.constant 0 : i32
    return %c0_i32, %c0_i32_0 : i32, i32
  }
  func.func @transform_1(%arg0: i32) -> (i32, i32) {
    %c0_i32 = arith.constant 0 : i32
    %c0_i32_0 = arith.constant 0 : i32
    return %arg0, %c0_i32 : i32, i32
  }
  func.func @transform_2(%arg0: i32) -> (i32, i32) {
    %c0_i32 = arith.constant 0 : i32
    %c0_i32_0 = arith.constant 0 : i32
    return %arg0, %c0_i32 : i32, i32
  }
  func.func @transform_3(%arg0: i32) -> (i32, i32) {
    %c0_i32 = arith.constant 0 : i32
    %c0_i32_0 = arith.constant 0 : i32
    return %arg0, %c0_i32 : i32, i32
  }
  func.func @transform_4(%arg0: i32) -> (i32, i32) {
    %c0_i32 = arith.constant 0 : i32
    %c0_i32_0 = arith.constant 0 : i32
    return %arg0, %c0_i32 : i32, i32
  }
  func.func @transform_5(%arg0: i32) -> (i32, i32) {
    %c0_i32 = arith.constant 0 : i32
    %c0_i32_0 = arith.constant 0 : i32
    return %arg0, %c0_i32 : i32, i32
  }
  func.func @transform_6(%arg0: i32) -> (i32, i32) {
    %c0_i32 = arith.constant 0 : i32
    %c0_i32_0 = arith.constant 0 : i32
    %c0_i32_1 = arith.constant 0 : i32
    return %c0_i32, %c0_i32_0 : i32, i32
  }
  func.func @transform_7(%arg0: i32) -> (i32, i32) {
    %c0_i32 = arith.constant 0 : i32
    %c0_i32_0 = arith.constant 0 : i32
    %c0_i32_1 = arith.constant 0 : i32
    return %c0_i32, %c0_i32_0 : i32, i32
  }
  func.func @transform_8(%arg0: i32) -> (i32, i32) {
    %c0_i32 = arith.constant 0 : i32
    %c0_i32_0 = arith.constant 0 : i32
    %c0_i32_1 = arith.constant 0 : i32
    return %c0_i32, %c0_i32_0 : i32, i32
  }
  func.func @transform_9(%arg0: i32) -> (i32, i32) {
    %c0_i32 = arith.constant 0 : i32
    %c0_i32_0 = arith.constant 0 : i32
    %c0_i32_1 = arith.constant 0 : i32
    return %c0_i32, %c0_i32_0 : i32, i32
  }
  func.func @transform_10(%arg0: i32) -> (i32, i32) {
    %c0_i32 = arith.constant 0 : i32
    %c0_i32_0 = arith.constant 0 : i32
    %c0_i32_1 = arith.constant 0 : i32
    return %c0_i32, %c0_i32_0 : i32, i32
  }
  func.func @transform_11(%arg0: i32) -> (i32, i32) {
    %c0_i32 = arith.constant 0 : i32
    %c0_i32_0 = arith.constant 0 : i32
    %c0_i32_1 = arith.constant 0 : i32
    return %c0_i32, %c0_i32_0 : i32, i32
  }
  func.func @transform_12(%arg0: i32) -> (i32, i32) {
    %c0_i32 = arith.constant 0 : i32
    %c0_i32_0 = arith.constant 0 : i32
    %c0_i32_1 = arith.constant 0 : i32
    return %c0_i32, %c0_i32_0 : i32, i32
  }
  func.func @transform_13(%arg0: i32) -> (i32, i32) {
    %c0_i32 = arith.constant 0 : i32
    %c0_i32_0 = arith.constant 0 : i32
    %c0_i32_1 = arith.constant 0 : i32
    return %c0_i32, %c0_i32_0 : i32, i32
  }
  func.func @transform_14(%arg0: i32) -> (i32, i32) {
    %c0_i32 = arith.constant 0 : i32
    %c0_i32_0 = arith.constant 0 : i32
    %c0_i32_1 = arith.constant 0 : i32
    return %c0_i32, %c0_i32_0 : i32, i32
  }
  func.func @transform_15(%arg0: i32) -> (i32, i32) {
    %c0_i32 = arith.constant 0 : i32
    %c0_i32_0 = arith.constant 0 : i32
    %c0_i32_1 = arith.constant 0 : i32
    return %c0_i32, %c0_i32_0 : i32, i32
  }
  func.func @transform_16(%arg0: i32) -> (i32, i32) {
    %c0_i32 = arith.constant 0 : i32
    %c0_i32_0 = arith.constant 0 : i32
    %c0_i32_1 = arith.constant 0 : i32
    return %c0_i32, %c0_i32_0 : i32, i32
  }
  func.func @transform_17(%arg0: i32) -> (i32, i32) {
    %c0_i32 = arith.constant 0 : i32
    %c0_i32_0 = arith.constant 0 : i32
    %c0_i32_1 = arith.constant 0 : i32
    return %c0_i32, %c0_i32_0 : i32, i32
  }
  func.func @transform_18(%arg0: i32) -> (i32, i32) {
    %c0_i32 = arith.constant 0 : i32
    %c0_i32_0 = arith.constant 0 : i32
    %c0_i32_1 = arith.constant 0 : i32
    return %c0_i32, %c0_i32_0 : i32, i32
  }
  func.func @transform_19(%arg0: i32) -> (i32, i32) {
    %c0_i32 = arith.constant 0 : i32
    %c0_i32_0 = arith.constant 0 : i32
    %c0_i32_1 = arith.constant 0 : i32
    return %c0_i32, %c0_i32_0 : i32, i32
  }
  func.func @transform_20(%arg0: i32) -> (i32, i32) {
    %add3A = arith.constant 0 : i32
    %add3A_0 = arith.addi %arg0, %add3A : i32
    %c0_i32 = arith.constant 0 : i32
    %c0_i32_1 = arith.constant 0 : i32
    return %add3A_0, %c0_i32 : i32, i32
  }
}

module attributes {stable_mosaic.version = 14 : i64} {
  func.func @_layer_block(%arg0: i32, %arg1: memref<8x128xf32, #tpu.memory_space<vmem>>, %arg2: memref<256x128xf32, #tpu.memory_space<vmem>>, %arg3: memref<4096x128xf32, #tpu.memory_space<vmem>>, %arg4: memref<4096x16xf32, #tpu.memory_space<vmem>>, %arg5: memref<4096x1xf32, #tpu.memory_space<vmem>>, %arg6: memref<256x16xf32, #tpu.memory_space<vmem>>, %arg7: memref<128x228xf32, #tpu.memory_space<vmem>>, %arg8: memref<1x228xf32, #tpu.memory_space<vmem>>, %arg9: memref<256x228xf32, #tpu.memory_space<vmem>>, %arg10: memref<1x228xf32, #tpu.memory_space<vmem>>, %arg11: memref<256x228xf32, #tpu.memory_space<vmem>>, %arg12: memref<1x228xf32, #tpu.memory_space<vmem>>, %arg13: memref<228x228xf32, #tpu.memory_space<vmem>>, %arg14: memref<228x128xf32, #tpu.memory_space<vmem>>, %arg15: memref<128x128xf32, #tpu.memory_space<vmem>>, %arg16: memref<1x128xf32, #tpu.memory_space<vmem>>, %arg17: memref<128x128xf32, #tpu.memory_space<vmem>>, %arg18: memref<1x128xf32, #tpu.memory_space<vmem>>, %arg19: memref<1x128xf32, #tpu.memory_space<vmem>>, %arg20: memref<1x128xf32, #tpu.memory_space<vmem>>, %arg21: memref<256x128xf32, #tpu.memory_space<vmem>>) attributes {dimension_semantics = [#tpu.dimension_semantics<arbitrary>], iteration_bounds = array<i64: 64>, scalar_prefetch = 0 : i64, scratch_operands = 0 : i64, tpu.core_type = #tpu.core_type<tc>, window_params = [{transform_indices = @transform_0, window_bounds = array<i64: 8, 128>}, {transform_indices = @transform_1, window_bounds = array<i64: 256, 128>}, {transform_indices = @transform_2, window_bounds = array<i64: 4096, 128>}, {transform_indices = @transform_3, window_bounds = array<i64: 4096, 16>}, {transform_indices = @transform_4, window_bounds = array<i64: 4096, 1>}, {transform_indices = @transform_5, window_bounds = array<i64: 256, 16>}, {pipeline_mode = #tpu.pipeline_mode<synchronous>, transform_indices = @transform_6, window_bounds = array<i64: 128, 228>}, {pipeline_mode = #tpu.pipeline_mode<synchronous>, transform_indices = @transform_7, window_bounds = array<i64: 1, 228>}, {pipeline_mode = #tpu.pipeline_mode<synchronous>, transform_indices = @transform_8, window_bounds = array<i64: 256, 228>}, {pipeline_mode = #tpu.pipeline_mode<synchronous>, transform_indices = @transform_9, window_bounds = array<i64: 1, 228>}, {pipeline_mode = #tpu.pipeline_mode<synchronous>, transform_indices = @transform_10, window_bounds = array<i64: 256, 228>}, {pipeline_mode = #tpu.pipeline_mode<synchronous>, transform_indices = @transform_11, window_bounds = array<i64: 1, 228>}, {pipeline_mode = #tpu.pipeline_mode<synchronous>, transform_indices = @transform_12, window_bounds = array<i64: 228, 228>}, {pipeline_mode = #tpu.pipeline_mode<synchronous>, transform_indices = @transform_13, window_bounds = array<i64: 228, 128>}, {pipeline_mode = #tpu.pipeline_mode<synchronous>, transform_indices = @transform_14, window_bounds = array<i64: 128, 128>}, {pipeline_mode = #tpu.pipeline_mode<synchronous>, transform_indices = @transform_15, window_bounds = array<i64: 1, 128>}, {pipeline_mode = #tpu.pipeline_mode<synchronous>, transform_indices = @transform_16, window_bounds = array<i64: 128, 128>}, {pipeline_mode = #tpu.pipeline_mode<synchronous>, transform_indices = @transform_17, window_bounds = array<i64: 1, 128>}, {pipeline_mode = #tpu.pipeline_mode<synchronous>, transform_indices = @transform_18, window_bounds = array<i64: 1, 128>}, {pipeline_mode = #tpu.pipeline_mode<synchronous>, transform_indices = @transform_19, window_bounds = array<i64: 1, 128>}, {transform_indices = @transform_20, window_bounds = array<i64: 256, 128>}]} {
    %get3A = arith.constant 0 : index
    %get3A_0 = arith.constant 0 : index
    %get3A_1 = vector.load %arg2[%get3A, %get3A_0] : memref<256x128xf32, #tpu.memory_space<vmem>>, vector<256x128xf32>
    %get3A_2 = arith.constant 0 : index
    %get3A_3 = arith.constant 0 : index
    %get3A_4 = vector.load %arg3[%get3A_2, %get3A_3] : memref<4096x128xf32, #tpu.memory_space<vmem>>, vector<4096x128xf32>
    %get3A_5 = arith.constant 0 : index
    %get3A_6 = arith.constant 0 : index
    %get3A_7 = vector.load %arg5[%get3A_5, %get3A_6] : memref<4096x1xf32, #tpu.memory_space<vmem>>, vector<4096x1xf32>
    %get3A_8 = arith.constant 0 : index
    %get3A_9 = arith.constant 0 : index
    %get3A_10 = vector.load %arg19[%get3A_8, %get3A_9] : memref<1x128xf32, #tpu.memory_space<vmem>>, vector<1x128xf32>
    %mul3A = vector.broadcast %get3A_7 : vector<4096x1xf32> to vector<4096x128xf32>
    %mul3A_11 = vector.broadcast %get3A_10 : vector<1x128xf32> to vector<4096x128xf32>
    %mul3A_12 = arith.mulf %mul3A, %mul3A_11 : vector<4096x128xf32>
    %get3A_13 = arith.constant 0 : index
    %get3A_14 = arith.constant 0 : index
    %get3A_15 = vector.load %arg20[%get3A_13, %get3A_14] : memref<1x128xf32, #tpu.memory_space<vmem>>, vector<1x128xf32>
    %add3A = vector.broadcast %get3A_15 : vector<1x128xf32> to vector<4096x128xf32>
    %add3A_16 = arith.addf %mul3A_12, %add3A : vector<4096x128xf32>
    %mul3A_17 = arith.constant 0.159154937 : f32
    %mul3A_18 = vector.broadcast %mul3A_17 : f32 to vector<4096x128xf32>
    %mul3A_19 = arith.mulf %add3A_16, %mul3A_18 : vector<4096x128xf32>
    %add3A_20 = arith.constant 0x4B400000 : f32
    %add3A_21 = vector.broadcast %add3A_20 : f32 to vector<4096x128xf32>
    %add3A_22 = arith.addf %mul3A_19, %add3A_21 : vector<4096x128xf32>
    %sub3A = arith.constant 0x4B400000 : f32
    %sub3A_23 = vector.broadcast %sub3A : f32 to vector<4096x128xf32>
    %sub3A_24 = arith.subf %add3A_22, %sub3A_23 : vector<4096x128xf32>
    %sub3A_25 = arith.subf %mul3A_19, %sub3A_24 : vector<4096x128xf32>
    %mul3A_26 = arith.mulf %sub3A_25, %sub3A_25 : vector<4096x128xf32>
    %mul3A_27 = arith.constant 6.52770615 : f32
    %mul3A_28 = vector.broadcast %mul3A_27 : f32 to vector<4096x128xf32>
    %mul3A_29 = arith.mulf %mul3A_28, %mul3A_26 : vector<4096x128xf32>
    %add3A_30 = arith.constant -25.9668846 : f32
    %add3A_31 = vector.broadcast %add3A_30 : f32 to vector<4096x128xf32>
    %add3A_32 = arith.addf %mul3A_29, %add3A_31 : vector<4096x128xf32>
    %mul3A_33 = arith.mulf %add3A_32, %mul3A_26 : vector<4096x128xf32>
    %add3A_34 = arith.constant 60.1674309 : f32
    %add3A_35 = vector.broadcast %add3A_34 : f32 to vector<4096x128xf32>
    %add3A_36 = arith.addf %mul3A_33, %add3A_35 : vector<4096x128xf32>
    %mul3A_37 = arith.mulf %add3A_36, %mul3A_26 : vector<4096x128xf32>
    %add3A_38 = arith.constant -85.4501114 : f32
    %add3A_39 = vector.broadcast %add3A_38 : f32 to vector<4096x128xf32>
    %add3A_40 = arith.addf %mul3A_37, %add3A_39 : vector<4096x128xf32>
    %mul3A_41 = arith.mulf %add3A_40, %mul3A_26 : vector<4096x128xf32>
    %add3A_42 = arith.constant 64.9391174 : f32
    %add3A_43 = vector.broadcast %add3A_42 : f32 to vector<4096x128xf32>
    %add3A_44 = arith.addf %mul3A_41, %add3A_43 : vector<4096x128xf32>
    %mul3A_45 = arith.mulf %add3A_44, %mul3A_26 : vector<4096x128xf32>
    %add3A_46 = arith.constant -19.7392044 : f32
    %add3A_47 = vector.broadcast %add3A_46 : f32 to vector<4096x128xf32>
    %add3A_48 = arith.addf %mul3A_45, %add3A_47 : vector<4096x128xf32>
    %mul3A_49 = arith.mulf %add3A_48, %mul3A_26 : vector<4096x128xf32>
    %add3A_50 = arith.constant 1.000000e+00 : f32
    %add3A_51 = vector.broadcast %add3A_50 : f32 to vector<4096x128xf32>
    %add3A_52 = arith.addf %mul3A_49, %add3A_51 : vector<4096x128xf32>
    %iota3A = tpu.iota {dimensions = array<i32: 1>} : vector<1x128xi32>
    %get3A_53 = arith.constant 0 : index
    %get3A_54 = arith.constant 0 : index
    %get3A_55 = vector.load %arg4[%get3A_53, %get3A_54] : memref<4096x16xf32, #tpu.memory_space<vmem>>, vector<4096x16xf32>
    %jit3A = arith.constant 0 : i32
    %convert_element_type3A = arith.sitofp %jit3A : i32 to f32
    %pad3A = vector.broadcast %convert_element_type3A : f32 to vector<4096x112xf32>
    %pad3A_56 = tpu.concatenate %get3A_55, %pad3A in 1 : vector<4096x16xf32>, vector<4096x112xf32> -> vector<4096x128xf32>
    %lt3A = arith.constant 16 : i32
    %lt3A_57 = vector.broadcast %lt3A : i32 to vector<1x128xi32>
    %lt3A_58 = arith.cmpi slt, %iota3A, %lt3A_57 : vector<1x128xi32>
    %broadcast_in_dim3A = vector.shape_cast %lt3A_58 : vector<1x128xi1> to vector<1x128xi1>
    %broadcast_in_dim3A_59 = vector.broadcast %broadcast_in_dim3A : vector<1x128xi1> to vector<4096x128xi1>
    %select_n3A = arith.select %broadcast_in_dim3A_59, %pad3A_56, %add3A_52 : vector<4096x128xi1>, vector<4096x128xf32>
    %concatenate3A = tpu.concatenate %get3A_4, %select_n3A in 1 : vector<4096x128xf32>, vector<4096x128xf32> -> vector<4096x256xf32>
    %get3A_60 = arith.constant 0 : index
    %get3A_61 = arith.constant 0 : index
    %get3A_62 = vector.load %arg9[%get3A_60, %get3A_61] : memref<256x228xf32, #tpu.memory_space<vmem>>, vector<256x228xf32>
    %dot_general3A = arith.constant dense<0.000000e+00> : vector<4096x228xf32>
    %dot_general3A_63 = tpu.matmul %concatenate3A, %get3A_62, %dot_general3A {dimension_numbers = #tpu.dot_dimension_numbers<[1], [0], [0], [1], [0, 0, 1, 1], [], []>, transpose_lhs_hint = false} : vector<4096x256xf32>, vector<256x228xf32>, vector<4096x228xf32> -> vector<4096x228xf32>
    %get3A_64 = arith.constant 0 : index
    %get3A_65 = arith.constant 0 : index
    %get3A_66 = vector.load %arg10[%get3A_64, %get3A_65] : memref<1x228xf32, #tpu.memory_space<vmem>>, vector<1x228xf32>
    %add3A_67 = vector.broadcast %get3A_66 : vector<1x228xf32> to vector<4096x228xf32>
    %add3A_68 = arith.addf %dot_general3A_63, %add3A_67 : vector<4096x228xf32>
    %get3A_69 = arith.constant 0 : index
    %get3A_70 = arith.constant 0 : index
    %get3A_71 = vector.load %arg11[%get3A_69, %get3A_70] : memref<256x228xf32, #tpu.memory_space<vmem>>, vector<256x228xf32>
    %dot_general3A_72 = arith.constant dense<0.000000e+00> : vector<4096x228xf32>
    %dot_general3A_73 = tpu.matmul %concatenate3A, %get3A_71, %dot_general3A_72 {dimension_numbers = #tpu.dot_dimension_numbers<[1], [0], [0], [1], [0, 0, 1, 1], [], []>, transpose_lhs_hint = false} : vector<4096x256xf32>, vector<256x228xf32>, vector<4096x228xf32> -> vector<4096x228xf32>
    %get3A_74 = arith.constant 0 : index
    %get3A_75 = arith.constant 0 : index
    %get3A_76 = vector.load %arg12[%get3A_74, %get3A_75] : memref<1x228xf32, #tpu.memory_space<vmem>>, vector<1x228xf32>
    %add3A_77 = vector.broadcast %get3A_76 : vector<1x228xf32> to vector<4096x228xf32>
    %add3A_78 = arith.addf %dot_general3A_73, %add3A_77 : vector<4096x228xf32>
    %get3A_79 = arith.constant 0 : index
    %get3A_80 = arith.constant 0 : index
    %get3A_81 = vector.load %arg7[%get3A_79, %get3A_80] : memref<128x228xf32, #tpu.memory_space<vmem>>, vector<128x228xf32>
    %dot_general3A_82 = arith.constant dense<0.000000e+00> : vector<256x228xf32>
    %dot_general3A_83 = tpu.matmul %get3A_1, %get3A_81, %dot_general3A_82 {dimension_numbers = #tpu.dot_dimension_numbers<[1], [0], [0], [1], [0, 0, 1, 1], [], []>, transpose_lhs_hint = false} : vector<256x128xf32>, vector<128x228xf32>, vector<256x228xf32> -> vector<256x228xf32>
    %get3A_84 = arith.constant 0 : index
    %get3A_85 = arith.constant 0 : index
    %get3A_86 = vector.load %arg8[%get3A_84, %get3A_85] : memref<1x228xf32, #tpu.memory_space<vmem>>, vector<1x228xf32>
    %add3A_87 = vector.broadcast %get3A_86 : vector<1x228xf32> to vector<256x228xf32>
    %add3A_88 = arith.addf %dot_general3A_83, %add3A_87 : vector<256x228xf32>
    %reshape3A = vector.shape_cast %add3A_68 : vector<4096x228xf32> to vector<256x16x228xf32>
    %reshape3A_89 = vector.shape_cast %add3A_78 : vector<4096x228xf32> to vector<256x16x228xf32>
    %broadcast_in_dim3A_90 = vector.shape_cast %add3A_88 : vector<256x228xf32> to vector<256x1x228xf32>
    %mul3A_91 = vector.broadcast %broadcast_in_dim3A_90 : vector<256x1x228xf32> to vector<256x16x228xf32>
    %mul3A_92 = arith.mulf %mul3A_91, %reshape3A : vector<256x16x228xf32>
    %iota3A_93 = tpu.iota {dimensions = array<i32: 2>} : vector<1x1x228xi32>
    %lt3A_94 = arith.constant 114 : i32
    %lt3A_95 = vector.broadcast %lt3A_94 : i32 to vector<1x1x228xi32>
    %lt3A_96 = arith.cmpi slt, %iota3A_93, %lt3A_95 : vector<1x1x228xi32>
    %reduce_sum3A = arith.constant dense<0.000000e+00> : vector<256x16xf32>
    %reduce_sum3A_97 = vector.multi_reduction <add>, %mul3A_92, %reduce_sum3A [2] : vector<256x16x228xf32> to vector<256x16xf32>
    %jit3A_98 = arith.constant 0.000000e+00 : f32
    %broadcast_in_dim3A_99 = vector.shape_cast %lt3A_96 : vector<1x1x228xi1> to vector<1x1x228xi1>
    %broadcast_in_dim3A_100 = vector.broadcast %broadcast_in_dim3A_99 : vector<1x1x228xi1> to vector<256x16x228xi1>
    %broadcast_in_dim3A_101 = vector.broadcast %jit3A_98 : f32 to vector<256x16x228xf32>
    %select_n3A_102 = arith.select %broadcast_in_dim3A_100, %mul3A_92, %broadcast_in_dim3A_101 : vector<256x16x228xi1>, vector<256x16x228xf32>
    %reduce_sum3A_103 = arith.constant dense<0.000000e+00> : vector<256x16xf32>
    %reduce_sum3A_104 = vector.multi_reduction <add>, %select_n3A_102, %reduce_sum3A_103 [2] : vector<256x16x228xf32> to vector<256x16xf32>
    %sub3A_105 = arith.subf %reduce_sum3A_97, %reduce_sum3A_104 : vector<256x16xf32>
    %get3A_106 = arith.constant 0 : index
    %get3A_107 = arith.constant 0 : index
    %get3A_108 = vector.load %arg6[%get3A_106, %get3A_107] : memref<256x16xf32, #tpu.memory_space<vmem>>, vector<256x16xf32>
    %gt3A = arith.constant 0.000000e+00 : f32
    %gt3A_109 = vector.broadcast %gt3A : f32 to vector<256x16xf32>
    %gt3A_110 = arith.cmpf ogt, %get3A_108, %gt3A_109 : vector<256x16xf32>
    %mul3A_111 = arith.constant 0.0936585814 : f32
    %mul3A_112 = vector.broadcast %mul3A_111 : f32 to vector<256x16xf32>
    %mul3A_113 = arith.mulf %reduce_sum3A_104, %mul3A_112 : vector<256x16xf32>
    %jit3A_114 = arith.constant -1.000000e+30 : f32
    %broadcast_in_dim3A_115 = vector.broadcast %jit3A_114 : f32 to vector<256x16xf32>
    %select_n3A_116 = arith.select %gt3A_110, %mul3A_113, %broadcast_in_dim3A_115 : vector<256x16xi1>, vector<256x16xf32>
    %mul3A_117 = arith.constant 0.0936585814 : f32
    %mul3A_118 = vector.broadcast %mul3A_117 : f32 to vector<256x16xf32>
    %mul3A_119 = arith.mulf %sub3A_105, %mul3A_118 : vector<256x16xf32>
    %jit3A_120 = arith.constant -1.000000e+30 : f32
    %broadcast_in_dim3A_121 = vector.broadcast %jit3A_120 : f32 to vector<256x16xf32>
    %select_n3A_122 = arith.select %gt3A_110, %mul3A_119, %broadcast_in_dim3A_121 : vector<256x16xi1>, vector<256x16xf32>
    %reduce_max3A = arith.constant dense<0xFF800000> : vector<256xf32>
    %reduce_max3A_123 = vector.multi_reduction <maximumf>, %select_n3A_116, %reduce_max3A [1] : vector<256x16xf32> to vector<256xf32>
    %broadcast_in_dim3A_124 = vector.shape_cast %reduce_max3A_123 : vector<256xf32> to vector<256x1xf32>
    %sub3A_125 = vector.broadcast %broadcast_in_dim3A_124 : vector<256x1xf32> to vector<256x16xf32>
    %sub3A_126 = arith.subf %select_n3A_116, %sub3A_125 : vector<256x16xf32>
    %exp3A = math.exp %sub3A_126 : vector<256x16xf32>
    %reduce_max3A_127 = arith.constant dense<0xFF800000> : vector<256xf32>
    %reduce_max3A_128 = vector.multi_reduction <maximumf>, %select_n3A_122, %reduce_max3A_127 [1] : vector<256x16xf32> to vector<256xf32>
    %broadcast_in_dim3A_129 = vector.shape_cast %reduce_max3A_128 : vector<256xf32> to vector<256x1xf32>
    %sub3A_130 = vector.broadcast %broadcast_in_dim3A_129 : vector<256x1xf32> to vector<256x16xf32>
    %sub3A_131 = arith.subf %select_n3A_122, %sub3A_130 : vector<256x16xf32>
    %exp3A_132 = math.exp %sub3A_131 : vector<256x16xf32>
    %reduce_sum3A_133 = arith.constant dense<0.000000e+00> : vector<256xf32>
    %reduce_sum3A_134 = vector.multi_reduction <add>, %exp3A, %reduce_sum3A_133 [1] : vector<256x16xf32> to vector<256xf32>
    %broadcast_in_dim3A_135 = vector.shape_cast %reduce_sum3A_134 : vector<256xf32> to vector<256x1xf32>
    %div3A = vector.broadcast %broadcast_in_dim3A_135 : vector<256x1xf32> to vector<256x16xf32>
    %div3A_136 = arith.divf %exp3A, %div3A : vector<256x16xf32>
    %reduce_sum3A_137 = arith.constant dense<0.000000e+00> : vector<256xf32>
    %reduce_sum3A_138 = vector.multi_reduction <add>, %exp3A_132, %reduce_sum3A_137 [1] : vector<256x16xf32> to vector<256xf32>
    %broadcast_in_dim3A_139 = vector.shape_cast %reduce_sum3A_138 : vector<256xf32> to vector<256x1xf32>
    %div3A_140 = vector.broadcast %broadcast_in_dim3A_139 : vector<256x1xf32> to vector<256x16xf32>
    %div3A_141 = arith.divf %exp3A_132, %div3A_140 : vector<256x16xf32>
    %broadcast_in_dim3A_142 = vector.shape_cast %div3A_136 : vector<256x16xf32> to vector<256x16x1xf32>
    %broadcast_in_dim3A_143 = vector.shape_cast %div3A_141 : vector<256x16xf32> to vector<256x16x1xf32>
    %broadcast_in_dim3A_144 = vector.shape_cast %lt3A_96 : vector<1x1x228xi1> to vector<1x1x228xi1>
    %broadcast_in_dim3A_145 = vector.broadcast %broadcast_in_dim3A_144 : vector<1x1x228xi1> to vector<256x16x228xi1>
    %broadcast_in_dim3A_146 = vector.shape_cast %broadcast_in_dim3A_142 : vector<256x16x1xf32> to vector<256x16x1xf32>
    %broadcast_in_dim3A_147 = vector.broadcast %broadcast_in_dim3A_146 : vector<256x16x1xf32> to vector<256x16x228xf32>
    %broadcast_in_dim3A_148 = vector.shape_cast %broadcast_in_dim3A_143 : vector<256x16x1xf32> to vector<256x16x1xf32>
    %broadcast_in_dim3A_149 = vector.broadcast %broadcast_in_dim3A_148 : vector<256x16x1xf32> to vector<256x16x228xf32>
    %select_n3A_150 = arith.select %broadcast_in_dim3A_145, %broadcast_in_dim3A_147, %broadcast_in_dim3A_149 : vector<256x16x228xi1>, vector<256x16x228xf32>
    %mul3A_151 = arith.mulf %select_n3A_150, %reshape3A_89 : vector<256x16x228xf32>
    %reduce_sum3A_152 = arith.constant dense<0.000000e+00> : vector<256x228xf32>
    %reduce_sum3A_153 = vector.multi_reduction <add>, %mul3A_151, %reduce_sum3A_152 [1] : vector<256x16x228xf32> to vector<256x228xf32>
    %get3A_154 = arith.constant 0 : index
    %get3A_155 = arith.constant 0 : index
    %get3A_156 = vector.load %arg13[%get3A_154, %get3A_155] : memref<228x228xf32, #tpu.memory_space<vmem>>, vector<228x228xf32>
    %dot_general3A_157 = arith.constant dense<0.000000e+00> : vector<256x228xf32>
    %dot_general3A_158 = tpu.matmul %reduce_sum3A_153, %get3A_156, %dot_general3A_157 {dimension_numbers = #tpu.dot_dimension_numbers<[1], [0], [0], [1], [0, 0, 1, 1], [], []>, transpose_lhs_hint = false} : vector<256x228xf32>, vector<228x228xf32>, vector<256x228xf32> -> vector<256x228xf32>
    %get3A_159 = arith.constant 0 : index
    %get3A_160 = arith.constant 0 : index
    %get3A_161 = vector.load %arg14[%get3A_159, %get3A_160] : memref<228x128xf32, #tpu.memory_space<vmem>>, vector<228x128xf32>
    %dot_general3A_162 = arith.constant dense<0.000000e+00> : vector<256x128xf32>
    %dot_general3A_163 = tpu.matmul %dot_general3A_158, %get3A_161, %dot_general3A_162 {dimension_numbers = #tpu.dot_dimension_numbers<[1], [0], [0], [1], [0, 0, 1, 1], [], []>, transpose_lhs_hint = false} : vector<256x228xf32>, vector<228x128xf32>, vector<256x128xf32> -> vector<256x128xf32>
    %get3A_164 = arith.constant 0 : index
    %get3A_165 = arith.constant 0 : index
    %get3A_166 = vector.load %arg15[%get3A_164, %get3A_165] : memref<128x128xf32, #tpu.memory_space<vmem>>, vector<128x128xf32>
    %dot_general3A_167 = arith.constant dense<0.000000e+00> : vector<256x128xf32>
    %dot_general3A_168 = tpu.matmul %get3A_1, %get3A_166, %dot_general3A_167 {dimension_numbers = #tpu.dot_dimension_numbers<[1], [0], [0], [1], [0, 0, 1, 1], [], []>, transpose_lhs_hint = false} : vector<256x128xf32>, vector<128x128xf32>, vector<256x128xf32> -> vector<256x128xf32>
    %add3A_169 = arith.addf %dot_general3A_163, %dot_general3A_168 : vector<256x128xf32>
    %get3A_170 = arith.constant 0 : index
    %get3A_171 = arith.constant 0 : index
    %get3A_172 = vector.load %arg16[%get3A_170, %get3A_171] : memref<1x128xf32, #tpu.memory_space<vmem>>, vector<1x128xf32>
    %add3A_173 = vector.broadcast %get3A_172 : vector<1x128xf32> to vector<256x128xf32>
    %add3A_174 = arith.addf %add3A_169, %add3A_173 : vector<256x128xf32>
    %max3A = arith.constant 0.000000e+00 : f32
    %max3A_175 = vector.broadcast %max3A : f32 to vector<256x128xf32>
    %max3A_176 = arith.maximumf %add3A_174, %max3A_175 : vector<256x128xf32>
    %get3A_177 = arith.constant 0 : index
    %get3A_178 = arith.constant 0 : index
    %get3A_179 = vector.load %arg17[%get3A_177, %get3A_178] : memref<128x128xf32, #tpu.memory_space<vmem>>, vector<128x128xf32>
    %dot_general3A_180 = arith.constant dense<0.000000e+00> : vector<256x128xf32>
    %dot_general3A_181 = tpu.matmul %max3A_176, %get3A_179, %dot_general3A_180 {dimension_numbers = #tpu.dot_dimension_numbers<[1], [0], [0], [1], [0, 0, 1, 1], [], []>, transpose_lhs_hint = false} : vector<256x128xf32>, vector<128x128xf32>, vector<256x128xf32> -> vector<256x128xf32>
    %get3A_182 = arith.constant 0 : index
    %get3A_183 = arith.constant 0 : index
    %get3A_184 = vector.load %arg18[%get3A_182, %get3A_183] : memref<1x128xf32, #tpu.memory_space<vmem>>, vector<1x128xf32>
    %add3A_185 = vector.broadcast %get3A_184 : vector<1x128xf32> to vector<256x128xf32>
    %add3A_186 = arith.addf %dot_general3A_181, %add3A_185 : vector<256x128xf32>
    %swap3A = arith.constant 0 : index
    %swap3A_187 = arith.constant 0 : index
    %swap3A_188 = vector.load %arg21[%swap3A, %swap3A_187] : memref<256x128xf32, #tpu.memory_space<vmem>>, vector<256x128xf32>
    tpu.vector_store %arg21[%swap3A, %swap3A_187], %add3A_186 {strides = array<i32>} : memref<256x128xf32, #tpu.memory_space<vmem>>, vector<256x128xf32>,
    return
  }
  func.func @transform_0(%arg0: i32) -> (i32, i32) {
    %c0_i32 = arith.constant 0 : i32
    %c0_i32_0 = arith.constant 0 : i32
    %c0_i32_1 = arith.constant 0 : i32
    return %c0_i32, %c0_i32_0 : i32, i32
  }
  func.func @transform_1(%arg0: i32) -> (i32, i32) {
    %c0_i32 = arith.constant 0 : i32
    %c0_i32_0 = arith.constant 0 : i32
    return %arg0, %c0_i32 : i32, i32
  }
  func.func @transform_2(%arg0: i32) -> (i32, i32) {
    %c0_i32 = arith.constant 0 : i32
    %c0_i32_0 = arith.constant 0 : i32
    return %arg0, %c0_i32 : i32, i32
  }
  func.func @transform_3(%arg0: i32) -> (i32, i32) {
    %c0_i32 = arith.constant 0 : i32
    %c0_i32_0 = arith.constant 0 : i32
    return %arg0, %c0_i32 : i32, i32
  }
  func.func @transform_4(%arg0: i32) -> (i32, i32) {
    %c0_i32 = arith.constant 0 : i32
    %c0_i32_0 = arith.constant 0 : i32
    return %arg0, %c0_i32 : i32, i32
  }
  func.func @transform_5(%arg0: i32) -> (i32, i32) {
    %c0_i32 = arith.constant 0 : i32
    %c0_i32_0 = arith.constant 0 : i32
    return %arg0, %c0_i32 : i32, i32
  }
  func.func @transform_6(%arg0: i32) -> (i32, i32) {
    %c0_i32 = arith.constant 0 : i32
    %c0_i32_0 = arith.constant 0 : i32
    %c0_i32_1 = arith.constant 0 : i32
    return %c0_i32, %c0_i32_0 : i32, i32
  }
  func.func @transform_7(%arg0: i32) -> (i32, i32) {
    %c0_i32 = arith.constant 0 : i32
    %c0_i32_0 = arith.constant 0 : i32
    %c0_i32_1 = arith.constant 0 : i32
    return %c0_i32, %c0_i32_0 : i32, i32
  }
  func.func @transform_8(%arg0: i32) -> (i32, i32) {
    %c0_i32 = arith.constant 0 : i32
    %c0_i32_0 = arith.constant 0 : i32
    %c0_i32_1 = arith.constant 0 : i32
    return %c0_i32, %c0_i32_0 : i32, i32
  }
  func.func @transform_9(%arg0: i32) -> (i32, i32) {
    %c0_i32 = arith.constant 0 : i32
    %c0_i32_0 = arith.constant 0 : i32
    %c0_i32_1 = arith.constant 0 : i32
    return %c0_i32, %c0_i32_0 : i32, i32
  }
  func.func @transform_10(%arg0: i32) -> (i32, i32) {
    %c0_i32 = arith.constant 0 : i32
    %c0_i32_0 = arith.constant 0 : i32
    %c0_i32_1 = arith.constant 0 : i32
    return %c0_i32, %c0_i32_0 : i32, i32
  }
  func.func @transform_11(%arg0: i32) -> (i32, i32) {
    %c0_i32 = arith.constant 0 : i32
    %c0_i32_0 = arith.constant 0 : i32
    %c0_i32_1 = arith.constant 0 : i32
    return %c0_i32, %c0_i32_0 : i32, i32
  }
  func.func @transform_12(%arg0: i32) -> (i32, i32) {
    %c0_i32 = arith.constant 0 : i32
    %c0_i32_0 = arith.constant 0 : i32
    %c0_i32_1 = arith.constant 0 : i32
    return %c0_i32, %c0_i32_0 : i32, i32
  }
  func.func @transform_13(%arg0: i32) -> (i32, i32) {
    %c0_i32 = arith.constant 0 : i32
    %c0_i32_0 = arith.constant 0 : i32
    %c0_i32_1 = arith.constant 0 : i32
    return %c0_i32, %c0_i32_0 : i32, i32
  }
  func.func @transform_14(%arg0: i32) -> (i32, i32) {
    %c0_i32 = arith.constant 0 : i32
    %c0_i32_0 = arith.constant 0 : i32
    %c0_i32_1 = arith.constant 0 : i32
    return %c0_i32, %c0_i32_0 : i32, i32
  }
  func.func @transform_15(%arg0: i32) -> (i32, i32) {
    %c0_i32 = arith.constant 0 : i32
    %c0_i32_0 = arith.constant 0 : i32
    %c0_i32_1 = arith.constant 0 : i32
    return %c0_i32, %c0_i32_0 : i32, i32
  }
  func.func @transform_16(%arg0: i32) -> (i32, i32) {
    %c0_i32 = arith.constant 0 : i32
    %c0_i32_0 = arith.constant 0 : i32
    %c0_i32_1 = arith.constant 0 : i32
    return %c0_i32, %c0_i32_0 : i32, i32
  }
  func.func @transform_17(%arg0: i32) -> (i32, i32) {
    %c0_i32 = arith.constant 0 : i32
    %c0_i32_0 = arith.constant 0 : i32
    %c0_i32_1 = arith.constant 0 : i32
    return %c0_i32, %c0_i32_0 : i32, i32
  }
  func.func @transform_18(%arg0: i32) -> (i32, i32) {
    %c0_i32 = arith.constant 0 : i32
    %c0_i32_0 = arith.constant 0 : i32
    %c0_i32_1 = arith.constant 0 : i32
    return %c0_i32, %c0_i32_0 : i32, i32
  }
  func.func @transform_19(%arg0: i32) -> (i32, i32) {
    %c0_i32 = arith.constant 0 : i32
    %c0_i32_0 = arith.constant 0 : i32
    %c0_i32_1 = arith.constant 0 : i32
    return %c0_i32, %c0_i32_0 : i32, i32
  }
  func.func @transform_20(%arg0: i32) -> (i32, i32) {
    %add3A = arith.constant 64 : i32
    %add3A_0 = arith.addi %arg0, %add3A : i32
    %c0_i32 = arith.constant 0 : i32
    %c0_i32_1 = arith.constant 0 : i32
    return %add3A_0, %c0_i32 : i32, i32
  }
}

module attributes {stable_mosaic.version = 14 : i64} {
  func.func @_layer_block(%arg0: i32, %arg1: memref<8x128xf32, #tpu.memory_space<vmem>>, %arg2: memref<256x128xf32, #tpu.memory_space<vmem>>, %arg3: memref<4096x128xf32, #tpu.memory_space<vmem>>, %arg4: memref<4096x16xf32, #tpu.memory_space<vmem>>, %arg5: memref<4096x1xf32, #tpu.memory_space<vmem>>, %arg6: memref<256x16xf32, #tpu.memory_space<vmem>>, %arg7: memref<4096x128xf32, #tpu.memory_space<vmem>>, %arg8: memref<4096x1xf32, #tpu.memory_space<vmem>>, %arg9: memref<4096x1xf32, #tpu.memory_space<vmem>>, %arg10: memref<128x228xf32, #tpu.memory_space<vmem>>, %arg11: memref<1x228xf32, #tpu.memory_space<vmem>>, %arg12: memref<256x228xf32, #tpu.memory_space<vmem>>, %arg13: memref<1x228xf32, #tpu.memory_space<vmem>>, %arg14: memref<256x228xf32, #tpu.memory_space<vmem>>, %arg15: memref<1x228xf32, #tpu.memory_space<vmem>>, %arg16: memref<228x228xf32, #tpu.memory_space<vmem>>, %arg17: memref<228x128xf32, #tpu.memory_space<vmem>>, %arg18: memref<128x128xf32, #tpu.memory_space<vmem>>, %arg19: memref<1x128xf32, #tpu.memory_space<vmem>>, %arg20: memref<128x128xf32, #tpu.memory_space<vmem>>, %arg21: memref<1x128xf32, #tpu.memory_space<vmem>>, %arg22: memref<1x128xf32, #tpu.memory_space<vmem>>, %arg23: memref<1x128xf32, #tpu.memory_space<vmem>>, %arg24: memref<256x128xf32, #tpu.memory_space<vmem>>) attributes {dimension_semantics = [#tpu.dimension_semantics<arbitrary>], iteration_bounds = array<i64: 8>, scalar_prefetch = 0 : i64, scratch_operands = 0 : i64, tpu.core_type = #tpu.core_type<tc>, window_params = [{transform_indices = @transform_0, window_bounds = array<i64: 8, 128>}, {transform_indices = @transform_1, window_bounds = array<i64: 256, 128>}, {transform_indices = @transform_2, window_bounds = array<i64: 4096, 128>}, {transform_indices = @transform_3, window_bounds = array<i64: 4096, 16>}, {transform_indices = @transform_4, window_bounds = array<i64: 4096, 1>}, {transform_indices = @transform_5, window_bounds = array<i64: 256, 16>}, {transform_indices = @transform_6, window_bounds = array<i64: 4096, 128>}, {transform_indices = @transform_7, window_bounds = array<i64: 4096, 1>}, {transform_indices = @transform_8, window_bounds = array<i64: 4096, 1>}, {pipeline_mode = #tpu.pipeline_mode<synchronous>, transform_indices = @transform_9, window_bounds = array<i64: 128, 228>}, {pipeline_mode = #tpu.pipeline_mode<synchronous>, transform_indices = @transform_10, window_bounds = array<i64: 1, 228>}, {pipeline_mode = #tpu.pipeline_mode<synchronous>, transform_indices = @transform_11, window_bounds = array<i64: 256, 228>}, {pipeline_mode = #tpu.pipeline_mode<synchronous>, transform_indices = @transform_12, window_bounds = array<i64: 1, 228>}, {pipeline_mode = #tpu.pipeline_mode<synchronous>, transform_indices = @transform_13, window_bounds = array<i64: 256, 228>}, {pipeline_mode = #tpu.pipeline_mode<synchronous>, transform_indices = @transform_14, window_bounds = array<i64: 1, 228>}, {pipeline_mode = #tpu.pipeline_mode<synchronous>, transform_indices = @transform_15, window_bounds = array<i64: 228, 228>}, {pipeline_mode = #tpu.pipeline_mode<synchronous>, transform_indices = @transform_16, window_bounds = array<i64: 228, 128>}, {pipeline_mode = #tpu.pipeline_mode<synchronous>, transform_indices = @transform_17, window_bounds = array<i64: 128, 128>}, {pipeline_mode = #tpu.pipeline_mode<synchronous>, transform_indices = @transform_18, window_bounds = array<i64: 1, 128>}, {pipeline_mode = #tpu.pipeline_mode<synchronous>, transform_indices = @transform_19, window_bounds = array<i64: 128, 128>}, {pipeline_mode = #tpu.pipeline_mode<synchronous>, transform_indices = @transform_20, window_bounds = array<i64: 1, 128>}, {pipeline_mode = #tpu.pipeline_mode<synchronous>, transform_indices = @transform_21, window_bounds = array<i64: 1, 128>}, {pipeline_mode = #tpu.pipeline_mode<synchronous>, transform_indices = @transform_22, window_bounds = array<i64: 1, 128>}, {transform_indices = @transform_23, window_bounds = array<i64: 256, 128>}]} {
    %get3A = arith.constant 0 : index
    %get3A_0 = arith.constant 0 : index
    %get3A_1 = vector.load %arg2[%get3A, %get3A_0] : memref<256x128xf32, #tpu.memory_space<vmem>>, vector<256x128xf32>
    %get3A_2 = arith.constant 0 : index
    %get3A_3 = arith.constant 0 : index
    %get3A_4 = vector.load %arg3[%get3A_2, %get3A_3] : memref<4096x128xf32, #tpu.memory_space<vmem>>, vector<4096x128xf32>
    %get3A_5 = arith.constant 0 : index
    %get3A_6 = arith.constant 0 : index
    %get3A_7 = vector.load %arg8[%get3A_5, %get3A_6] : memref<4096x1xf32, #tpu.memory_space<vmem>>, vector<4096x1xf32>
    %get3A_8 = arith.constant 0 : index
    %get3A_9 = arith.constant 0 : index
    %get3A_10 = vector.load %arg7[%get3A_8, %get3A_9] : memref<4096x128xf32, #tpu.memory_space<vmem>>, vector<4096x128xf32>
    %mul3A = vector.broadcast %get3A_7 : vector<4096x1xf32> to vector<4096x128xf32>
    %mul3A_11 = arith.mulf %mul3A, %get3A_10 : vector<4096x128xf32>
    %get3A_12 = arith.constant 0 : index
    %get3A_13 = arith.constant 0 : index
    %get3A_14 = vector.load %arg9[%get3A_12, %get3A_13] : memref<4096x1xf32, #tpu.memory_space<vmem>>, vector<4096x1xf32>
    %mul3A_15 = vector.broadcast %get3A_14 : vector<4096x1xf32> to vector<4096x128xf32>
    %mul3A_16 = arith.mulf %mul3A_15, %get3A_4 : vector<4096x128xf32>
    %add3A = arith.addf %mul3A_11, %mul3A_16 : vector<4096x128xf32>
    %get3A_17 = arith.constant 0 : index
    %get3A_18 = arith.constant 0 : index
    %get3A_19 = vector.load %arg5[%get3A_17, %get3A_18] : memref<4096x1xf32, #tpu.memory_space<vmem>>, vector<4096x1xf32>
    %get3A_20 = arith.constant 0 : index
    %get3A_21 = arith.constant 0 : index
    %get3A_22 = vector.load %arg22[%get3A_20, %get3A_21] : memref<1x128xf32, #tpu.memory_space<vmem>>, vector<1x128xf32>
    %mul3A_23 = vector.broadcast %get3A_19 : vector<4096x1xf32> to vector<4096x128xf32>
    %mul3A_24 = vector.broadcast %get3A_22 : vector<1x128xf32> to vector<4096x128xf32>
    %mul3A_25 = arith.mulf %mul3A_23, %mul3A_24 : vector<4096x128xf32>
    %get3A_26 = arith.constant 0 : index
    %get3A_27 = arith.constant 0 : index
    %get3A_28 = vector.load %arg23[%get3A_26, %get3A_27] : memref<1x128xf32, #tpu.memory_space<vmem>>, vector<1x128xf32>
    %add3A_29 = vector.broadcast %get3A_28 : vector<1x128xf32> to vector<4096x128xf32>
    %add3A_30 = arith.addf %mul3A_25, %add3A_29 : vector<4096x128xf32>
    %mul3A_31 = arith.constant 0.159154937 : f32
    %mul3A_32 = vector.broadcast %mul3A_31 : f32 to vector<4096x128xf32>
    %mul3A_33 = arith.mulf %add3A_30, %mul3A_32 : vector<4096x128xf32>
    %add3A_34 = arith.constant 0x4B400000 : f32
    %add3A_35 = vector.broadcast %add3A_34 : f32 to vector<4096x128xf32>
    %add3A_36 = arith.addf %mul3A_33, %add3A_35 : vector<4096x128xf32>
    %sub3A = arith.constant 0x4B400000 : f32
    %sub3A_37 = vector.broadcast %sub3A : f32 to vector<4096x128xf32>
    %sub3A_38 = arith.subf %add3A_36, %sub3A_37 : vector<4096x128xf32>
    %sub3A_39 = arith.subf %mul3A_33, %sub3A_38 : vector<4096x128xf32>
    %mul3A_40 = arith.mulf %sub3A_39, %sub3A_39 : vector<4096x128xf32>
    %mul3A_41 = arith.constant 6.52770615 : f32
    %mul3A_42 = vector.broadcast %mul3A_41 : f32 to vector<4096x128xf32>
    %mul3A_43 = arith.mulf %mul3A_42, %mul3A_40 : vector<4096x128xf32>
    %add3A_44 = arith.constant -25.9668846 : f32
    %add3A_45 = vector.broadcast %add3A_44 : f32 to vector<4096x128xf32>
    %add3A_46 = arith.addf %mul3A_43, %add3A_45 : vector<4096x128xf32>
    %mul3A_47 = arith.mulf %add3A_46, %mul3A_40 : vector<4096x128xf32>
    %add3A_48 = arith.constant 60.1674309 : f32
    %add3A_49 = vector.broadcast %add3A_48 : f32 to vector<4096x128xf32>
    %add3A_50 = arith.addf %mul3A_47, %add3A_49 : vector<4096x128xf32>
    %mul3A_51 = arith.mulf %add3A_50, %mul3A_40 : vector<4096x128xf32>
    %add3A_52 = arith.constant -85.4501114 : f32
    %add3A_53 = vector.broadcast %add3A_52 : f32 to vector<4096x128xf32>
    %add3A_54 = arith.addf %mul3A_51, %add3A_53 : vector<4096x128xf32>
    %mul3A_55 = arith.mulf %add3A_54, %mul3A_40 : vector<4096x128xf32>
    %add3A_56 = arith.constant 64.9391174 : f32
    %add3A_57 = vector.broadcast %add3A_56 : f32 to vector<4096x128xf32>
    %add3A_58 = arith.addf %mul3A_55, %add3A_57 : vector<4096x128xf32>
    %mul3A_59 = arith.mulf %add3A_58, %mul3A_40 : vector<4096x128xf32>
    %add3A_60 = arith.constant -19.7392044 : f32
    %add3A_61 = vector.broadcast %add3A_60 : f32 to vector<4096x128xf32>
    %add3A_62 = arith.addf %mul3A_59, %add3A_61 : vector<4096x128xf32>
    %mul3A_63 = arith.mulf %add3A_62, %mul3A_40 : vector<4096x128xf32>
    %add3A_64 = arith.constant 1.000000e+00 : f32
    %add3A_65 = vector.broadcast %add3A_64 : f32 to vector<4096x128xf32>
    %add3A_66 = arith.addf %mul3A_63, %add3A_65 : vector<4096x128xf32>
    %iota3A = tpu.iota {dimensions = array<i32: 1>} : vector<1x128xi32>
    %get3A_67 = arith.constant 0 : index
    %get3A_68 = arith.constant 0 : index
    %get3A_69 = vector.load %arg4[%get3A_67, %get3A_68] : memref<4096x16xf32, #tpu.memory_space<vmem>>, vector<4096x16xf32>
    %jit3A = arith.constant 0 : i32
    %convert_element_type3A = arith.sitofp %jit3A : i32 to f32
    %pad3A = vector.broadcast %convert_element_type3A : f32 to vector<4096x112xf32>
    %pad3A_70 = tpu.concatenate %get3A_69, %pad3A in 1 : vector<4096x16xf32>, vector<4096x112xf32> -> vector<4096x128xf32>
    %lt3A = arith.constant 16 : i32
    %lt3A_71 = vector.broadcast %lt3A : i32 to vector<1x128xi32>
    %lt3A_72 = arith.cmpi slt, %iota3A, %lt3A_71 : vector<1x128xi32>
    %broadcast_in_dim3A = vector.shape_cast %lt3A_72 : vector<1x128xi1> to vector<1x128xi1>
    %broadcast_in_dim3A_73 = vector.broadcast %broadcast_in_dim3A : vector<1x128xi1> to vector<4096x128xi1>
    %select_n3A = arith.select %broadcast_in_dim3A_73, %pad3A_70, %add3A_66 : vector<4096x128xi1>, vector<4096x128xf32>
    %concatenate3A = tpu.concatenate %add3A, %select_n3A in 1 : vector<4096x128xf32>, vector<4096x128xf32> -> vector<4096x256xf32>
    %get3A_74 = arith.constant 0 : index
    %get3A_75 = arith.constant 0 : index
    %get3A_76 = vector.load %arg12[%get3A_74, %get3A_75] : memref<256x228xf32, #tpu.memory_space<vmem>>, vector<256x228xf32>
    %dot_general3A = arith.constant dense<0.000000e+00> : vector<4096x228xf32>
    %dot_general3A_77 = tpu.matmul %concatenate3A, %get3A_76, %dot_general3A {dimension_numbers = #tpu.dot_dimension_numbers<[1], [0], [0], [1], [0, 0, 1, 1], [], []>, transpose_lhs_hint = false} : vector<4096x256xf32>, vector<256x228xf32>, vector<4096x228xf32> -> vector<4096x228xf32>
    %get3A_78 = arith.constant 0 : index
    %get3A_79 = arith.constant 0 : index
    %get3A_80 = vector.load %arg13[%get3A_78, %get3A_79] : memref<1x228xf32, #tpu.memory_space<vmem>>, vector<1x228xf32>
    %add3A_81 = vector.broadcast %get3A_80 : vector<1x228xf32> to vector<4096x228xf32>
    %add3A_82 = arith.addf %dot_general3A_77, %add3A_81 : vector<4096x228xf32>
    %get3A_83 = arith.constant 0 : index
    %get3A_84 = arith.constant 0 : index
    %get3A_85 = vector.load %arg14[%get3A_83, %get3A_84] : memref<256x228xf32, #tpu.memory_space<vmem>>, vector<256x228xf32>
    %dot_general3A_86 = arith.constant dense<0.000000e+00> : vector<4096x228xf32>
    %dot_general3A_87 = tpu.matmul %concatenate3A, %get3A_85, %dot_general3A_86 {dimension_numbers = #tpu.dot_dimension_numbers<[1], [0], [0], [1], [0, 0, 1, 1], [], []>, transpose_lhs_hint = false} : vector<4096x256xf32>, vector<256x228xf32>, vector<4096x228xf32> -> vector<4096x228xf32>
    %get3A_88 = arith.constant 0 : index
    %get3A_89 = arith.constant 0 : index
    %get3A_90 = vector.load %arg15[%get3A_88, %get3A_89] : memref<1x228xf32, #tpu.memory_space<vmem>>, vector<1x228xf32>
    %add3A_91 = vector.broadcast %get3A_90 : vector<1x228xf32> to vector<4096x228xf32>
    %add3A_92 = arith.addf %dot_general3A_87, %add3A_91 : vector<4096x228xf32>
    %get3A_93 = arith.constant 0 : index
    %get3A_94 = arith.constant 0 : index
    %get3A_95 = vector.load %arg10[%get3A_93, %get3A_94] : memref<128x228xf32, #tpu.memory_space<vmem>>, vector<128x228xf32>
    %dot_general3A_96 = arith.constant dense<0.000000e+00> : vector<256x228xf32>
    %dot_general3A_97 = tpu.matmul %get3A_1, %get3A_95, %dot_general3A_96 {dimension_numbers = #tpu.dot_dimension_numbers<[1], [0], [0], [1], [0, 0, 1, 1], [], []>, transpose_lhs_hint = false} : vector<256x128xf32>, vector<128x228xf32>, vector<256x228xf32> -> vector<256x228xf32>
    %get3A_98 = arith.constant 0 : index
    %get3A_99 = arith.constant 0 : index
    %get3A_100 = vector.load %arg11[%get3A_98, %get3A_99] : memref<1x228xf32, #tpu.memory_space<vmem>>, vector<1x228xf32>
    %add3A_101 = vector.broadcast %get3A_100 : vector<1x228xf32> to vector<256x228xf32>
    %add3A_102 = arith.addf %dot_general3A_97, %add3A_101 : vector<256x228xf32>
    %reshape3A = vector.shape_cast %add3A_82 : vector<4096x228xf32> to vector<256x16x228xf32>
    %reshape3A_103 = vector.shape_cast %add3A_92 : vector<4096x228xf32> to vector<256x16x228xf32>
    %broadcast_in_dim3A_104 = vector.shape_cast %add3A_102 : vector<256x228xf32> to vector<256x1x228xf32>
    %mul3A_105 = vector.broadcast %broadcast_in_dim3A_104 : vector<256x1x228xf32> to vector<256x16x228xf32>
    %mul3A_106 = arith.mulf %mul3A_105, %reshape3A : vector<256x16x228xf32>
    %iota3A_107 = tpu.iota {dimensions = array<i32: 2>} : vector<1x1x228xi32>
    %lt3A_108 = arith.constant 114 : i32
    %lt3A_109 = vector.broadcast %lt3A_108 : i32 to vector<1x1x228xi32>
    %lt3A_110 = arith.cmpi slt, %iota3A_107, %lt3A_109 : vector<1x1x228xi32>
    %reduce_sum3A = arith.constant dense<0.000000e+00> : vector<256x16xf32>
    %reduce_sum3A_111 = vector.multi_reduction <add>, %mul3A_106, %reduce_sum3A [2] : vector<256x16x228xf32> to vector<256x16xf32>
    %jit3A_112 = arith.constant 0.000000e+00 : f32
    %broadcast_in_dim3A_113 = vector.shape_cast %lt3A_110 : vector<1x1x228xi1> to vector<1x1x228xi1>
    %broadcast_in_dim3A_114 = vector.broadcast %broadcast_in_dim3A_113 : vector<1x1x228xi1> to vector<256x16x228xi1>
    %broadcast_in_dim3A_115 = vector.broadcast %jit3A_112 : f32 to vector<256x16x228xf32>
    %select_n3A_116 = arith.select %broadcast_in_dim3A_114, %mul3A_106, %broadcast_in_dim3A_115 : vector<256x16x228xi1>, vector<256x16x228xf32>
    %reduce_sum3A_117 = arith.constant dense<0.000000e+00> : vector<256x16xf32>
    %reduce_sum3A_118 = vector.multi_reduction <add>, %select_n3A_116, %reduce_sum3A_117 [2] : vector<256x16x228xf32> to vector<256x16xf32>
    %sub3A_119 = arith.subf %reduce_sum3A_111, %reduce_sum3A_118 : vector<256x16xf32>
    %get3A_120 = arith.constant 0 : index
    %get3A_121 = arith.constant 0 : index
    %get3A_122 = vector.load %arg6[%get3A_120, %get3A_121] : memref<256x16xf32, #tpu.memory_space<vmem>>, vector<256x16xf32>
    %gt3A = arith.constant 0.000000e+00 : f32
    %gt3A_123 = vector.broadcast %gt3A : f32 to vector<256x16xf32>
    %gt3A_124 = arith.cmpf ogt, %get3A_122, %gt3A_123 : vector<256x16xf32>
    %mul3A_125 = arith.constant 0.0936585814 : f32
    %mul3A_126 = vector.broadcast %mul3A_125 : f32 to vector<256x16xf32>
    %mul3A_127 = arith.mulf %reduce_sum3A_118, %mul3A_126 : vector<256x16xf32>
    %jit3A_128 = arith.constant -1.000000e+30 : f32
    %broadcast_in_dim3A_129 = vector.broadcast %jit3A_128 : f32 to vector<256x16xf32>
    %select_n3A_130 = arith.select %gt3A_124, %mul3A_127, %broadcast_in_dim3A_129 : vector<256x16xi1>, vector<256x16xf32>
    %mul3A_131 = arith.constant 0.0936585814 : f32
    %mul3A_132 = vector.broadcast %mul3A_131 : f32 to vector<256x16xf32>
    %mul3A_133 = arith.mulf %sub3A_119, %mul3A_132 : vector<256x16xf32>
    %jit3A_134 = arith.constant -1.000000e+30 : f32
    %broadcast_in_dim3A_135 = vector.broadcast %jit3A_134 : f32 to vector<256x16xf32>
    %select_n3A_136 = arith.select %gt3A_124, %mul3A_133, %broadcast_in_dim3A_135 : vector<256x16xi1>, vector<256x16xf32>
    %reduce_max3A = arith.constant dense<0xFF800000> : vector<256xf32>
    %reduce_max3A_137 = vector.multi_reduction <maximumf>, %select_n3A_130, %reduce_max3A [1] : vector<256x16xf32> to vector<256xf32>
    %broadcast_in_dim3A_138 = vector.shape_cast %reduce_max3A_137 : vector<256xf32> to vector<256x1xf32>
    %sub3A_139 = vector.broadcast %broadcast_in_dim3A_138 : vector<256x1xf32> to vector<256x16xf32>
    %sub3A_140 = arith.subf %select_n3A_130, %sub3A_139 : vector<256x16xf32>
    %exp3A = math.exp %sub3A_140 : vector<256x16xf32>
    %reduce_max3A_141 = arith.constant dense<0xFF800000> : vector<256xf32>
    %reduce_max3A_142 = vector.multi_reduction <maximumf>, %select_n3A_136, %reduce_max3A_141 [1] : vector<256x16xf32> to vector<256xf32>
    %broadcast_in_dim3A_143 = vector.shape_cast %reduce_max3A_142 : vector<256xf32> to vector<256x1xf32>
    %sub3A_144 = vector.broadcast %broadcast_in_dim3A_143 : vector<256x1xf32> to vector<256x16xf32>
    %sub3A_145 = arith.subf %select_n3A_136, %sub3A_144 : vector<256x16xf32>
    %exp3A_146 = math.exp %sub3A_145 : vector<256x16xf32>
    %reduce_sum3A_147 = arith.constant dense<0.000000e+00> : vector<256xf32>
    %reduce_sum3A_148 = vector.multi_reduction <add>, %exp3A, %reduce_sum3A_147 [1] : vector<256x16xf32> to vector<256xf32>
    %broadcast_in_dim3A_149 = vector.shape_cast %reduce_sum3A_148 : vector<256xf32> to vector<256x1xf32>
    %div3A = vector.broadcast %broadcast_in_dim3A_149 : vector<256x1xf32> to vector<256x16xf32>
    %div3A_150 = arith.divf %exp3A, %div3A : vector<256x16xf32>
    %reduce_sum3A_151 = arith.constant dense<0.000000e+00> : vector<256xf32>
    %reduce_sum3A_152 = vector.multi_reduction <add>, %exp3A_146, %reduce_sum3A_151 [1] : vector<256x16xf32> to vector<256xf32>
    %broadcast_in_dim3A_153 = vector.shape_cast %reduce_sum3A_152 : vector<256xf32> to vector<256x1xf32>
    %div3A_154 = vector.broadcast %broadcast_in_dim3A_153 : vector<256x1xf32> to vector<256x16xf32>
    %div3A_155 = arith.divf %exp3A_146, %div3A_154 : vector<256x16xf32>
    %broadcast_in_dim3A_156 = vector.shape_cast %div3A_150 : vector<256x16xf32> to vector<256x16x1xf32>
    %broadcast_in_dim3A_157 = vector.shape_cast %div3A_155 : vector<256x16xf32> to vector<256x16x1xf32>
    %broadcast_in_dim3A_158 = vector.shape_cast %lt3A_110 : vector<1x1x228xi1> to vector<1x1x228xi1>
    %broadcast_in_dim3A_159 = vector.broadcast %broadcast_in_dim3A_158 : vector<1x1x228xi1> to vector<256x16x228xi1>
    %broadcast_in_dim3A_160 = vector.shape_cast %broadcast_in_dim3A_156 : vector<256x16x1xf32> to vector<256x16x1xf32>
    %broadcast_in_dim3A_161 = vector.broadcast %broadcast_in_dim3A_160 : vector<256x16x1xf32> to vector<256x16x228xf32>
    %broadcast_in_dim3A_162 = vector.shape_cast %broadcast_in_dim3A_157 : vector<256x16x1xf32> to vector<256x16x1xf32>
    %broadcast_in_dim3A_163 = vector.broadcast %broadcast_in_dim3A_162 : vector<256x16x1xf32> to vector<256x16x228xf32>
    %select_n3A_164 = arith.select %broadcast_in_dim3A_159, %broadcast_in_dim3A_161, %broadcast_in_dim3A_163 : vector<256x16x228xi1>, vector<256x16x228xf32>
    %mul3A_165 = arith.mulf %select_n3A_164, %reshape3A_103 : vector<256x16x228xf32>
    %reduce_sum3A_166 = arith.constant dense<0.000000e+00> : vector<256x228xf32>
    %reduce_sum3A_167 = vector.multi_reduction <add>, %mul3A_165, %reduce_sum3A_166 [1] : vector<256x16x228xf32> to vector<256x228xf32>
    %get3A_168 = arith.constant 0 : index
    %get3A_169 = arith.constant 0 : index
    %get3A_170 = vector.load %arg16[%get3A_168, %get3A_169] : memref<228x228xf32, #tpu.memory_space<vmem>>, vector<228x228xf32>
    %dot_general3A_171 = arith.constant dense<0.000000e+00> : vector<256x228xf32>
    %dot_general3A_172 = tpu.matmul %reduce_sum3A_167, %get3A_170, %dot_general3A_171 {dimension_numbers = #tpu.dot_dimension_numbers<[1], [0], [0], [1], [0, 0, 1, 1], [], []>, transpose_lhs_hint = false} : vector<256x228xf32>, vector<228x228xf32>, vector<256x228xf32> -> vector<256x228xf32>
    %get3A_173 = arith.constant 0 : index
    %get3A_174 = arith.constant 0 : index
    %get3A_175 = vector.load %arg17[%get3A_173, %get3A_174] : memref<228x128xf32, #tpu.memory_space<vmem>>, vector<228x128xf32>
    %dot_general3A_176 = arith.constant dense<0.000000e+00> : vector<256x128xf32>
    %dot_general3A_177 = tpu.matmul %dot_general3A_172, %get3A_175, %dot_general3A_176 {dimension_numbers = #tpu.dot_dimension_numbers<[1], [0], [0], [1], [0, 0, 1, 1], [], []>, transpose_lhs_hint = false} : vector<256x228xf32>, vector<228x128xf32>, vector<256x128xf32> -> vector<256x128xf32>
    %get3A_178 = arith.constant 0 : index
    %get3A_179 = arith.constant 0 : index
    %get3A_180 = vector.load %arg18[%get3A_178, %get3A_179] : memref<128x128xf32, #tpu.memory_space<vmem>>, vector<128x128xf32>
    %dot_general3A_181 = arith.constant dense<0.000000e+00> : vector<256x128xf32>
    %dot_general3A_182 = tpu.matmul %get3A_1, %get3A_180, %dot_general3A_181 {dimension_numbers = #tpu.dot_dimension_numbers<[1], [0], [0], [1], [0, 0, 1, 1], [], []>, transpose_lhs_hint = false} : vector<256x128xf32>, vector<128x128xf32>, vector<256x128xf32> -> vector<256x128xf32>
    %add3A_183 = arith.addf %dot_general3A_177, %dot_general3A_182 : vector<256x128xf32>
    %get3A_184 = arith.constant 0 : index
    %get3A_185 = arith.constant 0 : index
    %get3A_186 = vector.load %arg19[%get3A_184, %get3A_185] : memref<1x128xf32, #tpu.memory_space<vmem>>, vector<1x128xf32>
    %add3A_187 = vector.broadcast %get3A_186 : vector<1x128xf32> to vector<256x128xf32>
    %add3A_188 = arith.addf %add3A_183, %add3A_187 : vector<256x128xf32>
    %max3A = arith.constant 0.000000e+00 : f32
    %max3A_189 = vector.broadcast %max3A : f32 to vector<256x128xf32>
    %max3A_190 = arith.maximumf %add3A_188, %max3A_189 : vector<256x128xf32>
    %get3A_191 = arith.constant 0 : index
    %get3A_192 = arith.constant 0 : index
    %get3A_193 = vector.load %arg20[%get3A_191, %get3A_192] : memref<128x128xf32, #tpu.memory_space<vmem>>, vector<128x128xf32>
    %dot_general3A_194 = arith.constant dense<0.000000e+00> : vector<256x128xf32>
    %dot_general3A_195 = tpu.matmul %max3A_190, %get3A_193, %dot_general3A_194 {dimension_numbers = #tpu.dot_dimension_numbers<[1], [0], [0], [1], [0, 0, 1, 1], [], []>, transpose_lhs_hint = false} : vector<256x128xf32>, vector<128x128xf32>, vector<256x128xf32> -> vector<256x128xf32>
    %get3A_196 = arith.constant 0 : index
    %get3A_197 = arith.constant 0 : index
    %get3A_198 = vector.load %arg21[%get3A_196, %get3A_197] : memref<1x128xf32, #tpu.memory_space<vmem>>, vector<1x128xf32>
    %add3A_199 = vector.broadcast %get3A_198 : vector<1x128xf32> to vector<256x128xf32>
    %add3A_200 = arith.addf %dot_general3A_195, %add3A_199 : vector<256x128xf32>
    %swap3A = arith.constant 0 : index
    %swap3A_201 = arith.constant 0 : index
    %swap3A_202 = vector.load %arg24[%swap3A, %swap3A_201] : memref<256x128xf32, #tpu.memory_space<vmem>>, vector<256x128xf32>
    tpu.vector_store %arg24[%swap3A, %swap3A_201], %add3A_200 {strides = array<i32>} : memref<256x128xf32, #tpu.memory_space<vmem>>, vector<256x128xf32>,
    return
  }
  func.func @transform_0(%arg0: i32) -> (i32, i32) {
    %c0_i32 = arith.constant 0 : i32
    %c0_i32_0 = arith.constant 0 : i32
    %c0_i32_1 = arith.constant 0 : i32
    return %c0_i32, %c0_i32_0 : i32, i32
  }
  func.func @transform_1(%arg0: i32) -> (i32, i32) {
    %c0_i32 = arith.constant 0 : i32
    %c0_i32_0 = arith.constant 0 : i32
    return %arg0, %c0_i32 : i32, i32
  }
  func.func @transform_2(%arg0: i32) -> (i32, i32) {
    %c0_i32 = arith.constant 0 : i32
    %c0_i32_0 = arith.constant 0 : i32
    return %arg0, %c0_i32 : i32, i32
  }
  func.func @transform_3(%arg0: i32) -> (i32, i32) {
    %c0_i32 = arith.constant 0 : i32
    %c0_i32_0 = arith.constant 0 : i32
    return %arg0, %c0_i32 : i32, i32
  }
  func.func @transform_4(%arg0: i32) -> (i32, i32) {
    %c0_i32 = arith.constant 0 : i32
    %c0_i32_0 = arith.constant 0 : i32
    return %arg0, %c0_i32 : i32, i32
  }
  func.func @transform_5(%arg0: i32) -> (i32, i32) {
    %c0_i32 = arith.constant 0 : i32
    %c0_i32_0 = arith.constant 0 : i32
    return %arg0, %c0_i32 : i32, i32
  }
  func.func @transform_6(%arg0: i32) -> (i32, i32) {
    %c0_i32 = arith.constant 0 : i32
    %c0_i32_0 = arith.constant 0 : i32
    return %arg0, %c0_i32 : i32, i32
  }
  func.func @transform_7(%arg0: i32) -> (i32, i32) {
    %c0_i32 = arith.constant 0 : i32
    %c0_i32_0 = arith.constant 0 : i32
    return %arg0, %c0_i32 : i32, i32
  }
  func.func @transform_8(%arg0: i32) -> (i32, i32) {
    %c0_i32 = arith.constant 0 : i32
    %c0_i32_0 = arith.constant 0 : i32
    return %arg0, %c0_i32 : i32, i32
  }
  func.func @transform_9(%arg0: i32) -> (i32, i32) {
    %c0_i32 = arith.constant 0 : i32
    %c0_i32_0 = arith.constant 0 : i32
    %c0_i32_1 = arith.constant 0 : i32
    return %c0_i32, %c0_i32_0 : i32, i32
  }
  func.func @transform_10(%arg0: i32) -> (i32, i32) {
    %c0_i32 = arith.constant 0 : i32
    %c0_i32_0 = arith.constant 0 : i32
    %c0_i32_1 = arith.constant 0 : i32
    return %c0_i32, %c0_i32_0 : i32, i32
  }
  func.func @transform_11(%arg0: i32) -> (i32, i32) {
    %c0_i32 = arith.constant 0 : i32
    %c0_i32_0 = arith.constant 0 : i32
    %c0_i32_1 = arith.constant 0 : i32
    return %c0_i32, %c0_i32_0 : i32, i32
  }
  func.func @transform_12(%arg0: i32) -> (i32, i32) {
    %c0_i32 = arith.constant 0 : i32
    %c0_i32_0 = arith.constant 0 : i32
    %c0_i32_1 = arith.constant 0 : i32
    return %c0_i32, %c0_i32_0 : i32, i32
  }
  func.func @transform_13(%arg0: i32) -> (i32, i32) {
    %c0_i32 = arith.constant 0 : i32
    %c0_i32_0 = arith.constant 0 : i32
    %c0_i32_1 = arith.constant 0 : i32
    return %c0_i32, %c0_i32_0 : i32, i32
  }
  func.func @transform_14(%arg0: i32) -> (i32, i32) {
    %c0_i32 = arith.constant 0 : i32
    %c0_i32_0 = arith.constant 0 : i32
    %c0_i32_1 = arith.constant 0 : i32
    return %c0_i32, %c0_i32_0 : i32, i32
  }
  func.func @transform_15(%arg0: i32) -> (i32, i32) {
    %c0_i32 = arith.constant 0 : i32
    %c0_i32_0 = arith.constant 0 : i32
    %c0_i32_1 = arith.constant 0 : i32
    return %c0_i32, %c0_i32_0 : i32, i32
  }
  func.func @transform_16(%arg0: i32) -> (i32, i32) {
    %c0_i32 = arith.constant 0 : i32
    %c0_i32_0 = arith.constant 0 : i32
    %c0_i32_1 = arith.constant 0 : i32
    return %c0_i32, %c0_i32_0 : i32, i32
  }
  func.func @transform_17(%arg0: i32) -> (i32, i32) {
    %c0_i32 = arith.constant 0 : i32
    %c0_i32_0 = arith.constant 0 : i32
    %c0_i32_1 = arith.constant 0 : i32
    return %c0_i32, %c0_i32_0 : i32, i32
  }
  func.func @transform_18(%arg0: i32) -> (i32, i32) {
    %c0_i32 = arith.constant 0 : i32
    %c0_i32_0 = arith.constant 0 : i32
    %c0_i32_1 = arith.constant 0 : i32
    return %c0_i32, %c0_i32_0 : i32, i32
  }
  func.func @transform_19(%arg0: i32) -> (i32, i32) {
    %c0_i32 = arith.constant 0 : i32
    %c0_i32_0 = arith.constant 0 : i32
    %c0_i32_1 = arith.constant 0 : i32
    return %c0_i32, %c0_i32_0 : i32, i32
  }
  func.func @transform_20(%arg0: i32) -> (i32, i32) {
    %c0_i32 = arith.constant 0 : i32
    %c0_i32_0 = arith.constant 0 : i32
    %c0_i32_1 = arith.constant 0 : i32
    return %c0_i32, %c0_i32_0 : i32, i32
  }
  func.func @transform_21(%arg0: i32) -> (i32, i32) {
    %c0_i32 = arith.constant 0 : i32
    %c0_i32_0 = arith.constant 0 : i32
    %c0_i32_1 = arith.constant 0 : i32
    return %c0_i32, %c0_i32_0 : i32, i32
  }
  func.func @transform_22(%arg0: i32) -> (i32, i32) {
    %c0_i32 = arith.constant 0 : i32
    %c0_i32_0 = arith.constant 0 : i32
    %c0_i32_1 = arith.constant 0 : i32
    return %c0_i32, %c0_i32_0 : i32, i32
  }
  func.func @transform_23(%arg0: i32) -> (i32, i32) {
    %add3A = arith.constant 128 : i32
    %add3A_0 = arith.addi %arg0, %add3A : i32
    %c0_i32 = arith.constant 0 : i32
    %c0_i32_1 = arith.constant 0 : i32
    return %add3A_0, %c0_i32 : i32, i32
  }
}

</mosaic_0001>

<sc_bundles>
// kernel: kernel.12.cloned.1.call-start
scs
__scs_entry_jumppad:
0x0: {  	(pc) =	sbr.rel $0x88, $3  }
0x1: {  	(tag) =	ssettag $0x0;
	lr =	simm.s32 $0x1  }
0x2: {  	[smem:$0x3F79] =	sst lr;
	_ =	strace $0xD0000000  }
0x3: {  	_ = 	snop  }
0x4: {  	_ = 	snop  }
0x5: {  	_ = 	snop  }
0x6: {  	_ = 	snop  }
0x7: {  	_ = 	snop  }
__scs_overlays_trampoline_lowered:
0x8: {  	[smem:$0x3F88] =	sst s0  }
0x9: {  	[smem:$0x3F89] =	sst s1  }
0xa: {  	[smem:$0x3F8A] =	sst s2  }
0xb: {  	[smem:$0x3F8B] =	sst s3  }
0xc: {  	[smem:$0x3F8C] =	sst s4  }
0xd: {  	[smem:$0x3F8D] =	sst s5  }
0xe: {  	[smem:$0x3F8E] =	sst s6  }
0xf: {  	[smem:$0x3F8F] =	sst s7  }
0x10: {  	[smem:$0x3F90] =	sst s8  }
0x11: {  	[smem:$0x3F91] =	sst s9;
	s0 =	simm.s32 @!p0 $0x0  }
0x12: {  	s1 =	sld [smem:$0x3F77];
	s0 =	simm.s32 @p0 $0x1  }
0x13: {  	[smem:$0x3F92] =	sst s0;
	s0 =	simm.s32 @!p1 $0x0  }
0x14: {  	s2 =	sld [smem:$0x3F76];
	s0 =	simm.s32 @p1 $0x1  }
0x15: {  	[smem:$0x3F93] =	sst s0;
	s0 =	simm.s32 @!p2 $0x0  }
0x16: {  	s3 =	sld [smem:$0x3FDB];
	s0 =	simm.s32 @p2 $0x1  }
0x17: {  	s4 =	simm.s32 $0x1BF5;
	[smem:$0x3F95] =	sst s0  }
0x18: {  	s0 =	sld [smem:$0x3F78];
	_ =	swait.ge [sflag:s4], $0x0  }
0x19: {  	s7 =	sld [smem:$0x3F79]  }
0x1a: {  	s8 =	sadd.s32 $0xFFFFE003, lr  }
0x1b: {  	s9 =	sadd.s32 $0xFFFFFEF7, lr;
	s5 =	simm.s32 $0xFFFFFFFF;
	p2 =	slt.u32 s8, $0xFFFFF086  }
0x1c: {  	p1 =	slt.u32 s9, $0xF7A;
	s5 =	simm.s32 @!p2 $0x0  }
0x1d: {  	s5 =	simm.s32 @p1 $0x1;
	p0 =	seq.s32 s7, s2  }
0x1e: {  	s7 =	smul.u32 @!p0 $0xF7A, s2;
	p2 =	seq.s32 @!p0 s5, $0x0  }
0x1f: {  	s9 =	smul.u32 $0xF7A, s1;
	s8 =	simm.s32 @!p0 $0x1BF5;
	p2 =	por !p2, p0  }
0x20: {  	[sflag:s8] =	ssyncset.s32 @!p0 $0xFFFFF086;
	s6 =	sadd.s32 @!p0 s3, s7;
	s7 =	simm.s32 @!p0 $0x108  }
0x21: {  	s3 =	sadd.s32 s3, s9;
	s6 =	sadd.s32 @!p0 $0x88, s6;
	s7 =	simm.s32 @p2 $0x1082  }
0x22: {  	[simem:s7], [sflag:s8] =	dma.local @!p0 [hbm:s6], $0xF7A  }
0x23: {  	s9 =	sor.u32 $0xD0000000, s2;
	s6 =	simm.s32 $0x108;
	_ =	swait.ge @!p0 [sflag:s8], $0x0  }
0x24: {  	s3 =	sadd.s32 $0x88, s3;
	s6 =	simm.s32 @!p1 $0x1082;
	[sflag:s4] =	ssyncset.s32 $0xFFFFF086  }
0x25: {  	[simem:s6], [sflag:s4] =	dma.local [hbm:s3], $0xF7A  }
0x26: {  	[smem:$0x3F79] =	sst s1;
	(tag) =	ssettag s2;
	_ =	strace s9  }
0x27: {  	s1 =	sld [smem:$0x3F89]  }
0x28: {  	s2 =	sld [smem:$0x3F8A]  }
0x29: {  	s4 =	sld [smem:$0x3F8C]  }
0x2a: {  	p0 =	seq.s32 s5, $0x0;
	s5 =	sld [smem:$0x3F8D]  }
0x2b: {  	s6 =	sld [smem:$0x3F8E]  }
0x2c: {  	s7 =	sld [smem:$0x3F8F]  }
0x2d: {  	s3 =	simm.s32 $0x108;
	s8 =	sld [smem:$0x3F90]  }
0x2e: {  	s3 =	simm.s32 @!p0 $0x1082;
	s9 =	sld [smem:$0x3F91]  }
0x2f: {  	lr =	sadd.s32 s0, s3;
	s0 =	sld [smem:$0x3F88]  }
0x30: {  	s3 =	sld [smem:$0x3F8B]  }
0x31: {  	[smem:$0x3F94] =	sst s10  }
0x32: {  	s10 =	sld [smem:$0x3F92];
	_ =	sdelay $0x3  }
0x33: {  	p0 =	seq.s32 s10, $0x1;
	s10 =	sld [smem:$0x3F94];
	_ =	sdelay $0x3  }
0x34: {  	[smem:$0x3F94] =	sst s10  }
0x35: {  	s10 =	sld [smem:$0x3F93];
	_ =	sdelay $0x3  }
0x36: {  	p1 =	seq.s32 s10, $0x1;
	s10 =	sld [smem:$0x3F94];
	_ =	sdelay $0x3  }
0x37: {  	[smem:$0x3F94] =	sst s10  }
0x38: {  	s10 =	sld [smem:$0x3F95]  }
0x39: {  	_ = 	snop;
	(pc) =	sbr.ind lr, $3  }
0x3a: {  	_ = 	snop  }
0x3b: {  	_ = 	snop  }
0x3c: {  	p2 =	seq.s32 s10, $0x1;
	s10 =	sld [smem:$0x3F94]  }
0x3d: {  	_ =	shalt  }
0x3e: {  	_ =	shalt  }
0x3f: {  	_ =	shalt  }
0x40: {  	_ =	shalt  }
0x41: {  	_ =	shalt  }
0x42: {  	_ =	shalt  }
0x43: {  	_ =	shalt  }
0x44: {  	_ =	shalt  }
0x45: {  	_ =	shalt  }
0x46: {  	_ =	shalt  }
0x47: {  	_ =	shalt  }
0x48: {  	_ =	shalt  }
0x49: {  	_ =	shalt  }
0x4a: {  	_ =	shalt  }
0x4b: {  	_ =	shalt  }
0x4c: {  	_ =	shalt  }
0x4d: {  	_ =	shalt  }
0x4e: {  	_ =	shalt  }
0x4f: {  	_ =	shalt  }
0x50: {  	_ =	shalt  }
0x51: {  	_ =	shalt  }
0x52: {  	_ =	shalt  }
0x53: {  	_ =	shalt  }
0x54: {  	_ =	shalt  }
0x55: {  	_ =	shalt  }
0x56: {  	_ =	shalt  }
0x57: {  	_ =	shalt  }
0x58: {  	_ =	shalt  }
0x59: {  	_ =	shalt  }
0x5a: {  	_ =	shalt  }
0x5b: {  	_ =	shalt  }
0x5c: {  	_ =	shalt  }
0x5d: {  	_ =	shalt  }
0x5e: {  	_ =	shalt  }
0x5f: {  	_ =	shalt  }
0x60: {  	_ =	shalt  }
0x61: {  	_ =	shalt  }
0x62: {  	_ =	shalt  }
0x63: {  	_ =	shalt  }
0x64: {  	_ =	shalt  }
0x65: {  	_ =	shalt  }
0x66: {  	_ =	shalt  }
0x67: {  	_ =	shalt  }
0x68: {  	_ =	shalt  }
0x69: {  	_ =	shalt  }
0x6a: {  	_ =	shalt  }
0x6b: {  	_ =	shalt  }
0x6c: {  	_ =	shalt  }
0x6d: {  	_ =	shalt  }
0x6e: {  	_ =	shalt  }
0x6f: {  	_ =	shalt  }
0x70: {  	_ =	shalt  }
0x71: {  	_ =	shalt  }
0x72: {  	_ =	shalt  }
0x73: {  	_ =	shalt  }
0x74: {  	_ =	shalt  }
0x75: {  	_ =	shalt  }
0x76: {  	_ =	shalt  }
0x77: {  	_ =	shalt  }
0x78: {  	_ =	shalt  }
0x79: {  	_ =	shalt  }
0x7a: {  	_ =	shalt  }
0x7b: {  	_ =	shalt  }
0x7c: {  	_ =	shalt  }
0x7d: {  	_ =	shalt  }
0x7e: {  	_ =	shalt  }
0x7f: {  	_ =	shalt  }
0x80: {  	_ =	shalt  }
0x81: {  	_ =	shalt  }
0x82: {  	_ =	shalt  }
0x83: {  	_ =	shalt  }
0x84: {  	_ =	shalt  }
0x85: {  	_ =	shalt  }
0x86: {  	_ =	shalt  }
0x87: {  	_ =	shalt  }
.Lfunc_end0:
.L_simem_size_0:
called_computation.2_lowered:
.L_overlay_start_0:
0x88: {  	s2 =	sld [smem:$0x3FD9]  }
0x89: {  	s3 =	sld [smem:$0x3FFE];
	_ =	sdelay $0x1  }
0x8a: {  	s1 =	srdreg.scid  }
0x8b: {  	s0 =	sand.u32 $0x1, s1  }
0x8c: {  	s17 =	sshll.u32 s0, $0xA;
	s2 =	sadd.s32 s3, s2  }
0x8d: {  	s2 =	sadd.s32 s2, s17  }
0x8e: {  	[smem:$0x3FA0] =	sst s2  }
0x8f: {  	_ = 	snop  }
0x90: {  	s2 =	sld [smem:$0x3FBC]  }
0x91: {  	s18 =	sld [smem:$0x3FD0];
	(tm) =	ssettm $0x1  }
0x92: {  	s4 =	sld [smem:$0x3FFB];
	_ =	sdelay $0x3  }
0x93: {  	_ =	strace s4  }
0x94: {  	s4 =	sld [smem:$0x3FFC];
	_ =	sdelay $0x3  }
0x95: {  	_ =	strace s4  }
0x96: {  	s4 =	sld [smem:$0x3FFD];
	_ =	sdelay $0x3  }
0x97: {  	_ =	strace s4  }
0x98: {  	_ =	strace $0x8FFFFFFF  }
0x99: {  	s19 =	sld [smem:$0x3FDB];
	_ =	sdelay $0x1  }
0x9a: {  	s5 =	simm.s32 $_scs_section_size  }
0x9b: {  	s6 =	simm.s32 $_size__tile_overlayer_lowered;
	s7 =	simm.s32 $_tile_overlayer_lowered  }
0x9c: {  	s22 =	simm.s32 $0x1BFF;
	s21 =	sshll.u32 s7, $0x1;
	s4 =	sadd.s32 s5, s19  }
0x9d: {  	s8 =	simm.s32 $0x0;
	s20 =	sshll.u32 s6, $0x1;
	s6 =	sadd.s32 s21, s4  }
0x9e: {  	[timem:s8], [sflag:s22] =	dma.local [hbm:s6], s20  }
0x9f: {  	_ =	swait.ge [sflag:s22], s20  }
0xa0: {  	s5 =	ssub.s32 $0x0, s20;
	[sflag:s22] =	ssyncset.done $0x0  }
0xa1: {  	[sflag:s22] =	ssyncadd.s32 s5;
	_ =	sdelay $0x1  }
0xa2: {  	s23 =	simm.s32 $0x1B8B  }
0xa3: {  	_ =	swait.ge [sflag:s23], $0x1  }
0xa4: {  	[sflag:s23] =	ssyncset.done $0x0  }
0xa5: {  	s25 =	simm.s32 $0x1B8E;
	s24 =	sld [smem:$0x3FFE];
	[sflag:s23] =	ssyncadd.s32 $0xFFFFFFFF  }
0xa6: {  	s26 =	simm.s32 $execute0_lowered;
	[smem:$0x3FD2] =	sst s25  }
0xa7: {  	s6 =	sshll.u32 s26, $0x1;
	_ =	strace $0x80000046;
	[dreg:$0x1] =	wrdreg $0xFFFFFFFF  }
0xa8: {  	s28 =	simm.s32 $_size_execute0_lowered;
	s4 =	sadd.s32 s4, s6;
	[dreg:$0x0] =	wrdreg $0x0  }
0xa9: {  	s6 =	sshll.u32 s28, $0x1;
	[dreg:$0x2] =	wrdreg s4  }
0xaa: {  	[dreg:$0x3] =	wrdreg s6  }
0xab: {  	[dreg:$0x4] =	wrdreg $0xC0  }
0xac: {  	_ =	task [dreg:s8], $0x5FFFF  }
0xad: {  	[dreg:$0x1] =	wrdreg $0xFFFFFFFF  }
0xae: {  	[dreg:$0x0] =	wrdreg $0x60  }
0xaf: {  	[dreg:$0x2] =	wrdreg s2  }
0xb0: {  	[dreg:$0x3] =	wrdreg s18  }
0xb1: {  	[dreg:$0x4] =	wrdreg s24  }
0xb2: {  	[dreg:$0x5] =	wrdreg $0x9  }
0xb3: {  	_ =	task.clear_ibuf [dreg:s8], $0x6FFFF;
	_ =	strace $0x90000046  }
0xb4: {  	s29 =	simm.s32 $0x9;
	_ =	strace $0x80000048  }
0xb5: {  	_ =	swait.ge [sflag:s29], $0x1  }
0xb6: {  	[sflag:s29] =	ssyncadd.s32 $0xFFFFFFFF  }
0xb7: {  	_ =	strace $0x90000048  }
0xb8: {  	_ =	sfence  }
0xb9: {  	s30 =	sld [smem:$0x0];
	_ =	sdelay $0x2  }
0xba: {  	s31 =	sshll.u32 s1, $0xD;
	s1 =	sshrl.u32 s1, $0x2  }
0xbb: {  	s3 =	sand.u32 $0x4000, s31;
	s1 =	sadd.s32 s1, s30  }
0xbc: {  	s0 =	sor.u32 s3, s0;
	s1 =	sshll.u32 s1, $0x11  }
0xbd: {  	s0 =	sor.u32 s1, s0  }
0xbe: {  	s0 =	sadd.s32 $0x8F2B, s0  }
0xbf: {  	[sflag:s0] =	ssyncadd.remote.s32 $0x1  }
0xc0: {  	_ =	sfence.sel $0xFFFF  }
0xc1: {  	[dreg:$0x0] =	wrdreg $0xFFFFFFFF;
	(pc) =	sbr.abs _section_cstart, $3  }
0xc2: {  	[dreg:$0x1] =	wrdreg $0xFFFFFFFF  }
0xc3: {  	_ =	task.clear_ibuf [dreg:s8], $0x2FFFF;
	_ =	strace $0x9FFFFFFF  }
0xc4: {  	(tm) =	ssettm $0x7FFFFFFF  }
0xc5: {  	_ =	shalt  }
tec
execute0_lowered:
.L_overlay_start_1:
0x0: {  	(tag) =	ssettag $0x1  }
0x1: {  	s1 =	rddreg [dreg:$0x0]  }
0x2: {  	s4 =	rddreg [dreg:$0x1];
	s2 =	srdreg.scid  }
0x3: {  	s0 =	stileid.u32;
	s5 =	rddreg [dreg:$0x2];
	s3 =	simm.s32 $0x0  }
0x4: {  	s9 =	simm.s32 $0x18F80;
	s6 =	sand.u32 $0x1, s2;
	s7 =	sshll.u32 s0, $0x1  }
0x5: {  	s10 =	simm.s32 $0x0;
	s7 =	sor.u32 s6, s7;
	s6 =	ssub.s32 $0x2, s6  }
0x6: {  	[smem:$0x7FF] =	sst s3;
	s7 =	smul.u32 $0x108, s7;
	s8 =	sshrl.u32 s6, $0x1  }
0x7: {  	s2 =	rddreg [dreg:$0x3];
	_ =	strace $0x80000047;
	s6 =	ssub.s32 s6, s8  }
0x8: {  	s8 =	simm.s32 $0x18700;
	s5 =	sadd.s32 s7, s5;
	s4 =	sadd.s32 s4, s7  }
0x9: {  	s6 =	smax.u32 s6, $0x1;
	s7 =	simm.s32 $0x1;
	s5 =	sadd.s32 $0xBC00, s5  }
.LBB2_1:
0xa: {  	[tilespmem:s3], [sflag:$0x1] =	stream.linear.gather [hbm4b:s1+s3], $0x18700, $0x38;
	[tilespmem:$0x19800] =	vst v63  }
0xb: {  	_ =	swait.ge [sflag:s7], $0x18700  }
0xc: {  	[sflag:s7] =	ssyncset.done $0x0  }
0xd: {  	[sflag:s7] =	ssyncadd.s32 $0xFFFE7900  }
0xe: {  	[tilespmem:s8], [sflag:$0x1] =	stream.linear.gather [hbm4b:s4+s3], $0x840, $0x38;
	[tilespmem:$0x19800] =	vst v63  }
0xf: {  	_ =	swait.ge [sflag:s7], $0x840  }
0x10: {  	[sflag:s7] =	ssyncset.done $0x0  }
0x11: {  	s11 =	simm.s32 $0x0;
	[sflag:s7] =	ssyncadd.s32 $0xFFFFF7C0  }
0x12: {  	v0 =	vld [tilespmem:s11+$0x18700];
	_ =	sdelay $0x7  }
0x13: {  	s12 =	simm.s32 $0x10;
	s13 =	simm.s32 $0x80;
	v0 =	vld.idx.msk [tilespmem:v0+s3+$0x0], $0xffff  }
.LBB2_2:
0x14: {  	p0 =	sne.s32 s13, $0x20C0;
	v1 =	vld [tilespmem:s12+$0x18700];
	_ =	sdelay $0x3  }
.Ltmp0:
0x15: {  	(pc) =	sbr.rel @p0 .LBB2_2-.Ltmp0, $2  }
0x16: {  	[tilespmem:s11+$0x18F80] =	vst v0;
	s11 =	smov.u32 s12;
	_ =	sdelay $0x2  }
0x17: {  	s12 =	sshra.s32 s13, $0x2;
	s13 =	sadd.s32 $0x40, s13;
	v0 =	vld.idx.msk [tilespmem:v1+s3+$0x0], $0xffff  }
0x18: {  	v1 =	vld [tilespmem:s12+$0x18700];
	_ =	sdelay $0x6  }
0x19: {  	[tilespmem:s11+$0x18F80] =	vst v0  }
0x1a: {  	v0 =	vld.idx.msk [tilespmem:v1+s3+$0x0], $0xffff;
	_ =	sdelay $0x2  }
0x1b: {  	s10 =	sadd.s32 $0x1, s10  }
0x1c: {  	p0 =	sne.s32 s10, s6  }
.Ltmp1:
0x1d: {  	[tilespmem:s12+$0x18F80] =	vst v0;
	(pc) =	sbr.rel @p0 .LBB2_1-.Ltmp1, $4  }
0x1e: {  	[hbm4b:s5+s3] =	stream.linear.scatter [tilespmem:s9], [sflag:$0x1], $0x840, $0x38;
	[tilespmem:$0x19800] =	vst v63  }
0x1f: {  	_ =	swait.ge [sflag:s7], $0x840  }
0x20: {  	[sflag:s7] =	ssyncset.done $0x0  }
0x21: {  	[sflag:s7] =	ssyncadd.s32 $0xFFFFF7C0  }
0x22: {  	_ =	sfence.sel $0x180000  }
0x23: {  	[bflag:$0x0] =	sbarrier.arrive $0xFFFF  }
0x24: {  	p0 =	sne.s32 s0, $0x0;
	_ =	strace $0x90000047  }
0x25: {  	s0 =	sadd.s32 @!p0 $0x100000, s2;
	[bflag:$0x2] =	sbarrier.arrive $0xFFFF  }
0x26: {  	[sflag:s0] =	ssyncadd.tile.s32 @!p0 $0x1;
	_ =	shalt  }
.Lfunc_end2:
_tile_overlayer_lowered:
.L_overlay_start_2:
0x27: {  	(tag) =	ssettag $0x2  }
0x28: {  	s0 =	rddreg [dreg:$0x0];
	s2 =	stileid.u32  }
0x29: {  	s1 =	rddreg [dreg:$0x1];
	p0 =	sne.s32 s2, $0x0  }
0x2a: {  	s3 =	rddreg [dreg:$0x2];
	[bflag:$0x3] =	sbarrier.arrive $0xFFFF;
	s2 =	simm.s32 @!p0 $0x1C01  }
0x2b: {  	[timem:s3], [sflag:s2] =	dma.local @!p0 [hbm:s0], s1  }
0x2c: {  	s0 =	simm.s32 @!p0 $0x1  }
0x2d: {  	_ =	swait.ge @!p0 [sflag:s0], s1  }
0x2e: {  	s1 =	ssub.s32 @!p0 $0x0, s1;
	[sflag:s0] =	ssyncset.done @!p0 $0x0  }
0x2f: {  	[sflag:s0] =	ssyncadd.s32 @!p0 s1  }
0x30: {  	[bflag:$0x3] =	sbarrier.arrive $0xFFFF  }
0x31: {  	_ =	shalt  }

// kernel: kernel.15.cloned.1.call-start
scs
__scs_entry_jumppad:
0x0: {  	(pc) =	sbr.rel $0x88, $3  }
0x1: {  	(tag) =	ssettag $0x0;
	lr =	simm.s32 $0x1  }
0x2: {  	[smem:$0x3F79] =	sst lr;
	_ =	strace $0xD0000000  }
0x3: {  	_ = 	snop  }
0x4: {  	_ = 	snop  }
0x5: {  	_ = 	snop  }
0x6: {  	_ = 	snop  }
0x7: {  	_ = 	snop  }
__scs_overlays_trampoline_lowered:
0x8: {  	[smem:$0x3F88] =	sst s0  }
0x9: {  	[smem:$0x3F89] =	sst s1  }
0xa: {  	[smem:$0x3F8A] =	sst s2  }
0xb: {  	[smem:$0x3F8B] =	sst s3  }
0xc: {  	[smem:$0x3F8C] =	sst s4  }
0xd: {  	[smem:$0x3F8D] =	sst s5  }
0xe: {  	[smem:$0x3F8E] =	sst s6  }
0xf: {  	[smem:$0x3F8F] =	sst s7  }
0x10: {  	[smem:$0x3F90] =	sst s8  }
0x11: {  	[smem:$0x3F91] =	sst s9;
	s0 =	simm.s32 @!p0 $0x0  }
0x12: {  	s1 =	sld [smem:$0x3F77];
	s0 =	simm.s32 @p0 $0x1  }
0x13: {  	[smem:$0x3F92] =	sst s0;
	s0 =	simm.s32 @!p1 $0x0  }
0x14: {  	s2 =	sld [smem:$0x3F76];
	s0 =	simm.s32 @p1 $0x1  }
0x15: {  	[smem:$0x3F93] =	sst s0;
	s0 =	simm.s32 @!p2 $0x0  }
0x16: {  	s3 =	sld [smem:$0x3FDB];
	s0 =	simm.s32 @p2 $0x1  }
0x17: {  	s4 =	simm.s32 $0x1BF5;
	[smem:$0x3F95] =	sst s0  }
0x18: {  	s0 =	sld [smem:$0x3F78];
	_ =	swait.ge [sflag:s4], $0x0  }
0x19: {  	s7 =	sld [smem:$0x3F79]  }
0x1a: {  	s8 =	sadd.s32 $0xFFFFE003, lr  }
0x1b: {  	s9 =	sadd.s32 $0xFFFFFEF7, lr;
	s5 =	simm.s32 $0xFFFFFFFF;
	p2 =	slt.u32 s8, $0xFFFFF086  }
0x1c: {  	p1 =	slt.u32 s9, $0xF7A;
	s5 =	simm.s32 @!p2 $0x0  }
0x1d: {  	s5 =	simm.s32 @p1 $0x1;
	p0 =	seq.s32 s7, s2  }
0x1e: {  	s7 =	smul.u32 @!p0 $0xF7A, s2;
	p2 =	seq.s32 @!p0 s5, $0x0  }
0x1f: {  	s9 =	smul.u32 $0xF7A, s1;
	s8 =	simm.s32 @!p0 $0x1BF5;
	p2 =	por !p2, p0  }
0x20: {  	[sflag:s8] =	ssyncset.s32 @!p0 $0xFFFFF086;
	s6 =	sadd.s32 @!p0 s3, s7;
	s7 =	simm.s32 @!p0 $0x108  }
0x21: {  	s3 =	sadd.s32 s3, s9;
	s6 =	sadd.s32 @!p0 $0x88, s6;
	s7 =	simm.s32 @p2 $0x1082  }
0x22: {  	[simem:s7], [sflag:s8] =	dma.local @!p0 [hbm:s6], $0xF7A  }
0x23: {  	s9 =	sor.u32 $0xD0000000, s2;
	s6 =	simm.s32 $0x108;
	_ =	swait.ge @!p0 [sflag:s8], $0x0  }
0x24: {  	s3 =	sadd.s32 $0x88, s3;
	s6 =	simm.s32 @!p1 $0x1082;
	[sflag:s4] =	ssyncset.s32 $0xFFFFF086  }
0x25: {  	[simem:s6], [sflag:s4] =	dma.local [hbm:s3], $0xF7A  }
0x26: {  	[smem:$0x3F79] =	sst s1;
	(tag) =	ssettag s2;
	_ =	strace s9  }
0x27: {  	s1 =	sld [smem:$0x3F89]  }
0x28: {  	s2 =	sld [smem:$0x3F8A]  }
0x29: {  	s4 =	sld [smem:$0x3F8C]  }
0x2a: {  	p0 =	seq.s32 s5, $0x0;
	s5 =	sld [smem:$0x3F8D]  }
0x2b: {  	s6 =	sld [smem:$0x3F8E]  }
0x2c: {  	s7 =	sld [smem:$0x3F8F]  }
0x2d: {  	s3 =	simm.s32 $0x108;
	s8 =	sld [smem:$0x3F90]  }
0x2e: {  	s3 =	simm.s32 @!p0 $0x1082;
	s9 =	sld [smem:$0x3F91]  }
0x2f: {  	lr =	sadd.s32 s0, s3;
	s0 =	sld [smem:$0x3F88]  }
0x30: {  	s3 =	sld [smem:$0x3F8B]  }
0x31: {  	[smem:$0x3F94] =	sst s10  }
0x32: {  	s10 =	sld [smem:$0x3F92];
	_ =	sdelay $0x3  }
0x33: {  	p0 =	seq.s32 s10, $0x1;
	s10 =	sld [smem:$0x3F94];
	_ =	sdelay $0x3  }
0x34: {  	[smem:$0x3F94] =	sst s10  }
0x35: {  	s10 =	sld [smem:$0x3F93];
	_ =	sdelay $0x3  }
0x36: {  	p1 =	seq.s32 s10, $0x1;
	s10 =	sld [smem:$0x3F94];
	_ =	sdelay $0x3  }
0x37: {  	[smem:$0x3F94] =	sst s10  }
0x38: {  	s10 =	sld [smem:$0x3F95]  }
0x39: {  	_ = 	snop;
	(pc) =	sbr.ind lr, $3  }
0x3a: {  	_ = 	snop  }
0x3b: {  	_ = 	snop  }
0x3c: {  	p2 =	seq.s32 s10, $0x1;
	s10 =	sld [smem:$0x3F94]  }
0x3d: {  	_ =	shalt  }
0x3e: {  	_ =	shalt  }
0x3f: {  	_ =	shalt  }
0x40: {  	_ =	shalt  }
0x41: {  	_ =	shalt  }
0x42: {  	_ =	shalt  }
0x43: {  	_ =	shalt  }
0x44: {  	_ =	shalt  }
0x45: {  	_ =	shalt  }
0x46: {  	_ =	shalt  }
0x47: {  	_ =	shalt  }
0x48: {  	_ =	shalt  }
0x49: {  	_ =	shalt  }
0x4a: {  	_ =	shalt  }
0x4b: {  	_ =	shalt  }
0x4c: {  	_ =	shalt  }
0x4d: {  	_ =	shalt  }
0x4e: {  	_ =	shalt  }
0x4f: {  	_ =	shalt  }
0x50: {  	_ =	shalt  }
0x51: {  	_ =	shalt  }
0x52: {  	_ =	shalt  }
0x53: {  	_ =	shalt  }
0x54: {  	_ =	shalt  }
0x55: {  	_ =	shalt  }
0x56: {  	_ =	shalt  }
0x57: {  	_ =	shalt  }
0x58: {  	_ =	shalt  }
0x59: {  	_ =	shalt  }
0x5a: {  	_ =	shalt  }
0x5b: {  	_ =	shalt  }
0x5c: {  	_ =	shalt  }
0x5d: {  	_ =	shalt  }
0x5e: {  	_ =	shalt  }
0x5f: {  	_ =	shalt  }
0x60: {  	_ =	shalt  }
0x61: {  	_ =	shalt  }
0x62: {  	_ =	shalt  }
0x63: {  	_ =	shalt  }
0x64: {  	_ =	shalt  }
0x65: {  	_ =	shalt  }
0x66: {  	_ =	shalt  }
0x67: {  	_ =	shalt  }
0x68: {  	_ =	shalt  }
0x69: {  	_ =	shalt  }
0x6a: {  	_ =	shalt  }
0x6b: {  	_ =	shalt  }
0x6c: {  	_ =	shalt  }
0x6d: {  	_ =	shalt  }
0x6e: {  	_ =	shalt  }
0x6f: {  	_ =	shalt  }
0x70: {  	_ =	shalt  }
0x71: {  	_ =	shalt  }
0x72: {  	_ =	shalt  }
0x73: {  	_ =	shalt  }
0x74: {  	_ =	shalt  }
0x75: {  	_ =	shalt  }
0x76: {  	_ =	shalt  }
0x77: {  	_ =	shalt  }
0x78: {  	_ =	shalt  }
0x79: {  	_ =	shalt  }
0x7a: {  	_ =	shalt  }
0x7b: {  	_ =	shalt  }
0x7c: {  	_ =	shalt  }
0x7d: {  	_ =	shalt  }
0x7e: {  	_ =	shalt  }
0x7f: {  	_ =	shalt  }
0x80: {  	_ =	shalt  }
0x81: {  	_ =	shalt  }
0x82: {  	_ =	shalt  }
0x83: {  	_ =	shalt  }
0x84: {  	_ =	shalt  }
0x85: {  	_ =	shalt  }
0x86: {  	_ =	shalt  }
0x87: {  	_ =	shalt  }
.Lfunc_end0:
.L_simem_size_0:
called_computation.3_lowered:
.L_overlay_start_0:
0x88: {  	s2 =	sld [smem:$0x3FD9]  }
0x89: {  	s3 =	sld [smem:$0x3FFE];
	_ =	sdelay $0x1  }
0x8a: {  	s1 =	srdreg.scid  }
0x8b: {  	s0 =	sand.u32 $0x1, s1  }
0x8c: {  	s17 =	sshll.u32 s0, $0xA;
	s2 =	sadd.s32 s3, s2  }
0x8d: {  	s2 =	sadd.s32 s2, s17  }
0x8e: {  	[smem:$0x3FA0] =	sst s2  }
0x8f: {  	_ = 	snop  }
0x90: {  	s18 =	sld [smem:$0x3FC9];
	(tm) =	ssettm $0x1  }
0x91: {  	s19 =	sld [smem:$0x3FFB];
	_ =	sdelay $0x3  }
0x92: {  	_ =	strace s19  }
0x93: {  	s2 =	sld [smem:$0x3FFC];
	_ =	sdelay $0x3  }
0x94: {  	_ =	strace s2  }
0x95: {  	s2 =	sld [smem:$0x3FFD];
	_ =	sdelay $0x3  }
0x96: {  	_ =	strace s2  }
0x97: {  	_ =	strace $0x8FFFFFFF  }
0x98: {  	s20 =	sld [smem:$0x3FDB];
	_ =	sdelay $0x1  }
0x99: {  	s4 =	simm.s32 $_scs_section_size  }
0x9a: {  	s5 =	simm.s32 $_size__tile_overlayer_lowered;
	s6 =	simm.s32 $_tile_overlayer_lowered  }
0x9b: {  	s7 =	simm.s32 $0x1BFF;
	s21 =	sshll.u32 s6, $0x1;
	s4 =	sadd.s32 s4, s20  }
0x9c: {  	s22 =	simm.s32 $0x0;
	s5 =	sshll.u32 s5, $0x1;
	s6 =	sadd.s32 s21, s4  }
0x9d: {  	[timem:s22], [sflag:s7] =	dma.local [hbm:s6], s5  }
0x9e: {  	_ =	swait.ge [sflag:s7], s5  }
0x9f: {  	s5 =	ssub.s32 $0x0, s5;
	[sflag:s7] =	ssyncset.done $0x0  }
0xa0: {  	[sflag:s7] =	ssyncadd.s32 s5;
	_ =	sdelay $0x1  }
0xa1: {  	s23 =	simm.s32 $0x1B8B  }
0xa2: {  	_ =	swait.ge [sflag:s23], $0x1  }
0xa3: {  	[sflag:s23] =	ssyncset.done $0x0  }
0xa4: {  	[sflag:s23] =	ssyncadd.s32 $0xFFFFFFFF  }
0xa5: {  	s5 =	sld [smem:$0x0]  }
0xa6: {  	s6 =	sand.u32 $0xFFFFFFFE, s1  }
0xa7: {  	p0 =	sne.s32 s1, s6  }
0xa8: {  	s6 =	sshll.u32 @p0 s6, $0xE  }
0xa9: {  	s6 =	sadd.s32 @p0 $0x11B8D, s6;
	s7 =	sshll.u32 @p0 s5, $0x11  }
0xaa: {  	s6 =	sor.u32 @p0 s7, s6  }
0xab: {  	[sflag:s6] =	ssyncadd.remote.s32 @p0 $0x1;
	_ =	sdelay $0x1  }
0xac: {  	s6 =	simm.s32 @p0 $0x1B8D  }
0xad: {  	_ =	swait.eq @p0 [sflag:s6], $0x1  }
0xae: {  	[sflag:s6] =	ssyncadd.s32 @p0 $0xFFFFFFFF  }
0xaf: {  	s7 =	sshll.u32 @!p0 s1, $0xE  }
0xb0: {  	s7 =	sor.u32 @!p0 $0x4000, s7;
	s6 =	simm.s32 @!p0 $0x1B8D  }
0xb1: {  	s5 =	sshll.u32 @!p0 s5, $0x11;
	s7 =	sadd.s32 @!p0 $0x11B8D, s7;
	_ =	swait.eq @!p0 [sflag:s6], $0x1  }
0xb2: {  	s5 =	sor.u32 @!p0 s5, s7;
	[sflag:s6] =	ssyncadd.s32 @!p0 $0xFFFFFFFF  }
0xb3: {  	s25 =	simm.s32 $0x1B8E;
	s24 =	sld [smem:$0x3FFE];
	[sflag:s5] =	ssyncadd.remote.s32 @!p0 $0x1  }
0xb4: {  	s26 =	simm.s32 $execute0_lowered;
	[smem:$0x3FD2] =	sst s25  }
0xb5: {  	s6 =	sshll.u32 s26, $0x1;
	_ =	strace $0x8000004F;
	[dreg:$0x1] =	wrdreg $0xFFFFFFFF  }
0xb6: {  	s28 =	simm.s32 $_size_execute0_lowered;
	s4 =	sadd.s32 s4, s6;
	[dreg:$0x0] =	wrdreg $0x0  }
0xb7: {  	s6 =	sshll.u32 s28, $0x1;
	[dreg:$0x2] =	wrdreg s4  }
0xb8: {  	[dreg:$0x3] =	wrdreg s6  }
0xb9: {  	[dreg:$0x4] =	wrdreg $0xC0  }
0xba: {  	_ =	task [dreg:s22], $0x5FFFF  }
0xbb: {  	[dreg:$0x1] =	wrdreg $0xFFFFFFFF  }
0xbc: {  	[dreg:$0x0] =	wrdreg $0x60  }
0xbd: {  	[dreg:$0x2] =	wrdreg s18  }
0xbe: {  	[dreg:$0x3] =	wrdreg s24  }
0xbf: {  	[dreg:$0x4] =	wrdreg $0xB  }
0xc0: {  	_ =	task.clear_ibuf [dreg:s22], $0x5FFFF;
	_ =	strace $0x9000004F  }
0xc1: {  	s29 =	simm.s32 $0xB;
	_ =	strace $0x80000051  }
0xc2: {  	_ =	swait.ge [sflag:s29], $0x1  }
0xc3: {  	[sflag:s29] =	ssyncadd.s32 $0xFFFFFFFF  }
0xc4: {  	_ =	strace $0x90000051  }
0xc5: {  	_ =	sfence  }
0xc6: {  	s30 =	sld [smem:$0x0];
	_ =	sdelay $0x2  }
0xc7: {  	s31 =	sshll.u32 s1, $0xD;
	s1 =	sshrl.u32 s1, $0x2  }
0xc8: {  	s4 =	sand.u32 $0x4000, s31;
	s1 =	sadd.s32 s1, s30  }
0xc9: {  	s0 =	sor.u32 s4, s0;
	s1 =	sshll.u32 s1, $0x11  }
0xca: {  	s0 =	sor.u32 s1, s0  }
0xcb: {  	s0 =	sadd.s32 $0x8F2B, s0  }
0xcc: {  	[sflag:s0] =	ssyncadd.remote.s32 $0x1  }
0xcd: {  	_ =	sfence.sel $0xFFFF  }
0xce: {  	[dreg:$0x0] =	wrdreg $0xFFFFFFFF;
	(pc) =	sbr.abs _section_cstart, $3  }
0xcf: {  	[dreg:$0x1] =	wrdreg $0xFFFFFFFF  }
0xd0: {  	_ =	task.clear_ibuf [dreg:s22], $0x2FFFF;
	_ =	strace $0x9FFFFFFF  }
0xd1: {  	(tm) =	ssettm $0x7FFFFFFF  }
tec
execute0_lowered:
.L_overlay_start_1:
0x0: {  	(tag) =	ssettag $0x1  }
0x1: {  	s1 =	srdreg.scid;
	s0 =	stileid.u32  }
0x2: {  	s1 =	sand.u32 $0x1, s1;
	s3 =	sshll.u32 s0, $0x1  }
0x3: {  	s28 =	sor.u32 s1, s3  }
0x4: {  	s4 =	smul.u32 $0x90, s28  }
0x5: {  	s11 =	rddreg [dreg:$0x1]  }
0x6: {  	s2 =	rddreg [dreg:$0x0];
	s3 =	simm.s32 $0x0;
	s4 =	sadd.s32 s4, s11  }
0x7: {  	[smem:$0x7FF] =	sst s3;
	s4 =	sadd.s32 $0x12200, s4  }
0x8: {  	_ =	strace $0x80000050;
	[dreg:$0x3] =	wrdreg s4  }
0x9: {  	s4 =	simm.s32 $0x7;
	s5 =	rddreg [dreg:$0x3]  }
0xa: {  	[tilespmem:s3], [sflag:$0x7] =	stream.linear.gather [hbm4b:s5+s3], $0x480, $0x38;
	[tilespmem:$0xC480] =	vst v63  }
0xb: {  	_ =	swait.ge [sflag:s4], $0x480  }
0xc: {  	[sflag:s4] =	ssyncset.done $0x0  }
0xd: {  	s6 =	simm.s32 $0x480;
	s5 =	simm.s32 $0x80;
	[sflag:s4] =	ssyncadd.s32 $0xFFFFFB80  }
0xe: {  	[tilespmem:s6], [sflag:$0x1] =	stream.indirect.gather [hbm4b:s2+s5], $0x80, s3, s5, $0xb8;
	[tilespmem:$0xC480] =	vst v63  }
0xf: {  	s7 =	simm.s32 $0x4480  }
0x10: {  	[tilespmem:s7], [sflag:$0x2] =	stream.indirect.gather [hbm4b:s2+s5], $0x80, s5, s5, $0xb8;
	[tilespmem:$0xC480] =	vst v63  }
0x11: {  	s8 =	simm.s32 $0x100;
	s9 =	simm.s32 $0x8480;
	s10 =	simm.s32 $0x1  }
0x12: {  	[tilespmem:s9], [sflag:$0x3] =	stream.indirect.gather [hbm4b:s2+s5], $0x80, s8, s5, $0xb8;
	[tilespmem:$0xC480] =	vst v63  }
0x13: {  	s12 =	smul.u32 $0x4800, s28;
	_ =	swait.ge [sflag:s10], $0x4000  }
0x14: {  	s29 =	sadd.s32 $0x13400, s11;
	[sflag:s10] =	ssyncset.done $0x0  }
0x15: {  	s11 =	sadd.s32 s29, s12;
	s12 =	simm.s32 $0x2;
	[sflag:s10] =	ssyncadd.s32 $0xFFFFC000  }
0x16: {  	[hbm4b:s11+s3] =	stream.linear.scatter [tilespmem:s6], [sflag:$0x4], $0x4000, $0x38;
	[tilespmem:$0xC480] =	vst v63  }
0x17: {  	_ =	swait.ge [sflag:s12], $0x4000  }
0x18: {  	[sflag:s12] =	ssyncset.done $0x0  }
0x19: {  	s14 =	simm.s32 $0x3;
	s13 =	sadd.s32 $0x800, s11;
	[sflag:s12] =	ssyncadd.s32 $0xFFFFC000  }
0x1a: {  	[hbm4b:s13+s3] =	stream.linear.scatter [tilespmem:s7], [sflag:$0x5], $0x4000, $0x38;
	[tilespmem:$0xC480] =	vst v63  }
0x1b: {  	_ =	swait.ge [sflag:s14], $0x4000  }
0x1c: {  	[sflag:s14] =	ssyncset.done $0x0  }
0x1d: {  	s16 =	simm.s32 $0x4;
	s15 =	sadd.s32 $0x1000, s11;
	[sflag:s14] =	ssyncadd.s32 $0xFFFFC000  }
0x1e: {  	[hbm4b:s15+s3] =	stream.linear.scatter [tilespmem:s9], [sflag:$0x6], $0x4000, $0x38;
	[tilespmem:$0xC480] =	vst v63  }
0x1f: {  	_ =	swait.ge [sflag:s16], $0x4000  }
0x20: {  	[sflag:s16] =	ssyncset.done $0x0  }
0x21: {  	s17 =	simm.s32 $0x180;
	s18 =	simm.s32 $0x5;
	[sflag:s16] =	ssyncadd.s32 $0xFFFFC000  }
0x22: {  	[tilespmem:s6], [sflag:$0x1] =	stream.indirect.gather [hbm4b:s2+s5], $0x80, s17, s5, $0xb8;
	[tilespmem:$0xC480] =	vst v63  }
0x23: {  	_ =	swait.ge [sflag:s18], $0x4000  }
0x24: {  	[sflag:s18] =	ssyncset.done $0x0  }
0x25: {  	s20 =	simm.s32 $0x200;
	s19 =	simm.s32 $0x6;
	[sflag:s18] =	ssyncadd.s32 $0xFFFFC000  }
0x26: {  	[tilespmem:s7], [sflag:$0x2] =	stream.indirect.gather [hbm4b:s2+s5], $0x80, s20, s5, $0xb8;
	[tilespmem:$0xC480] =	vst v63  }
0x27: {  	_ =	swait.ge [sflag:s19], $0x4000  }
0x28: {  	[sflag:s19] =	ssyncset.done $0x0  }
0x29: {  	s21 =	simm.s32 $0x280;
	[sflag:s19] =	ssyncadd.s32 $0xFFFFC000  }
0x2a: {  	[tilespmem:s9], [sflag:$0x3] =	stream.indirect.gather [hbm4b:s2+s5], $0x80, s21, s5, $0xb8;
	[tilespmem:$0xC480] =	vst v63  }
0x2b: {  	_ =	swait.ge [sflag:s10], $0x4000  }
0x2c: {  	[sflag:s10] =	ssyncset.done $0x0  }
0x2d: {  	s22 =	sadd.s32 $0x1800, s11;
	[sflag:s10] =	ssyncadd.s32 $0xFFFFC000  }
0x2e: {  	[hbm4b:s22+s3] =	stream.linear.scatter [tilespmem:s6], [sflag:$0x4], $0x4000, $0x38;
	[tilespmem:$0xC480] =	vst v63  }
0x2f: {  	_ =	swait.ge [sflag:s12], $0x4000  }
0x30: {  	[sflag:s12] =	ssyncset.done $0x0  }
0x31: {  	s23 =	sadd.s32 $0x2000, s11;
	[sflag:s12] =	ssyncadd.s32 $0xFFFFC000  }
0x32: {  	[hbm4b:s23+s3] =	stream.linear.scatter [tilespmem:s7], [sflag:$0x5], $0x4000, $0x38;
	[tilespmem:$0xC480] =	vst v63  }
0x33: {  	_ =	swait.ge [sflag:s14], $0x4000  }
0x34: {  	[sflag:s14] =	ssyncset.done $0x0  }
0x35: {  	s24 =	sadd.s32 $0x2800, s11;
	[sflag:s14] =	ssyncadd.s32 $0xFFFFC000  }
0x36: {  	[hbm4b:s24+s3] =	stream.linear.scatter [tilespmem:s9], [sflag:$0x6], $0x4000, $0x38;
	[tilespmem:$0xC480] =	vst v63  }
0x37: {  	_ =	swait.ge [sflag:s16], $0x4000  }
0x38: {  	[sflag:s16] =	ssyncset.done $0x0  }
0x39: {  	s25 =	simm.s32 $0x300;
	[sflag:s16] =	ssyncadd.s32 $0xFFFFC000  }
0x3a: {  	[tilespmem:s6], [sflag:$0x1] =	stream.indirect.gather [hbm4b:s2+s5], $0x80, s25, s5, $0xb8;
	[tilespmem:$0xC480] =	vst v63  }
0x3b: {  	_ =	swait.ge [sflag:s18], $0x4000  }
0x3c: {  	[sflag:s18] =	ssyncset.done $0x0  }
0x3d: {  	s26 =	simm.s32 $0x380;
	[sflag:s18] =	ssyncadd.s32 $0xFFFFC000  }
0x3e: {  	[tilespmem:s7], [sflag:$0x2] =	stream.indirect.gather [hbm4b:s2+s5], $0x80, s26, s5, $0xb8;
	[tilespmem:$0xC480] =	vst v63  }
0x3f: {  	_ =	swait.ge [sflag:s19], $0x4000  }
0x40: {  	[sflag:s19] =	ssyncset.done $0x0  }
0x41: {  	s30 =	smul.u32 $0x24000, s28;
	s28 =	simm.s32 $0x400;
	[sflag:s19] =	ssyncadd.s32 $0xFFFFC000  }
0x42: {  	[tilespmem:s9], [sflag:$0x3] =	stream.indirect.gather [hbm4b:s2+s5], $0x80, s28, s5, $0xb8;
	[tilespmem:$0xC480] =	vst v63  }
0x43: {  	s30 =	sshrl.u32 s30, $0x3;
	_ =	swait.ge [sflag:s10], $0x4000  }
0x44: {  	s31 =	sadd.s32 s29, s30;
	[sflag:s10] =	ssyncset.done $0x0  }
0x45: {  	s29 =	sadd.s32 $0x3000, s31;
	[sflag:s10] =	ssyncadd.s32 $0xFFFFC000  }
0x46: {  	[hbm4b:s29+s3] =	stream.linear.scatter [tilespmem:s6], [sflag:$0x4], $0x4000, $0x38;
	[tilespmem:$0xC480] =	vst v63  }
0x47: {  	_ =	swait.ge [sflag:s12], $0x4000  }
0x48: {  	[sflag:s12] =	ssyncset.done $0x0  }
0x49: {  	s30 =	sadd.s32 $0x3800, s31;
	[sflag:s12] =	ssyncadd.s32 $0xFFFFC000  }
0x4a: {  	[hbm4b:s30+s3] =	stream.linear.scatter [tilespmem:s7], [sflag:$0x5], $0x4000, $0x38;
	[tilespmem:$0xC480] =	vst v63  }
0x4b: {  	s1 =	ssub.s32 $0x2, s1;
	_ =	swait.ge [sflag:s14], $0x4000  }
0x4c: {  	s0 =	sshrl.u32 s1, $0x1;
	[sflag:s14] =	ssyncset.done $0x0  }
0x4d: {  	s0 =	ssub.s32 s1, s0;
	s31 =	sadd.s32 $0x4000, s31;
	[sflag:s14] =	ssyncadd.s32 $0xFFFFC000  }
0x4e: {  	[hbm4b:s31+s3] =	stream.linear.scatter [tilespmem:s9], [sflag:$0x6], $0x4000, $0x38;
	[tilespmem:$0xC480] =	vst v63  }
0x4f: {  	s0 =	smax.u32 s0, $0x1;
	_ =	swait.ge [sflag:s16], $0x4000  }
0x50: {  	p0 =	sne.s32 s0, $0x1;
	[sflag:s16] =	ssyncset.done $0x0  }
.Ltmp0:
0x51: {  	[sflag:s16] =	ssyncadd.s32 $0xFFFFC000;
	(pc) =	sbr.rel @!p0 .LBB2_2-.Ltmp0, $4  }
0x52: {  	_ =	swait.ge [sflag:s18], $0x4000  }
0x53: {  	[sflag:s18] =	ssyncset.done $0x0  }
0x54: {  	[sflag:s18] =	ssyncadd.s32 $0xFFFFC000  }
0x55: {  	s1 =	sadd.s32 $0xFFFFFFFF, s0;
	_ =	swait.ge [sflag:s19], $0x4000  }
.LBB2_1:
0x56: {  	[sflag:s19] =	ssyncset.done $0x0  }
0x57: {  	s0 =	rddreg [dreg:$0x3];
	[sflag:s19] =	ssyncadd.s32 $0xFFFFC000  }
0x58: {  	[tilespmem:s3], [sflag:$0x7] =	stream.linear.gather [hbm4b:s0+s3], $0x480, $0x38;
	[tilespmem:$0xC480] =	vst v63  }
0x59: {  	_ =	swait.ge [sflag:s4], $0x480  }
0x5a: {  	[sflag:s4] =	ssyncset.done $0x0  }
0x5b: {  	[sflag:s4] =	ssyncadd.s32 $0xFFFFFB80  }
0x5c: {  	[tilespmem:s6], [sflag:$0x1] =	stream.indirect.gather [hbm4b:s2+s5], $0x80, s3, s5, $0xb8;
	[tilespmem:$0xC480] =	vst v63  }
0x5d: {  	_ = 	snop  }
0x5e: {  	[tilespmem:s7], [sflag:$0x2] =	stream.indirect.gather [hbm4b:s2+s5], $0x80, s5, s5, $0xb8;
	[tilespmem:$0xC480] =	vst v63  }
0x5f: {  	_ = 	snop  }
0x60: {  	[tilespmem:s9], [sflag:$0x3] =	stream.indirect.gather [hbm4b:s2+s5], $0x80, s8, s5, $0xb8;
	[tilespmem:$0xC480] =	vst v63  }
0x61: {  	_ =	swait.ge [sflag:s10], $0x4000  }
0x62: {  	[sflag:s10] =	ssyncset.done $0x0  }
0x63: {  	[sflag:s10] =	ssyncadd.s32 $0xFFFFC000  }
0x64: {  	[hbm4b:s11+s3] =	stream.linear.scatter [tilespmem:s6], [sflag:$0x4], $0x4000, $0x38;
	[tilespmem:$0xC480] =	vst v63  }
0x65: {  	_ =	swait.ge [sflag:s12], $0x4000  }
0x66: {  	[sflag:s12] =	ssyncset.done $0x0  }
0x67: {  	[sflag:s12] =	ssyncadd.s32 $0xFFFFC000  }
0x68: {  	[hbm4b:s13+s3] =	stream.linear.scatter [tilespmem:s7], [sflag:$0x5], $0x4000, $0x38;
	[tilespmem:$0xC480] =	vst v63  }
0x69: {  	_ =	swait.ge [sflag:s14], $0x4000  }
0x6a: {  	[sflag:s14] =	ssyncset.done $0x0  }
0x6b: {  	[sflag:s14] =	ssyncadd.s32 $0xFFFFC000  }
0x6c: {  	[hbm4b:s15+s3] =	stream.linear.scatter [tilespmem:s9], [sflag:$0x6], $0x4000, $0x38;
	[tilespmem:$0xC480] =	vst v63  }
0x6d: {  	_ =	swait.ge [sflag:s16], $0x4000  }
0x6e: {  	[sflag:s16] =	ssyncset.done $0x0  }
0x6f: {  	[sflag:s16] =	ssyncadd.s32 $0xFFFFC000  }
0x70: {  	[tilespmem:s6], [sflag:$0x1] =	stream.indirect.gather [hbm4b:s2+s5], $0x80, s17, s5, $0xb8;
	[tilespmem:$0xC480] =	vst v63  }
0x71: {  	_ =	swait.ge [sflag:s18], $0x4000  }
0x72: {  	[sflag:s18] =	ssyncset.done $0x0  }
0x73: {  	[sflag:s18] =	ssyncadd.s32 $0xFFFFC000  }
0x74: {  	[tilespmem:s7], [sflag:$0x2] =	stream.indirect.gather [hbm4b:s2+s5], $0x80, s20, s5, $0xb8;
	[tilespmem:$0xC480] =	vst v63  }
0x75: {  	_ =	swait.ge [sflag:s19], $0x4000  }
0x76: {  	[sflag:s19] =	ssyncset.done $0x0  }
0x77: {  	[sflag:s19] =	ssyncadd.s32 $0xFFFFC000  }
0x78: {  	[tilespmem:s9], [sflag:$0x3] =	stream.indirect.gather [hbm4b:s2+s5], $0x80, s21, s5, $0xb8;
	[tilespmem:$0xC480] =	vst v63  }
0x79: {  	_ =	swait.ge [sflag:s10], $0x4000  }
0x7a: {  	[sflag:s10] =	ssyncset.done $0x0  }
0x7b: {  	[sflag:s10] =	ssyncadd.s32 $0xFFFFC000  }
0x7c: {  	[hbm4b:s22+s3] =	stream.linear.scatter [tilespmem:s6], [sflag:$0x4], $0x4000, $0x38;
	[tilespmem:$0xC480] =	vst v63  }
0x7d: {  	_ =	swait.ge [sflag:s12], $0x4000  }
0x7e: {  	[sflag:s12] =	ssyncset.done $0x0  }
0x7f: {  	[sflag:s12] =	ssyncadd.s32 $0xFFFFC000  }
0x80: {  	[hbm4b:s23+s3] =	stream.linear.scatter [tilespmem:s7], [sflag:$0x5], $0x4000, $0x38;
	[tilespmem:$0xC480] =	vst v63  }
0x81: {  	_ =	swait.ge [sflag:s14], $0x4000  }
0x82: {  	[sflag:s14] =	ssyncset.done $0x0  }
0x83: {  	[sflag:s14] =	ssyncadd.s32 $0xFFFFC000  }
0x84: {  	[hbm4b:s24+s3] =	stream.linear.scatter [tilespmem:s9], [sflag:$0x6], $0x4000, $0x38;
	[tilespmem:$0xC480] =	vst v63  }
0x85: {  	_ =	swait.ge [sflag:s16], $0x4000  }
0x86: {  	[sflag:s16] =	ssyncset.done $0x0  }
0x87: {  	[sflag:s16] =	ssyncadd.s32 $0xFFFFC000  }
0x88: {  	[tilespmem:s6], [sflag:$0x1] =	stream.indirect.gather [hbm4b:s2+s5], $0x80, s25, s5, $0xb8;
	[tilespmem:$0xC480] =	vst v63  }
0x89: {  	_ =	swait.ge [sflag:s18], $0x4000  }
0x8a: {  	[sflag:s18] =	ssyncset.done $0x0  }
0x8b: {  	[sflag:s18] =	ssyncadd.s32 $0xFFFFC000  }
0x8c: {  	[tilespmem:s7], [sflag:$0x2] =	stream.indirect.gather [hbm4b:s2+s5], $0x80, s26, s5, $0xb8;
	[tilespmem:$0xC480] =	vst v63  }
0x8d: {  	_ =	swait.ge [sflag:s19], $0x4000  }
0x8e: {  	[sflag:s19] =	ssyncset.done $0x0  }
0x8f: {  	[sflag:s19] =	ssyncadd.s32 $0xFFFFC000  }
0x90: {  	[tilespmem:s9], [sflag:$0x3] =	stream.indirect.gather [hbm4b:s2+s5], $0x80, s28, s5, $0xb8;
	[tilespmem:$0xC480] =	vst v63  }
0x91: {  	_ =	swait.ge [sflag:s10], $0x4000  }
0x92: {  	[sflag:s10] =	ssyncset.done $0x0  }
0x93: {  	[sflag:s10] =	ssyncadd.s32 $0xFFFFC000  }
0x94: {  	[hbm4b:s29+s3] =	stream.linear.scatter [tilespmem:s6], [sflag:$0x4], $0x4000, $0x38;
	[tilespmem:$0xC480] =	vst v63  }
0x95: {  	_ =	swait.ge [sflag:s12], $0x4000  }
0x96: {  	[sflag:s12] =	ssyncset.done $0x0  }
0x97: {  	[sflag:s12] =	ssyncadd.s32 $0xFFFFC000  }
0x98: {  	[hbm4b:s30+s3] =	stream.linear.scatter [tilespmem:s7], [sflag:$0x5], $0x4000, $0x38;
	[tilespmem:$0xC480] =	vst v63  }
0x99: {  	_ =	swait.ge [sflag:s14], $0x4000  }
0x9a: {  	[sflag:s14] =	ssyncset.done $0x0  }
0x9b: {  	[sflag:s14] =	ssyncadd.s32 $0xFFFFC000  }
0x9c: {  	[hbm4b:s31+s3] =	stream.linear.scatter [tilespmem:s9], [sflag:$0x6], $0x4000, $0x38;
	[tilespmem:$0xC480] =	vst v63  }
0x9d: {  	_ =	swait.ge [sflag:s16], $0x4000  }
0x9e: {  	p0 =	sne.s32 s1, $0x1;
	[sflag:s16] =	ssyncset.done $0x0  }
.Ltmp1:
0x9f: {  	[sflag:s16] =	ssyncadd.s32 $0xFFFFC000;
	(pc) =	sbr.rel @p0 .LBB2_1-.Ltmp1, $4  }
0xa0: {  	_ =	swait.ge [sflag:s18], $0x4000  }
0xa1: {  	[sflag:s18] =	ssyncset.done $0x0  }
0xa2: {  	[sflag:s18] =	ssyncadd.s32 $0xFFFFC000  }
0xa3: {  	s1 =	sadd.s32 $0xFFFFFFFF, s1;
	_ =	swait.ge [sflag:s19], $0x4000  }
.LBB2_2:
0xa4: {  	[sflag:s19] =	ssyncset.done $0x0  }
0xa5: {  	[sflag:s19] =	ssyncadd.s32 $0xFFFFC000  }
0xa6: {  	_ =	sfence.sel $0x180000  }
0xa7: {  	[bflag:$0x0] =	sbarrier.arrive $0xFFFF  }
0xa8: {  	_ =	strace $0x90000050  }
0xa9: {  	s0 =	stileid.u32;
	[bflag:$0x2] =	sbarrier.arrive $0xFFFF  }
0xaa: {  	p0 =	sne.s32 s0, $0x0;
	s0 =	rddreg [dreg:$0x2]  }
0xab: {  	s0 =	sadd.s32 @!p0 $0x100000, s0  }
0xac: {  	[sflag:s0] =	ssyncadd.tile.s32 @!p0 $0x1;
	_ =	shalt  }
.Lfunc_end2:
_tile_overlayer_lowered:
.L_overlay_start_2:
0xad: {  	(tag) =	ssettag $0x2  }
0xae: {  	s0 =	rddreg [dreg:$0x0];
	s2 =	stileid.u32  }
0xaf: {  	s1 =	rddreg [dreg:$0x1];
	p0 =	sne.s32 s2, $0x0  }
0xb0: {  	s3 =	rddreg [dreg:$0x2];
	[bflag:$0x3] =	sbarrier.arrive $0xFFFF;
	s2 =	simm.s32 @!p0 $0x1C07  }
0xb1: {  	[timem:s3], [sflag:s2] =	dma.local @!p0 [hbm:s0], s1  }
0xb2: {  	s0 =	simm.s32 @!p0 $0x7  }
0xb3: {  	_ =	swait.ge @!p0 [sflag:s0], s1  }
0xb4: {  	s1 =	ssub.s32 @!p0 $0x0, s1;
	[sflag:s0] =	ssyncset.done @!p0 $0x0  }
0xb5: {  	[sflag:s0] =	ssyncadd.s32 @!p0 s1  }
0xb6: {  	[bflag:$0x3] =	sbarrier.arrive $0xFFFF  }
0xb7: {  	_ =	shalt  }

// kernel: kernel.18.cloned.1.call-start
scs
__scs_entry_jumppad:
0x0: {  	(pc) =	sbr.rel $0x88, $3  }
0x1: {  	(tag) =	ssettag $0x0;
	lr =	simm.s32 $0x1  }
0x2: {  	[smem:$0x3F79] =	sst lr;
	_ =	strace $0xD0000000  }
0x3: {  	_ = 	snop  }
0x4: {  	_ = 	snop  }
0x5: {  	_ = 	snop  }
0x6: {  	_ = 	snop  }
0x7: {  	_ = 	snop  }
__scs_overlays_trampoline_lowered:
0x8: {  	[smem:$0x3F88] =	sst s0  }
0x9: {  	[smem:$0x3F89] =	sst s1  }
0xa: {  	[smem:$0x3F8A] =	sst s2  }
0xb: {  	[smem:$0x3F8B] =	sst s3  }
0xc: {  	[smem:$0x3F8C] =	sst s4  }
0xd: {  	[smem:$0x3F8D] =	sst s5  }
0xe: {  	[smem:$0x3F8E] =	sst s6  }
0xf: {  	[smem:$0x3F8F] =	sst s7  }
0x10: {  	[smem:$0x3F90] =	sst s8  }
0x11: {  	[smem:$0x3F91] =	sst s9;
	s0 =	simm.s32 @!p0 $0x0  }
0x12: {  	s1 =	sld [smem:$0x3F77];
	s0 =	simm.s32 @p0 $0x1  }
0x13: {  	[smem:$0x3F92] =	sst s0;
	s0 =	simm.s32 @!p1 $0x0  }
0x14: {  	s2 =	sld [smem:$0x3F76];
	s0 =	simm.s32 @p1 $0x1  }
0x15: {  	[smem:$0x3F93] =	sst s0;
	s0 =	simm.s32 @!p2 $0x0  }
0x16: {  	s3 =	sld [smem:$0x3FDB];
	s0 =	simm.s32 @p2 $0x1  }
0x17: {  	s4 =	simm.s32 $0x1BF5;
	[smem:$0x3F95] =	sst s0  }
0x18: {  	s0 =	sld [smem:$0x3F78];
	_ =	swait.ge [sflag:s4], $0x0  }
0x19: {  	s7 =	sld [smem:$0x3F79]  }
0x1a: {  	s8 =	sadd.s32 $0xFFFFE003, lr  }
0x1b: {  	s9 =	sadd.s32 $0xFFFFFEF7, lr;
	s5 =	simm.s32 $0xFFFFFFFF;
	p2 =	slt.u32 s8, $0xFFFFF086  }
0x1c: {  	p1 =	slt.u32 s9, $0xF7A;
	s5 =	simm.s32 @!p2 $0x0  }
0x1d: {  	s5 =	simm.s32 @p1 $0x1;
	p0 =	seq.s32 s7, s2  }
0x1e: {  	s7 =	smul.u32 @!p0 $0xF7A, s2;
	p2 =	seq.s32 @!p0 s5, $0x0  }
0x1f: {  	s9 =	smul.u32 $0xF7A, s1;
	s8 =	simm.s32 @!p0 $0x1BF5;
	p2 =	por !p2, p0  }
0x20: {  	[sflag:s8] =	ssyncset.s32 @!p0 $0xFFFFF086;
	s6 =	sadd.s32 @!p0 s3, s7;
	s7 =	simm.s32 @!p0 $0x108  }
0x21: {  	s3 =	sadd.s32 s3, s9;
	s6 =	sadd.s32 @!p0 $0x88, s6;
	s7 =	simm.s32 @p2 $0x1082  }
0x22: {  	[simem:s7], [sflag:s8] =	dma.local @!p0 [hbm:s6], $0xF7A  }
0x23: {  	s9 =	sor.u32 $0xD0000000, s2;
	s6 =	simm.s32 $0x108;
	_ =	swait.ge @!p0 [sflag:s8], $0x0  }
0x24: {  	s3 =	sadd.s32 $0x88, s3;
	s6 =	simm.s32 @!p1 $0x1082;
	[sflag:s4] =	ssyncset.s32 $0xFFFFF086  }
0x25: {  	[simem:s6], [sflag:s4] =	dma.local [hbm:s3], $0xF7A  }
0x26: {  	[smem:$0x3F79] =	sst s1;
	(tag) =	ssettag s2;
	_ =	strace s9  }
0x27: {  	s1 =	sld [smem:$0x3F89]  }
0x28: {  	s2 =	sld [smem:$0x3F8A]  }
0x29: {  	s4 =	sld [smem:$0x3F8C]  }
0x2a: {  	p0 =	seq.s32 s5, $0x0;
	s5 =	sld [smem:$0x3F8D]  }
0x2b: {  	s6 =	sld [smem:$0x3F8E]  }
0x2c: {  	s7 =	sld [smem:$0x3F8F]  }
0x2d: {  	s3 =	simm.s32 $0x108;
	s8 =	sld [smem:$0x3F90]  }
0x2e: {  	s3 =	simm.s32 @!p0 $0x1082;
	s9 =	sld [smem:$0x3F91]  }
0x2f: {  	lr =	sadd.s32 s0, s3;
	s0 =	sld [smem:$0x3F88]  }
0x30: {  	s3 =	sld [smem:$0x3F8B]  }
0x31: {  	[smem:$0x3F94] =	sst s10  }
0x32: {  	s10 =	sld [smem:$0x3F92];
	_ =	sdelay $0x3  }
0x33: {  	p0 =	seq.s32 s10, $0x1;
	s10 =	sld [smem:$0x3F94];
	_ =	sdelay $0x3  }
0x34: {  	[smem:$0x3F94] =	sst s10  }
0x35: {  	s10 =	sld [smem:$0x3F93];
	_ =	sdelay $0x3  }
0x36: {  	p1 =	seq.s32 s10, $0x1;
	s10 =	sld [smem:$0x3F94];
	_ =	sdelay $0x3  }
0x37: {  	[smem:$0x3F94] =	sst s10  }
0x38: {  	s10 =	sld [smem:$0x3F95]  }
0x39: {  	_ = 	snop;
	(pc) =	sbr.ind lr, $3  }
0x3a: {  	_ = 	snop  }
0x3b: {  	_ = 	snop  }
0x3c: {  	p2 =	seq.s32 s10, $0x1;
	s10 =	sld [smem:$0x3F94]  }
0x3d: {  	_ =	shalt  }
0x3e: {  	_ =	shalt  }
0x3f: {  	_ =	shalt  }
0x40: {  	_ =	shalt  }
0x41: {  	_ =	shalt  }
0x42: {  	_ =	shalt  }
0x43: {  	_ =	shalt  }
0x44: {  	_ =	shalt  }
0x45: {  	_ =	shalt  }
0x46: {  	_ =	shalt  }
0x47: {  	_ =	shalt  }
0x48: {  	_ =	shalt  }
0x49: {  	_ =	shalt  }
0x4a: {  	_ =	shalt  }
0x4b: {  	_ =	shalt  }
0x4c: {  	_ =	shalt  }
0x4d: {  	_ =	shalt  }
0x4e: {  	_ =	shalt  }
0x4f: {  	_ =	shalt  }
0x50: {  	_ =	shalt  }
0x51: {  	_ =	shalt  }
0x52: {  	_ =	shalt  }
0x53: {  	_ =	shalt  }
0x54: {  	_ =	shalt  }
0x55: {  	_ =	shalt  }
0x56: {  	_ =	shalt  }
0x57: {  	_ =	shalt  }
0x58: {  	_ =	shalt  }
0x59: {  	_ =	shalt  }
0x5a: {  	_ =	shalt  }
0x5b: {  	_ =	shalt  }
0x5c: {  	_ =	shalt  }
0x5d: {  	_ =	shalt  }
0x5e: {  	_ =	shalt  }
0x5f: {  	_ =	shalt  }
0x60: {  	_ =	shalt  }
0x61: {  	_ =	shalt  }
0x62: {  	_ =	shalt  }
0x63: {  	_ =	shalt  }
0x64: {  	_ =	shalt  }
0x65: {  	_ =	shalt  }
0x66: {  	_ =	shalt  }
0x67: {  	_ =	shalt  }
0x68: {  	_ =	shalt  }
0x69: {  	_ =	shalt  }
0x6a: {  	_ =	shalt  }
0x6b: {  	_ =	shalt  }
0x6c: {  	_ =	shalt  }
0x6d: {  	_ =	shalt  }
0x6e: {  	_ =	shalt  }
0x6f: {  	_ =	shalt  }
0x70: {  	_ =	shalt  }
0x71: {  	_ =	shalt  }
0x72: {  	_ =	shalt  }
0x73: {  	_ =	shalt  }
0x74: {  	_ =	shalt  }
0x75: {  	_ =	shalt  }
0x76: {  	_ =	shalt  }
0x77: {  	_ =	shalt  }
0x78: {  	_ =	shalt  }
0x79: {  	_ =	shalt  }
0x7a: {  	_ =	shalt  }
0x7b: {  	_ =	shalt  }
0x7c: {  	_ =	shalt  }
0x7d: {  	_ =	shalt  }
0x7e: {  	_ =	shalt  }
0x7f: {  	_ =	shalt  }
0x80: {  	_ =	shalt  }
0x81: {  	_ =	shalt  }
0x82: {  	_ =	shalt  }
0x83: {  	_ =	shalt  }
0x84: {  	_ =	shalt  }
0x85: {  	_ =	shalt  }
0x86: {  	_ =	shalt  }
0x87: {  	_ =	shalt  }
.Lfunc_end0:
.L_simem_size_0:
called_computation.4_lowered:
.L_overlay_start_0:
0x88: {  	s2 =	sld [smem:$0x3FD9]  }
0x89: {  	s3 =	sld [smem:$0x3FFE];
	_ =	sdelay $0x1  }
0x8a: {  	s1 =	srdreg.scid  }
0x8b: {  	s0 =	sand.u32 $0x1, s1  }
0x8c: {  	s17 =	sshll.u32 s0, $0xA;
	s2 =	sadd.s32 s3, s2  }
0x8d: {  	s2 =	sadd.s32 s2, s17  }
0x8e: {  	[smem:$0x3FA0] =	sst s2  }
0x8f: {  	_ = 	snop  }
0x90: {  	s18 =	sld [smem:$0x3FC9];
	(tm) =	ssettm $0x1  }
0x91: {  	s19 =	sld [smem:$0x3FFB];
	_ =	sdelay $0x3  }
0x92: {  	_ =	strace s19  }
0x93: {  	s2 =	sld [smem:$0x3FFC];
	_ =	sdelay $0x3  }
0x94: {  	_ =	strace s2  }
0x95: {  	s2 =	sld [smem:$0x3FFD];
	_ =	sdelay $0x3  }
0x96: {  	_ =	strace s2  }
0x97: {  	_ =	strace $0x8FFFFFFF  }
0x98: {  	s20 =	sld [smem:$0x3FDB];
	_ =	sdelay $0x1  }
0x99: {  	s4 =	simm.s32 $_scs_section_size  }
0x9a: {  	s5 =	simm.s32 $_size__tile_overlayer_lowered;
	s6 =	simm.s32 $_tile_overlayer_lowered  }
0x9b: {  	s7 =	simm.s32 $0x1BFF;
	s21 =	sshll.u32 s6, $0x1;
	s4 =	sadd.s32 s4, s20  }
0x9c: {  	s22 =	simm.s32 $0x0;
	s5 =	sshll.u32 s5, $0x1;
	s6 =	sadd.s32 s21, s4  }
0x9d: {  	[timem:s22], [sflag:s7] =	dma.local [hbm:s6], s5  }
0x9e: {  	_ =	swait.ge [sflag:s7], s5  }
0x9f: {  	s5 =	ssub.s32 $0x0, s5;
	[sflag:s7] =	ssyncset.done $0x0  }
0xa0: {  	[sflag:s7] =	ssyncadd.s32 s5;
	_ =	sdelay $0x1  }
0xa1: {  	s23 =	simm.s32 $0x1B8B  }
0xa2: {  	_ =	swait.ge [sflag:s23], $0x1  }
0xa3: {  	[sflag:s23] =	ssyncset.done $0x0  }
0xa4: {  	[sflag:s23] =	ssyncadd.s32 $0xFFFFFFFF  }
0xa5: {  	s5 =	sld [smem:$0x0]  }
0xa6: {  	s6 =	sand.u32 $0xFFFFFFFE, s1  }
0xa7: {  	p0 =	sne.s32 s1, s6  }
0xa8: {  	s6 =	sshll.u32 @p0 s6, $0xE  }
0xa9: {  	s6 =	sadd.s32 @p0 $0x11B8D, s6;
	s7 =	sshll.u32 @p0 s5, $0x11  }
0xaa: {  	s6 =	sor.u32 @p0 s7, s6  }
0xab: {  	[sflag:s6] =	ssyncadd.remote.s32 @p0 $0x1;
	_ =	sdelay $0x1  }
0xac: {  	s6 =	simm.s32 @p0 $0x1B8D  }
0xad: {  	_ =	swait.eq @p0 [sflag:s6], $0x1  }
0xae: {  	[sflag:s6] =	ssyncadd.s32 @p0 $0xFFFFFFFF  }
0xaf: {  	s7 =	sshll.u32 @!p0 s1, $0xE  }
0xb0: {  	s7 =	sor.u32 @!p0 $0x4000, s7;
	s6 =	simm.s32 @!p0 $0x1B8D  }
0xb1: {  	s5 =	sshll.u32 @!p0 s5, $0x11;
	s7 =	sadd.s32 @!p0 $0x11B8D, s7;
	_ =	swait.eq @!p0 [sflag:s6], $0x1  }
0xb2: {  	s5 =	sor.u32 @!p0 s5, s7;
	[sflag:s6] =	ssyncadd.s32 @!p0 $0xFFFFFFFF  }
0xb3: {  	s25 =	simm.s32 $0x1B8E;
	s24 =	sld [smem:$0x3FFE];
	[sflag:s5] =	ssyncadd.remote.s32 @!p0 $0x1  }
0xb4: {  	s26 =	simm.s32 $execute0_lowered;
	[smem:$0x3FD2] =	sst s25  }
0xb5: {  	s6 =	sshll.u32 s26, $0x1;
	_ =	strace $0x80000052;
	[dreg:$0x1] =	wrdreg $0xFFFFFFFF  }
0xb6: {  	s28 =	simm.s32 $_size_execute0_lowered;
	s4 =	sadd.s32 s4, s6;
	[dreg:$0x0] =	wrdreg $0x0  }
0xb7: {  	s6 =	sshll.u32 s28, $0x1;
	[dreg:$0x2] =	wrdreg s4  }
0xb8: {  	[dreg:$0x3] =	wrdreg s6  }
0xb9: {  	[dreg:$0x4] =	wrdreg $0xC0  }
0xba: {  	_ =	task [dreg:s22], $0x5FFFF  }
0xbb: {  	[dreg:$0x1] =	wrdreg $0xFFFFFFFF  }
0xbc: {  	[dreg:$0x0] =	wrdreg $0x60  }
0xbd: {  	[dreg:$0x2] =	wrdreg s18  }
0xbe: {  	[dreg:$0x3] =	wrdreg s24  }
0xbf: {  	[dreg:$0x4] =	wrdreg $0xC  }
0xc0: {  	_ =	task.clear_ibuf [dreg:s22], $0x5FFFF;
	_ =	strace $0x90000052  }
0xc1: {  	s29 =	simm.s32 $0xC;
	_ =	strace $0x80000054  }
0xc2: {  	_ =	swait.ge [sflag:s29], $0x1  }
0xc3: {  	[sflag:s29] =	ssyncadd.s32 $0xFFFFFFFF  }
0xc4: {  	_ =	strace $0x90000054  }
0xc5: {  	_ =	sfence  }
0xc6: {  	s30 =	sld [smem:$0x0];
	_ =	sdelay $0x2  }
0xc7: {  	s31 =	sshll.u32 s1, $0xD;
	s1 =	sshrl.u32 s1, $0x2  }
0xc8: {  	s4 =	sand.u32 $0x4000, s31;
	s1 =	sadd.s32 s1, s30  }
0xc9: {  	s0 =	sor.u32 s4, s0;
	s1 =	sshll.u32 s1, $0x11  }
0xca: {  	s0 =	sor.u32 s1, s0  }
0xcb: {  	s0 =	sadd.s32 $0x8F2B, s0  }
0xcc: {  	[sflag:s0] =	ssyncadd.remote.s32 $0x1  }
0xcd: {  	_ =	sfence.sel $0xFFFF  }
0xce: {  	[dreg:$0x0] =	wrdreg $0xFFFFFFFF;
	(pc) =	sbr.abs _section_cstart, $3  }
0xcf: {  	[dreg:$0x1] =	wrdreg $0xFFFFFFFF  }
0xd0: {  	_ =	task.clear_ibuf [dreg:s22], $0x2FFFF;
	_ =	strace $0x9FFFFFFF  }
0xd1: {  	(tm) =	ssettm $0x7FFFFFFF  }
tec
execute0_lowered:
.L_overlay_start_1:
0x0: {  	(tag) =	ssettag $0x1  }
0x1: {  	s1 =	srdreg.scid  }
0x2: {  	s0 =	stileid.u32;
	s2 =	rddreg [dreg:$0x0]  }
0x3: {  	s4 =	rddreg [dreg:$0x1];
	s14 =	simm.s32 $0x2200;
	s15 =	simm.s32 $0x6200  }
0x4: {  	s17 =	simm.s32 $0xA200;
	s18 =	simm.s32 $0x180;
	s19 =	simm.s32 $0xE200  }
0x5: {  	s20 =	simm.s32 $0x1;
	s21 =	simm.s32 $0x2;
	s22 =	simm.s32 $0x3  }
0x6: {  	s23 =	simm.s32 $0x4;
	s24 =	simm.s32 $0x5;
	s25 =	simm.s32 $0x6  }
0x7: {  	s26 =	simm.s32 $0x7;
	s28 =	simm.s32 $0x8;
	s8 =	smul.u32 $0x220000, s0  }
0x8: {  	s1 =	sand.u32 $0x1, s1;
	s3 =	sshll.u32 s0, $0x1;
	s13 =	smul.u32 $0x44000, s0  }
0x9: {  	s29 =	simm.s32 $0x0;
	s5 =	sor.u32 s1, s3;
	s12 =	smul.u32 $0x110000, s1  }
0xa: {  	s3 =	simm.s32 $0x0;
	s30 =	ssub.s32 $0x2, s1;
	s1 =	smul.u32 $0x22000, s1  }
0xb: {  	s11 =	sadd.s32 $0xB4400, s4;
	s6 =	smul.u32 $0x2200, s5;
	[smem:$0x7FF] =	sst s3  }
0xc: {  	s5 =	smul.u32 $0x110000, s5;
	s7 =	sshrl.u32 s30, $0x1;
	_ =	strace $0x80000053  }
0xd: {  	s9 =	ssub.s32 s30, s7;
	s12 =	sadd.s32 s12, s8;
	s6 =	sshrl.u32 s6, $0x3  }
0xe: {  	s5 =	sshrl.u32 s5, $0x3;
	s31 =	sshrl.u32 s12, $0x3;
	s6 =	sadd.s32 s6, s4  }
0xf: {  	s9 =	smax.u32 s9, $0x1;
	s10 =	sadd.s32 s11, s5;
	s4 =	sadd.s32 $0xA3400, s6  }
0x10: {  	s5 =	sadd.s32 $0x20000, s10;
	s6 =	sadd.s32 $0x20800, s10;
	s7 =	sadd.s32 $0x21000, s10  }
0x11: {  	s8 =	sadd.s32 $0x21800, s10;
	s10 =	sadd.s32 s31, s11;
	s11 =	sadd.s32 s13, s11  }
0x12: {  	s12 =	simm.s32 $0x9;
	s13 =	simm.s32 $0x80;
	s11 =	sadd.s32 s1, s11  }
.LBB2_1:
0x13: {  	[tilespmem:s3], [sflag:$0x9] =	stream.linear.gather [hbm4b:s4+s3], $0x2200, $0x38;
	[tilespmem:$0x12200] =	vst v63  }
0x14: {  	_ =	swait.ge [sflag:s12], $0x2200  }
0x15: {  	[sflag:s12] =	ssyncset.done $0x0  }
0x16: {  	[sflag:s12] =	ssyncadd.s32 $0xFFFFDE00  }
0x17: {  	[tilespmem:s14], [sflag:$0x1] =	stream.indirect.gather [hbm4b:s2+s13], $0x80, s3, s13, $0xb8;
	[tilespmem:$0x12200] =	vst v63  }
0x18: {  	_ = 	snop  }
0x19: {  	[tilespmem:s15], [sflag:$0x2] =	stream.indirect.gather [hbm4b:s2+s13], $0x80, s13, s13, $0xb8;
	[tilespmem:$0x12200] =	vst v63  }
0x1a: {  	s0 =	simm.s32 $0x100  }
0x1b: {  	[tilespmem:s17], [sflag:$0x3] =	stream.indirect.gather [hbm4b:s2+s13], $0x80, s0, s13, $0xb8;
	[tilespmem:$0x12200] =	vst v63  }
0x1c: {  	_ = 	snop  }
0x1d: {  	[tilespmem:s19], [sflag:$0x4] =	stream.indirect.gather [hbm4b:s2+s13], $0x80, s18, s13, $0xb8;
	[tilespmem:$0x12200] =	vst v63  }
0x1e: {  	_ =	swait.ge [sflag:s20], $0x4000  }
0x1f: {  	[sflag:s20] =	ssyncset.done $0x0  }
0x20: {  	s1 =	sadd.s32 $0x0, s10;
	[sflag:s20] =	ssyncadd.s32 $0xFFFFC000  }
0x21: {  	[hbm4b:s1+s3] =	stream.linear.scatter [tilespmem:s14], [sflag:$0x5], $0x4000, $0x38;
	[tilespmem:$0x12200] =	vst v63  }
0x22: {  	_ =	swait.ge [sflag:s21], $0x4000  }
0x23: {  	s0 =	sadd.s32 $0x0, s11;
	[sflag:s21] =	ssyncset.done $0x0  }
0x24: {  	s30 =	sadd.s32 $0x800, s0;
	[sflag:s21] =	ssyncadd.s32 $0xFFFFC000  }
0x25: {  	[hbm4b:s30+s3] =	stream.linear.scatter [tilespmem:s15], [sflag:$0x6], $0x4000, $0x38;
	[tilespmem:$0x12200] =	vst v63  }
0x26: {  	_ =	swait.ge [sflag:s22], $0x4000  }
0x27: {  	[sflag:s22] =	ssyncset.done $0x0  }
0x28: {  	s30 =	sadd.s32 $0x1000, s0;
	[sflag:s22] =	ssyncadd.s32 $0xFFFFC000  }
0x29: {  	[hbm4b:s30+s3] =	stream.linear.scatter [tilespmem:s17], [sflag:$0x7], $0x4000, $0x38;
	[tilespmem:$0x12200] =	vst v63  }
0x2a: {  	_ =	swait.ge [sflag:s23], $0x4000  }
0x2b: {  	[sflag:s23] =	ssyncset.done $0x0  }
0x2c: {  	s1 =	sadd.s32 $0x1800, s0;
	[sflag:s23] =	ssyncadd.s32 $0xFFFFC000  }
0x2d: {  	[hbm4b:s1+s3] =	stream.linear.scatter [tilespmem:s19], [sflag:$0x8], $0x4000, $0x38;
	[tilespmem:$0x12200] =	vst v63  }
0x2e: {  	_ =	swait.ge [sflag:s24], $0x4000  }
0x2f: {  	[sflag:s24] =	ssyncset.done $0x0  }
0x30: {  	s16 =	simm.s32 $0x200;
	[sflag:s24] =	ssyncadd.s32 $0xFFFFC000  }
0x31: {  	[tilespmem:s14], [sflag:$0x1] =	stream.indirect.gather [hbm4b:s2+s13], $0x80, s16, s13, $0xb8;
	[tilespmem:$0x12200] =	vst v63  }
0x32: {  	_ =	swait.ge [sflag:s25], $0x4000  }
0x33: {  	[sflag:s25] =	ssyncset.done $0x0  }
0x34: {  	s0 =	simm.s32 $0x280;
	[sflag:s25] =	ssyncadd.s32 $0xFFFFC000  }
0x35: {  	[tilespmem:s15], [sflag:$0x2] =	stream.indirect.gather [hbm4b:s2+s13], $0x80, s0, s13, $0xb8;
	[tilespmem:$0x12200] =	vst v63  }
0x36: {  	_ =	swait.ge [sflag:s26], $0x4000  }
0x37: {  	[sflag:s26] =	ssyncset.done $0x0  }
0x38: {  	s16 =	simm.s32 $0x300;
	[sflag:s26] =	ssyncadd.s32 $0xFFFFC000  }
0x39: {  	[tilespmem:s17], [sflag:$0x3] =	stream.indirect.gather [hbm4b:s2+s13], $0x80, s16, s13, $0xb8;
	[tilespmem:$0x12200] =	vst v63  }
0x3a: {  	_ =	swait.ge [sflag:s28], $0x4000  }
0x3b: {  	s31 =	simm.s32 $0x2000;
	[sflag:s28] =	ssyncset.done $0x0  }
0x3c: {  	s30 =	simm.s32 $0x380;
	s1 =	simm.s32 $0x580;
	[sflag:s28] =	ssyncadd.s32 $0xFFFFC000  }
.LBB2_2:
0x3d: {  	[tilespmem:s19], [sflag:$0x4] =	stream.indirect.gather [hbm4b:s2+s13], $0x80, s30, s13, $0xb8;
	[tilespmem:$0x12200] =	vst v63  }
0x3e: {  	s0 =	smov.u32 s31;
	s30 =	smov.u32 s1  }
0x3f: {  	p0 =	sne.s32 s31, $0x1E000;
	s31 =	sadd.s32 $0x2000, s31;
	_ =	swait.ge [sflag:s20], $0x4000  }
0x40: {  	[sflag:s20] =	ssyncset.done $0x0  }
0x41: {  	s16 =	sadd.s32 s0, s10;
	[sflag:s20] =	ssyncadd.s32 $0xFFFFC000  }
0x42: {  	[hbm4b:s16+s3] =	stream.linear.scatter [tilespmem:s14], [sflag:$0x5], $0x4000, $0x38;
	[tilespmem:$0x12200] =	vst v63  }
0x43: {  	_ =	swait.ge [sflag:s21], $0x4000  }
0x44: {  	s0 =	sadd.s32 s0, s11;
	[sflag:s21] =	ssyncset.done $0x0  }
0x45: {  	s16 =	sadd.s32 $0x800, s0;
	[sflag:s21] =	ssyncadd.s32 $0xFFFFC000  }
0x46: {  	[hbm4b:s16+s3] =	stream.linear.scatter [tilespmem:s15], [sflag:$0x6], $0x4000, $0x38;
	[tilespmem:$0x12200] =	vst v63  }
0x47: {  	_ =	swait.ge [sflag:s22], $0x4000  }
0x48: {  	[sflag:s22] =	ssyncset.done $0x0  }
0x49: {  	s16 =	sadd.s32 $0x1000, s0;
	[sflag:s22] =	ssyncadd.s32 $0xFFFFC000  }
0x4a: {  	[hbm4b:s16+s3] =	stream.linear.scatter [tilespmem:s17], [sflag:$0x7], $0x4000, $0x38;
	[tilespmem:$0x12200] =	vst v63  }
0x4b: {  	_ =	swait.ge [sflag:s23], $0x4000  }
0x4c: {  	[sflag:s23] =	ssyncset.done $0x0  }
0x4d: {  	s0 =	sadd.s32 $0x1800, s0;
	[sflag:s23] =	ssyncadd.s32 $0xFFFFC000  }
0x4e: {  	[hbm4b:s0+s3] =	stream.linear.scatter [tilespmem:s19], [sflag:$0x8], $0x4000, $0x38;
	[tilespmem:$0x12200] =	vst v63  }
0x4f: {  	_ =	swait.ge [sflag:s24], $0x4000  }
0x50: {  	[sflag:s24] =	ssyncset.done $0x0  }
0x51: {  	s0 =	sadd.s32 $0xFFFFFE80, s1;
	[sflag:s24] =	ssyncadd.s32 $0xFFFFC000  }
0x52: {  	[tilespmem:s14], [sflag:$0x1] =	stream.indirect.gather [hbm4b:s2+s13], $0x80, s0, s13, $0xb8;
	[tilespmem:$0x12200] =	vst v63  }
0x53: {  	_ =	swait.ge [sflag:s25], $0x4000  }
0x54: {  	[sflag:s25] =	ssyncset.done $0x0  }
0x55: {  	s0 =	sadd.s32 $0xFFFFFF00, s1;
	[sflag:s25] =	ssyncadd.s32 $0xFFFFC000  }
0x56: {  	[tilespmem:s15], [sflag:$0x2] =	stream.indirect.gather [hbm4b:s2+s13], $0x80, s0, s13, $0xb8;
	[tilespmem:$0x12200] =	vst v63  }
0x57: {  	_ =	swait.ge [sflag:s26], $0x4000  }
0x58: {  	[sflag:s26] =	ssyncset.done $0x0  }
.Ltmp0:
0x59: {  	s0 =	sadd.s32 $0xFFFFFF80, s1;
	[sflag:s26] =	ssyncadd.s32 $0xFFFFC000;
	(pc) =	sbr.rel @p0 .LBB2_2-.Ltmp0, $4  }
0x5a: {  	[tilespmem:s17], [sflag:$0x3] =	stream.indirect.gather [hbm4b:s2+s13], $0x80, s0, s13, $0xb8;
	[tilespmem:$0x12200] =	vst v63  }
0x5b: {  	_ =	swait.ge [sflag:s28], $0x4000  }
0x5c: {  	[sflag:s28] =	ssyncset.done $0x0  }
0x5d: {  	s1 =	sadd.s32 $0x200, s1;
	[sflag:s28] =	ssyncadd.s32 $0xFFFFC000  }
0x5e: {  	[tilespmem:s19], [sflag:$0x4] =	stream.indirect.gather [hbm4b:s2+s13], $0x80, s30, s13, $0xb8;
	[tilespmem:$0x12200] =	vst v63  }
0x5f: {  	_ =	swait.ge [sflag:s20], $0x4000  }
0x60: {  	[sflag:s20] =	ssyncset.done $0x0  }
0x61: {  	[sflag:s20] =	ssyncadd.s32 $0xFFFFC000  }
0x62: {  	[hbm4b:s5+s3] =	stream.linear.scatter [tilespmem:s14], [sflag:$0x5], $0x4000, $0x38;
	[tilespmem:$0x12200] =	vst v63  }
0x63: {  	_ =	swait.ge [sflag:s21], $0x4000  }
0x64: {  	[sflag:s21] =	ssyncset.done $0x0  }
0x65: {  	[sflag:s21] =	ssyncadd.s32 $0xFFFFC000  }
0x66: {  	[hbm4b:s6+s3] =	stream.linear.scatter [tilespmem:s15], [sflag:$0x6], $0x4000, $0x38;
	[tilespmem:$0x12200] =	vst v63  }
0x67: {  	_ =	swait.ge [sflag:s22], $0x4000  }
0x68: {  	[sflag:s22] =	ssyncset.done $0x0  }
0x69: {  	[sflag:s22] =	ssyncadd.s32 $0xFFFFC000  }
0x6a: {  	[hbm4b:s7+s3] =	stream.linear.scatter [tilespmem:s17], [sflag:$0x7], $0x4000, $0x38;
	[tilespmem:$0x12200] =	vst v63  }
0x6b: {  	_ =	swait.ge [sflag:s23], $0x4000  }
0x6c: {  	[sflag:s23] =	ssyncset.done $0x0  }
0x6d: {  	[sflag:s23] =	ssyncadd.s32 $0xFFFFC000  }
0x6e: {  	[hbm4b:s8+s3] =	stream.linear.scatter [tilespmem:s19], [sflag:$0x8], $0x4000, $0x38;
	[tilespmem:$0x12200] =	vst v63  }
0x6f: {  	_ =	swait.ge [sflag:s24], $0x4000  }
0x70: {  	[sflag:s24] =	ssyncset.done $0x0  }
0x71: {  	[sflag:s24] =	ssyncadd.s32 $0xFFFFC000  }
0x72: {  	_ =	swait.ge [sflag:s25], $0x4000  }
0x73: {  	[sflag:s25] =	ssyncset.done $0x0  }
0x74: {  	s29 =	sadd.s32 $0x1, s29;
	[sflag:s25] =	ssyncadd.s32 $0xFFFFC000  }
0x75: {  	p0 =	sne.s32 s29, s9;
	_ =	swait.ge [sflag:s26], $0x4000  }
.Ltmp1:
0x76: {  	[sflag:s26] =	ssyncset.done $0x0;
	(pc) =	sbr.rel @p0 .LBB2_1-.Ltmp1, $4  }
0x77: {  	[sflag:s26] =	ssyncadd.s32 $0xFFFFC000  }
0x78: {  	_ =	swait.ge [sflag:s28], $0x4000  }
0x79: {  	[sflag:s28] =	ssyncset.done $0x0  }
0x7a: {  	[sflag:s28] =	ssyncadd.s32 $0xFFFFC000  }
0x7b: {  	_ =	sfence.sel $0x180000  }
0x7c: {  	[bflag:$0x0] =	sbarrier.arrive $0xFFFF  }
0x7d: {  	_ =	strace $0x90000053  }
0x7e: {  	s0 =	stileid.u32;
	[bflag:$0x2] =	sbarrier.arrive $0xFFFF  }
0x7f: {  	p0 =	sne.s32 s0, $0x0;
	s0 =	rddreg [dreg:$0x2]  }
0x80: {  	s0 =	sadd.s32 @!p0 $0x100000, s0  }
0x81: {  	[sflag:s0] =	ssyncadd.tile.s32 @!p0 $0x1;
	_ =	shalt  }
.Lfunc_end2:
_tile_overlayer_lowered:
.L_overlay_start_2:
0x82: {  	(tag) =	ssettag $0x2  }
0x83: {  	s0 =	rddreg [dreg:$0x0];
	s2 =	stileid.u32  }
0x84: {  	s1 =	rddreg [dreg:$0x1];
	p0 =	sne.s32 s2, $0x0  }
0x85: {  	s3 =	rddreg [dreg:$0x2];
	[bflag:$0x3] =	sbarrier.arrive $0xFFFF;
	s2 =	simm.s32 @!p0 $0x1C09  }
0x86: {  	[timem:s3], [sflag:s2] =	dma.local @!p0 [hbm:s0], s1  }
0x87: {  	s0 =	simm.s32 @!p0 $0x9  }
0x88: {  	_ =	swait.ge @!p0 [sflag:s0], s1  }
0x89: {  	s1 =	ssub.s32 @!p0 $0x0, s1;
	[sflag:s0] =	ssyncset.done @!p0 $0x0  }
0x8a: {  	[sflag:s0] =	ssyncadd.s32 @!p0 s1  }
0x8b: {  	[bflag:$0x3] =	sbarrier.arrive $0xFFFF  }
0x8c: {  	_ =	shalt  }

// kernel: kernel.21.cloned.1.call-start
scs
__scs_entry_jumppad:
0x0: {  	(pc) =	sbr.rel $0x88, $3  }
0x1: {  	(tag) =	ssettag $0x0;
	lr =	simm.s32 $0x1  }
0x2: {  	[smem:$0x3F79] =	sst lr;
	_ =	strace $0xD0000000  }
0x3: {  	_ = 	snop  }
0x4: {  	_ = 	snop  }
0x5: {  	_ = 	snop  }
0x6: {  	_ = 	snop  }
0x7: {  	_ = 	snop  }
__scs_overlays_trampoline_lowered:
0x8: {  	[smem:$0x3F88] =	sst s0  }
0x9: {  	[smem:$0x3F89] =	sst s1  }
0xa: {  	[smem:$0x3F8A] =	sst s2  }
0xb: {  	[smem:$0x3F8B] =	sst s3  }
0xc: {  	[smem:$0x3F8C] =	sst s4  }
0xd: {  	[smem:$0x3F8D] =	sst s5  }
0xe: {  	[smem:$0x3F8E] =	sst s6  }
0xf: {  	[smem:$0x3F8F] =	sst s7  }
0x10: {  	[smem:$0x3F90] =	sst s8  }
0x11: {  	[smem:$0x3F91] =	sst s9;
	s0 =	simm.s32 @!p0 $0x0  }
0x12: {  	s1 =	sld [smem:$0x3F77];
	s0 =	simm.s32 @p0 $0x1  }
0x13: {  	[smem:$0x3F92] =	sst s0;
	s0 =	simm.s32 @!p1 $0x0  }
0x14: {  	s2 =	sld [smem:$0x3F76];
	s0 =	simm.s32 @p1 $0x1  }
0x15: {  	[smem:$0x3F93] =	sst s0;
	s0 =	simm.s32 @!p2 $0x0  }
0x16: {  	s3 =	sld [smem:$0x3FDB];
	s0 =	simm.s32 @p2 $0x1  }
0x17: {  	s4 =	simm.s32 $0x1BF5;
	[smem:$0x3F95] =	sst s0  }
0x18: {  	s0 =	sld [smem:$0x3F78];
	_ =	swait.ge [sflag:s4], $0x0  }
0x19: {  	s7 =	sld [smem:$0x3F79]  }
0x1a: {  	s8 =	sadd.s32 $0xFFFFE003, lr  }
0x1b: {  	s9 =	sadd.s32 $0xFFFFFEF7, lr;
	s5 =	simm.s32 $0xFFFFFFFF;
	p2 =	slt.u32 s8, $0xFFFFF086  }
0x1c: {  	p1 =	slt.u32 s9, $0xF7A;
	s5 =	simm.s32 @!p2 $0x0  }
0x1d: {  	s5 =	simm.s32 @p1 $0x1;
	p0 =	seq.s32 s7, s2  }
0x1e: {  	s7 =	smul.u32 @!p0 $0xF7A, s2;
	p2 =	seq.s32 @!p0 s5, $0x0  }
0x1f: {  	s9 =	smul.u32 $0xF7A, s1;
	s8 =	simm.s32 @!p0 $0x1BF5;
	p2 =	por !p2, p0  }
0x20: {  	[sflag:s8] =	ssyncset.s32 @!p0 $0xFFFFF086;
	s6 =	sadd.s32 @!p0 s3, s7;
	s7 =	simm.s32 @!p0 $0x108  }
0x21: {  	s3 =	sadd.s32 s3, s9;
	s6 =	sadd.s32 @!p0 $0x88, s6;
	s7 =	simm.s32 @p2 $0x1082  }
0x22: {  	[simem:s7], [sflag:s8] =	dma.local @!p0 [hbm:s6], $0xF7A  }
0x23: {  	s9 =	sor.u32 $0xD0000000, s2;
	s6 =	simm.s32 $0x108;
	_ =	swait.ge @!p0 [sflag:s8], $0x0  }
0x24: {  	s3 =	sadd.s32 $0x88, s3;
	s6 =	simm.s32 @!p1 $0x1082;
	[sflag:s4] =	ssyncset.s32 $0xFFFFF086  }
0x25: {  	[simem:s6], [sflag:s4] =	dma.local [hbm:s3], $0xF7A  }
0x26: {  	[smem:$0x3F79] =	sst s1;
	(tag) =	ssettag s2;
	_ =	strace s9  }
0x27: {  	s1 =	sld [smem:$0x3F89]  }
0x28: {  	s2 =	sld [smem:$0x3F8A]  }
0x29: {  	s4 =	sld [smem:$0x3F8C]  }
0x2a: {  	p0 =	seq.s32 s5, $0x0;
	s5 =	sld [smem:$0x3F8D]  }
0x2b: {  	s6 =	sld [smem:$0x3F8E]  }
0x2c: {  	s7 =	sld [smem:$0x3F8F]  }
0x2d: {  	s3 =	simm.s32 $0x108;
	s8 =	sld [smem:$0x3F90]  }
0x2e: {  	s3 =	simm.s32 @!p0 $0x1082;
	s9 =	sld [smem:$0x3F91]  }
0x2f: {  	lr =	sadd.s32 s0, s3;
	s0 =	sld [smem:$0x3F88]  }
0x30: {  	s3 =	sld [smem:$0x3F8B]  }
0x31: {  	[smem:$0x3F94] =	sst s10  }
0x32: {  	s10 =	sld [smem:$0x3F92];
	_ =	sdelay $0x3  }
0x33: {  	p0 =	seq.s32 s10, $0x1;
	s10 =	sld [smem:$0x3F94];
	_ =	sdelay $0x3  }
0x34: {  	[smem:$0x3F94] =	sst s10  }
0x35: {  	s10 =	sld [smem:$0x3F93];
	_ =	sdelay $0x3  }
0x36: {  	p1 =	seq.s32 s10, $0x1;
	s10 =	sld [smem:$0x3F94];
	_ =	sdelay $0x3  }
0x37: {  	[smem:$0x3F94] =	sst s10  }
0x38: {  	s10 =	sld [smem:$0x3F95]  }
0x39: {  	_ = 	snop;
	(pc) =	sbr.ind lr, $3  }
0x3a: {  	_ = 	snop  }
0x3b: {  	_ = 	snop  }
0x3c: {  	p2 =	seq.s32 s10, $0x1;
	s10 =	sld [smem:$0x3F94]  }
0x3d: {  	_ =	shalt  }
0x3e: {  	_ =	shalt  }
0x3f: {  	_ =	shalt  }
0x40: {  	_ =	shalt  }
0x41: {  	_ =	shalt  }
0x42: {  	_ =	shalt  }
0x43: {  	_ =	shalt  }
0x44: {  	_ =	shalt  }
0x45: {  	_ =	shalt  }
0x46: {  	_ =	shalt  }
0x47: {  	_ =	shalt  }
0x48: {  	_ =	shalt  }
0x49: {  	_ =	shalt  }
0x4a: {  	_ =	shalt  }
0x4b: {  	_ =	shalt  }
0x4c: {  	_ =	shalt  }
0x4d: {  	_ =	shalt  }
0x4e: {  	_ =	shalt  }
0x4f: {  	_ =	shalt  }
0x50: {  	_ =	shalt  }
0x51: {  	_ =	shalt  }
0x52: {  	_ =	shalt  }
0x53: {  	_ =	shalt  }
0x54: {  	_ =	shalt  }
0x55: {  	_ =	shalt  }
0x56: {  	_ =	shalt  }
0x57: {  	_ =	shalt  }
0x58: {  	_ =	shalt  }
0x59: {  	_ =	shalt  }
0x5a: {  	_ =	shalt  }
0x5b: {  	_ =	shalt  }
0x5c: {  	_ =	shalt  }
0x5d: {  	_ =	shalt  }
0x5e: {  	_ =	shalt  }
0x5f: {  	_ =	shalt  }
0x60: {  	_ =	shalt  }
0x61: {  	_ =	shalt  }
0x62: {  	_ =	shalt  }
0x63: {  	_ =	shalt  }
0x64: {  	_ =	shalt  }
0x65: {  	_ =	shalt  }
0x66: {  	_ =	shalt  }
0x67: {  	_ =	shalt  }
0x68: {  	_ =	shalt  }
0x69: {  	_ =	shalt  }
0x6a: {  	_ =	shalt  }
0x6b: {  	_ =	shalt  }
0x6c: {  	_ =	shalt  }
0x6d: {  	_ =	shalt  }
0x6e: {  	_ =	shalt  }
0x6f: {  	_ =	shalt  }
0x70: {  	_ =	shalt  }
0x71: {  	_ =	shalt  }
0x72: {  	_ =	shalt  }
0x73: {  	_ =	shalt  }
0x74: {  	_ =	shalt  }
0x75: {  	_ =	shalt  }
0x76: {  	_ =	shalt  }
0x77: {  	_ =	shalt  }
0x78: {  	_ =	shalt  }
0x79: {  	_ =	shalt  }
0x7a: {  	_ =	shalt  }
0x7b: {  	_ =	shalt  }
0x7c: {  	_ =	shalt  }
0x7d: {  	_ =	shalt  }
0x7e: {  	_ =	shalt  }
0x7f: {  	_ =	shalt  }
0x80: {  	_ =	shalt  }
0x81: {  	_ =	shalt  }
0x82: {  	_ =	shalt  }
0x83: {  	_ =	shalt  }
0x84: {  	_ =	shalt  }
0x85: {  	_ =	shalt  }
0x86: {  	_ =	shalt  }
0x87: {  	_ =	shalt  }
.Lfunc_end0:
.L_simem_size_0:
called_computation.5_lowered:
.L_overlay_start_0:
0x88: {  	s2 =	sld [smem:$0x3FD9]  }
0x89: {  	s3 =	sld [smem:$0x3FFE];
	_ =	sdelay $0x1  }
0x8a: {  	s1 =	srdreg.scid  }
0x8b: {  	s0 =	sand.u32 $0x1, s1  }
0x8c: {  	s17 =	sshll.u32 s0, $0xA;
	s2 =	sadd.s32 s3, s2  }
0x8d: {  	s2 =	sadd.s32 s2, s17  }
0x8e: {  	[smem:$0x3FA0] =	sst s2  }
0x8f: {  	_ = 	snop  }
0x90: {  	s18 =	sld [smem:$0x3FC9];
	(tm) =	ssettm $0x1  }
0x91: {  	s19 =	sld [smem:$0x3FFB];
	_ =	sdelay $0x3  }
0x92: {  	_ =	strace s19  }
0x93: {  	s2 =	sld [smem:$0x3FFC];
	_ =	sdelay $0x3  }
0x94: {  	_ =	strace s2  }
0x95: {  	s2 =	sld [smem:$0x3FFD];
	_ =	sdelay $0x3  }
0x96: {  	_ =	strace s2  }
0x97: {  	_ =	strace $0x8FFFFFFF  }
0x98: {  	s20 =	sld [smem:$0x3FDB];
	_ =	sdelay $0x1  }
0x99: {  	s4 =	simm.s32 $_scs_section_size  }
0x9a: {  	s5 =	simm.s32 $_size__tile_overlayer_lowered;
	s6 =	simm.s32 $_tile_overlayer_lowered  }
0x9b: {  	s7 =	simm.s32 $0x1BFF;
	s21 =	sshll.u32 s6, $0x1;
	s4 =	sadd.s32 s4, s20  }
0x9c: {  	s22 =	simm.s32 $0x0;
	s5 =	sshll.u32 s5, $0x1;
	s6 =	sadd.s32 s21, s4  }
0x9d: {  	[timem:s22], [sflag:s7] =	dma.local [hbm:s6], s5  }
0x9e: {  	_ =	swait.ge [sflag:s7], s5  }
0x9f: {  	s5 =	ssub.s32 $0x0, s5;
	[sflag:s7] =	ssyncset.done $0x0  }
0xa0: {  	[sflag:s7] =	ssyncadd.s32 s5;
	_ =	sdelay $0x1  }
0xa1: {  	s23 =	simm.s32 $0x1B8B  }
0xa2: {  	_ =	swait.ge [sflag:s23], $0x1  }
0xa3: {  	[sflag:s23] =	ssyncset.done $0x0  }
0xa4: {  	[sflag:s23] =	ssyncadd.s32 $0xFFFFFFFF  }
0xa5: {  	s5 =	sld [smem:$0x0]  }
0xa6: {  	s6 =	sand.u32 $0xFFFFFFFE, s1  }
0xa7: {  	p0 =	sne.s32 s1, s6  }
0xa8: {  	s6 =	sshll.u32 @p0 s6, $0xE  }
0xa9: {  	s6 =	sadd.s32 @p0 $0x11B8D, s6;
	s7 =	sshll.u32 @p0 s5, $0x11  }
0xaa: {  	s6 =	sor.u32 @p0 s7, s6  }
0xab: {  	[sflag:s6] =	ssyncadd.remote.s32 @p0 $0x1;
	_ =	sdelay $0x1  }
0xac: {  	s6 =	simm.s32 @p0 $0x1B8D  }
0xad: {  	_ =	swait.eq @p0 [sflag:s6], $0x1  }
0xae: {  	[sflag:s6] =	ssyncadd.s32 @p0 $0xFFFFFFFF  }
0xaf: {  	s7 =	sshll.u32 @!p0 s1, $0xE  }
0xb0: {  	s7 =	sor.u32 @!p0 $0x4000, s7;
	s6 =	simm.s32 @!p0 $0x1B8D  }
0xb1: {  	s5 =	sshll.u32 @!p0 s5, $0x11;
	s7 =	sadd.s32 @!p0 $0x11B8D, s7;
	_ =	swait.eq @!p0 [sflag:s6], $0x1  }
0xb2: {  	s5 =	sor.u32 @!p0 s5, s7;
	[sflag:s6] =	ssyncadd.s32 @!p0 $0xFFFFFFFF  }
0xb3: {  	s25 =	simm.s32 $0x1B8E;
	s24 =	sld [smem:$0x3FFE];
	[sflag:s5] =	ssyncadd.remote.s32 @!p0 $0x1  }
0xb4: {  	s26 =	simm.s32 $execute0_lowered;
	[smem:$0x3FD2] =	sst s25  }
0xb5: {  	s6 =	sshll.u32 s26, $0x1;
	_ =	strace $0x80000055;
	[dreg:$0x1] =	wrdreg $0xFFFFFFFF  }
0xb6: {  	s28 =	simm.s32 $_size_execute0_lowered;
	s4 =	sadd.s32 s4, s6;
	[dreg:$0x0] =	wrdreg $0x0  }
0xb7: {  	s6 =	sshll.u32 s28, $0x1;
	[dreg:$0x2] =	wrdreg s4  }
0xb8: {  	[dreg:$0x3] =	wrdreg s6  }
0xb9: {  	[dreg:$0x4] =	wrdreg $0xC0  }
0xba: {  	_ =	task [dreg:s22], $0x5FFFF  }
0xbb: {  	[dreg:$0x1] =	wrdreg $0xFFFFFFFF  }
0xbc: {  	[dreg:$0x0] =	wrdreg $0x60  }
0xbd: {  	[dreg:$0x2] =	wrdreg s18  }
0xbe: {  	[dreg:$0x3] =	wrdreg s24  }
0xbf: {  	[dreg:$0x4] =	wrdreg $0xD  }
0xc0: {  	_ =	task.clear_ibuf [dreg:s22], $0x5FFFF;
	_ =	strace $0x90000055  }
0xc1: {  	s29 =	simm.s32 $0xD;
	_ =	strace $0x80000057  }
0xc2: {  	_ =	swait.ge [sflag:s29], $0x1  }
0xc3: {  	[sflag:s29] =	ssyncadd.s32 $0xFFFFFFFF  }
0xc4: {  	_ =	strace $0x90000057  }
0xc5: {  	_ =	sfence  }
0xc6: {  	s30 =	sld [smem:$0x0];
	_ =	sdelay $0x2  }
0xc7: {  	s31 =	sshll.u32 s1, $0xD;
	s1 =	sshrl.u32 s1, $0x2  }
0xc8: {  	s4 =	sand.u32 $0x4000, s31;
	s1 =	sadd.s32 s1, s30  }
0xc9: {  	s0 =	sor.u32 s4, s0;
	s1 =	sshll.u32 s1, $0x11  }
0xca: {  	s0 =	sor.u32 s1, s0  }
0xcb: {  	s0 =	sadd.s32 $0x8F2B, s0  }
0xcc: {  	[sflag:s0] =	ssyncadd.remote.s32 $0x1  }
0xcd: {  	_ =	sfence.sel $0xFFFF  }
0xce: {  	[dreg:$0x0] =	wrdreg $0xFFFFFFFF;
	(pc) =	sbr.abs _section_cstart, $3  }
0xcf: {  	[dreg:$0x1] =	wrdreg $0xFFFFFFFF  }
0xd0: {  	_ =	task.clear_ibuf [dreg:s22], $0x2FFFF;
	_ =	strace $0x9FFFFFFF  }
0xd1: {  	(tm) =	ssettm $0x7FFFFFFF  }
tec
execute0_lowered:
.L_overlay_start_1:
0x0: {  	(tag) =	ssettag $0x1  }
0x1: {  	s1 =	srdreg.scid  }
0x2: {  	s0 =	stileid.u32;
	s2 =	rddreg [dreg:$0x0]  }
0x3: {  	s4 =	rddreg [dreg:$0x1];
	s14 =	simm.s32 $0x2200;
	s15 =	simm.s32 $0x6200  }
0x4: {  	s17 =	simm.s32 $0xA200;
	s18 =	simm.s32 $0x180;
	s19 =	simm.s32 $0xE200  }
0x5: {  	s20 =	simm.s32 $0x1;
	s21 =	simm.s32 $0x2;
	s22 =	simm.s32 $0x3  }
0x6: {  	s23 =	simm.s32 $0x4;
	s24 =	simm.s32 $0x5;
	s25 =	simm.s32 $0x6  }
0x7: {  	s26 =	simm.s32 $0x7;
	s28 =	simm.s32 $0x8;
	s8 =	smul.u32 $0x220000, s0  }
0x8: {  	s1 =	sand.u32 $0x1, s1;
	s3 =	sshll.u32 s0, $0x1;
	s13 =	smul.u32 $0x44000, s0  }
0x9: {  	s29 =	simm.s32 $0x0;
	s5 =	sor.u32 s1, s3;
	s12 =	smul.u32 $0x110000, s1  }
0xa: {  	s3 =	simm.s32 $0x0;
	s30 =	ssub.s32 $0x2, s1;
	s1 =	smul.u32 $0x22000, s1  }
0xb: {  	s11 =	sadd.s32 $0x4F4400, s4;
	s6 =	smul.u32 $0x2200, s5;
	[smem:$0x7FF] =	sst s3  }
0xc: {  	s5 =	smul.u32 $0x110000, s5;
	s7 =	sshrl.u32 s30, $0x1;
	_ =	strace $0x80000056  }
0xd: {  	s9 =	ssub.s32 s30, s7;
	s12 =	sadd.s32 s12, s8;
	s6 =	sshrl.u32 s6, $0x3  }
0xe: {  	s5 =	sshrl.u32 s5, $0x3;
	s31 =	sshrl.u32 s12, $0x3;
	s6 =	sadd.s32 s6, s4  }
0xf: {  	s9 =	smax.u32 s9, $0x1;
	s10 =	sadd.s32 s11, s5;
	s4 =	sadd.s32 $0xABC00, s6  }
0x10: {  	s5 =	sadd.s32 $0x20000, s10;
	s6 =	sadd.s32 $0x20800, s10;
	s7 =	sadd.s32 $0x21000, s10  }
0x11: {  	s8 =	sadd.s32 $0x21800, s10;
	s10 =	sadd.s32 s31, s11;
	s11 =	sadd.s32 s13, s11  }
0x12: {  	s12 =	simm.s32 $0x9;
	s13 =	simm.s32 $0x80;
	s11 =	sadd.s32 s1, s11  }
.LBB2_1:
0x13: {  	[tilespmem:s3], [sflag:$0x9] =	stream.linear.gather [hbm4b:s4+s3], $0x2200, $0x38;
	[tilespmem:$0x12200] =	vst v63  }
0x14: {  	_ =	swait.ge [sflag:s12], $0x2200  }
0x15: {  	[sflag:s12] =	ssyncset.done $0x0  }
0x16: {  	[sflag:s12] =	ssyncadd.s32 $0xFFFFDE00  }
0x17: {  	[tilespmem:s14], [sflag:$0x1] =	stream.indirect.gather [hbm4b:s2+s13], $0x80, s3, s13, $0xb8;
	[tilespmem:$0x12200] =	vst v63  }
0x18: {  	_ = 	snop  }
0x19: {  	[tilespmem:s15], [sflag:$0x2] =	stream.indirect.gather [hbm4b:s2+s13], $0x80, s13, s13, $0xb8;
	[tilespmem:$0x12200] =	vst v63  }
0x1a: {  	s0 =	simm.s32 $0x100  }
0x1b: {  	[tilespmem:s17], [sflag:$0x3] =	stream.indirect.gather [hbm4b:s2+s13], $0x80, s0, s13, $0xb8;
	[tilespmem:$0x12200] =	vst v63  }
0x1c: {  	_ = 	snop  }
0x1d: {  	[tilespmem:s19], [sflag:$0x4] =	stream.indirect.gather [hbm4b:s2+s13], $0x80, s18, s13, $0xb8;
	[tilespmem:$0x12200] =	vst v63  }
0x1e: {  	_ =	swait.ge [sflag:s20], $0x4000  }
0x1f: {  	[sflag:s20] =	ssyncset.done $0x0  }
0x20: {  	s1 =	sadd.s32 $0x0, s10;
	[sflag:s20] =	ssyncadd.s32 $0xFFFFC000  }
0x21: {  	[hbm4b:s1+s3] =	stream.linear.scatter [tilespmem:s14], [sflag:$0x5], $0x4000, $0x38;
	[tilespmem:$0x12200] =	vst v63  }
0x22: {  	_ =	swait.ge [sflag:s21], $0x4000  }
0x23: {  	s0 =	sadd.s32 $0x0, s11;
	[sflag:s21] =	ssyncset.done $0x0  }
0x24: {  	s30 =	sadd.s32 $0x800, s0;
	[sflag:s21] =	ssyncadd.s32 $0xFFFFC000  }
0x25: {  	[hbm4b:s30+s3] =	stream.linear.scatter [tilespmem:s15], [sflag:$0x6], $0x4000, $0x38;
	[tilespmem:$0x12200] =	vst v63  }
0x26: {  	_ =	swait.ge [sflag:s22], $0x4000  }
0x27: {  	[sflag:s22] =	ssyncset.done $0x0  }
0x28: {  	s30 =	sadd.s32 $0x1000, s0;
	[sflag:s22] =	ssyncadd.s32 $0xFFFFC000  }
0x29: {  	[hbm4b:s30+s3] =	stream.linear.scatter [tilespmem:s17], [sflag:$0x7], $0x4000, $0x38;
	[tilespmem:$0x12200] =	vst v63  }
0x2a: {  	_ =	swait.ge [sflag:s23], $0x4000  }
0x2b: {  	[sflag:s23] =	ssyncset.done $0x0  }
0x2c: {  	s1 =	sadd.s32 $0x1800, s0;
	[sflag:s23] =	ssyncadd.s32 $0xFFFFC000  }
0x2d: {  	[hbm4b:s1+s3] =	stream.linear.scatter [tilespmem:s19], [sflag:$0x8], $0x4000, $0x38;
	[tilespmem:$0x12200] =	vst v63  }
0x2e: {  	_ =	swait.ge [sflag:s24], $0x4000  }
0x2f: {  	[sflag:s24] =	ssyncset.done $0x0  }
0x30: {  	s16 =	simm.s32 $0x200;
	[sflag:s24] =	ssyncadd.s32 $0xFFFFC000  }
0x31: {  	[tilespmem:s14], [sflag:$0x1] =	stream.indirect.gather [hbm4b:s2+s13], $0x80, s16, s13, $0xb8;
	[tilespmem:$0x12200] =	vst v63  }
0x32: {  	_ =	swait.ge [sflag:s25], $0x4000  }
0x33: {  	[sflag:s25] =	ssyncset.done $0x0  }
0x34: {  	s0 =	simm.s32 $0x280;
	[sflag:s25] =	ssyncadd.s32 $0xFFFFC000  }
0x35: {  	[tilespmem:s15], [sflag:$0x2] =	stream.indirect.gather [hbm4b:s2+s13], $0x80, s0, s13, $0xb8;
	[tilespmem:$0x12200] =	vst v63  }
0x36: {  	_ =	swait.ge [sflag:s26], $0x4000  }
0x37: {  	[sflag:s26] =	ssyncset.done $0x0  }
0x38: {  	s16 =	simm.s32 $0x300;
	[sflag:s26] =	ssyncadd.s32 $0xFFFFC000  }
0x39: {  	[tilespmem:s17], [sflag:$0x3] =	stream.indirect.gather [hbm4b:s2+s13], $0x80, s16, s13, $0xb8;
	[tilespmem:$0x12200] =	vst v63  }
0x3a: {  	_ =	swait.ge [sflag:s28], $0x4000  }
0x3b: {  	s31 =	simm.s32 $0x2000;
	[sflag:s28] =	ssyncset.done $0x0  }
0x3c: {  	s30 =	simm.s32 $0x380;
	s1 =	simm.s32 $0x580;
	[sflag:s28] =	ssyncadd.s32 $0xFFFFC000  }
.LBB2_2:
0x3d: {  	[tilespmem:s19], [sflag:$0x4] =	stream.indirect.gather [hbm4b:s2+s13], $0x80, s30, s13, $0xb8;
	[tilespmem:$0x12200] =	vst v63  }
0x3e: {  	s0 =	smov.u32 s31;
	s30 =	smov.u32 s1  }
0x3f: {  	p0 =	sne.s32 s31, $0x1E000;
	s31 =	sadd.s32 $0x2000, s31;
	_ =	swait.ge [sflag:s20], $0x4000  }
0x40: {  	[sflag:s20] =	ssyncset.done $0x0  }
0x41: {  	s16 =	sadd.s32 s0, s10;
	[sflag:s20] =	ssyncadd.s32 $0xFFFFC000  }
0x42: {  	[hbm4b:s16+s3] =	stream.linear.scatter [tilespmem:s14], [sflag:$0x5], $0x4000, $0x38;
	[tilespmem:$0x12200] =	vst v63  }
0x43: {  	_ =	swait.ge [sflag:s21], $0x4000  }
0x44: {  	s0 =	sadd.s32 s0, s11;
	[sflag:s21] =	ssyncset.done $0x0  }
0x45: {  	s16 =	sadd.s32 $0x800, s0;
	[sflag:s21] =	ssyncadd.s32 $0xFFFFC000  }
0x46: {  	[hbm4b:s16+s3] =	stream.linear.scatter [tilespmem:s15], [sflag:$0x6], $0x4000, $0x38;
	[tilespmem:$0x12200] =	vst v63  }
0x47: {  	_ =	swait.ge [sflag:s22], $0x4000  }
0x48: {  	[sflag:s22] =	ssyncset.done $0x0  }
0x49: {  	s16 =	sadd.s32 $0x1000, s0;
	[sflag:s22] =	ssyncadd.s32 $0xFFFFC000  }
0x4a: {  	[hbm4b:s16+s3] =	stream.linear.scatter [tilespmem:s17], [sflag:$0x7], $0x4000, $0x38;
	[tilespmem:$0x12200] =	vst v63  }
0x4b: {  	_ =	swait.ge [sflag:s23], $0x4000  }
0x4c: {  	[sflag:s23] =	ssyncset.done $0x0  }
0x4d: {  	s0 =	sadd.s32 $0x1800, s0;
	[sflag:s23] =	ssyncadd.s32 $0xFFFFC000  }
0x4e: {  	[hbm4b:s0+s3] =	stream.linear.scatter [tilespmem:s19], [sflag:$0x8], $0x4000, $0x38;
	[tilespmem:$0x12200] =	vst v63  }
0x4f: {  	_ =	swait.ge [sflag:s24], $0x4000  }
0x50: {  	[sflag:s24] =	ssyncset.done $0x0  }
0x51: {  	s0 =	sadd.s32 $0xFFFFFE80, s1;
	[sflag:s24] =	ssyncadd.s32 $0xFFFFC000  }
0x52: {  	[tilespmem:s14], [sflag:$0x1] =	stream.indirect.gather [hbm4b:s2+s13], $0x80, s0, s13, $0xb8;
	[tilespmem:$0x12200] =	vst v63  }
0x53: {  	_ =	swait.ge [sflag:s25], $0x4000  }
0x54: {  	[sflag:s25] =	ssyncset.done $0x0  }
0x55: {  	s0 =	sadd.s32 $0xFFFFFF00, s1;
	[sflag:s25] =	ssyncadd.s32 $0xFFFFC000  }
0x56: {  	[tilespmem:s15], [sflag:$0x2] =	stream.indirect.gather [hbm4b:s2+s13], $0x80, s0, s13, $0xb8;
	[tilespmem:$0x12200] =	vst v63  }
0x57: {  	_ =	swait.ge [sflag:s26], $0x4000  }
0x58: {  	[sflag:s26] =	ssyncset.done $0x0  }
.Ltmp0:
0x59: {  	s0 =	sadd.s32 $0xFFFFFF80, s1;
	[sflag:s26] =	ssyncadd.s32 $0xFFFFC000;
	(pc) =	sbr.rel @p0 .LBB2_2-.Ltmp0, $4  }
0x5a: {  	[tilespmem:s17], [sflag:$0x3] =	stream.indirect.gather [hbm4b:s2+s13], $0x80, s0, s13, $0xb8;
	[tilespmem:$0x12200] =	vst v63  }
0x5b: {  	_ =	swait.ge [sflag:s28], $0x4000  }
0x5c: {  	[sflag:s28] =	ssyncset.done $0x0  }
0x5d: {  	s1 =	sadd.s32 $0x200, s1;
	[sflag:s28] =	ssyncadd.s32 $0xFFFFC000  }
0x5e: {  	[tilespmem:s19], [sflag:$0x4] =	stream.indirect.gather [hbm4b:s2+s13], $0x80, s30, s13, $0xb8;
	[tilespmem:$0x12200] =	vst v63  }
0x5f: {  	_ =	swait.ge [sflag:s20], $0x4000  }
0x60: {  	[sflag:s20] =	ssyncset.done $0x0  }
0x61: {  	[sflag:s20] =	ssyncadd.s32 $0xFFFFC000  }
0x62: {  	[hbm4b:s5+s3] =	stream.linear.scatter [tilespmem:s14], [sflag:$0x5], $0x4000, $0x38;
	[tilespmem:$0x12200] =	vst v63  }
0x63: {  	_ =	swait.ge [sflag:s21], $0x4000  }
0x64: {  	[sflag:s21] =	ssyncset.done $0x0  }
0x65: {  	[sflag:s21] =	ssyncadd.s32 $0xFFFFC000  }
0x66: {  	[hbm4b:s6+s3] =	stream.linear.scatter [tilespmem:s15], [sflag:$0x6], $0x4000, $0x38;
	[tilespmem:$0x12200] =	vst v63  }
0x67: {  	_ =	swait.ge [sflag:s22], $0x4000  }
0x68: {  	[sflag:s22] =	ssyncset.done $0x0  }
0x69: {  	[sflag:s22] =	ssyncadd.s32 $0xFFFFC000  }
0x6a: {  	[hbm4b:s7+s3] =	stream.linear.scatter [tilespmem:s17], [sflag:$0x7], $0x4000, $0x38;
	[tilespmem:$0x12200] =	vst v63  }
0x6b: {  	_ =	swait.ge [sflag:s23], $0x4000  }
0x6c: {  	[sflag:s23] =	ssyncset.done $0x0  }
0x6d: {  	[sflag:s23] =	ssyncadd.s32 $0xFFFFC000  }
0x6e: {  	[hbm4b:s8+s3] =	stream.linear.scatter [tilespmem:s19], [sflag:$0x8], $0x4000, $0x38;
	[tilespmem:$0x12200] =	vst v63  }
0x6f: {  	_ =	swait.ge [sflag:s24], $0x4000  }
0x70: {  	[sflag:s24] =	ssyncset.done $0x0  }
0x71: {  	[sflag:s24] =	ssyncadd.s32 $0xFFFFC000  }
0x72: {  	_ =	swait.ge [sflag:s25], $0x4000  }
0x73: {  	[sflag:s25] =	ssyncset.done $0x0  }
0x74: {  	s29 =	sadd.s32 $0x1, s29;
	[sflag:s25] =	ssyncadd.s32 $0xFFFFC000  }
0x75: {  	p0 =	sne.s32 s29, s9;
	_ =	swait.ge [sflag:s26], $0x4000  }
.Ltmp1:
0x76: {  	[sflag:s26] =	ssyncset.done $0x0;
	(pc) =	sbr.rel @p0 .LBB2_1-.Ltmp1, $4  }
0x77: {  	[sflag:s26] =	ssyncadd.s32 $0xFFFFC000  }
0x78: {  	_ =	swait.ge [sflag:s28], $0x4000  }
0x79: {  	[sflag:s28] =	ssyncset.done $0x0  }
0x7a: {  	[sflag:s28] =	ssyncadd.s32 $0xFFFFC000  }
0x7b: {  	_ =	sfence.sel $0x180000  }
0x7c: {  	[bflag:$0x0] =	sbarrier.arrive $0xFFFF  }
0x7d: {  	_ =	strace $0x90000056  }
0x7e: {  	s0 =	stileid.u32;
	[bflag:$0x2] =	sbarrier.arrive $0xFFFF  }
0x7f: {  	p0 =	sne.s32 s0, $0x0;
	s0 =	rddreg [dreg:$0x2]  }
0x80: {  	s0 =	sadd.s32 @!p0 $0x100000, s0  }
0x81: {  	[sflag:s0] =	ssyncadd.tile.s32 @!p0 $0x1;
	_ =	shalt  }
.Lfunc_end2:
_tile_overlayer_lowered:
.L_overlay_start_2:
0x82: {  	(tag) =	ssettag $0x2  }
0x83: {  	s0 =	rddreg [dreg:$0x0];
	s2 =	stileid.u32  }
0x84: {  	s1 =	rddreg [dreg:$0x1];
	p0 =	sne.s32 s2, $0x0  }
0x85: {  	s3 =	rddreg [dreg:$0x2];
	[bflag:$0x3] =	sbarrier.arrive $0xFFFF;
	s2 =	simm.s32 @!p0 $0x1C09  }
0x86: {  	[timem:s3], [sflag:s2] =	dma.local @!p0 [hbm:s0], s1  }
0x87: {  	s0 =	simm.s32 @!p0 $0x9  }
0x88: {  	_ =	swait.ge @!p0 [sflag:s0], s1  }
0x89: {  	s1 =	ssub.s32 @!p0 $0x0, s1;
	[sflag:s0] =	ssyncset.done @!p0 $0x0  }
0x8a: {  	[sflag:s0] =	ssyncadd.s32 @!p0 s1  }
0x8b: {  	[bflag:$0x3] =	sbarrier.arrive $0xFFFF  }
0x8c: {  	_ =	shalt  }

// kernel: kernel.24.cloned.1.call-start
scs
__scs_entry_jumppad:
0x0: {  	(pc) =	sbr.rel $0x88, $3  }
0x1: {  	(tag) =	ssettag $0x0;
	lr =	simm.s32 $0x1  }
0x2: {  	[smem:$0x3F79] =	sst lr;
	_ =	strace $0xD0000000  }
0x3: {  	_ = 	snop  }
0x4: {  	_ = 	snop  }
0x5: {  	_ = 	snop  }
0x6: {  	_ = 	snop  }
0x7: {  	_ = 	snop  }
__scs_overlays_trampoline_lowered:
0x8: {  	[smem:$0x3F88] =	sst s0  }
0x9: {  	[smem:$0x3F89] =	sst s1  }
0xa: {  	[smem:$0x3F8A] =	sst s2  }
0xb: {  	[smem:$0x3F8B] =	sst s3  }
0xc: {  	[smem:$0x3F8C] =	sst s4  }
0xd: {  	[smem:$0x3F8D] =	sst s5  }
0xe: {  	[smem:$0x3F8E] =	sst s6  }
0xf: {  	[smem:$0x3F8F] =	sst s7  }
0x10: {  	[smem:$0x3F90] =	sst s8  }
0x11: {  	[smem:$0x3F91] =	sst s9;
	s0 =	simm.s32 @!p0 $0x0  }
0x12: {  	s1 =	sld [smem:$0x3F77];
	s0 =	simm.s32 @p0 $0x1  }
0x13: {  	[smem:$0x3F92] =	sst s0;
	s0 =	simm.s32 @!p1 $0x0  }
0x14: {  	s2 =	sld [smem:$0x3F76];
	s0 =	simm.s32 @p1 $0x1  }
0x15: {  	[smem:$0x3F93] =	sst s0;
	s0 =	simm.s32 @!p2 $0x0  }
0x16: {  	s3 =	sld [smem:$0x3FDB];
	s0 =	simm.s32 @p2 $0x1  }
0x17: {  	s4 =	simm.s32 $0x1BF5;
	[smem:$0x3F95] =	sst s0  }
0x18: {  	s0 =	sld [smem:$0x3F78];
	_ =	swait.ge [sflag:s4], $0x0  }
0x19: {  	s7 =	sld [smem:$0x3F79]  }
0x1a: {  	s8 =	sadd.s32 $0xFFFFE003, lr  }
0x1b: {  	s9 =	sadd.s32 $0xFFFFFEF7, lr;
	s5 =	simm.s32 $0xFFFFFFFF;
	p2 =	slt.u32 s8, $0xFFFFF086  }
0x1c: {  	p1 =	slt.u32 s9, $0xF7A;
	s5 =	simm.s32 @!p2 $0x0  }
0x1d: {  	s5 =	simm.s32 @p1 $0x1;
	p0 =	seq.s32 s7, s2  }
0x1e: {  	s7 =	smul.u32 @!p0 $0xF7A, s2;
	p2 =	seq.s32 @!p0 s5, $0x0  }
0x1f: {  	s9 =	smul.u32 $0xF7A, s1;
	s8 =	simm.s32 @!p0 $0x1BF5;
	p2 =	por !p2, p0  }
0x20: {  	[sflag:s8] =	ssyncset.s32 @!p0 $0xFFFFF086;
	s6 =	sadd.s32 @!p0 s3, s7;
	s7 =	simm.s32 @!p0 $0x108  }
0x21: {  	s3 =	sadd.s32 s3, s9;
	s6 =	sadd.s32 @!p0 $0x88, s6;
	s7 =	simm.s32 @p2 $0x1082  }
0x22: {  	[simem:s7], [sflag:s8] =	dma.local @!p0 [hbm:s6], $0xF7A  }
0x23: {  	s9 =	sor.u32 $0xD0000000, s2;
	s6 =	simm.s32 $0x108;
	_ =	swait.ge @!p0 [sflag:s8], $0x0  }
0x24: {  	s3 =	sadd.s32 $0x88, s3;
	s6 =	simm.s32 @!p1 $0x1082;
	[sflag:s4] =	ssyncset.s32 $0xFFFFF086  }
0x25: {  	[simem:s6], [sflag:s4] =	dma.local [hbm:s3], $0xF7A  }
0x26: {  	[smem:$0x3F79] =	sst s1;
	(tag) =	ssettag s2;
	_ =	strace s9  }
0x27: {  	s1 =	sld [smem:$0x3F89]  }
0x28: {  	s2 =	sld [smem:$0x3F8A]  }
0x29: {  	s4 =	sld [smem:$0x3F8C]  }
0x2a: {  	p0 =	seq.s32 s5, $0x0;
	s5 =	sld [smem:$0x3F8D]  }
0x2b: {  	s6 =	sld [smem:$0x3F8E]  }
0x2c: {  	s7 =	sld [smem:$0x3F8F]  }
0x2d: {  	s3 =	simm.s32 $0x108;
	s8 =	sld [smem:$0x3F90]  }
0x2e: {  	s3 =	simm.s32 @!p0 $0x1082;
	s9 =	sld [smem:$0x3F91]  }
0x2f: {  	lr =	sadd.s32 s0, s3;
	s0 =	sld [smem:$0x3F88]  }
0x30: {  	s3 =	sld [smem:$0x3F8B]  }
0x31: {  	[smem:$0x3F94] =	sst s10  }
0x32: {  	s10 =	sld [smem:$0x3F92];
	_ =	sdelay $0x3  }
0x33: {  	p0 =	seq.s32 s10, $0x1;
	s10 =	sld [smem:$0x3F94];
	_ =	sdelay $0x3  }
0x34: {  	[smem:$0x3F94] =	sst s10  }
0x35: {  	s10 =	sld [smem:$0x3F93];
	_ =	sdelay $0x3  }
0x36: {  	p1 =	seq.s32 s10, $0x1;
	s10 =	sld [smem:$0x3F94];
	_ =	sdelay $0x3  }
0x37: {  	[smem:$0x3F94] =	sst s10  }
0x38: {  	s10 =	sld [smem:$0x3F95]  }
0x39: {  	_ = 	snop;
	(pc) =	sbr.ind lr, $3  }
0x3a: {  	_ = 	snop  }
0x3b: {  	_ = 	snop  }
0x3c: {  	p2 =	seq.s32 s10, $0x1;
	s10 =	sld [smem:$0x3F94]  }
0x3d: {  	_ =	shalt  }
0x3e: {  	_ =	shalt  }
0x3f: {  	_ =	shalt  }
0x40: {  	_ =	shalt  }
0x41: {  	_ =	shalt  }
0x42: {  	_ =	shalt  }
0x43: {  	_ =	shalt  }
0x44: {  	_ =	shalt  }
0x45: {  	_ =	shalt  }
0x46: {  	_ =	shalt  }
0x47: {  	_ =	shalt  }
0x48: {  	_ =	shalt  }
0x49: {  	_ =	shalt  }
0x4a: {  	_ =	shalt  }
0x4b: {  	_ =	shalt  }
0x4c: {  	_ =	shalt  }
0x4d: {  	_ =	shalt  }
0x4e: {  	_ =	shalt  }
0x4f: {  	_ =	shalt  }
0x50: {  	_ =	shalt  }
0x51: {  	_ =	shalt  }
0x52: {  	_ =	shalt  }
0x53: {  	_ =	shalt  }
0x54: {  	_ =	shalt  }
0x55: {  	_ =	shalt  }
0x56: {  	_ =	shalt  }
0x57: {  	_ =	shalt  }
0x58: {  	_ =	shalt  }
0x59: {  	_ =	shalt  }
0x5a: {  	_ =	shalt  }
0x5b: {  	_ =	shalt  }
0x5c: {  	_ =	shalt  }
0x5d: {  	_ =	shalt  }
0x5e: {  	_ =	shalt  }
0x5f: {  	_ =	shalt  }
0x60: {  	_ =	shalt  }
0x61: {  	_ =	shalt  }
0x62: {  	_ =	shalt  }
0x63: {  	_ =	shalt  }
0x64: {  	_ =	shalt  }
0x65: {  	_ =	shalt  }
0x66: {  	_ =	shalt  }
0x67: {  	_ =	shalt  }
0x68: {  	_ =	shalt  }
0x69: {  	_ =	shalt  }
0x6a: {  	_ =	shalt  }
0x6b: {  	_ =	shalt  }
0x6c: {  	_ =	shalt  }
0x6d: {  	_ =	shalt  }
0x6e: {  	_ =	shalt  }
0x6f: {  	_ =	shalt  }
0x70: {  	_ =	shalt  }
0x71: {  	_ =	shalt  }
0x72: {  	_ =	shalt  }
0x73: {  	_ =	shalt  }
0x74: {  	_ =	shalt  }
0x75: {  	_ =	shalt  }
0x76: {  	_ =	shalt  }
0x77: {  	_ =	shalt  }
0x78: {  	_ =	shalt  }
0x79: {  	_ =	shalt  }
0x7a: {  	_ =	shalt  }
0x7b: {  	_ =	shalt  }
0x7c: {  	_ =	shalt  }
0x7d: {  	_ =	shalt  }
0x7e: {  	_ =	shalt  }
0x7f: {  	_ =	shalt  }
0x80: {  	_ =	shalt  }
0x81: {  	_ =	shalt  }
0x82: {  	_ =	shalt  }
0x83: {  	_ =	shalt  }
0x84: {  	_ =	shalt  }
0x85: {  	_ =	shalt  }
0x86: {  	_ =	shalt  }
0x87: {  	_ =	shalt  }
.Lfunc_end0:
.L_simem_size_0:
called_computation.6_lowered:
.L_overlay_start_0:
0x88: {  	s2 =	sld [smem:$0x3FD9]  }
0x89: {  	s3 =	sld [smem:$0x3FFE];
	_ =	sdelay $0x1  }
0x8a: {  	s1 =	srdreg.scid  }
0x8b: {  	s0 =	sand.u32 $0x1, s1  }
0x8c: {  	s17 =	sshll.u32 s0, $0xA;
	s2 =	sadd.s32 s3, s2  }
0x8d: {  	s2 =	sadd.s32 s2, s17  }
0x8e: {  	[smem:$0x3FA0] =	sst s2  }
0x8f: {  	_ = 	snop  }
0x90: {  	(tm) =	ssettm $0x1  }
0x91: {  	s18 =	sld [smem:$0x3FFB];
	_ =	sdelay $0x3  }
0x92: {  	_ =	strace s18  }
0x93: {  	s2 =	sld [smem:$0x3FFC];
	_ =	sdelay $0x3  }
0x94: {  	_ =	strace s2  }
0x95: {  	s2 =	sld [smem:$0x3FFD];
	_ =	sdelay $0x3  }
0x96: {  	_ =	strace s2  }
0x97: {  	_ =	strace $0x8FFFFFFF  }
0x98: {  	s19 =	sld [smem:$0x3FDB];
	_ =	sdelay $0x1  }
0x99: {  	s20 =	simm.s32 $_scs_section_size  }
0x9a: {  	s4 =	simm.s32 $_size__tile_overlayer_lowered;
	s5 =	simm.s32 $_tile_overlayer_lowered  }
0x9b: {  	s6 =	simm.s32 $0x1BFF;
	s21 =	sshll.u32 s5, $0x1;
	s3 =	sadd.s32 s20, s19  }
0x9c: {  	s22 =	simm.s32 $0x0;
	s4 =	sshll.u32 s4, $0x1;
	s5 =	sadd.s32 s21, s3  }
0x9d: {  	[timem:s22], [sflag:s6] =	dma.local [hbm:s5], s4  }
0x9e: {  	_ =	swait.ge [sflag:s6], s4  }
0x9f: {  	s4 =	ssub.s32 $0x0, s4;
	[sflag:s6] =	ssyncset.done $0x0  }
0xa0: {  	[sflag:s6] =	ssyncadd.s32 s4;
	_ =	sdelay $0x1  }
0xa1: {  	s23 =	simm.s32 $0x1B8B  }
0xa2: {  	_ =	swait.ge [sflag:s23], $0x1  }
0xa3: {  	[sflag:s23] =	ssyncset.done $0x0  }
0xa4: {  	[sflag:s23] =	ssyncadd.s32 $0xFFFFFFFF  }
0xa5: {  	s4 =	sld [smem:$0x0]  }
0xa6: {  	s5 =	sand.u32 $0xFFFFFFFE, s1  }
0xa7: {  	p0 =	sne.s32 s1, s5  }
0xa8: {  	s5 =	sshll.u32 @p0 s5, $0xE  }
0xa9: {  	s5 =	sadd.s32 @p0 $0x11B8D, s5;
	s6 =	sshll.u32 @p0 s4, $0x11  }
0xaa: {  	s5 =	sor.u32 @p0 s6, s5  }
0xab: {  	[sflag:s5] =	ssyncadd.remote.s32 @p0 $0x1;
	_ =	sdelay $0x1  }
0xac: {  	s5 =	simm.s32 @p0 $0x1B8D  }
0xad: {  	_ =	swait.eq @p0 [sflag:s5], $0x1  }
0xae: {  	[sflag:s5] =	ssyncadd.s32 @p0 $0xFFFFFFFF  }
0xaf: {  	s6 =	sshll.u32 @!p0 s1, $0xE  }
0xb0: {  	s6 =	sor.u32 @!p0 $0x4000, s6;
	s5 =	simm.s32 @!p0 $0x1B8D  }
0xb1: {  	s4 =	sshll.u32 @!p0 s4, $0x11;
	s6 =	sadd.s32 @!p0 $0x11B8D, s6;
	_ =	swait.eq @!p0 [sflag:s5], $0x1  }
0xb2: {  	s4 =	sor.u32 @!p0 s4, s6;
	[sflag:s5] =	ssyncadd.s32 @!p0 $0xFFFFFFFF  }
0xb3: {  	s25 =	simm.s32 $0x1B8E;
	s24 =	sld [smem:$0x3FFE];
	[sflag:s4] =	ssyncadd.remote.s32 @!p0 $0x1  }
0xb4: {  	s26 =	simm.s32 $execute0_lowered;
	[smem:$0x3FD2] =	sst s25  }
0xb5: {  	s5 =	sshll.u32 s26, $0x1;
	_ =	strace $0x8000005E;
	[dreg:$0x1] =	wrdreg $0xFFFFFFFF  }
0xb6: {  	s28 =	simm.s32 $_size_execute0_lowered;
	s3 =	sadd.s32 s3, s5;
	[dreg:$0x0] =	wrdreg $0x0  }
0xb7: {  	s5 =	sshll.u32 s28, $0x1;
	[dreg:$0x2] =	wrdreg s3  }
0xb8: {  	[dreg:$0x3] =	wrdreg s5  }
0xb9: {  	[dreg:$0x4] =	wrdreg $0xC0  }
0xba: {  	_ =	task [dreg:s22], $0x5FFFF  }
0xbb: {  	[dreg:$0x1] =	wrdreg $0xFFFFFFFF  }
0xbc: {  	[dreg:$0x0] =	wrdreg $0x60  }
0xbd: {  	[dreg:$0x2] =	wrdreg s24  }
0xbe: {  	[dreg:$0x3] =	wrdreg $0xE  }
0xbf: {  	_ =	task.clear_ibuf [dreg:s22], $0x4FFFF;
	_ =	strace $0x9000005E  }
0xc0: {  	s29 =	simm.s32 $0xE;
	_ =	strace $0x80000060  }
0xc1: {  	_ =	swait.ge [sflag:s29], $0x1  }
0xc2: {  	[sflag:s29] =	ssyncadd.s32 $0xFFFFFFFF  }
0xc3: {  	_ =	strace $0x90000060  }
0xc4: {  	_ =	sfence  }
0xc5: {  	s30 =	sld [smem:$0x0];
	_ =	sdelay $0x2  }
0xc6: {  	s31 =	sshll.u32 s1, $0xD;
	s1 =	sshrl.u32 s1, $0x2  }
0xc7: {  	s4 =	sand.u32 $0x4000, s31;
	s1 =	sadd.s32 s1, s30  }
0xc8: {  	s0 =	sor.u32 s4, s0;
	s1 =	sshll.u32 s1, $0x11  }
0xc9: {  	s0 =	sor.u32 s1, s0  }
0xca: {  	s0 =	sadd.s32 $0x8F2B, s0  }
0xcb: {  	[sflag:s0] =	ssyncadd.remote.s32 $0x1  }
0xcc: {  	_ =	sfence.sel $0xFFFF  }
0xcd: {  	[dreg:$0x0] =	wrdreg $0xFFFFFFFF;
	(pc) =	sbr.abs _section_cstart, $3  }
0xce: {  	[dreg:$0x1] =	wrdreg $0xFFFFFFFF  }
0xcf: {  	_ =	task.clear_ibuf [dreg:s22], $0x2FFFF;
	_ =	strace $0x9FFFFFFF  }
0xd0: {  	(tm) =	ssettm $0x7FFFFFFF  }
0xd1: {  	_ =	shalt  }
tec
execute0_lowered:
.L_overlay_start_1:
0x0: {  	(tag) =	ssettag $0x1  }
0x1: {  	s3 =	rddreg [dreg:$0x0];
	s2 =	srdreg.scid  }
0x2: {  	s0 =	rddreg [dreg:$0x1];
	s1 =	stileid.u32;
	s7 =	simm.s32 $0x1  }
0x3: {  	s8 =	simm.s32 $0x8800;
	s9 =	simm.s32 $0x8C00;
	s10 =	simm.s32 $0x0  }
0x4: {  	s4 =	sand.u32 $0x1, s2;
	s2 =	simm.s32 $0x0;
	s5 =	sshll.u32 s1, $0x8  }
0x5: {  	s6 =	sshll.u32 s4, $0x7;
	[smem:$0x7FF] =	sst s2;
	s4 =	ssub.s32 $0x2, s4  }
0x6: {  	s5 =	sor.u32 s6, s5;
	_ =	strace $0x8000005F;
	s31 =	sshrl.u32 s4, $0x1  }
0x7: {  	s5 =	sadd.s32 s5, s3;
	s3 =	sadd.s32 $0x11000, s3;
	s6 =	ssub.s32 s4, s31  }
0x8: {  	s4 =	sadd.s32 $0xDE00, s5;
	s5 =	sadd.s32 $0xEE00, s5;
	s6 =	smax.u32 s6, $0x1  }
.LBB2_1:
0x9: {  	[tilespmem:s2], [sflag:$0x1] =	stream.linear.gather [hbm4b:s3+s2], $0x8800, $0x38;
	[tilespmem:$0x9000] =	vst v63  }
0xa: {  	_ =	swait.ge [sflag:s7], $0x8800  }
0xb: {  	[sflag:s7] =	ssyncset.done $0x0  }
0xc: {  	[sflag:s7] =	ssyncadd.s32 $0xFFFF7800  }
0xd: {  	[tilespmem:s8], [sflag:$0x1] =	stream.linear.gather [hbm4b:s4+s2], $0x400, $0x38;
	[tilespmem:$0x9000] =	vst v63  }
0xe: {  	_ =	swait.ge [sflag:s7], $0x400  }
0xf: {  	[sflag:s7] =	ssyncset.done $0x0  }
0x10: {  	s11 =	simm.s32 $0x0;
	[sflag:s7] =	ssyncadd.s32 $0xFFFFFC00  }
0x11: {  	v0 =	vld [tilespmem:s11+$0x8800];
	_ =	sdelay $0x7  }
0x12: {  	s12 =	simm.s32 $0x10;
	s13 =	simm.s32 $0x80;
	v0 =	vld.idx.msk [tilespmem:v0+s2+$0x0], $0xffff  }
.LBB2_2:
0x13: {  	p0 =	sne.s32 s13, $0xFC0;
	v1 =	vld [tilespmem:s12+$0x8800];
	_ =	sdelay $0x3  }
.Ltmp0:
0x14: {  	(pc) =	sbr.rel @p0 .LBB2_2-.Ltmp0, $2  }
0x15: {  	[tilespmem:s11+$0x8C00] =	vst v0;
	s11 =	smov.u32 s12;
	_ =	sdelay $0x2  }
0x16: {  	s12 =	sshra.s32 s13, $0x2;
	s13 =	sadd.s32 $0x40, s13;
	v0 =	vld.idx.msk [tilespmem:v1+s2+$0x0], $0xffff  }
0x17: {  	v1 =	vld [tilespmem:s12+$0x8800];
	_ =	sdelay $0x6  }
0x18: {  	[tilespmem:s11+$0x8C00] =	vst v0  }
0x19: {  	v0 =	vld.idx.msk [tilespmem:v1+s2+$0x0], $0xffff;
	_ =	sdelay $0x2  }
0x1a: {  	s10 =	sadd.s32 $0x1, s10  }
0x1b: {  	p0 =	sne.s32 s10, s6  }
.Ltmp1:
0x1c: {  	[tilespmem:s12+$0x8C00] =	vst v0;
	(pc) =	sbr.rel @p0 .LBB2_1-.Ltmp1, $4  }
0x1d: {  	[hbm4b:s5+s2] =	stream.linear.scatter [tilespmem:s9], [sflag:$0x1], $0x400, $0x38;
	[tilespmem:$0x9000] =	vst v63  }
0x1e: {  	_ =	swait.ge [sflag:s7], $0x400  }
0x1f: {  	[sflag:s7] =	ssyncset.done $0x0  }
0x20: {  	[sflag:s7] =	ssyncadd.s32 $0xFFFFFC00  }
0x21: {  	_ =	sfence.sel $0x180000  }
0x22: {  	[bflag:$0x0] =	sbarrier.arrive $0xFFFF  }
0x23: {  	p0 =	sne.s32 s1, $0x0;
	_ =	strace $0x9000005F  }
0x24: {  	s0 =	sadd.s32 @!p0 $0x100000, s0;
	[bflag:$0x2] =	sbarrier.arrive $0xFFFF  }
0x25: {  	[sflag:s0] =	ssyncadd.tile.s32 @!p0 $0x1;
	_ =	shalt  }
.Lfunc_end2:
_tile_overlayer_lowered:
.L_overlay_start_2:
0x26: {  	(tag) =	ssettag $0x2  }
0x27: {  	s0 =	rddreg [dreg:$0x0];
	s2 =	stileid.u32  }
0x28: {  	s1 =	rddreg [dreg:$0x1];
	p0 =	sne.s32 s2, $0x0  }
0x29: {  	s3 =	rddreg [dreg:$0x2];
	[bflag:$0x3] =	sbarrier.arrive $0xFFFF;
	s2 =	simm.s32 @!p0 $0x1C01  }
0x2a: {  	[timem:s3], [sflag:s2] =	dma.local @!p0 [hbm:s0], s1  }
0x2b: {  	s0 =	simm.s32 @!p0 $0x1  }
0x2c: {  	_ =	swait.ge @!p0 [sflag:s0], s1  }
0x2d: {  	s1 =	ssub.s32 @!p0 $0x0, s1;
	[sflag:s0] =	ssyncset.done @!p0 $0x0  }
0x2e: {  	[sflag:s0] =	ssyncadd.s32 @!p0 s1  }
0x2f: {  	[bflag:$0x3] =	sbarrier.arrive $0xFFFF  }
0x30: {  	_ =	shalt  }

// kernel: kernel.27.cloned.1.call-start
scs
__scs_entry_jumppad:
0x0: {  	(pc) =	sbr.rel $0x88, $3  }
0x1: {  	(tag) =	ssettag $0x0;
	lr =	simm.s32 $0x1  }
0x2: {  	[smem:$0x3F79] =	sst lr;
	_ =	strace $0xD0000000  }
0x3: {  	_ = 	snop  }
0x4: {  	_ = 	snop  }
0x5: {  	_ = 	snop  }
0x6: {  	_ = 	snop  }
0x7: {  	_ = 	snop  }
__scs_overlays_trampoline_lowered:
0x8: {  	[smem:$0x3F88] =	sst s0  }
0x9: {  	[smem:$0x3F89] =	sst s1  }
0xa: {  	[smem:$0x3F8A] =	sst s2  }
0xb: {  	[smem:$0x3F8B] =	sst s3  }
0xc: {  	[smem:$0x3F8C] =	sst s4  }
0xd: {  	[smem:$0x3F8D] =	sst s5  }
0xe: {  	[smem:$0x3F8E] =	sst s6  }
0xf: {  	[smem:$0x3F8F] =	sst s7  }
0x10: {  	[smem:$0x3F90] =	sst s8  }
0x11: {  	[smem:$0x3F91] =	sst s9;
	s0 =	simm.s32 @!p0 $0x0  }
0x12: {  	s1 =	sld [smem:$0x3F77];
	s0 =	simm.s32 @p0 $0x1  }
0x13: {  	[smem:$0x3F92] =	sst s0;
	s0 =	simm.s32 @!p1 $0x0  }
0x14: {  	s2 =	sld [smem:$0x3F76];
	s0 =	simm.s32 @p1 $0x1  }
0x15: {  	[smem:$0x3F93] =	sst s0;
	s0 =	simm.s32 @!p2 $0x0  }
0x16: {  	s3 =	sld [smem:$0x3FDB];
	s0 =	simm.s32 @p2 $0x1  }
0x17: {  	s4 =	simm.s32 $0x1BF5;
	[smem:$0x3F95] =	sst s0  }
0x18: {  	s0 =	sld [smem:$0x3F78];
	_ =	swait.ge [sflag:s4], $0x0  }
0x19: {  	s7 =	sld [smem:$0x3F79]  }
0x1a: {  	s8 =	sadd.s32 $0xFFFFE003, lr  }
0x1b: {  	s9 =	sadd.s32 $0xFFFFFEF7, lr;
	s5 =	simm.s32 $0xFFFFFFFF;
	p2 =	slt.u32 s8, $0xFFFFF086  }
0x1c: {  	p1 =	slt.u32 s9, $0xF7A;
	s5 =	simm.s32 @!p2 $0x0  }
0x1d: {  	s5 =	simm.s32 @p1 $0x1;
	p0 =	seq.s32 s7, s2  }
0x1e: {  	s7 =	smul.u32 @!p0 $0xF7A, s2;
	p2 =	seq.s32 @!p0 s5, $0x0  }
0x1f: {  	s9 =	smul.u32 $0xF7A, s1;
	s8 =	simm.s32 @!p0 $0x1BF5;
	p2 =	por !p2, p0  }
0x20: {  	[sflag:s8] =	ssyncset.s32 @!p0 $0xFFFFF086;
	s6 =	sadd.s32 @!p0 s3, s7;
	s7 =	simm.s32 @!p0 $0x108  }
0x21: {  	s3 =	sadd.s32 s3, s9;
	s6 =	sadd.s32 @!p0 $0x88, s6;
	s7 =	simm.s32 @p2 $0x1082  }
0x22: {  	[simem:s7], [sflag:s8] =	dma.local @!p0 [hbm:s6], $0xF7A  }
0x23: {  	s9 =	sor.u32 $0xD0000000, s2;
	s6 =	simm.s32 $0x108;
	_ =	swait.ge @!p0 [sflag:s8], $0x0  }
0x24: {  	s3 =	sadd.s32 $0x88, s3;
	s6 =	simm.s32 @!p1 $0x1082;
	[sflag:s4] =	ssyncset.s32 $0xFFFFF086  }
0x25: {  	[simem:s6], [sflag:s4] =	dma.local [hbm:s3], $0xF7A  }
0x26: {  	[smem:$0x3F79] =	sst s1;
	(tag) =	ssettag s2;
	_ =	strace s9  }
0x27: {  	s1 =	sld [smem:$0x3F89]  }
0x28: {  	s2 =	sld [smem:$0x3F8A]  }
0x29: {  	s4 =	sld [smem:$0x3F8C]  }
0x2a: {  	p0 =	seq.s32 s5, $0x0;
	s5 =	sld [smem:$0x3F8D]  }
0x2b: {  	s6 =	sld [smem:$0x3F8E]  }
0x2c: {  	s7 =	sld [smem:$0x3F8F]  }
0x2d: {  	s3 =	simm.s32 $0x108;
	s8 =	sld [smem:$0x3F90]  }
0x2e: {  	s3 =	simm.s32 @!p0 $0x1082;
	s9 =	sld [smem:$0x3F91]  }
0x2f: {  	lr =	sadd.s32 s0, s3;
	s0 =	sld [smem:$0x3F88]  }
0x30: {  	s3 =	sld [smem:$0x3F8B]  }
0x31: {  	[smem:$0x3F94] =	sst s10  }
0x32: {  	s10 =	sld [smem:$0x3F92];
	_ =	sdelay $0x3  }
0x33: {  	p0 =	seq.s32 s10, $0x1;
	s10 =	sld [smem:$0x3F94];
	_ =	sdelay $0x3  }
0x34: {  	[smem:$0x3F94] =	sst s10  }
0x35: {  	s10 =	sld [smem:$0x3F93];
	_ =	sdelay $0x3  }
0x36: {  	p1 =	seq.s32 s10, $0x1;
	s10 =	sld [smem:$0x3F94];
	_ =	sdelay $0x3  }
0x37: {  	[smem:$0x3F94] =	sst s10  }
0x38: {  	s10 =	sld [smem:$0x3F95]  }
0x39: {  	_ = 	snop;
	(pc) =	sbr.ind lr, $3  }
0x3a: {  	_ = 	snop  }
0x3b: {  	_ = 	snop  }
0x3c: {  	p2 =	seq.s32 s10, $0x1;
	s10 =	sld [smem:$0x3F94]  }
0x3d: {  	_ =	shalt  }
0x3e: {  	_ =	shalt  }
0x3f: {  	_ =	shalt  }
0x40: {  	_ =	shalt  }
0x41: {  	_ =	shalt  }
0x42: {  	_ =	shalt  }
0x43: {  	_ =	shalt  }
0x44: {  	_ =	shalt  }
0x45: {  	_ =	shalt  }
0x46: {  	_ =	shalt  }
0x47: {  	_ =	shalt  }
0x48: {  	_ =	shalt  }
0x49: {  	_ =	shalt  }
0x4a: {  	_ =	shalt  }
0x4b: {  	_ =	shalt  }
0x4c: {  	_ =	shalt  }
0x4d: {  	_ =	shalt  }
0x4e: {  	_ =	shalt  }
0x4f: {  	_ =	shalt  }
0x50: {  	_ =	shalt  }
0x51: {  	_ =	shalt  }
0x52: {  	_ =	shalt  }
0x53: {  	_ =	shalt  }
0x54: {  	_ =	shalt  }
0x55: {  	_ =	shalt  }
0x56: {  	_ =	shalt  }
0x57: {  	_ =	shalt  }
0x58: {  	_ =	shalt  }
0x59: {  	_ =	shalt  }
0x5a: {  	_ =	shalt  }
0x5b: {  	_ =	shalt  }
0x5c: {  	_ =	shalt  }
0x5d: {  	_ =	shalt  }
0x5e: {  	_ =	shalt  }
0x5f: {  	_ =	shalt  }
0x60: {  	_ =	shalt  }
0x61: {  	_ =	shalt  }
0x62: {  	_ =	shalt  }
0x63: {  	_ =	shalt  }
0x64: {  	_ =	shalt  }
0x65: {  	_ =	shalt  }
0x66: {  	_ =	shalt  }
0x67: {  	_ =	shalt  }
0x68: {  	_ =	shalt  }
0x69: {  	_ =	shalt  }
0x6a: {  	_ =	shalt  }
0x6b: {  	_ =	shalt  }
0x6c: {  	_ =	shalt  }
0x6d: {  	_ =	shalt  }
0x6e: {  	_ =	shalt  }
0x6f: {  	_ =	shalt  }
0x70: {  	_ =	shalt  }
0x71: {  	_ =	shalt  }
0x72: {  	_ =	shalt  }
0x73: {  	_ =	shalt  }
0x74: {  	_ =	shalt  }
0x75: {  	_ =	shalt  }
0x76: {  	_ =	shalt  }
0x77: {  	_ =	shalt  }
0x78: {  	_ =	shalt  }
0x79: {  	_ =	shalt  }
0x7a: {  	_ =	shalt  }
0x7b: {  	_ =	shalt  }
0x7c: {  	_ =	shalt  }
0x7d: {  	_ =	shalt  }
0x7e: {  	_ =	shalt  }
0x7f: {  	_ =	shalt  }
0x80: {  	_ =	shalt  }
0x81: {  	_ =	shalt  }
0x82: {  	_ =	shalt  }
0x83: {  	_ =	shalt  }
0x84: {  	_ =	shalt  }
0x85: {  	_ =	shalt  }
0x86: {  	_ =	shalt  }
0x87: {  	_ =	shalt  }
.Lfunc_end0:
.L_simem_size_0:
called_computation.7_lowered:
.L_overlay_start_0:
0x88: {  	s2 =	sld [smem:$0x3FD9]  }
0x89: {  	s3 =	sld [smem:$0x3FFE];
	_ =	sdelay $0x1  }
0x8a: {  	s1 =	srdreg.scid  }
0x8b: {  	s0 =	sand.u32 $0x1, s1  }
0x8c: {  	s16 =	sshll.u32 s0, $0xA;
	s2 =	sadd.s32 s3, s2  }
0x8d: {  	s2 =	sadd.s32 s2, s16  }
0x8e: {  	[smem:$0x3FA0] =	sst s2  }
0x8f: {  	_ = 	snop  }
0x90: {  	(tm) =	ssettm $0x1  }
0x91: {  	s17 =	sld [smem:$0x3FFB];
	_ =	sdelay $0x3  }
0x92: {  	_ =	strace s17  }
0x93: {  	s2 =	sld [smem:$0x3FFC];
	_ =	sdelay $0x3  }
0x94: {  	_ =	strace s2  }
0x95: {  	s2 =	sld [smem:$0x3FFD];
	_ =	sdelay $0x3  }
0x96: {  	_ =	strace s2  }
0x97: {  	_ =	strace $0x8FFFFFFF  }
0x98: {  	s18 =	sld [smem:$0x3FDB];
	_ =	sdelay $0x1  }
0x99: {  	s19 =	simm.s32 $_scs_section_size  }
0x9a: {  	s4 =	simm.s32 $_size__tile_overlayer_lowered;
	s5 =	simm.s32 $_tile_overlayer_lowered  }
0x9b: {  	s22 =	simm.s32 $0x1BFF;
	s21 =	sshll.u32 s5, $0x1;
	s2 =	sadd.s32 s19, s18  }
0x9c: {  	s6 =	simm.s32 $0x0;
	s20 =	sshll.u32 s4, $0x1;
	s4 =	sadd.s32 s21, s2  }
0x9d: {  	[timem:s6], [sflag:s22] =	dma.local [hbm:s4], s20  }
0x9e: {  	_ =	swait.ge [sflag:s22], s20  }
0x9f: {  	s3 =	ssub.s32 $0x0, s20;
	[sflag:s22] =	ssyncset.done $0x0  }
0xa0: {  	[sflag:s22] =	ssyncadd.s32 s3;
	_ =	sdelay $0x1  }
0xa1: {  	s23 =	simm.s32 $0x1B8B  }
0xa2: {  	_ =	swait.ge [sflag:s23], $0x1  }
0xa3: {  	[sflag:s23] =	ssyncset.done $0x0  }
0xa4: {  	s25 =	simm.s32 $0x1B8E;
	s24 =	sld [smem:$0x3FFE];
	[sflag:s23] =	ssyncadd.s32 $0xFFFFFFFF  }
0xa5: {  	s26 =	simm.s32 $execute0_lowered;
	[smem:$0x3FD2] =	sst s25  }
0xa6: {  	s4 =	sshll.u32 s26, $0x1;
	_ =	strace $0x80000061;
	[dreg:$0x1] =	wrdreg $0xFFFFFFFF  }
0xa7: {  	s28 =	simm.s32 $_size_execute0_lowered;
	s2 =	sadd.s32 s2, s4;
	[dreg:$0x0] =	wrdreg $0x0  }
0xa8: {  	s4 =	sshll.u32 s28, $0x1;
	[dreg:$0x2] =	wrdreg s2  }
0xa9: {  	[dreg:$0x3] =	wrdreg s4  }
0xaa: {  	[dreg:$0x4] =	wrdreg $0xC0  }
0xab: {  	_ =	task [dreg:s6], $0x5FFFF  }
0xac: {  	[dreg:$0x1] =	wrdreg $0xFFFFFFFF  }
0xad: {  	[dreg:$0x0] =	wrdreg $0x60  }
0xae: {  	[dreg:$0x2] =	wrdreg s24  }
0xaf: {  	[dreg:$0x3] =	wrdreg $0x9  }
0xb0: {  	_ =	task.clear_ibuf [dreg:s6], $0x4FFFF;
	_ =	strace $0x90000061  }
0xb1: {  	s29 =	simm.s32 $0x9;
	_ =	strace $0x80000063  }
0xb2: {  	_ =	swait.ge [sflag:s29], $0x1  }
0xb3: {  	[sflag:s29] =	ssyncadd.s32 $0xFFFFFFFF  }
0xb4: {  	_ =	strace $0x90000063  }
0xb5: {  	_ =	sfence  }
0xb6: {  	s30 =	sld [smem:$0x0];
	_ =	sdelay $0x2  }
0xb7: {  	s31 =	sshll.u32 s1, $0xD;
	s1 =	sshrl.u32 s1, $0x2  }
0xb8: {  	s3 =	sand.u32 $0x4000, s31;
	s1 =	sadd.s32 s1, s30  }
0xb9: {  	s0 =	sor.u32 s3, s0;
	s1 =	sshll.u32 s1, $0x11  }
0xba: {  	s0 =	sor.u32 s1, s0  }
0xbb: {  	s0 =	sadd.s32 $0x8F2B, s0  }
0xbc: {  	[sflag:s0] =	ssyncadd.remote.s32 $0x1  }
0xbd: {  	_ =	sfence.sel $0xFFFF  }
0xbe: {  	[dreg:$0x0] =	wrdreg $0xFFFFFFFF;
	(pc) =	sbr.abs _section_cstart, $3  }
0xbf: {  	[dreg:$0x1] =	wrdreg $0xFFFFFFFF  }
0xc0: {  	_ =	task.clear_ibuf [dreg:s6], $0x2FFFF;
	_ =	strace $0x9FFFFFFF  }
0xc1: {  	(tm) =	ssettm $0x7FFFFFFF  }
tec
execute0_lowered:
.L_overlay_start_1:
0x0: {  	(tag) =	ssettag $0x1  }
0x1: {  	s1 =	srdreg.scid  }
0x2: {  	s0 =	stileid.u32;
	s1 =	sand.u32 $0x1, s1  }
0x3: {  	s2 =	sshll.u32 s0, $0xB;
	s3 =	sshll.u32 s1, $0xA  }
0x4: {  	s3 =	sor.u32 s3, s2  }
0x5: {  	s4 =	rddreg [dreg:$0x0];
	s5 =	sshrl.u32 s3, $0x3  }
0x6: {  	s2 =	simm.s32 $0x0;
	s3 =	sshll.u32 s3, $0x4;
	s5 =	sadd.s32 s5, s4  }
0x7: {  	[smem:$0x7FF] =	sst s2;
	s31 =	sadd.s32 s3, s4;
	s5 =	sadd.s32 $0xDE00, s5  }
0x8: {  	_ =	strace $0x80000062;
	s3 =	sadd.s32 $0x9A400, s31;
	[dreg:$0x2] =	wrdreg s5  }
0x9: {  	[dreg:$0x3] =	wrdreg s3  }
0xa: {  	s3 =	simm.s32 $0x9;
	s5 =	rddreg [dreg:$0x2]  }
0xb: {  	[tilespmem:s2], [sflag:$0x9] =	stream.linear.gather [hbm4b:s5+s2], $0x400, $0x38;
	[tilespmem:$0x10400] =	vst v63  }
0xc: {  	_ =	swait.ge [sflag:s3], $0x400  }
0xd: {  	s6 =	simm.s32 $0x400;
	[sflag:s3] =	ssyncset.done $0x0  }
0xe: {  	s4 =	sadd.s32 $0x12200, s4;
	s5 =	simm.s32 $0x80;
	[sflag:s3] =	ssyncadd.s32 $0xFFFFFC00  }
0xf: {  	[tilespmem:s6], [sflag:$0x1] =	stream.indirect.gather [hbm4b:s4+s5], $0x80, s2, s5, $0xb8;
	[tilespmem:$0x10400] =	vst v63  }
0x10: {  	s7 =	simm.s32 $0x4400  }
0x11: {  	[tilespmem:s7], [sflag:$0x2] =	stream.indirect.gather [hbm4b:s4+s5], $0x80, s5, s5, $0xb8;
	[tilespmem:$0x10400] =	vst v63  }
0x12: {  	s8 =	simm.s32 $0x100;
	s9 =	simm.s32 $0x8400  }
0x13: {  	[tilespmem:s9], [sflag:$0x3] =	stream.indirect.gather [hbm4b:s4+s5], $0x80, s8, s5, $0xb8;
	[tilespmem:$0x10400] =	vst v63  }
0x14: {  	s10 =	simm.s32 $0x180;
	s11 =	simm.s32 $0xC400;
	s12 =	simm.s32 $0x1  }
0x15: {  	[tilespmem:s11], [sflag:$0x4] =	stream.indirect.gather [hbm4b:s4+s5], $0x80, s10, s5, $0xb8;
	[tilespmem:$0x10400] =	vst v63  }
0x16: {  	_ =	swait.ge [sflag:s12], $0x4000  }
0x17: {  	[sflag:s12] =	ssyncset.done $0x0  }
0x18: {  	s13 =	simm.s32 $0x2;
	s14 =	rddreg [dreg:$0x3];
	[sflag:s12] =	ssyncadd.s32 $0xFFFFC000  }
0x19: {  	[hbm4b:s14+s2] =	stream.linear.scatter [tilespmem:s6], [sflag:$0x5], $0x4000, $0x38;
	[tilespmem:$0x10400] =	vst v63  }
0x1a: {  	_ =	swait.ge [sflag:s13], $0x4000  }
0x1b: {  	[sflag:s13] =	ssyncset.done $0x0  }
0x1c: {  	s15 =	simm.s32 $0x3;
	s14 =	sadd.s32 $0x9AC00, s31;
	[sflag:s13] =	ssyncadd.s32 $0xFFFFC000  }
0x1d: {  	[hbm4b:s14+s2] =	stream.linear.scatter [tilespmem:s7], [sflag:$0x6], $0x4000, $0x38;
	[tilespmem:$0x10400] =	vst v63  }
0x1e: {  	_ =	swait.ge [sflag:s15], $0x4000  }
0x1f: {  	[sflag:s15] =	ssyncset.done $0x0  }
0x20: {  	s17 =	simm.s32 $0x4;
	s16 =	sadd.s32 $0x9B400, s31;
	[sflag:s15] =	ssyncadd.s32 $0xFFFFC000  }
0x21: {  	[hbm4b:s16+s2] =	stream.linear.scatter [tilespmem:s9], [sflag:$0x7], $0x4000, $0x38;
	[tilespmem:$0x10400] =	vst v63  }
0x22: {  	_ =	swait.ge [sflag:s17], $0x4000  }
0x23: {  	[sflag:s17] =	ssyncset.done $0x0  }
0x24: {  	s19 =	simm.s32 $0x5;
	s18 =	sadd.s32 $0x9BC00, s31;
	[sflag:s17] =	ssyncadd.s32 $0xFFFFC000  }
0x25: {  	[hbm4b:s18+s2] =	stream.linear.scatter [tilespmem:s11], [sflag:$0x8], $0x4000, $0x38;
	[tilespmem:$0x10400] =	vst v63  }
0x26: {  	_ =	swait.ge [sflag:s19], $0x4000  }
0x27: {  	[sflag:s19] =	ssyncset.done $0x0  }
0x28: {  	s20 =	simm.s32 $0x200;
	s21 =	simm.s32 $0x6;
	[sflag:s19] =	ssyncadd.s32 $0xFFFFC000  }
0x29: {  	[tilespmem:s6], [sflag:$0x1] =	stream.indirect.gather [hbm4b:s4+s5], $0x80, s20, s5, $0xb8;
	[tilespmem:$0x10400] =	vst v63  }
0x2a: {  	_ =	swait.ge [sflag:s21], $0x4000  }
0x2b: {  	[sflag:s21] =	ssyncset.done $0x0  }
0x2c: {  	s22 =	simm.s32 $0x280;
	s23 =	simm.s32 $0x7;
	[sflag:s21] =	ssyncadd.s32 $0xFFFFC000  }
0x2d: {  	[tilespmem:s7], [sflag:$0x2] =	stream.indirect.gather [hbm4b:s4+s5], $0x80, s22, s5, $0xb8;
	[tilespmem:$0x10400] =	vst v63  }
0x2e: {  	_ =	swait.ge [sflag:s23], $0x4000  }
0x2f: {  	[sflag:s23] =	ssyncset.done $0x0  }
0x30: {  	s25 =	simm.s32 $0x300;
	s24 =	simm.s32 $0x8;
	[sflag:s23] =	ssyncadd.s32 $0xFFFFC000  }
0x31: {  	[tilespmem:s9], [sflag:$0x3] =	stream.indirect.gather [hbm4b:s4+s5], $0x80, s25, s5, $0xb8;
	[tilespmem:$0x10400] =	vst v63  }
0x32: {  	_ =	swait.ge [sflag:s24], $0x4000  }
0x33: {  	[sflag:s24] =	ssyncset.done $0x0  }
0x34: {  	s26 =	simm.s32 $0x380;
	[sflag:s24] =	ssyncadd.s32 $0xFFFFC000  }
0x35: {  	[tilespmem:s11], [sflag:$0x4] =	stream.indirect.gather [hbm4b:s4+s5], $0x80, s26, s5, $0xb8;
	[tilespmem:$0x10400] =	vst v63  }
0x36: {  	_ =	swait.ge [sflag:s12], $0x4000  }
0x37: {  	[sflag:s12] =	ssyncset.done $0x0  }
0x38: {  	s28 =	sadd.s32 $0x9C400, s31;
	[sflag:s12] =	ssyncadd.s32 $0xFFFFC000  }
0x39: {  	[hbm4b:s28+s2] =	stream.linear.scatter [tilespmem:s6], [sflag:$0x5], $0x4000, $0x38;
	[tilespmem:$0x10400] =	vst v63  }
0x3a: {  	_ =	swait.ge [sflag:s13], $0x4000  }
0x3b: {  	[sflag:s13] =	ssyncset.done $0x0  }
0x3c: {  	s29 =	sadd.s32 $0x9CC00, s31;
	[sflag:s13] =	ssyncadd.s32 $0xFFFFC000  }
0x3d: {  	[hbm4b:s29+s2] =	stream.linear.scatter [tilespmem:s7], [sflag:$0x6], $0x4000, $0x38;
	[tilespmem:$0x10400] =	vst v63  }
0x3e: {  	_ =	swait.ge [sflag:s15], $0x4000  }
0x3f: {  	[sflag:s15] =	ssyncset.done $0x0  }
0x40: {  	s30 =	sadd.s32 $0x9D400, s31;
	[sflag:s15] =	ssyncadd.s32 $0xFFFFC000  }
0x41: {  	[hbm4b:s30+s2] =	stream.linear.scatter [tilespmem:s9], [sflag:$0x7], $0x4000, $0x38;
	[tilespmem:$0x10400] =	vst v63  }
0x42: {  	_ =	swait.ge [sflag:s17], $0x4000  }
0x43: {  	[sflag:s17] =	ssyncset.done $0x0  }
0x44: {  	s31 =	sadd.s32 $0x9DC00, s31;
	[sflag:s17] =	ssyncadd.s32 $0xFFFFC000  }
0x45: {  	[hbm4b:s31+s2] =	stream.linear.scatter [tilespmem:s11], [sflag:$0x8], $0x4000, $0x38;
	[tilespmem:$0x10400] =	vst v63  }
0x46: {  	s1 =	ssub.s32 $0x2, s1;
	_ =	swait.ge [sflag:s19], $0x4000  }
0x47: {  	s0 =	sshrl.u32 s1, $0x1;
	[sflag:s19] =	ssyncset.done $0x0  }
0x48: {  	s0 =	ssub.s32 s1, s0;
	[sflag:s19] =	ssyncadd.s32 $0xFFFFC000  }
0x49: {  	s0 =	smax.u32 s0, $0x1;
	_ =	swait.ge [sflag:s21], $0x4000  }
0x4a: {  	p0 =	sne.s32 s0, $0x1;
	[sflag:s21] =	ssyncset.done $0x0  }
.Ltmp0:
0x4b: {  	[sflag:s21] =	ssyncadd.s32 $0xFFFFC000;
	(pc) =	sbr.rel @!p0 .LBB2_2-.Ltmp0, $4  }
0x4c: {  	_ =	swait.ge [sflag:s23], $0x4000  }
0x4d: {  	[sflag:s23] =	ssyncset.done $0x0  }
0x4e: {  	[sflag:s23] =	ssyncadd.s32 $0xFFFFC000  }
0x4f: {  	s1 =	sadd.s32 $0xFFFFFFFF, s0;
	_ =	swait.ge [sflag:s24], $0x4000  }
.LBB2_1:
0x50: {  	[sflag:s24] =	ssyncset.done $0x0  }
0x51: {  	s0 =	rddreg [dreg:$0x2];
	[sflag:s24] =	ssyncadd.s32 $0xFFFFC000  }
0x52: {  	[tilespmem:s2], [sflag:$0x9] =	stream.linear.gather [hbm4b:s0+s2], $0x400, $0x38;
	[tilespmem:$0x10400] =	vst v63  }
0x53: {  	_ =	swait.ge [sflag:s3], $0x400  }
0x54: {  	[sflag:s3] =	ssyncset.done $0x0  }
0x55: {  	[sflag:s3] =	ssyncadd.s32 $0xFFFFFC00  }
0x56: {  	[tilespmem:s6], [sflag:$0x1] =	stream.indirect.gather [hbm4b:s4+s5], $0x80, s2, s5, $0xb8;
	[tilespmem:$0x10400] =	vst v63  }
0x57: {  	_ = 	snop  }
0x58: {  	[tilespmem:s7], [sflag:$0x2] =	stream.indirect.gather [hbm4b:s4+s5], $0x80, s5, s5, $0xb8;
	[tilespmem:$0x10400] =	vst v63  }
0x59: {  	_ = 	snop  }
0x5a: {  	[tilespmem:s9], [sflag:$0x3] =	stream.indirect.gather [hbm4b:s4+s5], $0x80, s8, s5, $0xb8;
	[tilespmem:$0x10400] =	vst v63  }
0x5b: {  	_ = 	snop  }
0x5c: {  	[tilespmem:s11], [sflag:$0x4] =	stream.indirect.gather [hbm4b:s4+s5], $0x80, s10, s5, $0xb8;
	[tilespmem:$0x10400] =	vst v63  }
0x5d: {  	_ =	swait.ge [sflag:s12], $0x4000  }
0x5e: {  	[sflag:s12] =	ssyncset.done $0x0  }
0x5f: {  	s0 =	rddreg [dreg:$0x3];
	[sflag:s12] =	ssyncadd.s32 $0xFFFFC000  }
0x60: {  	[hbm4b:s0+s2] =	stream.linear.scatter [tilespmem:s6], [sflag:$0x5], $0x4000, $0x38;
	[tilespmem:$0x10400] =	vst v63  }
0x61: {  	_ =	swait.ge [sflag:s13], $0x4000  }
0x62: {  	[sflag:s13] =	ssyncset.done $0x0  }
0x63: {  	[sflag:s13] =	ssyncadd.s32 $0xFFFFC000  }
0x64: {  	[hbm4b:s14+s2] =	stream.linear.scatter [tilespmem:s7], [sflag:$0x6], $0x4000, $0x38;
	[tilespmem:$0x10400] =	vst v63  }
0x65: {  	_ =	swait.ge [sflag:s15], $0x4000  }
0x66: {  	[sflag:s15] =	ssyncset.done $0x0  }
0x67: {  	[sflag:s15] =	ssyncadd.s32 $0xFFFFC000  }
0x68: {  	[hbm4b:s16+s2] =	stream.linear.scatter [tilespmem:s9], [sflag:$0x7], $0x4000, $0x38;
	[tilespmem:$0x10400] =	vst v63  }
0x69: {  	_ =	swait.ge [sflag:s17], $0x4000  }
0x6a: {  	[sflag:s17] =	ssyncset.done $0x0  }
0x6b: {  	[sflag:s17] =	ssyncadd.s32 $0xFFFFC000  }
0x6c: {  	[hbm4b:s18+s2] =	stream.linear.scatter [tilespmem:s11], [sflag:$0x8], $0x4000, $0x38;
	[tilespmem:$0x10400] =	vst v63  }
0x6d: {  	_ =	swait.ge [sflag:s19], $0x4000  }
0x6e: {  	[sflag:s19] =	ssyncset.done $0x0  }
0x6f: {  	[sflag:s19] =	ssyncadd.s32 $0xFFFFC000  }
0x70: {  	[tilespmem:s6], [sflag:$0x1] =	stream.indirect.gather [hbm4b:s4+s5], $0x80, s20, s5, $0xb8;
	[tilespmem:$0x10400] =	vst v63  }
0x71: {  	_ =	swait.ge [sflag:s21], $0x4000  }
0x72: {  	[sflag:s21] =	ssyncset.done $0x0  }
0x73: {  	[sflag:s21] =	ssyncadd.s32 $0xFFFFC000  }
0x74: {  	[tilespmem:s7], [sflag:$0x2] =	stream.indirect.gather [hbm4b:s4+s5], $0x80, s22, s5, $0xb8;
	[tilespmem:$0x10400] =	vst v63  }
0x75: {  	_ =	swait.ge [sflag:s23], $0x4000  }
0x76: {  	[sflag:s23] =	ssyncset.done $0x0  }
0x77: {  	[sflag:s23] =	ssyncadd.s32 $0xFFFFC000  }
0x78: {  	[tilespmem:s9], [sflag:$0x3] =	stream.indirect.gather [hbm4b:s4+s5], $0x80, s25, s5, $0xb8;
	[tilespmem:$0x10400] =	vst v63  }
0x79: {  	_ =	swait.ge [sflag:s24], $0x4000  }
0x7a: {  	[sflag:s24] =	ssyncset.done $0x0  }
0x7b: {  	[sflag:s24] =	ssyncadd.s32 $0xFFFFC000  }
0x7c: {  	[tilespmem:s11], [sflag:$0x4] =	stream.indirect.gather [hbm4b:s4+s5], $0x80, s26, s5, $0xb8;
	[tilespmem:$0x10400] =	vst v63  }
0x7d: {  	_ =	swait.ge [sflag:s12], $0x4000  }
0x7e: {  	[sflag:s12] =	ssyncset.done $0x0  }
0x7f: {  	[sflag:s12] =	ssyncadd.s32 $0xFFFFC000  }
0x80: {  	[hbm4b:s28+s2] =	stream.linear.scatter [tilespmem:s6], [sflag:$0x5], $0x4000, $0x38;
	[tilespmem:$0x10400] =	vst v63  }
0x81: {  	_ =	swait.ge [sflag:s13], $0x4000  }
0x82: {  	[sflag:s13] =	ssyncset.done $0x0  }
0x83: {  	[sflag:s13] =	ssyncadd.s32 $0xFFFFC000  }
0x84: {  	[hbm4b:s29+s2] =	stream.linear.scatter [tilespmem:s7], [sflag:$0x6], $0x4000, $0x38;
	[tilespmem:$0x10400] =	vst v63  }
0x85: {  	_ =	swait.ge [sflag:s15], $0x4000  }
0x86: {  	[sflag:s15] =	ssyncset.done $0x0  }
0x87: {  	[sflag:s15] =	ssyncadd.s32 $0xFFFFC000  }
0x88: {  	[hbm4b:s30+s2] =	stream.linear.scatter [tilespmem:s9], [sflag:$0x7], $0x4000, $0x38;
	[tilespmem:$0x10400] =	vst v63  }
0x89: {  	_ =	swait.ge [sflag:s17], $0x4000  }
0x8a: {  	[sflag:s17] =	ssyncset.done $0x0  }
0x8b: {  	[sflag:s17] =	ssyncadd.s32 $0xFFFFC000  }
0x8c: {  	[hbm4b:s31+s2] =	stream.linear.scatter [tilespmem:s11], [sflag:$0x8], $0x4000, $0x38;
	[tilespmem:$0x10400] =	vst v63  }
0x8d: {  	_ =	swait.ge [sflag:s19], $0x4000  }
0x8e: {  	[sflag:s19] =	ssyncset.done $0x0  }
0x8f: {  	[sflag:s19] =	ssyncadd.s32 $0xFFFFC000  }
0x90: {  	_ =	swait.ge [sflag:s21], $0x4000  }
0x91: {  	p0 =	sne.s32 s1, $0x1;
	[sflag:s21] =	ssyncset.done $0x0  }
.Ltmp1:
0x92: {  	[sflag:s21] =	ssyncadd.s32 $0xFFFFC000;
	(pc) =	sbr.rel @p0 .LBB2_1-.Ltmp1, $4  }
0x93: {  	_ =	swait.ge [sflag:s23], $0x4000  }
0x94: {  	[sflag:s23] =	ssyncset.done $0x0  }
0x95: {  	[sflag:s23] =	ssyncadd.s32 $0xFFFFC000  }
0x96: {  	s1 =	sadd.s32 $0xFFFFFFFF, s1;
	_ =	swait.ge [sflag:s24], $0x4000  }
.LBB2_2:
0x97: {  	[sflag:s24] =	ssyncset.done $0x0  }
0x98: {  	[sflag:s24] =	ssyncadd.s32 $0xFFFFC000  }
0x99: {  	_ =	sfence.sel $0x180000  }
0x9a: {  	[bflag:$0x0] =	sbarrier.arrive $0xFFFF  }
0x9b: {  	_ =	strace $0x90000062  }
0x9c: {  	s0 =	stileid.u32;
	[bflag:$0x2] =	sbarrier.arrive $0xFFFF  }
0x9d: {  	p0 =	sne.s32 s0, $0x0;
	s0 =	rddreg [dreg:$0x1]  }
0x9e: {  	s0 =	sadd.s32 @!p0 $0x100000, s0  }
0x9f: {  	[sflag:s0] =	ssyncadd.tile.s32 @!p0 $0x1;
	_ =	shalt  }
.Lfunc_end2:
_tile_overlayer_lowered:
.L_overlay_start_2:
0xa0: {  	(tag) =	ssettag $0x2  }
0xa1: {  	s0 =	rddreg [dreg:$0x0];
	s2 =	stileid.u32  }
0xa2: {  	s1 =	rddreg [dreg:$0x1];
	p0 =	sne.s32 s2, $0x0  }
0xa3: {  	s3 =	rddreg [dreg:$0x2];
	[bflag:$0x3] =	sbarrier.arrive $0xFFFF;
	s2 =	simm.s32 @!p0 $0x1C09  }
0xa4: {  	[timem:s3], [sflag:s2] =	dma.local @!p0 [hbm:s0], s1  }
0xa5: {  	s0 =	simm.s32 @!p0 $0x9  }
0xa6: {  	_ =	swait.ge @!p0 [sflag:s0], s1  }
0xa7: {  	s1 =	ssub.s32 @!p0 $0x0, s1;
	[sflag:s0] =	ssyncset.done @!p0 $0x0  }
0xa8: {  	[sflag:s0] =	ssyncadd.s32 @!p0 s1  }
0xa9: {  	[bflag:$0x3] =	sbarrier.arrive $0xFFFF  }
0xaa: {  	_ =	shalt  }

// kernel: kernel.30.cloned.1.call-start
scs
__scs_entry_jumppad:
0x0: {  	(pc) =	sbr.rel $0x88, $3  }
0x1: {  	(tag) =	ssettag $0x0;
	lr =	simm.s32 $0x1  }
0x2: {  	[smem:$0x3F79] =	sst lr;
	_ =	strace $0xD0000000  }
0x3: {  	_ = 	snop  }
0x4: {  	_ = 	snop  }
0x5: {  	_ = 	snop  }
0x6: {  	_ = 	snop  }
0x7: {  	_ = 	snop  }
__scs_overlays_trampoline_lowered:
0x8: {  	[smem:$0x3F88] =	sst s0  }
0x9: {  	[smem:$0x3F89] =	sst s1  }
0xa: {  	[smem:$0x3F8A] =	sst s2  }
0xb: {  	[smem:$0x3F8B] =	sst s3  }
0xc: {  	[smem:$0x3F8C] =	sst s4  }
0xd: {  	[smem:$0x3F8D] =	sst s5  }
0xe: {  	[smem:$0x3F8E] =	sst s6  }
0xf: {  	[smem:$0x3F8F] =	sst s7  }
0x10: {  	[smem:$0x3F90] =	sst s8  }
0x11: {  	[smem:$0x3F91] =	sst s9;
	s0 =	simm.s32 @!p0 $0x0  }
0x12: {  	s1 =	sld [smem:$0x3F77];
	s0 =	simm.s32 @p0 $0x1  }
0x13: {  	[smem:$0x3F92] =	sst s0;
	s0 =	simm.s32 @!p1 $0x0  }
0x14: {  	s2 =	sld [smem:$0x3F76];
	s0 =	simm.s32 @p1 $0x1  }
0x15: {  	[smem:$0x3F93] =	sst s0;
	s0 =	simm.s32 @!p2 $0x0  }
0x16: {  	s3 =	sld [smem:$0x3FDB];
	s0 =	simm.s32 @p2 $0x1  }
0x17: {  	s4 =	simm.s32 $0x1BF5;
	[smem:$0x3F95] =	sst s0  }
0x18: {  	s0 =	sld [smem:$0x3F78];
	_ =	swait.ge [sflag:s4], $0x0  }
0x19: {  	s7 =	sld [smem:$0x3F79]  }
0x1a: {  	s8 =	sadd.s32 $0xFFFFE003, lr  }
0x1b: {  	s9 =	sadd.s32 $0xFFFFFEF7, lr;
	s5 =	simm.s32 $0xFFFFFFFF;
	p2 =	slt.u32 s8, $0xFFFFF086  }
0x1c: {  	p1 =	slt.u32 s9, $0xF7A;
	s5 =	simm.s32 @!p2 $0x0  }
0x1d: {  	s5 =	simm.s32 @p1 $0x1;
	p0 =	seq.s32 s7, s2  }
0x1e: {  	s7 =	smul.u32 @!p0 $0xF7A, s2;
	p2 =	seq.s32 @!p0 s5, $0x0  }
0x1f: {  	s9 =	smul.u32 $0xF7A, s1;
	s8 =	simm.s32 @!p0 $0x1BF5;
	p2 =	por !p2, p0  }
0x20: {  	[sflag:s8] =	ssyncset.s32 @!p0 $0xFFFFF086;
	s6 =	sadd.s32 @!p0 s3, s7;
	s7 =	simm.s32 @!p0 $0x108  }
0x21: {  	s3 =	sadd.s32 s3, s9;
	s6 =	sadd.s32 @!p0 $0x88, s6;
	s7 =	simm.s32 @p2 $0x1082  }
0x22: {  	[simem:s7], [sflag:s8] =	dma.local @!p0 [hbm:s6], $0xF7A  }
0x23: {  	s9 =	sor.u32 $0xD0000000, s2;
	s6 =	simm.s32 $0x108;
	_ =	swait.ge @!p0 [sflag:s8], $0x0  }
0x24: {  	s3 =	sadd.s32 $0x88, s3;
	s6 =	simm.s32 @!p1 $0x1082;
	[sflag:s4] =	ssyncset.s32 $0xFFFFF086  }
0x25: {  	[simem:s6], [sflag:s4] =	dma.local [hbm:s3], $0xF7A  }
0x26: {  	[smem:$0x3F79] =	sst s1;
	(tag) =	ssettag s2;
	_ =	strace s9  }
0x27: {  	s1 =	sld [smem:$0x3F89]  }
0x28: {  	s2 =	sld [smem:$0x3F8A]  }
0x29: {  	s4 =	sld [smem:$0x3F8C]  }
0x2a: {  	p0 =	seq.s32 s5, $0x0;
	s5 =	sld [smem:$0x3F8D]  }
0x2b: {  	s6 =	sld [smem:$0x3F8E]  }
0x2c: {  	s7 =	sld [smem:$0x3F8F]  }
0x2d: {  	s3 =	simm.s32 $0x108;
	s8 =	sld [smem:$0x3F90]  }
0x2e: {  	s3 =	simm.s32 @!p0 $0x1082;
	s9 =	sld [smem:$0x3F91]  }
0x2f: {  	lr =	sadd.s32 s0, s3;
	s0 =	sld [smem:$0x3F88]  }
0x30: {  	s3 =	sld [smem:$0x3F8B]  }
0x31: {  	[smem:$0x3F94] =	sst s10  }
0x32: {  	s10 =	sld [smem:$0x3F92];
	_ =	sdelay $0x3  }
0x33: {  	p0 =	seq.s32 s10, $0x1;
	s10 =	sld [smem:$0x3F94];
	_ =	sdelay $0x3  }
0x34: {  	[smem:$0x3F94] =	sst s10  }
0x35: {  	s10 =	sld [smem:$0x3F93];
	_ =	sdelay $0x3  }
0x36: {  	p1 =	seq.s32 s10, $0x1;
	s10 =	sld [smem:$0x3F94];
	_ =	sdelay $0x3  }
0x37: {  	[smem:$0x3F94] =	sst s10  }
0x38: {  	s10 =	sld [smem:$0x3F95]  }
0x39: {  	_ = 	snop;
	(pc) =	sbr.ind lr, $3  }
0x3a: {  	_ = 	snop  }
0x3b: {  	_ = 	snop  }
0x3c: {  	p2 =	seq.s32 s10, $0x1;
	s10 =	sld [smem:$0x3F94]  }
0x3d: {  	_ =	shalt  }
0x3e: {  	_ =	shalt  }
0x3f: {  	_ =	shalt  }
0x40: {  	_ =	shalt  }
0x41: {  	_ =	shalt  }
0x42: {  	_ =	shalt  }
0x43: {  	_ =	shalt  }
0x44: {  	_ =	shalt  }
0x45: {  	_ =	shalt  }
0x46: {  	_ =	shalt  }
0x47: {  	_ =	shalt  }
0x48: {  	_ =	shalt  }
0x49: {  	_ =	shalt  }
0x4a: {  	_ =	shalt  }
0x4b: {  	_ =	shalt  }
0x4c: {  	_ =	shalt  }
0x4d: {  	_ =	shalt  }
0x4e: {  	_ =	shalt  }
0x4f: {  	_ =	shalt  }
0x50: {  	_ =	shalt  }
0x51: {  	_ =	shalt  }
0x52: {  	_ =	shalt  }
0x53: {  	_ =	shalt  }
0x54: {  	_ =	shalt  }
0x55: {  	_ =	shalt  }
0x56: {  	_ =	shalt  }
0x57: {  	_ =	shalt  }
0x58: {  	_ =	shalt  }
0x59: {  	_ =	shalt  }
0x5a: {  	_ =	shalt  }
0x5b: {  	_ =	shalt  }
0x5c: {  	_ =	shalt  }
0x5d: {  	_ =	shalt  }
0x5e: {  	_ =	shalt  }
0x5f: {  	_ =	shalt  }
0x60: {  	_ =	shalt  }
0x61: {  	_ =	shalt  }
0x62: {  	_ =	shalt  }
0x63: {  	_ =	shalt  }
0x64: {  	_ =	shalt  }
0x65: {  	_ =	shalt  }
0x66: {  	_ =	shalt  }
0x67: {  	_ =	shalt  }
0x68: {  	_ =	shalt  }
0x69: {  	_ =	shalt  }
0x6a: {  	_ =	shalt  }
0x6b: {  	_ =	shalt  }
0x6c: {  	_ =	shalt  }
0x6d: {  	_ =	shalt  }
0x6e: {  	_ =	shalt  }
0x6f: {  	_ =	shalt  }
0x70: {  	_ =	shalt  }
0x71: {  	_ =	shalt  }
0x72: {  	_ =	shalt  }
0x73: {  	_ =	shalt  }
0x74: {  	_ =	shalt  }
0x75: {  	_ =	shalt  }
0x76: {  	_ =	shalt  }
0x77: {  	_ =	shalt  }
0x78: {  	_ =	shalt  }
0x79: {  	_ =	shalt  }
0x7a: {  	_ =	shalt  }
0x7b: {  	_ =	shalt  }
0x7c: {  	_ =	shalt  }
0x7d: {  	_ =	shalt  }
0x7e: {  	_ =	shalt  }
0x7f: {  	_ =	shalt  }
0x80: {  	_ =	shalt  }
0x81: {  	_ =	shalt  }
0x82: {  	_ =	shalt  }
0x83: {  	_ =	shalt  }
0x84: {  	_ =	shalt  }
0x85: {  	_ =	shalt  }
0x86: {  	_ =	shalt  }
0x87: {  	_ =	shalt  }
.Lfunc_end0:
.L_simem_size_0:
called_computation.8_lowered:
.L_overlay_start_0:
0x88: {  	s2 =	sld [smem:$0x3FD9]  }
0x89: {  	s3 =	sld [smem:$0x3FFE];
	_ =	sdelay $0x1  }
0x8a: {  	s1 =	srdreg.scid  }
0x8b: {  	s0 =	sand.u32 $0x1, s1  }
0x8c: {  	s16 =	sshll.u32 s0, $0xA;
	s2 =	sadd.s32 s3, s2  }
0x8d: {  	s2 =	sadd.s32 s2, s16  }
0x8e: {  	[smem:$0x3FA0] =	sst s2  }
0x8f: {  	_ = 	snop  }
0x90: {  	(tm) =	ssettm $0x1  }
0x91: {  	s17 =	sld [smem:$0x3FFB];
	_ =	sdelay $0x3  }
0x92: {  	_ =	strace s17  }
0x93: {  	s2 =	sld [smem:$0x3FFC];
	_ =	sdelay $0x3  }
0x94: {  	_ =	strace s2  }
0x95: {  	s2 =	sld [smem:$0x3FFD];
	_ =	sdelay $0x3  }
0x96: {  	_ =	strace s2  }
0x97: {  	_ =	strace $0x8FFFFFFF  }
0x98: {  	s18 =	sld [smem:$0x3FDB];
	_ =	sdelay $0x1  }
0x99: {  	s19 =	simm.s32 $_scs_section_size  }
0x9a: {  	s4 =	simm.s32 $_size__tile_overlayer_lowered;
	s5 =	simm.s32 $_tile_overlayer_lowered  }
0x9b: {  	s22 =	simm.s32 $0x1BFF;
	s21 =	sshll.u32 s5, $0x1;
	s2 =	sadd.s32 s19, s18  }
0x9c: {  	s6 =	simm.s32 $0x0;
	s20 =	sshll.u32 s4, $0x1;
	s4 =	sadd.s32 s21, s2  }
0x9d: {  	[timem:s6], [sflag:s22] =	dma.local [hbm:s4], s20  }
0x9e: {  	_ =	swait.ge [sflag:s22], s20  }
0x9f: {  	s3 =	ssub.s32 $0x0, s20;
	[sflag:s22] =	ssyncset.done $0x0  }
0xa0: {  	[sflag:s22] =	ssyncadd.s32 s3;
	_ =	sdelay $0x1  }
0xa1: {  	s23 =	simm.s32 $0x1B8B  }
0xa2: {  	_ =	swait.ge [sflag:s23], $0x1  }
0xa3: {  	[sflag:s23] =	ssyncset.done $0x0  }
0xa4: {  	s25 =	simm.s32 $0x1B8E;
	s24 =	sld [smem:$0x3FFE];
	[sflag:s23] =	ssyncadd.s32 $0xFFFFFFFF  }
0xa5: {  	s26 =	simm.s32 $execute0_lowered;
	[smem:$0x3FD2] =	sst s25  }
0xa6: {  	s4 =	sshll.u32 s26, $0x1;
	_ =	strace $0x80000064;
	[dreg:$0x1] =	wrdreg $0xFFFFFFFF  }
0xa7: {  	s28 =	simm.s32 $_size_execute0_lowered;
	s2 =	sadd.s32 s2, s4;
	[dreg:$0x0] =	wrdreg $0x0  }
0xa8: {  	s4 =	sshll.u32 s28, $0x1;
	[dreg:$0x2] =	wrdreg s2  }
0xa9: {  	[dreg:$0x3] =	wrdreg s4  }
0xaa: {  	[dreg:$0x4] =	wrdreg $0xC0  }
0xab: {  	_ =	task [dreg:s6], $0x5FFFF  }
0xac: {  	[dreg:$0x1] =	wrdreg $0xFFFFFFFF  }
0xad: {  	[dreg:$0x0] =	wrdreg $0x60  }
0xae: {  	[dreg:$0x2] =	wrdreg s24  }
0xaf: {  	[dreg:$0x3] =	wrdreg $0x9  }
0xb0: {  	_ =	task.clear_ibuf [dreg:s6], $0x4FFFF;
	_ =	strace $0x90000064  }
0xb1: {  	s29 =	simm.s32 $0x9;
	_ =	strace $0x80000066  }
0xb2: {  	_ =	swait.ge [sflag:s29], $0x1  }
0xb3: {  	[sflag:s29] =	ssyncadd.s32 $0xFFFFFFFF  }
0xb4: {  	_ =	strace $0x90000066  }
0xb5: {  	_ =	sfence  }
0xb6: {  	s30 =	sld [smem:$0x0];
	_ =	sdelay $0x2  }
0xb7: {  	s31 =	sshll.u32 s1, $0xD;
	s1 =	sshrl.u32 s1, $0x2  }
0xb8: {  	s3 =	sand.u32 $0x4000, s31;
	s1 =	sadd.s32 s1, s30  }
0xb9: {  	s0 =	sor.u32 s3, s0;
	s1 =	sshll.u32 s1, $0x11  }
0xba: {  	s0 =	sor.u32 s1, s0  }
0xbb: {  	s0 =	sadd.s32 $0x8F2B, s0  }
0xbc: {  	[sflag:s0] =	ssyncadd.remote.s32 $0x1  }
0xbd: {  	_ =	sfence.sel $0xFFFF  }
0xbe: {  	[dreg:$0x0] =	wrdreg $0xFFFFFFFF;
	(pc) =	sbr.abs _section_cstart, $3  }
0xbf: {  	[dreg:$0x1] =	wrdreg $0xFFFFFFFF  }
0xc0: {  	_ =	task.clear_ibuf [dreg:s6], $0x2FFFF;
	_ =	strace $0x9FFFFFFF  }
0xc1: {  	(tm) =	ssettm $0x7FFFFFFF  }
tec
execute0_lowered:
.L_overlay_start_1:
0x0: {  	(tag) =	ssettag $0x1  }
0x1: {  	s1 =	srdreg.scid;
	s0 =	stileid.u32  }
0x2: {  	s30 =	sand.u32 $0x1, s1;
	s24 =	sshll.u32 s0, $0x1  }
0x3: {  	s10 =	sor.u32 s30, s24  }
0x4: {  	s3 =	smul.u32 $0xA0, s10  }
0x5: {  	s9 =	rddreg [dreg:$0x0]  }
0x6: {  	s2 =	simm.s32 $0x0;
	s3 =	sadd.s32 s3, s9  }
0x7: {  	[smem:$0x7FF] =	sst s2;
	s3 =	sadd.s32 $0xAC00, s3  }
0x8: {  	_ =	strace $0x80000065;
	[dreg:$0x2] =	wrdreg s3  }
0x9: {  	s3 =	simm.s32 $0x5;
	s4 =	rddreg [dreg:$0x2]  }
0xa: {  	[tilespmem:s2], [sflag:$0x5] =	stream.linear.gather [hbm4b:s4+s2], $0x500, $0x38;
	[tilespmem:$0x8500] =	vst v63  }
0xb: {  	_ =	swait.ge [sflag:s3], $0x500  }
0xc: {  	s5 =	simm.s32 $0x80;
	[sflag:s3] =	ssyncset.done $0x0  }
0xd: {  	s6 =	simm.s32 $0x500;
	s4 =	sadd.s32 $0x12200, s9;
	[sflag:s3] =	ssyncadd.s32 $0xFFFFFB00  }
0xe: {  	[tilespmem:s6], [sflag:$0x1] =	stream.indirect.gather [hbm4b:s4+s5], $0x80, s2, s5, $0xb8;
	[tilespmem:$0x8500] =	vst v63  }
0xf: {  	s7 =	simm.s32 $0x4500;
	s8 =	simm.s32 $0x1;
	s11 =	smul.u32 $0x28000, s10  }
0x10: {  	[tilespmem:s7], [sflag:$0x2] =	stream.indirect.gather [hbm4b:s4+s5], $0x80, s5, s5, $0xb8;
	[tilespmem:$0x8500] =	vst v63  }
0x11: {  	s12 =	sadd.s32 $0x9A400, s9;
	_ =	swait.ge [sflag:s8], $0x4000  }
0x12: {  	s26 =	smul.u32 $0x5000, s10;
	s25 =	sshrl.u32 s11, $0x3;
	[sflag:s8] =	ssyncset.done $0x0  }
0x13: {  	s10 =	simm.s32 $0x2;
	s9 =	sadd.s32 s12, s25;
	[sflag:s8] =	ssyncadd.s32 $0xFFFFC000  }
0x14: {  	[hbm4b:s9+s2] =	stream.linear.scatter [tilespmem:s6], [sflag:$0x3], $0x4000, $0x38;
	[tilespmem:$0x8500] =	vst v63  }
0x15: {  	_ =	swait.ge [sflag:s10], $0x4000  }
0x16: {  	s25 =	sadd.s32 s12, s26;
	[sflag:s10] =	ssyncset.done $0x0  }
0x17: {  	s12 =	simm.s32 $0x3;
	s11 =	sadd.s32 $0x800, s25;
	[sflag:s10] =	ssyncadd.s32 $0xFFFFC000  }
0x18: {  	[hbm4b:s11+s2] =	stream.linear.scatter [tilespmem:s7], [sflag:$0x4], $0x4000, $0x38;
	[tilespmem:$0x8500] =	vst v63  }
0x19: {  	_ =	swait.ge [sflag:s12], $0x4000  }
0x1a: {  	[sflag:s12] =	ssyncset.done $0x0  }
0x1b: {  	s14 =	simm.s32 $0x100;
	s13 =	simm.s32 $0x4;
	[sflag:s12] =	ssyncadd.s32 $0xFFFFC000  }
0x1c: {  	[tilespmem:s6], [sflag:$0x1] =	stream.indirect.gather [hbm4b:s4+s5], $0x80, s14, s5, $0xb8;
	[tilespmem:$0x8500] =	vst v63  }
0x1d: {  	_ =	swait.ge [sflag:s13], $0x4000  }
0x1e: {  	[sflag:s13] =	ssyncset.done $0x0  }
0x1f: {  	s15 =	simm.s32 $0x180;
	[sflag:s13] =	ssyncadd.s32 $0xFFFFC000  }
0x20: {  	[tilespmem:s7], [sflag:$0x2] =	stream.indirect.gather [hbm4b:s4+s5], $0x80, s15, s5, $0xb8;
	[tilespmem:$0x8500] =	vst v63  }
0x21: {  	_ =	swait.ge [sflag:s8], $0x4000  }
0x22: {  	[sflag:s8] =	ssyncset.done $0x0  }
0x23: {  	s16 =	sadd.s32 $0x1000, s9;
	[sflag:s8] =	ssyncadd.s32 $0xFFFFC000  }
0x24: {  	[hbm4b:s16+s2] =	stream.linear.scatter [tilespmem:s6], [sflag:$0x3], $0x4000, $0x38;
	[tilespmem:$0x8500] =	vst v63  }
0x25: {  	_ =	swait.ge [sflag:s10], $0x4000  }
0x26: {  	[sflag:s10] =	ssyncset.done $0x0  }
0x27: {  	s17 =	sadd.s32 $0x1800, s25;
	[sflag:s10] =	ssyncadd.s32 $0xFFFFC000  }
0x28: {  	[hbm4b:s17+s2] =	stream.linear.scatter [tilespmem:s7], [sflag:$0x4], $0x4000, $0x38;
	[tilespmem:$0x8500] =	vst v63  }
0x29: {  	_ =	swait.ge [sflag:s12], $0x4000  }
0x2a: {  	[sflag:s12] =	ssyncset.done $0x0  }
0x2b: {  	s18 =	simm.s32 $0x200;
	[sflag:s12] =	ssyncadd.s32 $0xFFFFC000  }
0x2c: {  	[tilespmem:s6], [sflag:$0x1] =	stream.indirect.gather [hbm4b:s4+s5], $0x80, s18, s5, $0xb8;
	[tilespmem:$0x8500] =	vst v63  }
0x2d: {  	_ =	swait.ge [sflag:s13], $0x4000  }
0x2e: {  	[sflag:s13] =	ssyncset.done $0x0  }
0x2f: {  	s19 =	simm.s32 $0x280;
	[sflag:s13] =	ssyncadd.s32 $0xFFFFC000  }
0x30: {  	[tilespmem:s7], [sflag:$0x2] =	stream.indirect.gather [hbm4b:s4+s5], $0x80, s19, s5, $0xb8;
	[tilespmem:$0x8500] =	vst v63  }
0x31: {  	_ =	swait.ge [sflag:s8], $0x4000  }
0x32: {  	[sflag:s8] =	ssyncset.done $0x0  }
0x33: {  	s20 =	sadd.s32 $0x2000, s9;
	[sflag:s8] =	ssyncadd.s32 $0xFFFFC000  }
0x34: {  	[hbm4b:s20+s2] =	stream.linear.scatter [tilespmem:s6], [sflag:$0x3], $0x4000, $0x38;
	[tilespmem:$0x8500] =	vst v63  }
0x35: {  	_ =	swait.ge [sflag:s10], $0x4000  }
0x36: {  	[sflag:s10] =	ssyncset.done $0x0  }
0x37: {  	s21 =	sadd.s32 $0x2800, s25;
	[sflag:s10] =	ssyncadd.s32 $0xFFFFC000  }
0x38: {  	[hbm4b:s21+s2] =	stream.linear.scatter [tilespmem:s7], [sflag:$0x4], $0x4000, $0x38;
	[tilespmem:$0x8500] =	vst v63  }
0x39: {  	_ =	swait.ge [sflag:s12], $0x4000  }
0x3a: {  	[sflag:s12] =	ssyncset.done $0x0  }
0x3b: {  	s22 =	simm.s32 $0x300;
	[sflag:s12] =	ssyncadd.s32 $0xFFFFC000  }
0x3c: {  	[tilespmem:s6], [sflag:$0x1] =	stream.indirect.gather [hbm4b:s4+s5], $0x80, s22, s5, $0xb8;
	[tilespmem:$0x8500] =	vst v63  }
0x3d: {  	_ =	swait.ge [sflag:s13], $0x4000  }
0x3e: {  	[sflag:s13] =	ssyncset.done $0x0  }
0x3f: {  	s23 =	simm.s32 $0x380;
	[sflag:s13] =	ssyncadd.s32 $0xFFFFC000  }
0x40: {  	[tilespmem:s7], [sflag:$0x2] =	stream.indirect.gather [hbm4b:s4+s5], $0x80, s23, s5, $0xb8;
	[tilespmem:$0x8500] =	vst v63  }
0x41: {  	_ =	swait.ge [sflag:s8], $0x4000  }
0x42: {  	[sflag:s8] =	ssyncset.done $0x0  }
0x43: {  	s24 =	sadd.s32 $0x3000, s9;
	[sflag:s8] =	ssyncadd.s32 $0xFFFFC000  }
0x44: {  	[hbm4b:s24+s2] =	stream.linear.scatter [tilespmem:s6], [sflag:$0x3], $0x4000, $0x38;
	[tilespmem:$0x8500] =	vst v63  }
0x45: {  	_ =	swait.ge [sflag:s10], $0x4000  }
0x46: {  	[sflag:s10] =	ssyncset.done $0x0  }
0x47: {  	s25 =	sadd.s32 $0x3800, s25;
	[sflag:s10] =	ssyncadd.s32 $0xFFFFC000  }
0x48: {  	[hbm4b:s25+s2] =	stream.linear.scatter [tilespmem:s7], [sflag:$0x4], $0x4000, $0x38;
	[tilespmem:$0x8500] =	vst v63  }
0x49: {  	_ =	swait.ge [sflag:s12], $0x4000  }
0x4a: {  	[sflag:s12] =	ssyncset.done $0x0  }
0x4b: {  	s26 =	simm.s32 $0x400;
	[sflag:s12] =	ssyncadd.s32 $0xFFFFC000  }
0x4c: {  	[tilespmem:s6], [sflag:$0x1] =	stream.indirect.gather [hbm4b:s4+s5], $0x80, s26, s5, $0xb8;
	[tilespmem:$0x8500] =	vst v63  }
0x4d: {  	_ =	swait.ge [sflag:s13], $0x4000  }
0x4e: {  	[sflag:s13] =	ssyncset.done $0x0  }
0x4f: {  	s28 =	simm.s32 $0x480;
	[sflag:s13] =	ssyncadd.s32 $0xFFFFC000  }
0x50: {  	[tilespmem:s7], [sflag:$0x2] =	stream.indirect.gather [hbm4b:s4+s5], $0x80, s28, s5, $0xb8;
	[tilespmem:$0x8500] =	vst v63  }
0x51: {  	_ =	swait.ge [sflag:s8], $0x4000  }
0x52: {  	s31 =	ssub.s32 $0x2, s30;
	[sflag:s8] =	ssyncset.done $0x0  }
0x53: {  	s1 =	sshrl.u32 s31, $0x1;
	s29 =	sadd.s32 $0x4000, s9;
	[sflag:s8] =	ssyncadd.s32 $0xFFFFC000  }
0x54: {  	[hbm4b:s29+s2] =	stream.linear.scatter [tilespmem:s6], [sflag:$0x3], $0x4000, $0x38;
	[tilespmem:$0x8500] =	vst v63  }
0x55: {  	s1 =	ssub.s32 s31, s1;
	_ =	swait.ge [sflag:s10], $0x4000  }
0x56: {  	s1 =	smax.u32 s1, $0x1;
	[sflag:s10] =	ssyncset.done $0x0  }
0x57: {  	p0 =	sne.s32 s1, $0x1;
	s30 =	sadd.s32 $0x4800, s9;
	[sflag:s10] =	ssyncadd.s32 $0xFFFFC000  }
0x58: {  	[hbm4b:s30+s2] =	stream.linear.scatter [tilespmem:s7], [sflag:$0x4], $0x4000, $0x38;
	[tilespmem:$0x8500] =	vst v63  }
.Ltmp0:
0x59: {  	_ =	swait.ge [sflag:s12], $0x4000;
	(pc) =	sbr.rel @!p0 .LBB2_2-.Ltmp0, $4  }
0x5a: {  	[sflag:s12] =	ssyncset.done $0x0  }
0x5b: {  	[sflag:s12] =	ssyncadd.s32 $0xFFFFC000  }
0x5c: {  	_ =	swait.ge [sflag:s13], $0x4000  }
0x5d: {  	s31 =	sadd.s32 $0xFFFFFFFF, s1;
	[sflag:s13] =	ssyncset.done $0x0  }
.LBB2_1:
0x5e: {  	s1 =	rddreg [dreg:$0x2];
	[sflag:s13] =	ssyncadd.s32 $0xFFFFC000  }
0x5f: {  	[tilespmem:s2], [sflag:$0x5] =	stream.linear.gather [hbm4b:s1+s2], $0x500, $0x38;
	[tilespmem:$0x8500] =	vst v63  }
0x60: {  	_ =	swait.ge [sflag:s3], $0x500  }
0x61: {  	[sflag:s3] =	ssyncset.done $0x0  }
0x62: {  	[sflag:s3] =	ssyncadd.s32 $0xFFFFFB00  }
0x63: {  	[tilespmem:s6], [sflag:$0x1] =	stream.indirect.gather [hbm4b:s4+s5], $0x80, s2, s5, $0xb8;
	[tilespmem:$0x8500] =	vst v63  }
0x64: {  	_ = 	snop  }
0x65: {  	[tilespmem:s7], [sflag:$0x2] =	stream.indirect.gather [hbm4b:s4+s5], $0x80, s5, s5, $0xb8;
	[tilespmem:$0x8500] =	vst v63  }
0x66: {  	_ =	swait.ge [sflag:s8], $0x4000  }
0x67: {  	[sflag:s8] =	ssyncset.done $0x0  }
0x68: {  	[sflag:s8] =	ssyncadd.s32 $0xFFFFC000  }
0x69: {  	[hbm4b:s9+s2] =	stream.linear.scatter [tilespmem:s6], [sflag:$0x3], $0x4000, $0x38;
	[tilespmem:$0x8500] =	vst v63  }
0x6a: {  	_ =	swait.ge [sflag:s10], $0x4000  }
0x6b: {  	[sflag:s10] =	ssyncset.done $0x0  }
0x6c: {  	[sflag:s10] =	ssyncadd.s32 $0xFFFFC000  }
0x6d: {  	[hbm4b:s11+s2] =	stream.linear.scatter [tilespmem:s7], [sflag:$0x4], $0x4000, $0x38;
	[tilespmem:$0x8500] =	vst v63  }
0x6e: {  	_ =	swait.ge [sflag:s12], $0x4000  }
0x6f: {  	[sflag:s12] =	ssyncset.done $0x0  }
0x70: {  	[sflag:s12] =	ssyncadd.s32 $0xFFFFC000  }
0x71: {  	[tilespmem:s6], [sflag:$0x1] =	stream.indirect.gather [hbm4b:s4+s5], $0x80, s14, s5, $0xb8;
	[tilespmem:$0x8500] =	vst v63  }
0x72: {  	_ =	swait.ge [sflag:s13], $0x4000  }
0x73: {  	[sflag:s13] =	ssyncset.done $0x0  }
0x74: {  	[sflag:s13] =	ssyncadd.s32 $0xFFFFC000  }
0x75: {  	[tilespmem:s7], [sflag:$0x2] =	stream.indirect.gather [hbm4b:s4+s5], $0x80, s15, s5, $0xb8;
	[tilespmem:$0x8500] =	vst v63  }
0x76: {  	_ =	swait.ge [sflag:s8], $0x4000  }
0x77: {  	[sflag:s8] =	ssyncset.done $0x0  }
0x78: {  	[sflag:s8] =	ssyncadd.s32 $0xFFFFC000  }
0x79: {  	[hbm4b:s16+s2] =	stream.linear.scatter [tilespmem:s6], [sflag:$0x3], $0x4000, $0x38;
	[tilespmem:$0x8500] =	vst v63  }
0x7a: {  	_ =	swait.ge [sflag:s10], $0x4000  }
0x7b: {  	[sflag:s10] =	ssyncset.done $0x0  }
0x7c: {  	[sflag:s10] =	ssyncadd.s32 $0xFFFFC000  }
0x7d: {  	[hbm4b:s17+s2] =	stream.linear.scatter [tilespmem:s7], [sflag:$0x4], $0x4000, $0x38;
	[tilespmem:$0x8500] =	vst v63  }
0x7e: {  	_ =	swait.ge [sflag:s12], $0x4000  }
0x7f: {  	[sflag:s12] =	ssyncset.done $0x0  }
0x80: {  	[sflag:s12] =	ssyncadd.s32 $0xFFFFC000  }
0x81: {  	[tilespmem:s6], [sflag:$0x1] =	stream.indirect.gather [hbm4b:s4+s5], $0x80, s18, s5, $0xb8;
	[tilespmem:$0x8500] =	vst v63  }
0x82: {  	_ =	swait.ge [sflag:s13], $0x4000  }
0x83: {  	[sflag:s13] =	ssyncset.done $0x0  }
0x84: {  	[sflag:s13] =	ssyncadd.s32 $0xFFFFC000  }
0x85: {  	[tilespmem:s7], [sflag:$0x2] =	stream.indirect.gather [hbm4b:s4+s5], $0x80, s19, s5, $0xb8;
	[tilespmem:$0x8500] =	vst v63  }
0x86: {  	_ =	swait.ge [sflag:s8], $0x4000  }
0x87: {  	[sflag:s8] =	ssyncset.done $0x0  }
0x88: {  	[sflag:s8] =	ssyncadd.s32 $0xFFFFC000  }
0x89: {  	[hbm4b:s20+s2] =	stream.linear.scatter [tilespmem:s6], [sflag:$0x3], $0x4000, $0x38;
	[tilespmem:$0x8500] =	vst v63  }
0x8a: {  	_ =	swait.ge [sflag:s10], $0x4000  }
0x8b: {  	[sflag:s10] =	ssyncset.done $0x0  }
0x8c: {  	[sflag:s10] =	ssyncadd.s32 $0xFFFFC000  }
0x8d: {  	[hbm4b:s21+s2] =	stream.linear.scatter [tilespmem:s7], [sflag:$0x4], $0x4000, $0x38;
	[tilespmem:$0x8500] =	vst v63  }
0x8e: {  	_ =	swait.ge [sflag:s12], $0x4000  }
0x8f: {  	[sflag:s12] =	ssyncset.done $0x0  }
0x90: {  	[sflag:s12] =	ssyncadd.s32 $0xFFFFC000  }
0x91: {  	[tilespmem:s6], [sflag:$0x1] =	stream.indirect.gather [hbm4b:s4+s5], $0x80, s22, s5, $0xb8;
	[tilespmem:$0x8500] =	vst v63  }
0x92: {  	_ =	swait.ge [sflag:s13], $0x4000  }
0x93: {  	[sflag:s13] =	ssyncset.done $0x0  }
0x94: {  	[sflag:s13] =	ssyncadd.s32 $0xFFFFC000  }
0x95: {  	[tilespmem:s7], [sflag:$0x2] =	stream.indirect.gather [hbm4b:s4+s5], $0x80, s23, s5, $0xb8;
	[tilespmem:$0x8500] =	vst v63  }
0x96: {  	_ =	swait.ge [sflag:s8], $0x4000  }
0x97: {  	[sflag:s8] =	ssyncset.done $0x0  }
0x98: {  	[sflag:s8] =	ssyncadd.s32 $0xFFFFC000  }
0x99: {  	[hbm4b:s24+s2] =	stream.linear.scatter [tilespmem:s6], [sflag:$0x3], $0x4000, $0x38;
	[tilespmem:$0x8500] =	vst v63  }
0x9a: {  	_ =	swait.ge [sflag:s10], $0x4000  }
0x9b: {  	[sflag:s10] =	ssyncset.done $0x0  }
0x9c: {  	[sflag:s10] =	ssyncadd.s32 $0xFFFFC000  }
0x9d: {  	[hbm4b:s25+s2] =	stream.linear.scatter [tilespmem:s7], [sflag:$0x4], $0x4000, $0x38;
	[tilespmem:$0x8500] =	vst v63  }
0x9e: {  	_ =	swait.ge [sflag:s12], $0x4000  }
0x9f: {  	[sflag:s12] =	ssyncset.done $0x0  }
0xa0: {  	[sflag:s12] =	ssyncadd.s32 $0xFFFFC000  }
0xa1: {  	[tilespmem:s6], [sflag:$0x1] =	stream.indirect.gather [hbm4b:s4+s5], $0x80, s26, s5, $0xb8;
	[tilespmem:$0x8500] =	vst v63  }
0xa2: {  	_ =	swait.ge [sflag:s13], $0x4000  }
0xa3: {  	[sflag:s13] =	ssyncset.done $0x0  }
0xa4: {  	[sflag:s13] =	ssyncadd.s32 $0xFFFFC000  }
0xa5: {  	[tilespmem:s7], [sflag:$0x2] =	stream.indirect.gather [hbm4b:s4+s5], $0x80, s28, s5, $0xb8;
	[tilespmem:$0x8500] =	vst v63  }
0xa6: {  	_ =	swait.ge [sflag:s8], $0x4000  }
0xa7: {  	[sflag:s8] =	ssyncset.done $0x0  }
0xa8: {  	[sflag:s8] =	ssyncadd.s32 $0xFFFFC000  }
0xa9: {  	[hbm4b:s29+s2] =	stream.linear.scatter [tilespmem:s6], [sflag:$0x3], $0x4000, $0x38;
	[tilespmem:$0x8500] =	vst v63  }
0xaa: {  	_ =	swait.ge [sflag:s10], $0x4000  }
0xab: {  	[sflag:s10] =	ssyncset.done $0x0  }
0xac: {  	p0 =	sne.s32 s31, $0x1;
	[sflag:s10] =	ssyncadd.s32 $0xFFFFC000  }
0xad: {  	[hbm4b:s30+s2] =	stream.linear.scatter [tilespmem:s7], [sflag:$0x4], $0x4000, $0x38;
	[tilespmem:$0x8500] =	vst v63  }
.Ltmp1:
0xae: {  	_ =	swait.ge [sflag:s12], $0x4000;
	(pc) =	sbr.rel @p0 .LBB2_1-.Ltmp1, $4  }
0xaf: {  	[sflag:s12] =	ssyncset.done $0x0  }
0xb0: {  	[sflag:s12] =	ssyncadd.s32 $0xFFFFC000  }
0xb1: {  	_ =	swait.ge [sflag:s13], $0x4000  }
0xb2: {  	s31 =	sadd.s32 $0xFFFFFFFF, s31;
	[sflag:s13] =	ssyncset.done $0x0  }
.LBB2_2:
0xb3: {  	[sflag:s13] =	ssyncadd.s32 $0xFFFFC000  }
0xb4: {  	_ =	sfence.sel $0x180000  }
0xb5: {  	[bflag:$0x0] =	sbarrier.arrive $0xFFFF  }
0xb6: {  	_ =	strace $0x90000065  }
0xb7: {  	[bflag:$0x2] =	sbarrier.arrive $0xFFFF  }
0xb8: {  	p0 =	sne.s32 s0, $0x0;
	s0 =	rddreg [dreg:$0x1]  }
0xb9: {  	s0 =	sadd.s32 @!p0 $0x100000, s0  }
0xba: {  	[sflag:s0] =	ssyncadd.tile.s32 @!p0 $0x1;
	_ =	shalt  }
.Lfunc_end2:
_tile_overlayer_lowered:
.L_overlay_start_2:
0xbb: {  	(tag) =	ssettag $0x2  }
0xbc: {  	s0 =	rddreg [dreg:$0x0];
	s2 =	stileid.u32  }
0xbd: {  	s1 =	rddreg [dreg:$0x1];
	p0 =	sne.s32 s2, $0x0  }
0xbe: {  	s3 =	rddreg [dreg:$0x2];
	[bflag:$0x3] =	sbarrier.arrive $0xFFFF;
	s2 =	simm.s32 @!p0 $0x1C05  }
0xbf: {  	[timem:s3], [sflag:s2] =	dma.local @!p0 [hbm:s0], s1  }
0xc0: {  	s0 =	simm.s32 @!p0 $0x5  }
0xc1: {  	_ =	swait.ge @!p0 [sflag:s0], s1  }
0xc2: {  	s1 =	ssub.s32 @!p0 $0x0, s1;
	[sflag:s0] =	ssyncset.done @!p0 $0x0  }
0xc3: {  	[sflag:s0] =	ssyncadd.s32 @!p0 s1  }
0xc4: {  	[bflag:$0x3] =	sbarrier.arrive $0xFFFF  }
0xc5: {  	_ =	shalt  }

// kernel: scatter_offload_async_start.1
scs
__scs_entry_jumppad:
0x0: {  	(pc) =	sbr.rel $0x88, $3  }
0x1: {  	(tag) =	ssettag $0x0;
	lr =	simm.s32 $0x1  }
0x2: {  	[smem:$0x3F79] =	sst lr;
	_ =	strace $0xD0000000  }
0x3: {  	_ = 	snop  }
0x4: {  	_ = 	snop  }
0x5: {  	_ = 	snop  }
0x6: {  	_ = 	snop  }
0x7: {  	_ = 	snop  }
__scs_overlays_trampoline_lowered:
0x8: {  	[smem:$0x3F88] =	sst s0  }
0x9: {  	[smem:$0x3F89] =	sst s1  }
0xa: {  	[smem:$0x3F8A] =	sst s2  }
0xb: {  	[smem:$0x3F8B] =	sst s3  }
0xc: {  	[smem:$0x3F8C] =	sst s4  }
0xd: {  	[smem:$0x3F8D] =	sst s5  }
0xe: {  	[smem:$0x3F8E] =	sst s6  }
0xf: {  	[smem:$0x3F8F] =	sst s7  }
0x10: {  	[smem:$0x3F90] =	sst s8  }
0x11: {  	[smem:$0x3F91] =	sst s9;
	s0 =	simm.s32 @!p0 $0x0  }
0x12: {  	s1 =	sld [smem:$0x3F77];
	s0 =	simm.s32 @p0 $0x1  }
0x13: {  	[smem:$0x3F92] =	sst s0;
	s0 =	simm.s32 @!p1 $0x0  }
0x14: {  	s2 =	sld [smem:$0x3F76];
	s0 =	simm.s32 @p1 $0x1  }
0x15: {  	[smem:$0x3F93] =	sst s0;
	s0 =	simm.s32 @!p2 $0x0  }
0x16: {  	s3 =	sld [smem:$0x3FDB];
	s0 =	simm.s32 @p2 $0x1  }
0x17: {  	s4 =	simm.s32 $0x1BF5;
	[smem:$0x3F95] =	sst s0  }
0x18: {  	s0 =	sld [smem:$0x3F78];
	_ =	swait.ge [sflag:s4], $0x0  }
0x19: {  	s7 =	sld [smem:$0x3F79]  }
0x1a: {  	s8 =	sadd.s32 $0xFFFFE003, lr  }
0x1b: {  	s9 =	sadd.s32 $0xFFFFFEF7, lr;
	s5 =	simm.s32 $0xFFFFFFFF;
	p2 =	slt.u32 s8, $0xFFFFF086  }
0x1c: {  	p1 =	slt.u32 s9, $0xF7A;
	s5 =	simm.s32 @!p2 $0x0  }
0x1d: {  	s5 =	simm.s32 @p1 $0x1;
	p0 =	seq.s32 s7, s2  }
0x1e: {  	s7 =	smul.u32 @!p0 $0xF7A, s2;
	p2 =	seq.s32 @!p0 s5, $0x0  }
0x1f: {  	s9 =	smul.u32 $0xF7A, s1;
	s8 =	simm.s32 @!p0 $0x1BF5;
	p2 =	por !p2, p0  }
0x20: {  	[sflag:s8] =	ssyncset.s32 @!p0 $0xFFFFF086;
	s6 =	sadd.s32 @!p0 s3, s7;
	s7 =	simm.s32 @!p0 $0x108  }
0x21: {  	s3 =	sadd.s32 s3, s9;
	s6 =	sadd.s32 @!p0 $0x88, s6;
	s7 =	simm.s32 @p2 $0x1082  }
0x22: {  	[simem:s7], [sflag:s8] =	dma.local @!p0 [hbm:s6], $0xF7A  }
0x23: {  	s9 =	sor.u32 $0xD0000000, s2;
	s6 =	simm.s32 $0x108;
	_ =	swait.ge @!p0 [sflag:s8], $0x0  }
0x24: {  	s3 =	sadd.s32 $0x88, s3;
	s6 =	simm.s32 @!p1 $0x1082;
	[sflag:s4] =	ssyncset.s32 $0xFFFFF086  }
0x25: {  	[simem:s6], [sflag:s4] =	dma.local [hbm:s3], $0xF7A  }
0x26: {  	[smem:$0x3F79] =	sst s1;
	(tag) =	ssettag s2;
	_ =	strace s9  }
0x27: {  	s1 =	sld [smem:$0x3F89]  }
0x28: {  	s2 =	sld [smem:$0x3F8A]  }
0x29: {  	s4 =	sld [smem:$0x3F8C]  }
0x2a: {  	p0 =	seq.s32 s5, $0x0;
	s5 =	sld [smem:$0x3F8D]  }
0x2b: {  	s6 =	sld [smem:$0x3F8E]  }
0x2c: {  	s7 =	sld [smem:$0x3F8F]  }
0x2d: {  	s3 =	simm.s32 $0x108;
	s8 =	sld [smem:$0x3F90]  }
0x2e: {  	s3 =	simm.s32 @!p0 $0x1082;
	s9 =	sld [smem:$0x3F91]  }
0x2f: {  	lr =	sadd.s32 s0, s3;
	s0 =	sld [smem:$0x3F88]  }
0x30: {  	s3 =	sld [smem:$0x3F8B]  }
0x31: {  	[smem:$0x3F94] =	sst s10  }
0x32: {  	s10 =	sld [smem:$0x3F92];
	_ =	sdelay $0x3  }
0x33: {  	p0 =	seq.s32 s10, $0x1;
	s10 =	sld [smem:$0x3F94];
	_ =	sdelay $0x3  }
0x34: {  	[smem:$0x3F94] =	sst s10  }
0x35: {  	s10 =	sld [smem:$0x3F93];
	_ =	sdelay $0x3  }
0x36: {  	p1 =	seq.s32 s10, $0x1;
	s10 =	sld [smem:$0x3F94];
	_ =	sdelay $0x3  }
0x37: {  	[smem:$0x3F94] =	sst s10  }
0x38: {  	s10 =	sld [smem:$0x3F95]  }
0x39: {  	_ = 	snop;
	(pc) =	sbr.ind lr, $3  }
0x3a: {  	_ = 	snop  }
0x3b: {  	_ = 	snop  }
0x3c: {  	p2 =	seq.s32 s10, $0x1;
	s10 =	sld [smem:$0x3F94]  }
0x3d: {  	_ =	shalt  }
0x3e: {  	_ =	shalt  }
0x3f: {  	_ =	shalt  }
0x40: {  	_ =	shalt  }
0x41: {  	_ =	shalt  }
0x42: {  	_ =	shalt  }
0x43: {  	_ =	shalt  }
0x44: {  	_ =	shalt  }
0x45: {  	_ =	shalt  }
0x46: {  	_ =	shalt  }
0x47: {  	_ =	shalt  }
0x48: {  	_ =	shalt  }
0x49: {  	_ =	shalt  }
0x4a: {  	_ =	shalt  }
0x4b: {  	_ =	shalt  }
0x4c: {  	_ =	shalt  }
0x4d: {  	_ =	shalt  }
0x4e: {  	_ =	shalt  }
0x4f: {  	_ =	shalt  }
0x50: {  	_ =	shalt  }
0x51: {  	_ =	shalt  }
0x52: {  	_ =	shalt  }
0x53: {  	_ =	shalt  }
0x54: {  	_ =	shalt  }
0x55: {  	_ =	shalt  }
0x56: {  	_ =	shalt  }
0x57: {  	_ =	shalt  }
0x58: {  	_ =	shalt  }
0x59: {  	_ =	shalt  }
0x5a: {  	_ =	shalt  }
0x5b: {  	_ =	shalt  }
0x5c: {  	_ =	shalt  }
0x5d: {  	_ =	shalt  }
0x5e: {  	_ =	shalt  }
0x5f: {  	_ =	shalt  }
0x60: {  	_ =	shalt  }
0x61: {  	_ =	shalt  }
0x62: {  	_ =	shalt  }
0x63: {  	_ =	shalt  }
0x64: {  	_ =	shalt  }
0x65: {  	_ =	shalt  }
0x66: {  	_ =	shalt  }
0x67: {  	_ =	shalt  }
0x68: {  	_ =	shalt  }
0x69: {  	_ =	shalt  }
0x6a: {  	_ =	shalt  }
0x6b: {  	_ =	shalt  }
0x6c: {  	_ =	shalt  }
0x6d: {  	_ =	shalt  }
0x6e: {  	_ =	shalt  }
0x6f: {  	_ =	shalt  }
0x70: {  	_ =	shalt  }
0x71: {  	_ =	shalt  }
0x72: {  	_ =	shalt  }
0x73: {  	_ =	shalt  }
0x74: {  	_ =	shalt  }
0x75: {  	_ =	shalt  }
0x76: {  	_ =	shalt  }
0x77: {  	_ =	shalt  }
0x78: {  	_ =	shalt  }
0x79: {  	_ =	shalt  }
0x7a: {  	_ =	shalt  }
0x7b: {  	_ =	shalt  }
0x7c: {  	_ =	shalt  }
0x7d: {  	_ =	shalt  }
0x7e: {  	_ =	shalt  }
0x7f: {  	_ =	shalt  }
0x80: {  	_ =	shalt  }
0x81: {  	_ =	shalt  }
0x82: {  	_ =	shalt  }
0x83: {  	_ =	shalt  }
0x84: {  	_ =	shalt  }
0x85: {  	_ =	shalt  }
0x86: {  	_ =	shalt  }
0x87: {  	_ =	shalt  }
.Lfunc_end0:
.L_simem_size_0:
called_computation.1_lowered:
.L_overlay_start_0:
0x88: {  	s0 =	sld [smem:$0x3FD9]  }
0x89: {  	s1 =	sld [smem:$0x3FFE];
	_ =	sdelay $0x3  }
0x8a: {  	s0 =	sadd.s32 s1, s0  }
0x8b: {  	[smem:$0x3FA0] =	sst s0  }
0x8c: {  	_ = 	snop  }
0x8d: {  	(tm) =	ssettm $0x1  }
0x8e: {  	s14 =	sld [smem:$0x3FFB];
	_ =	sdelay $0x3  }
0x8f: {  	_ =	strace s14  }
0x90: {  	s0 =	sld [smem:$0x3FFC];
	_ =	sdelay $0x3  }
0x91: {  	_ =	strace s0  }
0x92: {  	s0 =	sld [smem:$0x3FFD];
	_ =	sdelay $0x3  }
0x93: {  	_ =	strace s0  }
0x94: {  	_ =	strace $0x8FFFFFFF  }
0x95: {  	s15 =	sld [smem:$0x3FDB];
	_ =	sdelay $0x1  }
0x96: {  	s16 =	simm.s32 $_scs_section_size  }
0x97: {  	s2 =	simm.s32 $_size__tile_overlayer_lowered;
	s3 =	simm.s32 $_tile_overlayer_lowered  }
0x98: {  	s4 =	simm.s32 $0x1BFF;
	s17 =	sshll.u32 s3, $0x1;
	s1 =	sadd.s32 s16, s15  }
0x99: {  	s18 =	simm.s32 $0x0;
	s2 =	sshll.u32 s2, $0x1;
	s3 =	sadd.s32 s17, s1  }
0x9a: {  	[timem:s18], [sflag:s4] =	dma.local [hbm:s3], s2  }
0x9b: {  	_ =	swait.ge [sflag:s4], s2  }
0x9c: {  	s2 =	ssub.s32 $0x0, s2;
	[sflag:s4] =	ssyncset.done $0x0  }
0x9d: {  	[sflag:s4] =	ssyncadd.s32 s2;
	_ =	sdelay $0x1  }
0x9e: {  	s19 =	simm.s32 $0x1B8B  }
0x9f: {  	_ =	swait.ge [sflag:s19], $0x1  }
0xa0: {  	[sflag:s19] =	ssyncset.done $0x0  }
0xa1: {  	s21 =	simm.s32 $0x1B8E;
	s20 =	sld [smem:$0x3FFE];
	[sflag:s19] =	ssyncadd.s32 $0xFFFFFFFF  }
0xa2: {  	s22 =	simm.s32 $execute0_lowered;
	[smem:$0x3FD2] =	sst s21  }
0xa3: {  	s3 =	sshll.u32 s22, $0x1;
	_ =	strace $0x80000058;
	[dreg:$0x1] =	wrdreg $0xFFFFFFFF  }
0xa4: {  	s23 =	simm.s32 $_size_execute0_lowered;
	s3 =	sadd.s32 s1, s3;
	[dreg:$0x0] =	wrdreg $0x0  }
0xa5: {  	s4 =	sshll.u32 s23, $0x1;
	[dreg:$0x2] =	wrdreg s3  }
0xa6: {  	[dreg:$0x3] =	wrdreg s4  }
0xa7: {  	[dreg:$0x4] =	wrdreg $0xC0  }
0xa8: {  	s24 =	simm.s32 $execute1_lowered;
	_ =	task [dreg:s18], $0x5FFFF  }
0xa9: {  	s3 =	sshll.u32 s24, $0x1;
	[dreg:$0x1] =	wrdreg $0xFFFFFFFF  }
0xaa: {  	s1 =	sadd.s32 s1, s3;
	[dreg:$0x0] =	wrdreg $0x60  }
0xab: {  	[dreg:$0x2] =	wrdreg s1  }
0xac: {  	[dreg:$0x3] =	wrdreg s20  }
0xad: {  	[dreg:$0x4] =	wrdreg $0x9  }
0xae: {  	_ =	task.clear_ibuf [dreg:s18], $0x5FFFF;
	_ =	strace $0x90000058  }
0xaf: {  	s25 =	simm.s32 $0x9;
	_ =	strace $0x8000005A  }
0xb0: {  	_ =	swait.ge [sflag:s25], $0x1  }
0xb1: {  	[sflag:s25] =	ssyncadd.s32 $0xFFFFFFFF  }
0xb2: {  	_ =	strace $0x9000005A  }
0xb3: {  	_ =	strace $0x8000005B;
	[dreg:$0x1] =	wrdreg $0xFFFFFFFF  }
0xb4: {  	[dreg:$0x0] =	wrdreg $0x2030  }
0xb5: {  	[dreg:$0x2] =	wrdreg s20  }
0xb6: {  	[dreg:$0x3] =	wrdreg $0xA  }
0xb7: {  	_ =	task.clear_ibuf [dreg:s18], $0x4FFFF;
	_ =	strace $0x9000005B  }
0xb8: {  	s26 =	simm.s32 $0xA;
	_ =	strace $0x8000005D  }
0xb9: {  	_ =	swait.ge [sflag:s26], $0x1  }
0xba: {  	[sflag:s26] =	ssyncadd.s32 $0xFFFFFFFF  }
0xbb: {  	_ =	strace $0x9000005D  }
0xbc: {  	_ =	sfence  }
0xbd: {  	s28 =	sld [smem:$0x0];
	_ =	sdelay $0x1  }
0xbe: {  	s29 =	srdreg.scid  }
0xbf: {  	s30 =	sshll.u32 s29, $0xD;
	s31 =	sshrl.u32 s29, $0x2  }
0xc0: {  	s2 =	sand.u32 $0x1, s29;
	s3 =	sand.u32 $0x4000, s30;
	s1 =	sadd.s32 s31, s28  }
0xc1: {  	s2 =	sor.u32 s3, s2;
	s1 =	sshll.u32 s1, $0x11  }
0xc2: {  	s1 =	sor.u32 s1, s2  }
0xc3: {  	s1 =	sadd.s32 $0x8F2B, s1  }
0xc4: {  	[sflag:s1] =	ssyncadd.remote.s32 $0x1  }
0xc5: {  	_ =	sfence.sel $0xFFFF  }
0xc6: {  	[dreg:$0x0] =	wrdreg $0xFFFFFFFF;
	(pc) =	sbr.abs _section_cstart, $3  }
0xc7: {  	[dreg:$0x1] =	wrdreg $0xFFFFFFFF  }
0xc8: {  	_ =	task.clear_ibuf [dreg:s18], $0x2FFFF;
	_ =	strace $0x9FFFFFFF  }
0xc9: {  	(tm) =	ssettm $0x7FFFFFFF  }
tec
execute0_lowered:
.L_overlay_start_1:
0x0: {  	(tag) =	ssettag $0x1  }
0x1: {  	s3 =	rddreg [dreg:$0x0]  }
0x2: {  	s4 =	rddreg [dreg:$0x1]  }
0x3: {  	s0 =	rddreg [dreg:$0x2];
	s1 =	simm.s32 $_size_execute1_lowered  }
0x4: {  	s5 =	stileid.u32;
	[bflag:$0x3] =	sbarrier.arrive $0xFFFF;
	s8 =	simm.s32 $0x2  }
0x5: {  	s10 =	simm.s32 $0x0;
	s9 =	simm.s32 $0x0;
	s1 =	sshll.u32 s1, $0x1  }
0x6: {  	p0 =	sne.s32 s5, $0x0;
	s2 =	smul.u32 $0x880, s5;
	p1 =	seq.s32 s5, $0x0  }
0x7: {  	s5 =	simm.s32 $0x1;
	s6 =	simm.s32 @!p0 $0x1C3F;
	s7 =	simm.s32 @!p0 $0x4060  }
0x8: {  	[timem:s7], [sflag:s6] =	dma.local @!p0 [hbm:s3], s1  }
.Ltmp0:
0x9: {  	s5 =	simm.s32 @!p1 $0x0;
	s30 =	sshrl.u32 s2, $0x3;
	(pc) =	sbr.rel .LBB2_1-.Ltmp0, $4  }
0xa: {  	s3 =	sadd.s32 $0xB000, s4;
	s7 =	simm.s32 $0x1;
	_ =	strace $0x80000059  }
0xb: {  	s31 =	sadd.s32 s30, s4;
	s4 =	simm.s32 $0x1;
	s7 =	simm.s32 @!p0 $0x0  }
0xc: {  	[sflag:s4] =	ssyncpa.u1 $0x0;
	s5 =	sadd.s32 s7, s5;
	s6 =	sadd.s32 $0xFE00, s31  }
0xd: {  	[sflag:s8] =	ssyncpa.u1 $0x0;
	s7 =	sadd.s32 $0x1, s5;
	s8 =	simm.s32 $0x0  }
.LBB2_7:
0xe: {  	p2 =	sne.s32 s9, s7  }
.Ltmp1:
0xf: {  	p1 =	slt.u32 s9, $0x2;
	(pc) =	sbr.rel @!p2 .LBB2_8-.Ltmp1, $4  }
0x10: {  	s10 =	simm.s32 @!p1 $0x2  }
0x11: {  	_ =	swait.ge @!p1 [sflag:s10], $0x880  }
0x12: {  	s11 =	sadd.s32 $0x1, s9;
	[sflag:s10] =	ssyncset.done @!p1 $0x0  }
0x13: {  	s9 =	smov.u32 s11;
	[sflag:s10] =	ssyncadd.s32 @!p1 $0xFFFFF780;
	s10 =	smov.u32 s2  }
.LBB2_1:
0x14: {  	p1 =	sge.u32 s9, s5  }
0x15: {  	s11 =	sxor.u32 @!p1 $0x1, s9  }
0x16: {  	s11 =	smul.u32 @!p1 $0x2200, s11;
	_ =	sdelay $0x1  }
0x17: {  	s31 =	sadd.s32 $0xFFFFFFFF, s9;
	s12 =	simm.s32 @!p1 $0x0;
	s11 =	sshra.s32 @!p1 s11, $0x2  }
0x18: {  	[tilespmem:s11], [sflag:$0x1] =	stream.linear.gather @!p1 [hbm4b:s6+s12], $0x880, $0x38;
	[tilespmem:$0x2200] =	vst v63  }
0x19: {  	p1 =	sge.u32 s31, s5  }
.Ltmp2:
0x1a: {  	_ = 	snop;
	(pc) =	sbr.rel @p1 .LBB2_7-.Ltmp2, $1  }
0x1b: {  	_ =	sdelay $0x3  }
0x1c: {  	s11 =	sand.u32 $0x1, s9  }
0x1d: {  	_ =	swait.ge [sflag:s4], $0x880;
	s13 =	simm.s32 $0x880;
	p1 =	seq.s32 s11, $0x1  }
0x1e: {  	[sflag:s4] =	ssyncset.done $0x0;
	s13 =	simm.s32 @!p1 $0x0  }
0x1f: {  	[sflag:s4] =	ssyncadd.s32 $0xFFFFF780;
	s15 =	sadd.s32 $0x80, s13  }
0x20: {  	v0 =	vld [tilespmem:s15+$0x70]  }
0x21: {  	v1 =	vld [tilespmem:s15+$0xFFFFFF90]  }
0x22: {  	v2 =	vld [tilespmem:s15+$0xFFFFFFA0]  }
0x23: {  	v3 =	vld [tilespmem:s15+$0xFFFFFFB0]  }
0x24: {  	s11 =	sadd.s32 $0x1180, s13;
	v4 =	vld [tilespmem:s15+$0xFFFFFFC0]  }
0x25: {  	v5 =	vld [tilespmem:s15+$0xFFFFFFD0];
	[tilespmem:s11+$0x70] =	vst v0  }
0x26: {  	[tilespmem:s11+$0xFFFFFF90] =	vst v1;
	v0 =	vld [tilespmem:s15+$0xFFFFFFE0]  }
0x27: {  	[tilespmem:s11+$0xFFFFFFA0] =	vst v2;
	v1 =	vld [tilespmem:s15+$0xFFFFFFF0]  }
0x28: {  	[tilespmem:s11+$0xFFFFFFB0] =	vst v3;
	v2 =	vld [tilespmem:s15+$0x0]  }
0x29: {  	[tilespmem:s11+$0xFFFFFFC0] =	vst v4;
	v3 =	vld [tilespmem:s15+$0x10]  }
0x2a: {  	[tilespmem:s11+$0xFFFFFFD0] =	vst v5;
	v5 =	vld [tilespmem:s15+$0x20]  }
0x2b: {  	[tilespmem:s11+$0xFFFFFFE0] =	vst v0;
	v0 =	vld [tilespmem:s15+$0x30]  }
0x2c: {  	[tilespmem:s11+$0xFFFFFFF0] =	vst v1;
	v1 =	vld [tilespmem:s15+$0x40]  }
0x2d: {  	[tilespmem:s11+$0x0] =	vst v2;
	v2 =	vld [tilespmem:s15+$0x50]  }
0x2e: {  	s14 =	simm.s32 $0x0;
	[tilespmem:s11+$0x10] =	vst v3;
	v3 =	vld [tilespmem:s15+$0x60]  }
0x2f: {  	s12 =	sor.u32 $0x1100, s13;
	s13 =	sshll.u32 s13, $0x2;
	v4 =	vld [tilespmem:s15+$0xFFFFFF80];
	[tilespmem:s11+$0x20] =	vst v5;
	s15 =	sadd.s32 $0x100, s15  }
.LBB2_3:
0x30: {  	v5 =	vld [tilespmem:s15+$0x70];
	s14 =	sadd.s32 $0x100, s14;
	[tilespmem:s11+$0x30] =	vst v0  }
0x31: {  	v0 =	vld [tilespmem:s15+$0xFFFFFF90];
	p1 =	slt.u32 s14, $0x700;
	[tilespmem:s11+$0x40] =	vst v1  }
0x32: {  	v1 =	vld [tilespmem:s15+$0xFFFFFFA0];
	[tilespmem:s11+$0x50] =	vst v2  }
0x33: {  	v2 =	vld [tilespmem:s15+$0xFFFFFFB0];
	[tilespmem:s11+$0x60] =	vst v3  }
0x34: {  	v3 =	vld [tilespmem:s15+$0xFFFFFFC0];
	[tilespmem:s11+$0xFFFFFF80] =	vst v4;
	s11 =	sadd.s32 $0x100, s11  }
0x35: {  	v4 =	vld [tilespmem:s15+$0xFFFFFFD0];
	[tilespmem:s11+$0x70] =	vst v5  }
0x36: {  	[tilespmem:s11+$0xFFFFFF90] =	vst v0;
	v0 =	vld [tilespmem:s15+$0xFFFFFFE0]  }
0x37: {  	[tilespmem:s11+$0xFFFFFFA0] =	vst v1;
	v1 =	vld [tilespmem:s15+$0xFFFFFFF0]  }
0x38: {  	[tilespmem:s11+$0xFFFFFFB0] =	vst v2;
	v2 =	vld [tilespmem:s15+$0x0]  }
0x39: {  	[tilespmem:s11+$0xFFFFFFC0] =	vst v3;
	v3 =	vld [tilespmem:s15+$0x10]  }
0x3a: {  	[tilespmem:s11+$0xFFFFFFD0] =	vst v4;
	v5 =	vld [tilespmem:s15+$0x20]  }
.Ltmp3:
0x3b: {  	[tilespmem:s11+$0xFFFFFFE0] =	vst v0;
	v0 =	vld [tilespmem:s15+$0x30];
	(pc) =	sbr.rel @p1 .LBB2_3-.Ltmp3, $4  }
0x3c: {  	[tilespmem:s11+$0xFFFFFFF0] =	vst v1;
	v1 =	vld [tilespmem:s15+$0x40]  }
0x3d: {  	[tilespmem:s11+$0x0] =	vst v2;
	v2 =	vld [tilespmem:s15+$0x50]  }
0x3e: {  	[tilespmem:s11+$0x10] =	vst v3;
	v3 =	vld [tilespmem:s15+$0x60]  }
0x3f: {  	v4 =	vld [tilespmem:s15+$0xFFFFFF80];
	[tilespmem:s11+$0x20] =	vst v5;
	s15 =	sadd.s32 $0x100, s15  }
0x40: {  	[tilespmem:s11+$0x30] =	vst v0  }
0x41: {  	[tilespmem:s11+$0x40] =	vst v1  }
0x42: {  	[tilespmem:s11+$0x50] =	vst v2  }
0x43: {  	s13 =	sshrl.u32 s13, $0x2;
	[tilespmem:s11+$0x60] =	vst v3  }
0x44: {  	s14 =	simm.s32 $0x7F0;
	[tilespmem:s11+$0xFFFFFF80] =	vst v4;
	s11 =	sadd.s32 $0x1900, s13;
	s13 =	sadd.s32 $0x800, s13  }
.LBB2_5:
0x45: {  	s14 =	sadd.s32 $0x10, s14  }
0x46: {  	v0 =	vld [tilespmem:s13+$0x0];
	p1 =	slt.u32 s14, $0x870  }
.Ltmp4:
0x47: {  	_ = 	snop;
	(pc) =	sbr.rel @p1 .LBB2_5-.Ltmp4, $2  }
0x48: {  	_ =	sdelay $0x2  }
0x49: {  	s13 =	sadd.s32 $0x10, s13;
	[tilespmem:s11+$0x0] =	vst v0;
	s11 =	sadd.s32 $0x10, s11  }
.Ltmp5:
0x4a: {  	(pc) =	sbr.rel .LBB2_7-.Ltmp5, $4  }
0x4b: {  	_ = 	snop  }
0x4c: {  	s10 =	sshrl.u32 s10, $0x3  }
0x4d: {  	s10 =	sadd.s32 s3, s10  }
0x4e: {  	[hbm4b:s10+s8] =	stream.linear.scatter [tilespmem:s12], [sflag:$0x2], $0x880, $0x38;
	[tilespmem:$0x2200] =	vst v63  }
.LBB2_8:
0x4f: {  	_ =	sfence.sel $0x180000  }
0x50: {  	s2 =	simm.s32 $0x1;
	[bflag:$0x0] =	sbarrier.arrive $0xFFFF  }
0x51: {  	s31 =	simm.s32 $0x2;
	[sflag:s2] =	ssyncpa.u1 $0x1  }
0x52: {  	[sflag:s31] =	ssyncpa.u1 $0x1  }
0x53: {  	_ =	strace $0x90000059  }
0x54: {  	s0 =	sadd.s32 @!p0 $0x100000, s0;
	[bflag:$0x2] =	sbarrier.arrive $0xFFFF  }
0x55: {  	[sflag:s0] =	ssyncadd.tile.s32 @!p0 $0x1;
	s0 =	simm.s32 @!p0 $0x3F  }
0x56: {  	_ =	swait.ge @!p0 [sflag:s0], s1  }
0x57: {  	s1 =	ssub.s32 @!p0 $0x0, s1;
	[sflag:s0] =	ssyncset.done @!p0 $0x0  }
0x58: {  	[sflag:s0] =	ssyncadd.s32 @!p0 s1  }
0x59: {  	[bflag:$0x3] =	sbarrier.arrive $0xFFFF  }
0x5a: {  	_ =	shalt  }
.Lfunc_end2:
execute1_lowered:
.L_overlay_start_2:
0x5b: {  	(tag) =	ssettag $0x2  }
0x5c: {  	s0 =	rddreg [dreg:$0x0];
	_ =	strace $0x8000005C;
	s3 =	simm.s32 $0x1  }
0x5d: {  	v1 =	vimm.s32 $0xFFFFFFFF;
	[sflag:s3] =	ssyncpa.u1 $0x0  }
0x5e: {  	[tilespmem:$0x10] =	vst v1  }
0x5f: {  	v0 =	vimm.s32 $0x80000000;
	[tilespmem:$0x20] =	vst v1  }
0x60: {  	[tilespmem:$0x30] =	vst v0  }
0x61: {  	s2 =	simm.s32 $0x2;
	s6 =	simm.s32 $0x7;
	[tilespmem:$0x40] =	vst v0  }
0x62: {  	s30 =	stileid.u32;
	s7 =	simm.s32 $0x8;
	s31 =	simm.s32 $0x9;
	[tilespmem:$0x50] =	vst v0  }
0x63: {  	s14 =	simm.s32 $0x0;
	s15 =	simm.s32 $0x100;
	s17 =	simm.s32 $0x580;
	[tilespmem:$0x60] =	vst v1  }
0x64: {  	s18 =	simm.s32 $0xF;
	s19 =	simm.s32 $0x50;
	s20 =	simm.s32 $0x2FF;
	[tilespmem:$0x70] =	vst v1  }
0x65: {  	s21 =	simm.s32 $0x20;
	s22 =	simm.s32 $0x30;
	s23 =	simm.s32 $0x4FF;
	[tilespmem:$0x80] =	vst v1  }
0x66: {  	s24 =	simm.s32 $0x80;
	s28 =	simm.s32 $0x0;
	s26 =	simm.s32 $0x0;
	v1 =	vimm.s32 $0x0;
	[tilespmem:$0xB0] =	vst v0  }
.Ltmp6:
0x67: {  	s1 =	sadd.s32 $0xB000, s0;
	s4 =	sadd.s32 $0xAC00, s0;
	[tilespmem:$0x90] =	vst v1;
	(pc) =	sbr.rel .LBB3_1-.Ltmp6, $4  }
0x68: {  	s5 =	sadd.s32 $0xAE00, s0;
	s25 =	sshll.u32 s30, $0x7;
	[tilespmem:$0xA0] =	vst v1;
	[sflag:s2] =	ssyncpa.u1 $0x0  }
0x69: {  	s10 =	sshll.u32 s30, $0x1;
	s12 =	sshllo.u32 s30, $0x1;
	[sflag:s6] =	ssyncpa.u1 $0x0  }
0x6a: {  	vm0 =	vmmov $0xffff;
	v2 =	vlaneseq.u32;
	s9 =	sadd.s32 $0x80, s25;
	s11 =	sor.u32 $0x81, s10;
	[sflag:s7] =	ssyncpa.u1 $0x0  }
0x6b: {  	vm1 =	vmxor vm1, vm1;
	vm2 =	vmmov $0x1;
	vm3 =	vcmask $0x3F3C;
	s13 =	sor.u32 $0x80, s10;
	s8 =	smov.u32 s25;
	[sflag:s31] =	ssyncpa.u1 $0x0  }
.LBB3_9:
0x6c: {  	_ =	swait.ge [sflag:s6], $0x80  }
0x6d: {  	[sflag:s6] =	ssyncset.done $0x0  }
0x6e: {  	[sflag:s6] =	ssyncadd.s32 $0xFFFFFF80;
	(ifvalue) =	ssetifvalue $0xFFFFFFFF;
	v3 =	vld.msk [tilespmem:s15+$0x0 ss:$0x1], $0xffff;
	_ =	sdelay $0x4  }
0x6f: {  	v4 =	vperm.xlane v3, v1  }
0x70: {  	vm4 =	vlt.u32 v3, $0x8800  }
0x71: {  	v3 =	vnsel vm4, $0xFFFFFFFE, v3;
	vm4 =	vlt.u32 v4, $0x8800  }
0x72: {  	[tilespmem:$0x70] =	vst v3;
	v3 =	vnsel vm4, $0xFFFFFFFE, v4  }
0x73: {  	s0 =	simm.s32 $0x170;
	[tilespmem:$0x80] =	vst v3  }
0x74: {  	v3 =	vld.msk [tilespmem:s0+$0x0 ss:$0x1], $0xffff;
	_ =	sdelay $0x4  }
0x75: {  	(xrf1) =	vunique.msk.u32 $0xffff, v3;
	_ =	sdelay $0xd  }
0x76: {  	v53, _, _ =	vpop (xrf1)  }
0x77: {  	vm4 =	vlt.u32 v3, $0x8800;
	vm5 =	veq.s32 v53, v2  }
0x78: {  	vm5 =	vmand vm4, vm5  }
0x79: {  	v54 =	vnsel vm5, $0xFFFFFFFF, v3;
	_ =	sdelay $0x3  }
0x7a: {  	s2 =	simm.s32 $0x2F0;
	(ifvalue) =	ssetifvalue $0xFFFFFFFF  }
0x7b: {  	v4 =	vnsel vm4, $0xFFFFFFFE, v54;
	[tilespmem:s2], [sflag:$0x8] =	stream.indirect_vreg.gather [hbm4b:s1+s14], $0x1, v54, vm0, $0x4038;
	[tilespmem:$0x5A0] =	vst v63  }
0x7c: {  	s16 =	simm.s32 $0x160;
	[tilespmem:$0x170] =	vst v4  }
0x7d: {  	v4 =	vld.msk [tilespmem:s16+$0x0 ss:$0x1], $0xffff;
	_ =	sdelay $0x4  }
0x7e: {  	(xrf1) =	vunique.msk.u32 $0xffff, v4;
	_ =	sdelay $0xc  }
0x7f: {  	v3 =	vperm.xlane v3, v1  }
0x80: {  	v5, _, _ =	vpop (xrf1)  }
0x81: {  	vm5 =	vne.s32 v4, v3;
	vm4 =	veq.s32 v5, v2  }
0x82: {  	vm6 =	vlt.u32 v4, $0x8800;
	vm4 =	vmand vm5, vm4  }
0x83: {  	vm4 =	vmand vm6, vm4  }
0x84: {  	v3 =	vnsel vm4, $0xFFFFFFFF, v4;
	_ =	sdelay $0x3  }
0x85: {  	s29 =	simm.s32 $0x2E0;
	(ifvalue) =	ssetifvalue $0xFFFFFFFF  }
0x86: {  	[tilespmem:s29], [sflag:$0x8] =	stream.indirect_vreg.gather [hbm4b:s1+s14], $0x1, v3, vm0, $0x4038;
	v3 =	vnsel vm6, $0xFFFFFFFE, v3;
	[tilespmem:$0x5A0] =	vst v63  }
0x87: {  	s30 =	simm.s32 $0x150;
	[tilespmem:$0x160] =	vst v3  }
0x88: {  	v3 =	vld.msk [tilespmem:s30+$0x0 ss:$0x1], $0xffff;
	_ =	sdelay $0x4  }
0x89: {  	(xrf1) =	vunique.msk.u32 $0xffff, v3;
	_ =	sdelay $0xc  }
0x8a: {  	v4 =	vperm.xlane v4, v1  }
0x8b: {  	v55, _, _ =	vpop (xrf1)  }
0x8c: {  	vm5 =	vne.s32 v3, v4;
	vm4 =	veq.s32 v55, v2  }
0x8d: {  	vm10 =	vlt.u32 v3, $0x8800;
	vm4 =	vmand vm5, vm4  }
0x8e: {  	vm4 =	vmand vm10, vm4  }
0x8f: {  	v56 =	vnsel vm4, $0xFFFFFFFF, v3;
	_ =	sdelay $0x3  }
0x90: {  	s31 =	simm.s32 $0x2D0;
	(ifvalue) =	ssetifvalue $0xFFFFFFFF  }
0x91: {  	v4 =	vnsel vm10, $0xFFFFFFFE, v56;
	[tilespmem:s31], [sflag:$0x8] =	stream.indirect_vreg.gather [hbm4b:s1+s14], $0x1, v56, vm0, $0x4038;
	[tilespmem:$0x5A0] =	vst v63  }
0x92: {  	s2 =	simm.s32 $0x140;
	[tilespmem:$0x150] =	vst v4  }
0x93: {  	v4 =	vld.msk [tilespmem:s2+$0x0 ss:$0x1], $0xffff;
	_ =	sdelay $0x4  }
0x94: {  	(xrf1) =	vunique.msk.u32 $0xffff, v4;
	_ =	sdelay $0xc  }
0x95: {  	v3 =	vperm.xlane v3, v1  }
0x96: {  	v57, _, _ =	vpop (xrf1)  }
0x97: {  	vm5 =	vne.s32 v4, v3;
	vm4 =	veq.s32 v57, v2  }
0x98: {  	vm11 =	vlt.u32 v4, $0x8800;
	vm4 =	vmand vm5, vm4  }
0x99: {  	vm4 =	vmand vm11, vm4  }
0x9a: {  	v3 =	vnsel vm4, $0xFFFFFFFF, v4;
	_ =	sdelay $0x3  }
0x9b: {  	s16 =	simm.s32 $0x2C0;
	(ifvalue) =	ssetifvalue $0xFFFFFFFF  }
0x9c: {  	[tilespmem:s16], [sflag:$0x8] =	stream.indirect_vreg.gather [hbm4b:s1+s14], $0x1, v3, vm0, $0x4038;
	v3 =	vnsel vm11, $0xFFFFFFFE, v3;
	[tilespmem:$0x5A0] =	vst v63  }
0x9d: {  	s29 =	simm.s32 $0x130;
	[tilespmem:$0x140] =	vst v3  }
0x9e: {  	v3 =	vld.msk [tilespmem:s29+$0x0 ss:$0x1], $0xffff;
	_ =	sdelay $0x4  }
0x9f: {  	(xrf1) =	vunique.msk.u32 $0xffff, v3;
	_ =	sdelay $0xc  }
0xa0: {  	v4 =	vperm.xlane v4, v1  }
0xa1: {  	v58, _, _ =	vpop (xrf1)  }
0xa2: {  	vm5 =	vne.s32 v3, v4;
	vm4 =	veq.s32 v58, v2  }
0xa3: {  	vm12 =	vlt.u32 v3, $0x8800;
	vm4 =	vmand vm5, vm4  }
0xa4: {  	vm4 =	vmand vm12, vm4  }
0xa5: {  	v59 =	vnsel vm4, $0xFFFFFFFF, v3;
	_ =	sdelay $0x3  }
0xa6: {  	s30 =	simm.s32 $0x2B0;
	(ifvalue) =	ssetifvalue $0xFFFFFFFF  }
0xa7: {  	v4 =	vnsel vm12, $0xFFFFFFFE, v59;
	[tilespmem:s30], [sflag:$0x8] =	stream.indirect_vreg.gather [hbm4b:s1+s14], $0x1, v59, vm0, $0x4038;
	[tilespmem:$0x5A0] =	vst v63  }
0xa8: {  	s31 =	simm.s32 $0x120;
	[tilespmem:$0x130] =	vst v4  }
0xa9: {  	v4 =	vld.msk [tilespmem:s31+$0x0 ss:$0x1], $0xffff;
	_ =	sdelay $0x4  }
0xaa: {  	(xrf1) =	vunique.msk.u32 $0xffff, v4;
	_ =	sdelay $0xc  }
0xab: {  	v3 =	vperm.xlane v3, v1  }
0xac: {  	v60, _, _ =	vpop (xrf1)  }
0xad: {  	vm5 =	vne.s32 v4, v3;
	vm4 =	veq.s32 v60, v2  }
0xae: {  	vm13 =	vlt.u32 v4, $0x8800;
	vm4 =	vmand vm5, vm4  }
0xaf: {  	vm4 =	vmand vm13, vm4  }
0xb0: {  	v3 =	vnsel vm4, $0xFFFFFFFF, v4;
	_ =	sdelay $0x3  }
0xb1: {  	s2 =	simm.s32 $0x2A0;
	(ifvalue) =	ssetifvalue $0xFFFFFFFF  }
0xb2: {  	[tilespmem:s2], [sflag:$0x8] =	stream.indirect_vreg.gather [hbm4b:s1+s14], $0x1, v3, vm0, $0x4038;
	v3 =	vnsel vm13, $0xFFFFFFFE, v3;
	[tilespmem:$0x5A0] =	vst v63  }
0xb3: {  	s16 =	simm.s32 $0x110;
	[tilespmem:$0x120] =	vst v3  }
0xb4: {  	v3 =	vld.msk [tilespmem:s16+$0x0 ss:$0x1], $0xffff;
	_ =	sdelay $0x4  }
0xb5: {  	(xrf1) =	vunique.msk.u32 $0xffff, v3;
	_ =	sdelay $0xc  }
0xb6: {  	v4 =	vperm.xlane v4, v1  }
0xb7: {  	v61, _, _ =	vpop (xrf1)  }
0xb8: {  	vm5 =	vne.s32 v3, v4;
	vm4 =	veq.s32 v61, v2  }
0xb9: {  	vm14 =	vlt.u32 v3, $0x8800;
	vm4 =	vmand vm5, vm4  }
0xba: {  	vm4 =	vmand vm14, vm4  }
0xbb: {  	v62 =	vnsel vm4, $0xFFFFFFFF, v3;
	_ =	sdelay $0x3  }
0xbc: {  	s29 =	simm.s32 $0x290;
	(ifvalue) =	ssetifvalue $0xFFFFFFFF  }
0xbd: {  	v4 =	vnsel vm14, $0xFFFFFFFE, v62;
	[tilespmem:s29], [sflag:$0x8] =	stream.indirect_vreg.gather [hbm4b:s1+s14], $0x1, v62, vm0, $0x4038;
	[tilespmem:$0x5A0] =	vst v63  }
0xbe: {  	[tilespmem:$0x110] =	vst v4  }
0xbf: {  	v4 =	vld.msk [tilespmem:s15+$0x0 ss:$0x1], $0xffff;
	_ =	sdelay $0x4  }
0xc0: {  	(xrf1) =	vunique.msk.u32 $0xffff, v4;
	_ =	sdelay $0xc  }
0xc1: {  	v3 =	vperm.xlane v3, v1  }
0xc2: {  	v63, _, _ =	vpop (xrf1)  }
0xc3: {  	vm5 =	vne.s32 v4, v3;
	vm4 =	veq.s32 v63, v2  }
0xc4: {  	vm15 =	vlt.u32 v4, $0x8800;
	vm4 =	vmand vm5, vm4  }
0xc5: {  	vm4 =	vmand vm15, vm4  }
0xc6: {  	v3 =	vnsel vm4, $0xFFFFFFFF, v4;
	_ =	sdelay $0x3  }
0xc7: {  	s30 =	simm.s32 $0x280;
	s31 =	sshrl.u32 s28, $0x3;
	(ifvalue) =	ssetifvalue $0xFFFFFFFF  }
0xc8: {  	[tilespmem:s30], [sflag:$0x8] =	stream.indirect_vreg.gather [hbm4b:s1+s14], $0x1, v3, vm0, $0x4038;
	v3 =	vnsel vm15, $0xFFFFFFFE, v3;
	[tilespmem:$0x5A0] =	vst v63  }
0xc9: {  	s0 =	sadd.s32 s5, s31;
	s2 =	simm.s32 $0x380;
	[tilespmem:$0x100] =	vst v3  }
0xca: {  	[tilespmem:s2], [sflag:$0x8] =	stream.linear.gather [hbm:s0], $0x80, $0x38;
	[tilespmem:$0x5A0] =	vst v63  }
.LBB3_10:
0xcb: {  	s0 =	sadd.s32 $0x80, s8  }
0xcc: {  	s2 =	smov.u32 s25;
	s26 =	sadd.s32 $0x1, s26;
	p0 =	slt.s32 s0, s9  }
0xcd: {  	s2 =	smov.u32 @p0 s0;
	p0 =	sne.s32 s26, $0x4  }
.Ltmp7:
0xce: {  	_ = 	snop;
	(pc) =	sbr.rel @!p0 .LBB3_11-.Ltmp7, $2  }
0xcf: {  	_ =	sdelay $0x2  }
0xd0: {  	s28 =	smov.u32 s8;
	s8 =	smov.u32 s2  }
.LBB3_1:
0xd1: {  	p0 =	sgt.s32 s26, $0x1  }
.Ltmp8:
0xd2: {  	_ = 	snop;
	(pc) =	sbr.rel @p0 .LBB3_7-.Ltmp8, $1  }
0xd3: {  	_ =	sdelay $0x3  }
0xd4: {  	p0 =	seq.s32 s26, $0x0  }
.Ltmp9:
0xd5: {  	_ = 	snop;
	(pc) =	sbr.rel @!p0 .LBB3_9-.Ltmp9, $1  }
0xd6: {  	_ =	sdelay $0x3  }
.Ltmp10:
0xd7: {  	(pc) =	sbr.rel .LBB3_10-.Ltmp10, $4  }
0xd8: {  	_ = 	snop  }
0xd9: {  	s0 =	sshrl.u32 s8, $0x3  }
0xda: {  	s2 =	sand.u32 $0x7, s8;
	s0 =	sadd.s32 s4, s0  }
0xdb: {  	[tilespmem:s15], [sflag:$0x7] =	stream.linear.gather [hbm4b:s0+s2], $0x80, $0x38;
	[tilespmem:$0x5A0] =	vst v63  }
.LBB3_7:
0xdc: {  	p0 =	seq.s32 s26, $0x2  }
.Ltmp11:
0xdd: {  	_ = 	snop;
	(pc) =	sbr.rel @!p0 .LBB3_8-.Ltmp11, $1  }
0xde: {  	_ =	sdelay $0x3  }
0xdf: {  	_ =	swait.ge [sflag:s7], $0x100  }
0xe0: {  	[sflag:s7] =	ssyncset.done $0x0  }
0xe1: {  	s0 =	simm.s32 $0x17F;
	[sflag:s7] =	ssyncadd.s32 $0xFFFFFF00  }
0xe2: {  	[spmem:s11] =	stream.linear.scatter [tilespmem:s0], [sflag:$0x1], $0x1, $0x38;
	[tilespmem:$0x5A0] =	vst v63  }
0xe3: {  	_ =	swait.ge [sflag:s3], $0x1  }
0xe4: {  	[sflag:s3] =	ssyncset.done $0x0  }
0xe5: {  	[sflag:s3] =	ssyncadd.s32 $0xFFFFFFFF  }
0xe6: {  	v4 =	vld [tilespmem:$0x10]  }
0xe7: {  	v5 =	vld [tilespmem:$0x70]  }
0xe8: {  	v3 =	vld [tilespmem:$0x80];
	_ =	sdelay $0x2  }
0xe9: {  	(v2sf) =	vpush v4, $0x0  }
0xea: {  	(v2sf) =	vpush v5, $0x0  }
0xeb: {  	(v2sf) =	vpush v3, $0x0;
	_ =	sdelay $0xc  }
0xec: {  	s16 =	spop (v2sf)  }
0xed: {  	s2 =	spop (v2sf)  }
0xee: {  	s28 =	spop (v2sf)  }
0xef: {  	p0 =	seq.s32 s16, s2;
	p1 =	seq.s32 s28, s16  }
0xf0: {  	p1 =	por p0, p1  }
0xf1: {  	s2 =	simm.s32 $0x10;
	v4 =	vpsel p1, $0xFFFFFFFF, v4  }
0xf2: {  	[tilespmem:s2+$0x0] =	vst.msk $0x1, v4  }
0xf3: {  	v4 =	vld [tilespmem:$0x30]  }
0xf4: {  	v5 =	vld [tilespmem:$0x380]  }
0xf5: {  	v6 =	vld [tilespmem:$0x40];
	_ =	sdelay $0x3  }
0xf6: {  	vm4 =	vmmov vm1;
	vm6 =	vmmov vm2;
	vm5 =	vgt.s32 v4, v5  }
0xf7: {  	vm4 =	vmmov @p0 vm2;
	s16 =	simm.s32 $0x380;
	v5 =	vsel vm5, v4, v5;
	vm5 =	vgt.s32 v4, v6  }
0xf8: {  	vm6 =	vmmov @p1 vm1;
	v4 =	vsel vm5, v4, v6;
	[tilespmem:s16+$0x0] =	vst.msk vm4, v5  }
0xf9: {  	[tilespmem:s17+$0x0] =	vst.msk vm6, v4  }
0xfa: {  	v4 =	vld [tilespmem:$0x2F0];
	_ =	sdelay $0x4  }
0xfb: {  	v4 =	vshift.insert v4, v1, s18;
	_ =	sdelay $0x1  }
0xfc: {  	v5 =	vimm.s32 $0x80000000;
	[tilespmem:s19+$0x0] =	vst.msk $0x1, v4  }
0xfd: {  	[tilespmem:s20+$0x0] =	vst.msk $0x1, v5  }
0xfe: {  	v4 =	vld [tilespmem:$0x170];
	_ =	sdelay $0x4  }
0xff: {  	v4 =	vshift.insert v4, v1, s18;
	_ =	sdelay $0x1  }
0x100: {  	[tilespmem:s21+$0x0] =	vst.msk $0x1, v4  }
0x101: {  	v6 =	vld [tilespmem:s16+$0x0]  }
0x102: {  	s2 =	simm.s32 $0x100  }
0x103: {  	v7 =	vld [tilespmem:s2+$0x0];
	_ =	sdelay $0x2  }
0x104: {  	vm4 =	vgt.s32 v6, v5  }
0x105: {  	v5 =	vsel vm4, v6, v5  }
0x106: {  	vm4 =	vne.s32 v7, $0xFFFFFFFF;
	v5 =	vxor.u32 $0x80000000, v5  }
0x107: {  	(xrf0) =	vmax.seg.scan.u32 vm4, v5  }
0x108: {  	s16 =	simm.s32 $0x280  }
0x109: {  	v8 =	vld [tilespmem:s16+$0x0]  }
0x10a: {  	v6 =	vld [tilespmem:$0xA0];
	_ =	sdelay $0x2  }
0x10b: {  	v5 =	vperm.xlane v4, v1;
	v9, _, _ =	vpop (xrf0)  }
0x10c: {  	vm6 =	veq.s32 v7, v3;
	v9 =	vxor.u32 $0x80000000, v9  }
0x10d: {  	vm8 =	veq.s32 v7, v5;
	vm5 =	veq.s32 v6, $0x1;
	vm7 =	vgt.s32 v9, v8  }
0x10e: {  	vm8 =	vmor vm8, vm6;
	v6 =	vsel vm7, v9, v8;
	vm7 =	vgt.u32 v7, $0xFFFFFFFD  }
0x10f: {  	v10 =	vld [tilespmem:$0x90];
	vm9 =	vmand vm4, vm3;
	vm4 =	vmor vm5, vm6;
	vm5 =	vmor vm8, vm7  }
0x110: {  	v8 =	vsel vm5, $0xFFFFFFFF, v7;
	_ =	sdelay $0x1  }
0x111: {  	s29 =	simm.s32 $0x480  }
0x112: {  	s30 =	simm.s32 $0x0;
	s31 =	simm.s32 $0x390;
	s0 =	simm.s32 $0x110;
	v11 =	vsel vm9, $0x80000000, v9;
	v6 =	vsel vm6, v9, v6  }
0x113: {  	s2 =	simm.s32 $0x490;
	s16 =	simm.s32 $0x290;
	[tilespmem:s29+$0x0] =	vst v6;
	v6 =	vsel vm6, v9, v10;
	v7 =	vshift.insert v11, v0, s18;
	(ifvalue) =	ssetifvalue $0xFFFFFFFF  }
.LBB3_5:
0x114: {  	[hbm4b:s1+s14] =	stream.indirect_vreg.scatter [tilespmem:s29], [sflag:$0x2], $0x1, v8, vm0, $0x4038;
	[tilespmem:$0x5A0] =	vst v63  }
0x115: {  	s30 =	sadd.s32 $0x10, s30;
	s29 =	smov.u32 s2;
	v8 =	vld [tilespmem:s31+$0x0]  }
0x116: {  	p0 =	slt.u32 s30, $0x70  }
0x117: {  	v9 =	vld [tilespmem:s0+$0x0];
	_ =	sdelay $0x2  }
0x118: {  	vm5 =	vgt.s32 v8, v7  }
0x119: {  	v7 =	vsel vm5, v8, v7  }
0x11a: {  	vm5 =	vne.s32 v9, $0xFFFFFFFF;
	v7 =	vxor.u32 $0x80000000, v7  }
0x11b: {  	(xrf0) =	vmax.seg.scan.u32 vm5, v7;
	_ =	sdelay $0x2  }
0x11c: {  	v7 =	vld [tilespmem:s16+$0x0];
	_ =	sdelay $0x1  }
0x11d: {  	vm6 =	veq.s32 v9, v3;
	vm7 =	veq.s32 v9, v5  }
0x11e: {  	vm8 =	vgt.u32 v9, $0xFFFFFFFD;
	vm4 =	vmor vm4, vm6;
	vm7 =	vmor vm7, vm6;
	v8, _, _ =	vpop (xrf0)  }
0x11f: {  	vm5 =	vmand vm5, vm3;
	vm7 =	vmor vm7, vm8;
	v10 =	vxor.u32 $0x80000000, v8  }
.Ltmp12:
0x120: {  	v8 =	vsel vm7, $0xFFFFFFFF, v9;
	vm7 =	vgt.s32 v10, v7;
	v9 =	vsel vm5, $0x80000000, v10;
	(pc) =	sbr.rel @p0 .LBB3_5-.Ltmp12, $4  }
0x121: {  	v6 =	vsel vm6, v10, v6;
	v11 =	vsel vm7, v10, v7;
	v7 =	vshift.insert v9, v0, s18  }
0x122: {  	v9 =	vsel vm6, v10, v11  }
0x123: {  	s31 =	sadd.s32 $0x10, s31;
	s0 =	sadd.s32 $0x10, s0;
	[tilespmem:s2+$0x0] =	vst v9  }
0x124: {  	s16 =	sadd.s32 $0x10, s16;
	s2 =	sadd.s32 $0x10, s2;
	(ifvalue) =	ssetifvalue $0xFFFFFFFF  }
0x125: {  	_ =	sdelay $0x3  }
0x126: {  	[hbm4b:s1+s14] =	stream.indirect_vreg.scatter [tilespmem:s29], [sflag:$0x2], $0x1, v8, vm0, $0x4038;
	[tilespmem:$0x5A0] =	vst v63  }
0x127: {  	v3 =	vld [tilespmem:$0x4F0];
	_ =	sdelay $0x4  }
0x128: {  	v3 =	vshift.insert v3, v1, s18;
	_ =	sdelay $0x1  }
0x129: {  	[tilespmem:s22+$0x0] =	vst.msk $0x1, v3  }
0x12a: {  	v3 =	vsel vm4, $0x1, v1;
	[tilespmem:$0x90] =	vst v6  }
0x12b: {  	[tilespmem:$0xA0] =	vst v3  }
0x12c: {  	[spmem:s12] =	stream.linear.scatter [tilespmem:s23], [sflag:$0x1], $0x1, $0x38;
	[tilespmem:$0x5A0] =	vst v63  }
0x12d: {  	v3 =	vmctz.xlane vm4;
	_ =	swait.ge [sflag:s3], $0x1  }
0x12e: {  	(v2sf) =	vpush v4, $0x0  }
0x12f: {  	(v2sf) =	vpush v3, $0x0;
	_ =	sdelay $0xd  }
0x130: {  	s0 =	spop (v2sf)  }
0x131: {  	s2 =	spop (v2sf)  }
0x132: {  	[sflag:s3] =	ssyncset.done $0x0;
	p0 =	sne.s32 s28, s0;
	p1 =	slt.s32 s2, $0xF  }
0x133: {  	[sflag:s3] =	ssyncadd.s32 $0xFFFFFFFF;
	v3 =	vimm.s32 @!p0 $0xFFFFFFFF;
	s2 =	simm.s32 @!p1 $0xF  }
0x134: {  	[tilespmem:$0x80] =	vst @!p0 v3;
	s31 =	sadd.s32 $0x90, s2  }
0x135: {  	[spmem:s10] =	stream.linear.scatter [tilespmem:s31], [sflag:$0x1], $0x1, $0x38;
	[tilespmem:$0x5A0] =	vst v63  }
0x136: {  	_ =	swait.ge [sflag:s3], $0x1  }
0x137: {  	[sflag:s3] =	ssyncset.done $0x0  }
0x138: {  	[sflag:s3] =	ssyncadd.s32 $0xFFFFFFFF  }
0x139: {  	[spmem:s13] =	stream.linear.scatter [tilespmem:s24], [sflag:$0x1], $0x1, $0x38;
	[tilespmem:$0x5A0] =	vst v63  }
0x13a: {  	_ =	swait.ge [sflag:s3], $0x1  }
0x13b: {  	[sflag:s3] =	ssyncset.done $0x0  }
0x13c: {  	[sflag:s3] =	ssyncadd.s32 $0xFFFFFFFF;
	(ifvalue) =	ssetifvalue $0xFFFFFFFF;
	v3 =	vld [tilespmem:$0x10];
	_ =	sdelay $0x3  }
.Ltmp13:
0x13d: {  	_ = 	snop;
	(pc) =	sbr.rel .LBB3_10-.Ltmp13, $3  }
0x13e: {  	_ =	sdelay $0x1  }
0x13f: {  	(ifvalue) =	ssetifvalue $0xFFFFFFFF  }
0x140: {  	[hbm4b:s1+s14] =	stream.indirect_vreg.scatter [tilespmem:s17], [sflag:$0x9], $0x1, v3, vm0, $0x4038;
	[tilespmem:$0x5A0] =	vst v63  }
.LBB3_8:
0x141: {  	s0 =	simm.s32 $0x2  }
0x142: {  	_ =	swait.ge [sflag:s0], $0x80  }
0x143: {  	[sflag:s0] =	ssyncset.done $0x0  }
0x144: {  	s31 =	simm.s32 $0x9;
	[sflag:s0] =	ssyncadd.s32 $0xFFFFFF80  }
0x145: {  	_ =	swait.ge [sflag:s31], $0x10  }
0x146: {  	[sflag:s31] =	ssyncset.done $0x0  }
0x147: {  	[sflag:s31] =	ssyncadd.s32 $0xFFFFFFF0  }
.LBB3_11:
0x148: {  	_ =	sfence.sel $0x180000  }
0x149: {  	s0 =	simm.s32 $0x7;
	[bflag:$0x0] =	sbarrier.arrive $0xFFFF  }
0x14a: {  	s26 =	simm.s32 $0x8;
	[sflag:s0] =	ssyncpa.u1 $0x1  }
0x14b: {  	s28 =	simm.s32 $0x9;
	[sflag:s26] =	ssyncpa.u1 $0x1  }
0x14c: {  	[sflag:s28] =	ssyncpa.u1 $0x1  }
0x14d: {  	_ =	sfence.stream.spmem  }
0x14e: {  	s29 =	simm.s32 $0x3;
	[bflag:$0x0] =	sbarrier.arrive $0xFFFF  }
0x14f: {  	s30 =	simm.s32 $0x4;
	[sflag:s29] =	ssyncpa.u1 $0x1  }
0x150: {  	s31 =	simm.s32 $0x3C;
	s2 =	stileid.u32;
	[sflag:s30] =	ssyncpa.u1 $0x1  }
0x151: {  	p0 =	sne.s32 s2, $0x0;
	[sflag:s31] =	ssyncpa.u1 $0x1  }
0x152: {  	s0 =	simm.s32 @p0 $0x1;
	_ =	sfence @p0  }
0x153: {  	[sflag:s0] =	ssyncpa.u1 @p0 $0x1;
	s0 =	simm.s32 @p0 $0x2  }
0x154: {  	[sflag:s0] =	ssyncpa.u1 @p0 $0x1  }
0x155: {  	_ =	strace @p0 $0x9000005C  }
0x156: {  	[bflag:$0x2] =	sbarrier.arrive @p0 $0xFFFF  }
0x157: {  	_ =	shalt @p0  }
.LBB3_12:
0x158: {  	_ =	sfence.stream.spmem;
	s2 =	simm.s32 $0x5  }
0x159: {  	s0 =	simm.s32 $0x80;
	s3 =	simm.s32 $0xC0;
	[sflag:s2] =	ssyncpa.u1 $0x0  }
0x15a: {  	[tilespmem:s3], [sflag:$0x5] =	stream.linear.gather [spmem:s0], $0x20, $0x38;
	[tilespmem:$0x5A0] =	vst v63  }
0x15b: {  	s30 =	simm.s32 $0xE0;
	s0 =	simm.s32 $0x0  }
0x15c: {  	[tilespmem:s30], [sflag:$0x5] =	stream.linear.gather [spmem:s0], $0x20, $0x38;
	[tilespmem:$0x5A0] =	vst v63  }
.Ltmp14:
0x15d: {  	_ = 	snop;
	(pc) =	sbr.rel .LBB3_13-.Ltmp14, $4  }
0x15e: {  	_ =	swait.ge [sflag:s2], $0x40  }
0x15f: {  	[sflag:s2] =	ssyncset.done $0x0  }
0x160: {  	s31 =	simm.s32 $0x6;
	[sflag:s2] =	ssyncadd.s32 $0xFFFFFFC0  }
0x161: {  	s2 =	simm.s32 $0x0;
	[sflag:s31] =	ssyncpa.u1 $0x0  }
.LBB3_18:
0x162: {  	p0 =	sgt.u32 s3, $0x87FF  }
0x163: {  	s4 =	sshrl.u32 @!p0 s3, $0x3  }
0x164: {  	s3 =	sand.u32 @!p0 $0x7, s3;
	s5 =	simm.s32 @!p0 $0xB0;
	s4 =	sadd.s32 @!p0 s1, s4  }
0x165: {  	[tilespmem:s5], [sflag:$0x6] =	stream.linear.gather @!p0 [hbm4b:s4+s3], $0x1, $0x38;
	[tilespmem:$0x5A0] =	vst v63  }
0x166: {  	s3 =	simm.s32 @!p0 $0x6  }
0x167: {  	_ =	swait.ge @!p0 [sflag:s3], $0x1  }
0x168: {  	[sflag:s3] =	ssyncset.done @!p0 $0x0  }
0x169: {  	[sflag:s3] =	ssyncadd.s32 @!p0 $0xFFFFFFFF  }
0x16a: {  	v1 =	vld.msk @!p0 [tilespmem:$0xB0], $0x1  }
0x16b: {  	v2 =	vld.msk @!p0 [tilespmem:s2+$0xE0], $0x1;
	_ =	sdelay $0x4  }
0x16c: {  	vm0 =	vgt.s32 @!p0 v2, v1  }
0x16d: {  	v1 =	vsel @!p0 vm0, v2, v1  }
0x16e: {  	[tilespmem:s2+$0xE0] =	vst.msk @!p0 $0x1, v1  }
0x16f: {  	[tilespmem:s0+$0xC0] =	vst.msk $0x1, v0  }
0x170: {  	v0 =	vld.msk [tilespmem:s2+$0xE0], $0x1;
	_ =	sdelay $0x4  }
0x171: {  	[tilespmem:s0+$0xE0] =	vst.msk $0x1, v0;
	s0 =	sadd.s32 $0x1, s0  }
.LBB3_20:
0x172: {  	s2 =	sadd.s32 $0x1, s2  }
0x173: {  	p0 =	sne.s32 s2, $0x20  }
.Ltmp15:
0x174: {  	_ = 	snop;
	(pc) =	sbr.rel @!p0 .LBB3_21-.Ltmp15, $1  }
0x175: {  	_ =	sdelay $0x3  }
.LBB3_13:
0x176: {  	v0 =	vld.msk [tilespmem:s2+$0xC0], $0x1;
	_ =	sdelay $0x4  }
0x177: {  	(v2sf) =	vpush v0, $0x0;
	_ =	sdelay $0xe  }
0x178: {  	s3 =	spop (v2sf)  }
0x179: {  	p0 =	seq.s32 s3, $0xFFFFFFFF  }
.Ltmp16:
0x17a: {  	_ = 	snop;
	(pc) =	sbr.rel @p0 .LBB3_20-.Ltmp16, $1  }
0x17b: {  	_ =	sdelay $0x3  }
0x17c: {  	p0 =	slt.s32 s0, $0x1  }
.Ltmp17:
0x17d: {  	_ = 	snop;
	(pc) =	sbr.rel @p0 .LBB3_18-.Ltmp17, $1  }
0x17e: {  	_ =	sdelay $0x3  }
0x17f: {  	s4 =	simm.s32 $0xC0;
	p0 =	por $0x0, $0x0  }
0x180: {  	v1 =	vld.msk @!p0 [tilespmem:s4+$0x0], $0x1;
	_ =	sdelay $0x4  }
0x181: {  	(v2sf) =	vpush @!p0 v1, $0x0;
	_ =	sdelay $0xd  }
0x182: {  	p2 =	sne.s32 s0, $0x1  }
.Ltmp18:
0x183: {  	s5 =	spop @!p0 (v2sf);
	(pc) =	sbr.rel @!p2 .LBB3_17-.Ltmp18, $4  }
0x184: {  	p1 =	seq.s32 @!p0 s3, s5  }
0x185: {  	s5 =	simm.s32 $0x0;
	p1 =	por !p1, p0  }
0x186: {  	s7 =	simm.s32 $0xFFFFFFFF;
	s5 =	simm.s32 @p1 $0xFFFFFFFF  }
0x187: {  	s6 =	simm.s32 $0x1;
	s5 =	smov.u32 @p0 s7  }
.LBB3_16:
0x188: {  	s7 =	smov.u32 s5;
	p0 =	sne.s32 s5, $0xFFFFFFFF  }
0x189: {  	s4 =	sadd.s32 $0x1, s4;
	s5 =	smov.u32 s6;
	s6 =	sadd.s32 $0x1, s6  }
0x18a: {  	p1 =	sne.s32 s0, s6;
	v1 =	vld.msk @!p0 [tilespmem:s4+$0x0], $0x1;
	_ =	sdelay $0x4  }
0x18b: {  	(v2sf) =	vpush @!p0 v1, $0x0;
	_ =	sdelay $0xe  }
.Ltmp19:
0x18c: {  	s8 =	spop @!p0 (v2sf);
	(pc) =	sbr.rel @p1 .LBB3_16-.Ltmp19, $4  }
0x18d: {  	p2 =	seq.s32 @!p0 s3, s8  }
0x18e: {  	p2 =	por !p2, p0  }
0x18f: {  	s5 =	simm.s32 @p2 $0xFFFFFFFF  }
0x190: {  	s5 =	smov.u32 @p0 s7  }
.LBB3_17:
0x191: {  	p0 =	sne.s32 s5, $0xFFFFFFFF  }
.Ltmp20:
0x192: {  	_ = 	snop;
	(pc) =	sbr.rel @!p0 .LBB3_18-.Ltmp20, $1  }
0x193: {  	_ =	sdelay $0x3  }
0x194: {  	v0 =	vld.msk [tilespmem:s2+$0xE0], $0x1  }
0x195: {  	v1 =	vld.msk [tilespmem:s5+$0xE0], $0x1;
	_ =	sdelay $0x2  }
.Ltmp21:
0x196: {  	_ = 	snop;
	(pc) =	sbr.rel .LBB3_20-.Ltmp21, $4  }
0x197: {  	_ = 	snop  }
0x198: {  	vm0 =	vgt.s32 v1, v0  }
0x199: {  	v0 =	vsel vm0, v1, v0  }
0x19a: {  	[tilespmem:s5+$0xE0] =	vst.msk $0x1, v0  }
.LBB3_21:
0x19b: {  	p0 =	slt.s32 s0, $0x1  }
.Ltmp22:
0x19c: {  	_ = 	snop;
	(pc) =	sbr.rel @p0 .LBB3_25-.Ltmp22, $3  }
0x19d: {  	_ =	sdelay $0x1  }
0x19e: {  	s2 =	simm.s32 $0x6  }
0x19f: {  	[sflag:s2] =	ssyncpa.u1 $0x1;
	s2 =	simm.s32 $0x0  }
0x1a0: {  	s3 =	simm.s32 $0xC0  }
0x1a1: {  	v0 =	vld.msk [tilespmem:s3+$0x0], $0x1;
	_ =	sdelay $0x4  }
0x1a2: {  	(v2sf) =	vpush v0, $0x0;
	_ =	sdelay $0xe  }
0x1a3: {  	s0 =	sadd.s32 $0xFFFFFFFF, s0;
	s4 =	spop (v2sf)  }
0x1a4: {  	p1 =	sne.s32 s0, $0x0;
	p0 =	sgt.u32 s4, $0x87FF  }
.Ltmp23:
0x1a5: {  	s5 =	sshrl.u32 @!p0 s4, $0x3;
	(pc) =	sbr.rel @!p1 .LBB3_24-.Ltmp23, $4  }
0x1a6: {  	s3 =	simm.s32 $0xE0;
	s4 =	sand.u32 @!p0 $0x7, s4;
	s5 =	sadd.s32 @!p0 s1, s5  }
0x1a7: {  	[hbm4b:s5+s4] =	stream.linear.scatter @!p0 [tilespmem:s3], [sflag:$0x5], $0x1, $0x38;
	[tilespmem:$0x5A0] =	vst v63  }
0x1a8: {  	s5 =	simm.s32 $0x0  }
0x1a9: {  	s4 =	simm.s32 $0xC1;
	s5 =	simm.s32 @!p0 $0x4  }
.LBB3_23:
0x1aa: {  	v0 =	vld.msk [tilespmem:s4+$0x0], $0x1;
	s0 =	sadd.s32 $0xFFFFFFFF, s0;
	s2 =	sadd.s32 s2, s5  }
0x1ab: {  	p0 =	sne.s32 s0, $0x0;
	_ =	sdelay $0x3  }
0x1ac: {  	(v2sf) =	vpush v0, $0x0;
	_ =	sdelay $0xe  }
.Ltmp24:
0x1ad: {  	s6 =	spop (v2sf);
	(pc) =	sbr.rel @p0 .LBB3_23-.Ltmp24, $4  }
0x1ae: {  	s5 =	simm.s32 $0x0;
	p1 =	sgt.u32 s6, $0x87FF  }
0x1af: {  	s3 =	sadd.s32 $0x1, s3;
	s5 =	simm.s32 @!p1 $0x4;
	s7 =	sshrl.u32 @!p1 s6, $0x3  }
0x1b0: {  	s4 =	sadd.s32 $0x1, s4;
	s6 =	sand.u32 @!p1 $0x7, s6;
	s7 =	sadd.s32 @!p1 s1, s7  }
0x1b1: {  	[hbm4b:s7+s6] =	stream.linear.scatter @!p1 [tilespmem:s3], [sflag:$0x5], $0x1, $0x38;
	[tilespmem:$0x5A0] =	vst v63  }
.LBB3_24:
0x1b2: {  	s0 =	sadd.s32 s2, s5  }
0x1b3: {  	s2 =	sshrl.u32 s0, $0x2  }
.LBB3_25:
0x1b4: {  	s0 =	simm.s32 $0x5  }
0x1b5: {  	_ =	swait.ge [sflag:s0], s2  }
0x1b6: {  	s1 =	ssub.s32 $0x0, s2;
	[sflag:s0] =	ssyncset.done $0x0  }
0x1b7: {  	[sflag:s0] =	ssyncadd.s32 s1  }
0x1b8: {  	[sflag:s0] =	ssyncpa.u1 $0x1  }
0x1b9: {  	s29 =	simm.s32 $0x1;
	_ =	sfence  }
0x1ba: {  	s30 =	simm.s32 $0x2;
	[sflag:s29] =	ssyncpa.u1 $0x1  }
0x1bb: {  	[sflag:s30] =	ssyncpa.u1 $0x1  }
0x1bc: {  	_ =	strace $0x9000005C  }
0x1bd: {  	[bflag:$0x2] =	sbarrier.arrive $0xFFFF  }
0x1be: {  	s31 =	rddreg [dreg:$0x1]  }
0x1bf: {  	s0 =	sadd.s32 $0x100000, s31  }
0x1c0: {  	[sflag:s0] =	ssyncadd.tile.s32 $0x1;
	_ =	shalt  }
.Lfunc_end3:
_tile_overlayer_lowered:
.L_overlay_start_3:
0x1c1: {  	(tag) =	ssettag $0x3  }
0x1c2: {  	s0 =	rddreg [dreg:$0x0];
	s2 =	stileid.u32  }
0x1c3: {  	s1 =	rddreg [dreg:$0x1];
	p0 =	sne.s32 s2, $0x0  }
0x1c4: {  	s3 =	rddreg [dreg:$0x2];
	[bflag:$0x3] =	sbarrier.arrive $0xFFFF;
	s2 =	simm.s32 @!p0 $0x1C01  }
0x1c5: {  	[timem:s3], [sflag:s2] =	dma.local @!p0 [hbm:s0], s1  }
0x1c6: {  	s0 =	simm.s32 @!p0 $0x1  }
0x1c7: {  	_ =	swait.ge @!p0 [sflag:s0], s1  }
0x1c8: {  	s1 =	ssub.s32 @!p0 $0x0, s1;
	[sflag:s0] =	ssyncset.done @!p0 $0x0  }
0x1c9: {  	[sflag:s0] =	ssyncadd.s32 @!p0 s1  }
0x1ca: {  	[bflag:$0x3] =	sbarrier.arrive $0xFFFF  }
0x1cb: {  	_ =	shalt  }

// kernel: scatter_offload_async_start
scs
__scs_entry_jumppad:
0x0: {  	(pc) =	sbr.rel $0x88, $3  }
0x1: {  	(tag) =	ssettag $0x0;
	lr =	simm.s32 $0x1  }
0x2: {  	[smem:$0x3F79] =	sst lr;
	_ =	strace $0xD0000000  }
0x3: {  	_ = 	snop  }
0x4: {  	_ = 	snop  }
0x5: {  	_ = 	snop  }
0x6: {  	_ = 	snop  }
0x7: {  	_ = 	snop  }
__scs_overlays_trampoline_lowered:
0x8: {  	[smem:$0x3F88] =	sst s0  }
0x9: {  	[smem:$0x3F89] =	sst s1  }
0xa: {  	[smem:$0x3F8A] =	sst s2  }
0xb: {  	[smem:$0x3F8B] =	sst s3  }
0xc: {  	[smem:$0x3F8C] =	sst s4  }
0xd: {  	[smem:$0x3F8D] =	sst s5  }
0xe: {  	[smem:$0x3F8E] =	sst s6  }
0xf: {  	[smem:$0x3F8F] =	sst s7  }
0x10: {  	[smem:$0x3F90] =	sst s8  }
0x11: {  	[smem:$0x3F91] =	sst s9;
	s0 =	simm.s32 @!p0 $0x0  }
0x12: {  	s1 =	sld [smem:$0x3F77];
	s0 =	simm.s32 @p0 $0x1  }
0x13: {  	[smem:$0x3F92] =	sst s0;
	s0 =	simm.s32 @!p1 $0x0  }
0x14: {  	s2 =	sld [smem:$0x3F76];
	s0 =	simm.s32 @p1 $0x1  }
0x15: {  	[smem:$0x3F93] =	sst s0;
	s0 =	simm.s32 @!p2 $0x0  }
0x16: {  	s3 =	sld [smem:$0x3FDB];
	s0 =	simm.s32 @p2 $0x1  }
0x17: {  	s4 =	simm.s32 $0x1BF5;
	[smem:$0x3F95] =	sst s0  }
0x18: {  	s0 =	sld [smem:$0x3F78];
	_ =	swait.ge [sflag:s4], $0x0  }
0x19: {  	s7 =	sld [smem:$0x3F79]  }
0x1a: {  	s8 =	sadd.s32 $0xFFFFE003, lr  }
0x1b: {  	s9 =	sadd.s32 $0xFFFFFEF7, lr;
	s5 =	simm.s32 $0xFFFFFFFF;
	p2 =	slt.u32 s8, $0xFFFFF086  }
0x1c: {  	p1 =	slt.u32 s9, $0xF7A;
	s5 =	simm.s32 @!p2 $0x0  }
0x1d: {  	s5 =	simm.s32 @p1 $0x1;
	p0 =	seq.s32 s7, s2  }
0x1e: {  	s7 =	smul.u32 @!p0 $0xF7A, s2;
	p2 =	seq.s32 @!p0 s5, $0x0  }
0x1f: {  	s9 =	smul.u32 $0xF7A, s1;
	s8 =	simm.s32 @!p0 $0x1BF5;
	p2 =	por !p2, p0  }
0x20: {  	[sflag:s8] =	ssyncset.s32 @!p0 $0xFFFFF086;
	s6 =	sadd.s32 @!p0 s3, s7;
	s7 =	simm.s32 @!p0 $0x108  }
0x21: {  	s3 =	sadd.s32 s3, s9;
	s6 =	sadd.s32 @!p0 $0x88, s6;
	s7 =	simm.s32 @p2 $0x1082  }
0x22: {  	[simem:s7], [sflag:s8] =	dma.local @!p0 [hbm:s6], $0xF7A  }
0x23: {  	s9 =	sor.u32 $0xD0000000, s2;
	s6 =	simm.s32 $0x108;
	_ =	swait.ge @!p0 [sflag:s8], $0x0  }
0x24: {  	s3 =	sadd.s32 $0x88, s3;
	s6 =	simm.s32 @!p1 $0x1082;
	[sflag:s4] =	ssyncset.s32 $0xFFFFF086  }
0x25: {  	[simem:s6], [sflag:s4] =	dma.local [hbm:s3], $0xF7A  }
0x26: {  	[smem:$0x3F79] =	sst s1;
	(tag) =	ssettag s2;
	_ =	strace s9  }
0x27: {  	s1 =	sld [smem:$0x3F89]  }
0x28: {  	s2 =	sld [smem:$0x3F8A]  }
0x29: {  	s4 =	sld [smem:$0x3F8C]  }
0x2a: {  	p0 =	seq.s32 s5, $0x0;
	s5 =	sld [smem:$0x3F8D]  }
0x2b: {  	s6 =	sld [smem:$0x3F8E]  }
0x2c: {  	s7 =	sld [smem:$0x3F8F]  }
0x2d: {  	s3 =	simm.s32 $0x108;
	s8 =	sld [smem:$0x3F90]  }
0x2e: {  	s3 =	simm.s32 @!p0 $0x1082;
	s9 =	sld [smem:$0x3F91]  }
0x2f: {  	lr =	sadd.s32 s0, s3;
	s0 =	sld [smem:$0x3F88]  }
0x30: {  	s3 =	sld [smem:$0x3F8B]  }
0x31: {  	[smem:$0x3F94] =	sst s10  }
0x32: {  	s10 =	sld [smem:$0x3F92];
	_ =	sdelay $0x3  }
0x33: {  	p0 =	seq.s32 s10, $0x1;
	s10 =	sld [smem:$0x3F94];
	_ =	sdelay $0x3  }
0x34: {  	[smem:$0x3F94] =	sst s10  }
0x35: {  	s10 =	sld [smem:$0x3F93];
	_ =	sdelay $0x3  }
0x36: {  	p1 =	seq.s32 s10, $0x1;
	s10 =	sld [smem:$0x3F94];
	_ =	sdelay $0x3  }
0x37: {  	[smem:$0x3F94] =	sst s10  }
0x38: {  	s10 =	sld [smem:$0x3F95]  }
0x39: {  	_ = 	snop;
	(pc) =	sbr.ind lr, $3  }
0x3a: {  	_ = 	snop  }
0x3b: {  	_ = 	snop  }
0x3c: {  	p2 =	seq.s32 s10, $0x1;
	s10 =	sld [smem:$0x3F94]  }
0x3d: {  	_ =	shalt  }
0x3e: {  	_ =	shalt  }
0x3f: {  	_ =	shalt  }
0x40: {  	_ =	shalt  }
0x41: {  	_ =	shalt  }
0x42: {  	_ =	shalt  }
0x43: {  	_ =	shalt  }
0x44: {  	_ =	shalt  }
0x45: {  	_ =	shalt  }
0x46: {  	_ =	shalt  }
0x47: {  	_ =	shalt  }
0x48: {  	_ =	shalt  }
0x49: {  	_ =	shalt  }
0x4a: {  	_ =	shalt  }
0x4b: {  	_ =	shalt  }
0x4c: {  	_ =	shalt  }
0x4d: {  	_ =	shalt  }
0x4e: {  	_ =	shalt  }
0x4f: {  	_ =	shalt  }
0x50: {  	_ =	shalt  }
0x51: {  	_ =	shalt  }
0x52: {  	_ =	shalt  }
0x53: {  	_ =	shalt  }
0x54: {  	_ =	shalt  }
0x55: {  	_ =	shalt  }
0x56: {  	_ =	shalt  }
0x57: {  	_ =	shalt  }
0x58: {  	_ =	shalt  }
0x59: {  	_ =	shalt  }
0x5a: {  	_ =	shalt  }
0x5b: {  	_ =	shalt  }
0x5c: {  	_ =	shalt  }
0x5d: {  	_ =	shalt  }
0x5e: {  	_ =	shalt  }
0x5f: {  	_ =	shalt  }
0x60: {  	_ =	shalt  }
0x61: {  	_ =	shalt  }
0x62: {  	_ =	shalt  }
0x63: {  	_ =	shalt  }
0x64: {  	_ =	shalt  }
0x65: {  	_ =	shalt  }
0x66: {  	_ =	shalt  }
0x67: {  	_ =	shalt  }
0x68: {  	_ =	shalt  }
0x69: {  	_ =	shalt  }
0x6a: {  	_ =	shalt  }
0x6b: {  	_ =	shalt  }
0x6c: {  	_ =	shalt  }
0x6d: {  	_ =	shalt  }
0x6e: {  	_ =	shalt  }
0x6f: {  	_ =	shalt  }
0x70: {  	_ =	shalt  }
0x71: {  	_ =	shalt  }
0x72: {  	_ =	shalt  }
0x73: {  	_ =	shalt  }
0x74: {  	_ =	shalt  }
0x75: {  	_ =	shalt  }
0x76: {  	_ =	shalt  }
0x77: {  	_ =	shalt  }
0x78: {  	_ =	shalt  }
0x79: {  	_ =	shalt  }
0x7a: {  	_ =	shalt  }
0x7b: {  	_ =	shalt  }
0x7c: {  	_ =	shalt  }
0x7d: {  	_ =	shalt  }
0x7e: {  	_ =	shalt  }
0x7f: {  	_ =	shalt  }
0x80: {  	_ =	shalt  }
0x81: {  	_ =	shalt  }
0x82: {  	_ =	shalt  }
0x83: {  	_ =	shalt  }
0x84: {  	_ =	shalt  }
0x85: {  	_ =	shalt  }
0x86: {  	_ =	shalt  }
0x87: {  	_ =	shalt  }
.Lfunc_end0:
.L_simem_size_0:
called_computation_lowered:
.L_overlay_start_0:
0x88: {  	s0 =	sld [smem:$0x3FD9]  }
0x89: {  	s1 =	sld [smem:$0x3FFE];
	_ =	sdelay $0x3  }
0x8a: {  	s0 =	sadd.s32 s1, s0  }
0x8b: {  	[smem:$0x3FA0] =	sst s0  }
0x8c: {  	_ = 	snop  }
0x8d: {  	s14 =	sld [smem:$0x3FD0];
	(tm) =	ssettm $0x1  }
0x8e: {  	s15 =	sld [smem:$0x3FFB];
	_ =	sdelay $0x3  }
0x8f: {  	_ =	strace s15  }
0x90: {  	s0 =	sld [smem:$0x3FFC];
	_ =	sdelay $0x3  }
0x91: {  	_ =	strace s0  }
0x92: {  	s0 =	sld [smem:$0x3FFD];
	_ =	sdelay $0x3  }
0x93: {  	_ =	strace s0  }
0x94: {  	_ =	strace $0x8FFFFFFF  }
0x95: {  	s16 =	sld [smem:$0x3FDB];
	_ =	sdelay $0x1  }
0x96: {  	s2 =	simm.s32 $_scs_section_size  }
0x97: {  	s3 =	simm.s32 $_size__tile_overlayer_lowered;
	s4 =	simm.s32 $_tile_overlayer_lowered  }
0x98: {  	s5 =	simm.s32 $0x1BFF;
	s17 =	sshll.u32 s4, $0x1;
	s2 =	sadd.s32 s2, s16  }
0x99: {  	s18 =	simm.s32 $0x0;
	s3 =	sshll.u32 s3, $0x1;
	s4 =	sadd.s32 s17, s2  }
0x9a: {  	[timem:s18], [sflag:s5] =	dma.local [hbm:s4], s3  }
0x9b: {  	_ =	swait.ge [sflag:s5], s3  }
0x9c: {  	s3 =	ssub.s32 $0x0, s3;
	[sflag:s5] =	ssyncset.done $0x0  }
0x9d: {  	[sflag:s5] =	ssyncadd.s32 s3;
	_ =	sdelay $0x1  }
0x9e: {  	s19 =	simm.s32 $0x1B8B  }
0x9f: {  	_ =	swait.ge [sflag:s19], $0x1  }
0xa0: {  	[sflag:s19] =	ssyncset.done $0x0  }
0xa1: {  	s21 =	simm.s32 $0x1B8E;
	s20 =	sld [smem:$0x3FFE];
	[sflag:s19] =	ssyncadd.s32 $0xFFFFFFFF  }
0xa2: {  	s22 =	simm.s32 $execute0_lowered;
	[smem:$0x3FD2] =	sst s21  }
0xa3: {  	s4 =	sshll.u32 s22, $0x1;
	_ =	strace $0x80000049;
	[dreg:$0x1] =	wrdreg $0xFFFFFFFF  }
0xa4: {  	s23 =	simm.s32 $_size_execute0_lowered;
	s4 =	sadd.s32 s2, s4;
	[dreg:$0x0] =	wrdreg $0x0  }
0xa5: {  	s5 =	sshll.u32 s23, $0x1;
	[dreg:$0x2] =	wrdreg s4  }
0xa6: {  	[dreg:$0x3] =	wrdreg s5  }
0xa7: {  	[dreg:$0x4] =	wrdreg $0xC0  }
0xa8: {  	s24 =	simm.s32 $execute1_lowered;
	_ =	task [dreg:s18], $0x5FFFF  }
0xa9: {  	s4 =	sshll.u32 s24, $0x1;
	[dreg:$0x1] =	wrdreg $0xFFFFFFFF  }
0xaa: {  	s2 =	sadd.s32 s2, s4;
	[dreg:$0x0] =	wrdreg $0x60  }
0xab: {  	[dreg:$0x2] =	wrdreg s2  }
0xac: {  	[dreg:$0x3] =	wrdreg s20  }
0xad: {  	[dreg:$0x4] =	wrdreg $0xE  }
0xae: {  	_ =	task.clear_ibuf [dreg:s18], $0x5FFFF;
	_ =	strace $0x90000049  }
0xaf: {  	s25 =	simm.s32 $0xE;
	_ =	strace $0x8000004B  }
0xb0: {  	_ =	swait.ge [sflag:s25], $0x1  }
0xb1: {  	[sflag:s25] =	ssyncadd.s32 $0xFFFFFFFF  }
0xb2: {  	_ =	strace $0x9000004B  }
0xb3: {  	_ =	strace $0x8000004C;
	[dreg:$0x1] =	wrdreg $0xFFFFFFFF  }
0xb4: {  	[dreg:$0x0] =	wrdreg $0x2030  }
0xb5: {  	[dreg:$0x2] =	wrdreg s20  }
0xb6: {  	[dreg:$0x3] =	wrdreg s14  }
0xb7: {  	[dreg:$0x4] =	wrdreg $0xF  }
0xb8: {  	_ =	task.clear_ibuf [dreg:s18], $0x5FFFF;
	_ =	strace $0x9000004C  }
0xb9: {  	s26 =	simm.s32 $0xF;
	_ =	strace $0x8000004E  }
0xba: {  	_ =	swait.ge [sflag:s26], $0x1  }
0xbb: {  	[sflag:s26] =	ssyncadd.s32 $0xFFFFFFFF  }
0xbc: {  	_ =	strace $0x9000004E  }
0xbd: {  	_ =	sfence  }
0xbe: {  	s28 =	sld [smem:$0x0];
	_ =	sdelay $0x1  }
0xbf: {  	s29 =	srdreg.scid  }
0xc0: {  	s30 =	sshll.u32 s29, $0xD;
	s31 =	sshrl.u32 s29, $0x2  }
0xc1: {  	s3 =	sand.u32 $0x4000, s30;
	s2 =	sand.u32 $0x1, s29;
	s1 =	sadd.s32 s31, s28  }
0xc2: {  	s2 =	sor.u32 s3, s2;
	s1 =	sshll.u32 s1, $0x11  }
0xc3: {  	s1 =	sor.u32 s1, s2  }
0xc4: {  	s1 =	sadd.s32 $0x8F2B, s1  }
0xc5: {  	[sflag:s1] =	ssyncadd.remote.s32 $0x1  }
0xc6: {  	_ =	sfence.sel $0xFFFF  }
0xc7: {  	[dreg:$0x0] =	wrdreg $0xFFFFFFFF;
	(pc) =	sbr.abs _section_cstart, $3  }
0xc8: {  	[dreg:$0x1] =	wrdreg $0xFFFFFFFF  }
0xc9: {  	_ =	task.clear_ibuf [dreg:s18], $0x2FFFF;
	_ =	strace $0x9FFFFFFF  }
0xca: {  	(tm) =	ssettm $0x7FFFFFFF  }
0xcb: {  	_ =	shalt  }
tec
execute0_lowered:
.L_overlay_start_1:
0x0: {  	(tag) =	ssettag $0x1  }
0x1: {  	s3 =	rddreg [dreg:$0x0]  }
0x2: {  	s4 =	rddreg [dreg:$0x1]  }
0x3: {  	s0 =	rddreg [dreg:$0x2];
	s1 =	simm.s32 $_size_execute1_lowered  }
0x4: {  	s5 =	stileid.u32;
	[bflag:$0x3] =	sbarrier.arrive $0xFFFF;
	s8 =	simm.s32 $0x2  }
0x5: {  	s10 =	simm.s32 $0x0;
	s9 =	simm.s32 $0x0;
	s1 =	sshll.u32 s1, $0x1  }
0x6: {  	p0 =	sne.s32 s5, $0x0;
	s2 =	smul.u32 $0x880, s5;
	p1 =	seq.s32 s5, $0x0  }
0x7: {  	s5 =	simm.s32 $0x1;
	s6 =	simm.s32 @!p0 $0x1C3F;
	s7 =	simm.s32 @!p0 $0x4060  }
0x8: {  	[timem:s7], [sflag:s6] =	dma.local @!p0 [hbm:s3], s1  }
.Ltmp0:
0x9: {  	s5 =	simm.s32 @!p1 $0x0;
	s30 =	sshrl.u32 s2, $0x3;
	(pc) =	sbr.rel .LBB2_1-.Ltmp0, $4  }
0xa: {  	s3 =	sadd.s32 $0x11000, s4;
	s7 =	simm.s32 $0x1;
	_ =	strace $0x8000004A  }
0xb: {  	s31 =	sadd.s32 s30, s4;
	s4 =	simm.s32 $0x1;
	s7 =	simm.s32 @!p0 $0x0  }
0xc: {  	[sflag:s4] =	ssyncpa.u1 $0x0;
	s5 =	sadd.s32 s7, s5;
	s6 =	sadd.s32 $0xFE00, s31  }
0xd: {  	[sflag:s8] =	ssyncpa.u1 $0x0;
	s7 =	sadd.s32 $0x1, s5;
	s8 =	simm.s32 $0x0  }
.LBB2_7:
0xe: {  	p2 =	sne.s32 s9, s7  }
.Ltmp1:
0xf: {  	p1 =	slt.u32 s9, $0x2;
	(pc) =	sbr.rel @!p2 .LBB2_8-.Ltmp1, $4  }
0x10: {  	s10 =	simm.s32 @!p1 $0x2  }
0x11: {  	_ =	swait.ge @!p1 [sflag:s10], $0x880  }
0x12: {  	s11 =	sadd.s32 $0x1, s9;
	[sflag:s10] =	ssyncset.done @!p1 $0x0  }
0x13: {  	s9 =	smov.u32 s11;
	[sflag:s10] =	ssyncadd.s32 @!p1 $0xFFFFF780;
	s10 =	smov.u32 s2  }
.LBB2_1:
0x14: {  	p1 =	sge.u32 s9, s5  }
0x15: {  	s11 =	sxor.u32 @!p1 $0x1, s9  }
0x16: {  	s11 =	smul.u32 @!p1 $0x2200, s11;
	_ =	sdelay $0x1  }
0x17: {  	s31 =	sadd.s32 $0xFFFFFFFF, s9;
	s12 =	simm.s32 @!p1 $0x0;
	s11 =	sshra.s32 @!p1 s11, $0x2  }
0x18: {  	[tilespmem:s11], [sflag:$0x1] =	stream.linear.gather @!p1 [hbm4b:s6+s12], $0x880, $0x38;
	[tilespmem:$0x2200] =	vst v63  }
0x19: {  	p1 =	sge.u32 s31, s5  }
.Ltmp2:
0x1a: {  	_ = 	snop;
	(pc) =	sbr.rel @p1 .LBB2_7-.Ltmp2, $1  }
0x1b: {  	_ =	sdelay $0x3  }
0x1c: {  	s11 =	sand.u32 $0x1, s9  }
0x1d: {  	_ =	swait.ge [sflag:s4], $0x880;
	s13 =	simm.s32 $0x880;
	p1 =	seq.s32 s11, $0x1  }
0x1e: {  	[sflag:s4] =	ssyncset.done $0x0;
	s13 =	simm.s32 @!p1 $0x0  }
0x1f: {  	[sflag:s4] =	ssyncadd.s32 $0xFFFFF780;
	s15 =	sadd.s32 $0x80, s13  }
0x20: {  	v0 =	vld [tilespmem:s15+$0x70]  }
0x21: {  	v1 =	vld [tilespmem:s15+$0xFFFFFF90]  }
0x22: {  	v2 =	vld [tilespmem:s15+$0xFFFFFFA0]  }
0x23: {  	v3 =	vld [tilespmem:s15+$0xFFFFFFB0]  }
0x24: {  	s11 =	sadd.s32 $0x1180, s13;
	v4 =	vld [tilespmem:s15+$0xFFFFFFC0]  }
0x25: {  	v5 =	vld [tilespmem:s15+$0xFFFFFFD0];
	[tilespmem:s11+$0x70] =	vst v0  }
0x26: {  	[tilespmem:s11+$0xFFFFFF90] =	vst v1;
	v0 =	vld [tilespmem:s15+$0xFFFFFFE0]  }
0x27: {  	[tilespmem:s11+$0xFFFFFFA0] =	vst v2;
	v1 =	vld [tilespmem:s15+$0xFFFFFFF0]  }
0x28: {  	[tilespmem:s11+$0xFFFFFFB0] =	vst v3;
	v2 =	vld [tilespmem:s15+$0x0]  }
0x29: {  	[tilespmem:s11+$0xFFFFFFC0] =	vst v4;
	v3 =	vld [tilespmem:s15+$0x10]  }
0x2a: {  	[tilespmem:s11+$0xFFFFFFD0] =	vst v5;
	v5 =	vld [tilespmem:s15+$0x20]  }
0x2b: {  	[tilespmem:s11+$0xFFFFFFE0] =	vst v0;
	v0 =	vld [tilespmem:s15+$0x30]  }
0x2c: {  	[tilespmem:s11+$0xFFFFFFF0] =	vst v1;
	v1 =	vld [tilespmem:s15+$0x40]  }
0x2d: {  	[tilespmem:s11+$0x0] =	vst v2;
	v2 =	vld [tilespmem:s15+$0x50]  }
0x2e: {  	s14 =	simm.s32 $0x0;
	[tilespmem:s11+$0x10] =	vst v3;
	v3 =	vld [tilespmem:s15+$0x60]  }
0x2f: {  	s12 =	sor.u32 $0x1100, s13;
	s13 =	sshll.u32 s13, $0x2;
	v4 =	vld [tilespmem:s15+$0xFFFFFF80];
	[tilespmem:s11+$0x20] =	vst v5;
	s15 =	sadd.s32 $0x100, s15  }
.LBB2_3:
0x30: {  	v5 =	vld [tilespmem:s15+$0x70];
	s14 =	sadd.s32 $0x100, s14;
	[tilespmem:s11+$0x30] =	vst v0  }
0x31: {  	v0 =	vld [tilespmem:s15+$0xFFFFFF90];
	p1 =	slt.u32 s14, $0x700;
	[tilespmem:s11+$0x40] =	vst v1  }
0x32: {  	v1 =	vld [tilespmem:s15+$0xFFFFFFA0];
	[tilespmem:s11+$0x50] =	vst v2  }
0x33: {  	v2 =	vld [tilespmem:s15+$0xFFFFFFB0];
	[tilespmem:s11+$0x60] =	vst v3  }
0x34: {  	v3 =	vld [tilespmem:s15+$0xFFFFFFC0];
	[tilespmem:s11+$0xFFFFFF80] =	vst v4;
	s11 =	sadd.s32 $0x100, s11  }
0x35: {  	v4 =	vld [tilespmem:s15+$0xFFFFFFD0];
	[tilespmem:s11+$0x70] =	vst v5  }
0x36: {  	[tilespmem:s11+$0xFFFFFF90] =	vst v0;
	v0 =	vld [tilespmem:s15+$0xFFFFFFE0]  }
0x37: {  	[tilespmem:s11+$0xFFFFFFA0] =	vst v1;
	v1 =	vld [tilespmem:s15+$0xFFFFFFF0]  }
0x38: {  	[tilespmem:s11+$0xFFFFFFB0] =	vst v2;
	v2 =	vld [tilespmem:s15+$0x0]  }
0x39: {  	[tilespmem:s11+$0xFFFFFFC0] =	vst v3;
	v3 =	vld [tilespmem:s15+$0x10]  }
0x3a: {  	[tilespmem:s11+$0xFFFFFFD0] =	vst v4;
	v5 =	vld [tilespmem:s15+$0x20]  }
.Ltmp3:
0x3b: {  	[tilespmem:s11+$0xFFFFFFE0] =	vst v0;
	v0 =	vld [tilespmem:s15+$0x30];
	(pc) =	sbr.rel @p1 .LBB2_3-.Ltmp3, $4  }
0x3c: {  	[tilespmem:s11+$0xFFFFFFF0] =	vst v1;
	v1 =	vld [tilespmem:s15+$0x40]  }
0x3d: {  	[tilespmem:s11+$0x0] =	vst v2;
	v2 =	vld [tilespmem:s15+$0x50]  }
0x3e: {  	[tilespmem:s11+$0x10] =	vst v3;
	v3 =	vld [tilespmem:s15+$0x60]  }
0x3f: {  	v4 =	vld [tilespmem:s15+$0xFFFFFF80];
	[tilespmem:s11+$0x20] =	vst v5;
	s15 =	sadd.s32 $0x100, s15  }
0x40: {  	[tilespmem:s11+$0x30] =	vst v0  }
0x41: {  	[tilespmem:s11+$0x40] =	vst v1  }
0x42: {  	[tilespmem:s11+$0x50] =	vst v2  }
0x43: {  	s13 =	sshrl.u32 s13, $0x2;
	[tilespmem:s11+$0x60] =	vst v3  }
0x44: {  	s14 =	simm.s32 $0x7F0;
	[tilespmem:s11+$0xFFFFFF80] =	vst v4;
	s11 =	sadd.s32 $0x1900, s13;
	s13 =	sadd.s32 $0x800, s13  }
.LBB2_5:
0x45: {  	s14 =	sadd.s32 $0x10, s14  }
0x46: {  	v0 =	vld [tilespmem:s13+$0x0];
	p1 =	slt.u32 s14, $0x870  }
.Ltmp4:
0x47: {  	_ = 	snop;
	(pc) =	sbr.rel @p1 .LBB2_5-.Ltmp4, $2  }
0x48: {  	_ =	sdelay $0x2  }
0x49: {  	s13 =	sadd.s32 $0x10, s13;
	[tilespmem:s11+$0x0] =	vst v0;
	s11 =	sadd.s32 $0x10, s11  }
.Ltmp5:
0x4a: {  	(pc) =	sbr.rel .LBB2_7-.Ltmp5, $4  }
0x4b: {  	_ = 	snop  }
0x4c: {  	s10 =	sshrl.u32 s10, $0x3  }
0x4d: {  	s10 =	sadd.s32 s3, s10  }
0x4e: {  	[hbm4b:s10+s8] =	stream.linear.scatter [tilespmem:s12], [sflag:$0x2], $0x880, $0x38;
	[tilespmem:$0x2200] =	vst v63  }
.LBB2_8:
0x4f: {  	_ =	sfence.sel $0x180000  }
0x50: {  	s2 =	simm.s32 $0x1;
	[bflag:$0x0] =	sbarrier.arrive $0xFFFF  }
0x51: {  	s31 =	simm.s32 $0x2;
	[sflag:s2] =	ssyncpa.u1 $0x1  }
0x52: {  	[sflag:s31] =	ssyncpa.u1 $0x1  }
0x53: {  	_ =	strace $0x9000004A  }
0x54: {  	s0 =	sadd.s32 @!p0 $0x100000, s0;
	[bflag:$0x2] =	sbarrier.arrive $0xFFFF  }
0x55: {  	[sflag:s0] =	ssyncadd.tile.s32 @!p0 $0x1;
	s0 =	simm.s32 @!p0 $0x3F  }
0x56: {  	_ =	swait.ge @!p0 [sflag:s0], s1  }
0x57: {  	s1 =	ssub.s32 @!p0 $0x0, s1;
	[sflag:s0] =	ssyncset.done @!p0 $0x0  }
0x58: {  	[sflag:s0] =	ssyncadd.s32 @!p0 s1  }
0x59: {  	[bflag:$0x3] =	sbarrier.arrive $0xFFFF  }
0x5a: {  	_ =	shalt  }
.Lfunc_end2:
execute1_lowered:
.L_overlay_start_2:
0x5b: {  	(tag) =	ssettag $0x2  }
0x5c: {  	s0 =	rddreg [dreg:$0x0];
	_ =	strace $0x8000004D;
	s4 =	simm.s32 $0x1  }
0x5d: {  	v1 =	vimm.s32 $0xFFFFFFFF;
	[sflag:s4] =	ssyncpa.u1 $0x0  }
0x5e: {  	[tilespmem:$0x10] =	vst v1  }
0x5f: {  	v0 =	vimm.s32 $0x80000000;
	[tilespmem:$0x20] =	vst v1  }
0x60: {  	[tilespmem:$0x30] =	vst v0  }
0x61: {  	s2 =	simm.s32 $0x2;
	s6 =	simm.s32 $0x7;
	[tilespmem:$0x40] =	vst v0  }
0x62: {  	s26 =	stileid.u32;
	s7 =	simm.s32 $0x8;
	s31 =	simm.s32 $0x9;
	[tilespmem:$0x50] =	vst v0  }
0x63: {  	s14 =	simm.s32 $0x0;
	s15 =	simm.s32 $0x100;
	s18 =	simm.s32 $0x10;
	[tilespmem:$0x60] =	vst v1  }
0x64: {  	s19 =	simm.s32 $0x4900;
	s20 =	simm.s32 $0xF;
	s21 =	simm.s32 $0x50;
	[tilespmem:$0x70] =	vst v1  }
0x65: {  	s22 =	simm.s32 $0x20FF;
	s23 =	simm.s32 $0x20;
	s24 =	simm.s32 $0x30;
	[tilespmem:$0x80] =	vst v1  }
0x66: {  	s25 =	simm.s32 $0x40FF;
	s30 =	simm.s32 $0x0;
	s29 =	simm.s32 $0x0;
	v1 =	vimm.s32 $0x0;
	[tilespmem:$0xB0] =	vst v0  }
.Ltmp6:
0x67: {  	s1 =	sadd.s32 $0x11000, s0;
	s5 =	sadd.s32 $0xEE00, s0;
	[tilespmem:$0x90] =	vst v1;
	(pc) =	sbr.rel .LBB3_1-.Ltmp6, $4  }
0x68: {  	s8 =	sshll.u32 s26, $0xB;
	s10 =	sshll.u32 s26, $0x1;
	[tilespmem:$0xA0] =	vst v1;
	[sflag:s2] =	ssyncpa.u1 $0x0  }
0x69: {  	s12 =	sshllo.u32 s26, $0x1;
	s26 =	simm.s32 $0x80;
	[sflag:s6] =	ssyncpa.u1 $0x0  }
0x6a: {  	vm0 =	vmmov $0xffff;
	v2 =	vlaneseq.u32;
	s9 =	sadd.s32 $0x800, s8;
	s11 =	sor.u32 $0x81, s10;
	[sflag:s7] =	ssyncpa.u1 $0x0  }
0x6b: {  	vm1 =	vmxor vm1, vm1;
	vm2 =	vmmov $0x1;
	vm3 =	vcmask $0x3F3C;
	s13 =	sor.u32 $0x80, s10;
	s28 =	smov.u32 s8;
	[sflag:s31] =	ssyncpa.u1 $0x0  }
.LBB3_3:
0x6c: {  	s0 =	sshrl.u32 s28, $0x3;
	s2 =	rddreg [dreg:$0x1]  }
0x6d: {  	s31 =	sand.u32 $0x7, s28;
	s0 =	sadd.s32 s2, s0  }
0x6e: {  	[tilespmem:s15], [sflag:$0x7] =	stream.linear.gather [hbm4b:s0+s31], $0x800, $0x38;
	[tilespmem:$0x4920] =	vst v63  }
.LBB3_4:
0x6f: {  	s0 =	sadd.s32 $0x800, s28  }
0x70: {  	s2 =	smov.u32 s8;
	s29 =	sadd.s32 $0x1, s29;
	p0 =	slt.s32 s0, s9  }
0x71: {  	s2 =	smov.u32 @p0 s0;
	p0 =	sne.s32 s29, $0x4  }
.Ltmp7:
0x72: {  	_ = 	snop;
	(pc) =	sbr.rel @!p0 .LBB3_13-.Ltmp7, $2  }
0x73: {  	_ =	sdelay $0x2  }
0x74: {  	s30 =	smov.u32 s28;
	s28 =	smov.u32 s2  }
.LBB3_1:
0x75: {  	p0 =	sgt.s32 s29, $0x1  }
.Ltmp8:
0x76: {  	_ = 	snop;
	(pc) =	sbr.rel @p0 .LBB3_11-.Ltmp8, $1  }
0x77: {  	_ =	sdelay $0x3  }
0x78: {  	p0 =	seq.s32 s29, $0x0  }
.Ltmp9:
0x79: {  	_ = 	snop;
	(pc) =	sbr.rel @p0 .LBB3_3-.Ltmp9, $1  }
0x7a: {  	_ =	sdelay $0x3  }
0x7b: {  	_ =	swait.ge [sflag:s6], $0x800  }
0x7c: {  	[sflag:s6] =	ssyncset.done $0x0  }
0x7d: {  	[sflag:s6] =	ssyncadd.s32 $0xFFFFF800;
	(ifvalue) =	ssetifvalue $0xFFFFFFFF;
	v3 =	vld.msk [tilespmem:s15+$0x0 ss:$0x1], $0xffff;
	_ =	sdelay $0x4  }
0x7e: {  	v4 =	vperm.xlane v3, v1  }
0x7f: {  	vm4 =	vlt.u32 v3, $0x8800  }
0x80: {  	v3 =	vnsel vm4, $0xFFFFFFFE, v3;
	vm4 =	vlt.u32 v4, $0x8800  }
0x81: {  	[tilespmem:$0x70] =	vst v3;
	v3 =	vnsel vm4, $0xFFFFFFFE, v4  }
0x82: {  	s16 =	simm.s32 $0x8F0;
	[tilespmem:$0x80] =	vst v3  }
0x83: {  	v3 =	vld.msk [tilespmem:s16+$0x0 ss:$0x1], $0xffff;
	_ =	sdelay $0x4  }
0x84: {  	(xrf1) =	vunique.msk.u32 $0xffff, v3;
	_ =	sdelay $0xd  }
0x85: {  	v4 =	vimm.s32 $0xFFFFFFFF;
	v5, _, _ =	vpop (xrf1)  }
0x86: {  	vm5 =	vne.s32 v3, v4;
	vm4 =	veq.s32 v5, v2  }
0x87: {  	vm6 =	vlt.u32 v3, $0x8800;
	vm4 =	vmand vm5, vm4  }
0x88: {  	vm4 =	vmand vm6, vm4  }
0x89: {  	v4 =	vnsel vm4, $0xFFFFFFFF, v3;
	_ =	sdelay $0x3  }
0x8a: {  	s0 =	simm.s32 $0x20F0;
	(ifvalue) =	ssetifvalue $0xFFFFFFFF  }
0x8b: {  	v3 =	vperm.xlane v3, v1;
	[tilespmem:s0], [sflag:$0x8] =	stream.indirect_vreg.gather [hbm4b:s1+s14], $0x1, v4, vm0, $0x4038;
	v4 =	vnsel vm6, $0xFFFFFFFE, v4;
	[tilespmem:$0x4920] =	vst v63  }
0x8c: {  	s2 =	simm.s32 $0x0;
	s3 =	simm.s32 $0x8E0;
	[tilespmem:s16+$0x0] =	vst v4  }
.LBB3_6:
0x8d: {  	v4 =	vld.msk [tilespmem:s3+$0x0 ss:$0x1], $0xffff;
	s2 =	sadd.s32 $0x10, s2;
	v5 =	vmov v3;
	s16 =	smov.u32 s3  }
0x8e: {  	p0 =	slt.u32 s2, $0x7F0;
	_ =	sdelay $0x4  }
0x8f: {  	v3 =	vperm.xlane v4, v1;
	(xrf1) =	vunique.msk.u32 $0xffff, v4;
	_ =	sdelay $0xd  }
0x90: {  	v6, _, _ =	vpop (xrf1)  }
0x91: {  	vm5 =	vne.s32 v4, v5;
	vm4 =	veq.s32 v6, v2  }
0x92: {  	vm6 =	vlt.u32 v4, $0x8800;
	vm4 =	vmand vm5, vm4  }
0x93: {  	vm4 =	vmand vm6, vm4  }
0x94: {  	v4 =	vnsel vm4, $0xFFFFFFFF, v4  }
.Ltmp10:
0x95: {  	v5 =	vnsel vm6, $0xFFFFFFFE, v4;
	(pc) =	sbr.rel @p0 .LBB3_6-.Ltmp10, $3  }
0x96: {  	_ =	sdelay $0x1  }
0x97: {  	s3 =	sadd.s32 $0xFFFFFFF0, s3;
	s0 =	sadd.s32 $0xFFFFFFF0, s0;
	(ifvalue) =	ssetifvalue $0xFFFFFFFF  }
0x98: {  	[tilespmem:s0], [sflag:$0x8] =	stream.indirect_vreg.gather [hbm4b:s1+s14], $0x1, v4, vm0, $0x4038;
	[tilespmem:s16+$0x0] =	vst v5  }
.Ltmp11:
0x99: {  	(pc) =	sbr.rel .LBB3_4-.Ltmp11, $4  }
0x9a: {  	_ = 	snop  }
0x9b: {  	s0 =	sshrl.u32 s30, $0x3  }
0x9c: {  	s2 =	simm.s32 $0x2900;
	s0 =	sadd.s32 s5, s0  }
0x9d: {  	[tilespmem:s2], [sflag:$0x8] =	stream.linear.gather [hbm:s0], $0x800, $0x38;
	[tilespmem:$0x4920] =	vst v63  }
.LBB3_11:
0x9e: {  	p0 =	seq.s32 s29, $0x2  }
.Ltmp12:
0x9f: {  	_ = 	snop;
	(pc) =	sbr.rel @!p0 .LBB3_12-.Ltmp12, $1  }
0xa0: {  	_ =	sdelay $0x3  }
0xa1: {  	_ =	swait.ge [sflag:s7], $0x1000  }
0xa2: {  	[sflag:s7] =	ssyncset.done $0x0  }
0xa3: {  	s0 =	simm.s32 $0x8FF;
	[sflag:s7] =	ssyncadd.s32 $0xFFFFF000  }
0xa4: {  	[spmem:s11] =	stream.linear.scatter [tilespmem:s0], [sflag:$0x1], $0x1, $0x38;
	[tilespmem:$0x4920] =	vst v63  }
0xa5: {  	_ =	swait.ge [sflag:s4], $0x1  }
0xa6: {  	[sflag:s4] =	ssyncset.done $0x0  }
0xa7: {  	[sflag:s4] =	ssyncadd.s32 $0xFFFFFFFF  }
0xa8: {  	v4 =	vld [tilespmem:$0x10]  }
0xa9: {  	v5 =	vld [tilespmem:$0x70]  }
0xaa: {  	v3 =	vld [tilespmem:$0x80];
	_ =	sdelay $0x2  }
0xab: {  	(v2sf) =	vpush v4, $0x0  }
0xac: {  	(v2sf) =	vpush v5, $0x0  }
0xad: {  	(v2sf) =	vpush v3, $0x0;
	_ =	sdelay $0xc  }
0xae: {  	s17 =	spop (v2sf)  }
0xaf: {  	s2 =	spop (v2sf)  }
0xb0: {  	s30 =	spop (v2sf)  }
0xb1: {  	p0 =	seq.s32 s17, s2;
	p1 =	seq.s32 s30, s17  }
0xb2: {  	p1 =	por p0, p1  }
0xb3: {  	v4 =	vpsel p1, $0xFFFFFFFF, v4  }
0xb4: {  	[tilespmem:s18+$0x0] =	vst.msk $0x1, v4  }
0xb5: {  	v4 =	vld [tilespmem:$0x30]  }
0xb6: {  	v5 =	vld [tilespmem:$0x2900]  }
0xb7: {  	v6 =	vld [tilespmem:$0x40];
	_ =	sdelay $0x3  }
0xb8: {  	vm4 =	vmmov vm1;
	vm6 =	vmmov vm2;
	vm5 =	vgt.s32 v4, v5  }
0xb9: {  	s3 =	simm.s32 $0x2900;
	vm4 =	vmmov @p0 vm2;
	v5 =	vsel vm5, v4, v5;
	vm5 =	vgt.s32 v4, v6  }
0xba: {  	vm6 =	vmmov @p1 vm1;
	v4 =	vsel vm5, v4, v6;
	[tilespmem:s3+$0x0] =	vst.msk vm4, v5  }
0xbb: {  	[tilespmem:s19+$0x0] =	vst.msk vm6, v4  }
0xbc: {  	v4 =	vld [tilespmem:$0x20F0];
	_ =	sdelay $0x4  }
0xbd: {  	v4 =	vshift.insert v4, v1, s20;
	_ =	sdelay $0x1  }
0xbe: {  	v5 =	vimm.s32 $0x80000000;
	[tilespmem:s21+$0x0] =	vst.msk $0x1, v4  }
0xbf: {  	[tilespmem:s22+$0x0] =	vst.msk $0x1, v5  }
0xc0: {  	v4 =	vld [tilespmem:$0x8F0];
	_ =	sdelay $0x4  }
0xc1: {  	v4 =	vshift.insert v4, v1, s20;
	_ =	sdelay $0x1  }
0xc2: {  	[tilespmem:s23+$0x0] =	vst.msk $0x1, v4  }
0xc3: {  	v6 =	vld [tilespmem:s3+$0x0]  }
0xc4: {  	s16 =	simm.s32 $0x100  }
0xc5: {  	v7 =	vld [tilespmem:s16+$0x0];
	_ =	sdelay $0x2  }
0xc6: {  	vm4 =	vgt.s32 v6, v5  }
0xc7: {  	v5 =	vsel vm4, v6, v5  }
0xc8: {  	vm4 =	vne.s32 v7, $0xFFFFFFFF;
	v5 =	vxor.u32 $0x80000000, v5  }
0xc9: {  	(xrf0) =	vmax.seg.scan.u32 vm4, v5  }
0xca: {  	s17 =	simm.s32 $0x1900  }
0xcb: {  	v8 =	vld [tilespmem:s17+$0x0]  }
0xcc: {  	v6 =	vld [tilespmem:$0xA0];
	_ =	sdelay $0x2  }
0xcd: {  	v5 =	vperm.xlane v4, v1;
	v9, _, _ =	vpop (xrf0)  }
0xce: {  	vm6 =	veq.s32 v7, v3;
	v9 =	vxor.u32 $0x80000000, v9  }
0xcf: {  	vm8 =	veq.s32 v7, v5;
	vm5 =	veq.s32 v6, $0x1;
	vm7 =	vgt.s32 v9, v8  }
0xd0: {  	vm8 =	vmor vm8, vm6;
	v6 =	vsel vm7, v9, v8;
	vm7 =	vgt.u32 v7, $0xFFFFFFFD  }
0xd1: {  	v10 =	vld [tilespmem:$0x90];
	vm9 =	vmand vm4, vm3;
	vm4 =	vmor vm5, vm6;
	vm5 =	vmor vm8, vm7  }
0xd2: {  	v8 =	vsel vm5, $0xFFFFFFFF, v7;
	_ =	sdelay $0x1  }
0xd3: {  	s31 =	simm.s32 $0x3900  }
0xd4: {  	s0 =	simm.s32 $0x0;
	s2 =	simm.s32 $0x2910;
	s3 =	simm.s32 $0x110;
	v11 =	vsel vm9, $0x80000000, v9;
	v6 =	vsel vm6, v9, v6  }
0xd5: {  	s16 =	simm.s32 $0x3910;
	s17 =	simm.s32 $0x1910;
	[tilespmem:s31+$0x0] =	vst v6;
	v6 =	vsel vm6, v9, v10;
	v7 =	vshift.insert v11, v0, s20;
	(ifvalue) =	ssetifvalue $0xFFFFFFFF  }
.LBB3_9:
0xd6: {  	[hbm4b:s1+s14] =	stream.indirect_vreg.scatter [tilespmem:s31], [sflag:$0x2], $0x1, v8, vm0, $0x4038;
	[tilespmem:$0x4920] =	vst v63  }
0xd7: {  	s0 =	sadd.s32 $0x10, s0;
	s31 =	smov.u32 s16;
	v8 =	vld [tilespmem:s2+$0x0]  }
0xd8: {  	p0 =	slt.u32 s0, $0x7F0  }
0xd9: {  	v9 =	vld [tilespmem:s3+$0x0];
	_ =	sdelay $0x2  }
0xda: {  	vm5 =	vgt.s32 v8, v7  }
0xdb: {  	v7 =	vsel vm5, v8, v7  }
0xdc: {  	vm5 =	vne.s32 v9, $0xFFFFFFFF;
	v7 =	vxor.u32 $0x80000000, v7  }
0xdd: {  	(xrf0) =	vmax.seg.scan.u32 vm5, v7;
	_ =	sdelay $0x2  }
0xde: {  	v7 =	vld [tilespmem:s17+$0x0];
	_ =	sdelay $0x1  }
0xdf: {  	vm6 =	veq.s32 v9, v3;
	vm7 =	veq.s32 v9, v5  }
0xe0: {  	vm8 =	vgt.u32 v9, $0xFFFFFFFD;
	vm4 =	vmor vm4, vm6;
	vm7 =	vmor vm7, vm6;
	v8, _, _ =	vpop (xrf0)  }
0xe1: {  	vm5 =	vmand vm5, vm3;
	vm7 =	vmor vm7, vm8;
	v10 =	vxor.u32 $0x80000000, v8  }
.Ltmp13:
0xe2: {  	v8 =	vsel vm7, $0xFFFFFFFF, v9;
	vm7 =	vgt.s32 v10, v7;
	v9 =	vsel vm5, $0x80000000, v10;
	(pc) =	sbr.rel @p0 .LBB3_9-.Ltmp13, $4  }
0xe3: {  	v6 =	vsel vm6, v10, v6;
	v11 =	vsel vm7, v10, v7;
	v7 =	vshift.insert v9, v0, s20  }
0xe4: {  	v9 =	vsel vm6, v10, v11  }
0xe5: {  	s2 =	sadd.s32 $0x10, s2;
	s3 =	sadd.s32 $0x10, s3;
	[tilespmem:s16+$0x0] =	vst v9  }
0xe6: {  	s17 =	sadd.s32 $0x10, s17;
	s16 =	sadd.s32 $0x10, s16;
	(ifvalue) =	ssetifvalue $0xFFFFFFFF  }
0xe7: {  	_ =	sdelay $0x3  }
0xe8: {  	[hbm4b:s1+s14] =	stream.indirect_vreg.scatter [tilespmem:s31], [sflag:$0x2], $0x1, v8, vm0, $0x4038;
	[tilespmem:$0x4920] =	vst v63  }
0xe9: {  	v3 =	vld [tilespmem:$0x40F0];
	_ =	sdelay $0x4  }
0xea: {  	v3 =	vshift.insert v3, v1, s20;
	_ =	sdelay $0x1  }
0xeb: {  	[tilespmem:s24+$0x0] =	vst.msk $0x1, v3  }
0xec: {  	v3 =	vsel vm4, $0x1, v1;
	[tilespmem:$0x90] =	vst v6  }
0xed: {  	[tilespmem:$0xA0] =	vst v3  }
0xee: {  	[spmem:s12] =	stream.linear.scatter [tilespmem:s25], [sflag:$0x1], $0x1, $0x38;
	[tilespmem:$0x4920] =	vst v63  }
0xef: {  	v3 =	vmctz.xlane vm4;
	_ =	swait.ge [sflag:s4], $0x1  }
0xf0: {  	(v2sf) =	vpush v4, $0x0  }
0xf1: {  	(v2sf) =	vpush v3, $0x0;
	_ =	sdelay $0xd  }
0xf2: {  	s0 =	spop (v2sf)  }
0xf3: {  	s2 =	spop (v2sf)  }
0xf4: {  	[sflag:s4] =	ssyncset.done $0x0;
	p0 =	sne.s32 s30, s0;
	p1 =	slt.s32 s2, $0xF  }
0xf5: {  	[sflag:s4] =	ssyncadd.s32 $0xFFFFFFFF;
	v3 =	vimm.s32 @!p0 $0xFFFFFFFF;
	s2 =	simm.s32 @!p1 $0xF  }
0xf6: {  	[tilespmem:$0x80] =	vst @!p0 v3;
	s31 =	sadd.s32 $0x90, s2  }
0xf7: {  	[spmem:s10] =	stream.linear.scatter [tilespmem:s31], [sflag:$0x1], $0x1, $0x38;
	[tilespmem:$0x4920] =	vst v63  }
0xf8: {  	_ =	swait.ge [sflag:s4], $0x1  }
0xf9: {  	[sflag:s4] =	ssyncset.done $0x0  }
0xfa: {  	[sflag:s4] =	ssyncadd.s32 $0xFFFFFFFF  }
0xfb: {  	[spmem:s13] =	stream.linear.scatter [tilespmem:s26], [sflag:$0x1], $0x1, $0x38;
	[tilespmem:$0x4920] =	vst v63  }
0xfc: {  	_ =	swait.ge [sflag:s4], $0x1  }
0xfd: {  	[sflag:s4] =	ssyncset.done $0x0  }
0xfe: {  	[sflag:s4] =	ssyncadd.s32 $0xFFFFFFFF;
	(ifvalue) =	ssetifvalue $0xFFFFFFFF;
	v3 =	vld [tilespmem:$0x10];
	_ =	sdelay $0x3  }
.Ltmp14:
0xff: {  	_ = 	snop;
	(pc) =	sbr.rel .LBB3_4-.Ltmp14, $3  }
0x100: {  	_ =	sdelay $0x1  }
0x101: {  	(ifvalue) =	ssetifvalue $0xFFFFFFFF  }
0x102: {  	[hbm4b:s1+s14] =	stream.indirect_vreg.scatter [tilespmem:s19], [sflag:$0x9], $0x1, v3, vm0, $0x4038;
	[tilespmem:$0x4920] =	vst v63  }
.LBB3_12:
0x103: {  	s0 =	simm.s32 $0x2  }
0x104: {  	_ =	swait.ge [sflag:s0], $0x800  }
0x105: {  	[sflag:s0] =	ssyncset.done $0x0  }
0x106: {  	s31 =	simm.s32 $0x9;
	[sflag:s0] =	ssyncadd.s32 $0xFFFFF800  }
0x107: {  	_ =	swait.ge [sflag:s31], $0x10  }
0x108: {  	[sflag:s31] =	ssyncset.done $0x0  }
0x109: {  	[sflag:s31] =	ssyncadd.s32 $0xFFFFFFF0  }
.LBB3_13:
0x10a: {  	_ =	sfence.sel $0x180000  }
0x10b: {  	s0 =	simm.s32 $0x7;
	[bflag:$0x0] =	sbarrier.arrive $0xFFFF  }
0x10c: {  	s26 =	simm.s32 $0x8;
	[sflag:s0] =	ssyncpa.u1 $0x1  }
0x10d: {  	s28 =	simm.s32 $0x9;
	[sflag:s26] =	ssyncpa.u1 $0x1  }
0x10e: {  	[sflag:s28] =	ssyncpa.u1 $0x1  }
0x10f: {  	_ =	sfence.stream.spmem  }
0x110: {  	s29 =	simm.s32 $0x3;
	[bflag:$0x0] =	sbarrier.arrive $0xFFFF  }
0x111: {  	s30 =	simm.s32 $0x4;
	[sflag:s29] =	ssyncpa.u1 $0x1  }
0x112: {  	s31 =	simm.s32 $0x3C;
	s2 =	stileid.u32;
	[sflag:s30] =	ssyncpa.u1 $0x1  }
0x113: {  	p0 =	sne.s32 s2, $0x0;
	[sflag:s31] =	ssyncpa.u1 $0x1  }
0x114: {  	s0 =	simm.s32 @p0 $0x1;
	_ =	sfence @p0  }
0x115: {  	[sflag:s0] =	ssyncpa.u1 @p0 $0x1;
	s0 =	simm.s32 @p0 $0x2  }
0x116: {  	[sflag:s0] =	ssyncpa.u1 @p0 $0x1  }
0x117: {  	_ =	strace @p0 $0x9000004D  }
0x118: {  	[bflag:$0x2] =	sbarrier.arrive @p0 $0xFFFF  }
0x119: {  	_ =	shalt @p0  }
.LBB3_14:
0x11a: {  	_ =	sfence.stream.spmem;
	s0 =	simm.s32 $0x5  }
0x11b: {  	s2 =	simm.s32 $0x80;
	s3 =	simm.s32 $0xC0;
	[sflag:s0] =	ssyncpa.u1 $0x0  }
0x11c: {  	[tilespmem:s3], [sflag:$0x5] =	stream.linear.gather [spmem:s2], $0x20, $0x38;
	[tilespmem:$0x4920] =	vst v63  }
0x11d: {  	s30 =	simm.s32 $0xE0;
	s2 =	simm.s32 $0x0  }
0x11e: {  	[tilespmem:s30], [sflag:$0x5] =	stream.linear.gather [spmem:s2], $0x20, $0x38;
	[tilespmem:$0x4920] =	vst v63  }
.Ltmp15:
0x11f: {  	_ = 	snop;
	(pc) =	sbr.rel .LBB3_15-.Ltmp15, $4  }
0x120: {  	_ =	swait.ge [sflag:s0], $0x40  }
0x121: {  	[sflag:s0] =	ssyncset.done $0x0  }
0x122: {  	s31 =	simm.s32 $0x6;
	[sflag:s0] =	ssyncadd.s32 $0xFFFFFFC0  }
0x123: {  	s3 =	simm.s32 $0x0;
	[sflag:s31] =	ssyncpa.u1 $0x0  }
.LBB3_20:
0x124: {  	p0 =	sgt.u32 s4, $0x87FF  }
0x125: {  	s0 =	sshrl.u32 @!p0 s4, $0x3  }
0x126: {  	s4 =	sand.u32 @!p0 $0x7, s4;
	s5 =	simm.s32 @!p0 $0xB0;
	s0 =	sadd.s32 @!p0 s1, s0  }
0x127: {  	[tilespmem:s5], [sflag:$0x6] =	stream.linear.gather @!p0 [hbm4b:s0+s4], $0x1, $0x38;
	[tilespmem:$0x4920] =	vst v63  }
0x128: {  	s0 =	simm.s32 @!p0 $0x6  }
0x129: {  	_ =	swait.ge @!p0 [sflag:s0], $0x1  }
0x12a: {  	[sflag:s0] =	ssyncset.done @!p0 $0x0  }
0x12b: {  	[sflag:s0] =	ssyncadd.s32 @!p0 $0xFFFFFFFF  }
0x12c: {  	v1 =	vld.msk @!p0 [tilespmem:$0xB0], $0x1  }
0x12d: {  	v2 =	vld.msk @!p0 [tilespmem:s3+$0xE0], $0x1;
	_ =	sdelay $0x4  }
0x12e: {  	vm0 =	vgt.s32 @!p0 v2, v1  }
0x12f: {  	v1 =	vsel @!p0 vm0, v2, v1  }
0x130: {  	[tilespmem:s3+$0xE0] =	vst.msk @!p0 $0x1, v1  }
0x131: {  	[tilespmem:s2+$0xC0] =	vst.msk $0x1, v0  }
0x132: {  	v0 =	vld.msk [tilespmem:s3+$0xE0], $0x1;
	_ =	sdelay $0x4  }
0x133: {  	[tilespmem:s2+$0xE0] =	vst.msk $0x1, v0;
	s2 =	sadd.s32 $0x1, s2  }
.LBB3_22:
0x134: {  	s3 =	sadd.s32 $0x1, s3  }
0x135: {  	p0 =	sne.s32 s3, $0x20  }
.Ltmp16:
0x136: {  	_ = 	snop;
	(pc) =	sbr.rel @!p0 .LBB3_23-.Ltmp16, $1  }
0x137: {  	_ =	sdelay $0x3  }
.LBB3_15:
0x138: {  	v0 =	vld.msk [tilespmem:s3+$0xC0], $0x1;
	_ =	sdelay $0x4  }
0x139: {  	(v2sf) =	vpush v0, $0x0;
	_ =	sdelay $0xe  }
0x13a: {  	s4 =	spop (v2sf)  }
0x13b: {  	p0 =	seq.s32 s4, $0xFFFFFFFF  }
.Ltmp17:
0x13c: {  	_ = 	snop;
	(pc) =	sbr.rel @p0 .LBB3_22-.Ltmp17, $1  }
0x13d: {  	_ =	sdelay $0x3  }
0x13e: {  	p0 =	slt.s32 s2, $0x1  }
.Ltmp18:
0x13f: {  	_ = 	snop;
	(pc) =	sbr.rel @p0 .LBB3_20-.Ltmp18, $1  }
0x140: {  	_ =	sdelay $0x3  }
0x141: {  	s0 =	simm.s32 $0xC0;
	p0 =	por $0x0, $0x0  }
0x142: {  	v1 =	vld.msk @!p0 [tilespmem:s0+$0x0], $0x1;
	_ =	sdelay $0x4  }
0x143: {  	(v2sf) =	vpush @!p0 v1, $0x0;
	_ =	sdelay $0xd  }
0x144: {  	p2 =	sne.s32 s2, $0x1  }
.Ltmp19:
0x145: {  	s5 =	spop @!p0 (v2sf);
	(pc) =	sbr.rel @!p2 .LBB3_19-.Ltmp19, $4  }
0x146: {  	p1 =	seq.s32 @!p0 s4, s5  }
0x147: {  	s5 =	simm.s32 $0x0;
	p1 =	por !p1, p0  }
0x148: {  	s7 =	simm.s32 $0xFFFFFFFF;
	s5 =	simm.s32 @p1 $0xFFFFFFFF  }
0x149: {  	s6 =	simm.s32 $0x1;
	s5 =	smov.u32 @p0 s7  }
.LBB3_18:
0x14a: {  	s7 =	smov.u32 s5;
	p0 =	sne.s32 s5, $0xFFFFFFFF  }
0x14b: {  	s0 =	sadd.s32 $0x1, s0;
	s5 =	smov.u32 s6;
	s6 =	sadd.s32 $0x1, s6  }
0x14c: {  	p1 =	sne.s32 s2, s6;
	v1 =	vld.msk @!p0 [tilespmem:s0+$0x0], $0x1;
	_ =	sdelay $0x4  }
0x14d: {  	(v2sf) =	vpush @!p0 v1, $0x0;
	_ =	sdelay $0xe  }
.Ltmp20:
0x14e: {  	s8 =	spop @!p0 (v2sf);
	(pc) =	sbr.rel @p1 .LBB3_18-.Ltmp20, $4  }
0x14f: {  	p2 =	seq.s32 @!p0 s4, s8  }
0x150: {  	p2 =	por !p2, p0  }
0x151: {  	s5 =	simm.s32 @p2 $0xFFFFFFFF  }
0x152: {  	s5 =	smov.u32 @p0 s7  }
.LBB3_19:
0x153: {  	p0 =	sne.s32 s5, $0xFFFFFFFF  }
.Ltmp21:
0x154: {  	_ = 	snop;
	(pc) =	sbr.rel @!p0 .LBB3_20-.Ltmp21, $1  }
0x155: {  	_ =	sdelay $0x3  }
0x156: {  	v0 =	vld.msk [tilespmem:s3+$0xE0], $0x1  }
0x157: {  	v1 =	vld.msk [tilespmem:s5+$0xE0], $0x1;
	_ =	sdelay $0x2  }
.Ltmp22:
0x158: {  	_ = 	snop;
	(pc) =	sbr.rel .LBB3_22-.Ltmp22, $4  }
0x159: {  	_ = 	snop  }
0x15a: {  	vm0 =	vgt.s32 v1, v0  }
0x15b: {  	v0 =	vsel vm0, v1, v0  }
0x15c: {  	[tilespmem:s5+$0xE0] =	vst.msk $0x1, v0  }
.LBB3_23:
0x15d: {  	p0 =	slt.s32 s2, $0x1  }
.Ltmp23:
0x15e: {  	_ = 	snop;
	(pc) =	sbr.rel @p0 .LBB3_27-.Ltmp23, $3  }
0x15f: {  	_ =	sdelay $0x1  }
0x160: {  	s0 =	simm.s32 $0x6  }
0x161: {  	[sflag:s0] =	ssyncpa.u1 $0x1;
	s0 =	simm.s32 $0x0  }
0x162: {  	s3 =	simm.s32 $0xC0  }
0x163: {  	v0 =	vld.msk [tilespmem:s3+$0x0], $0x1;
	_ =	sdelay $0x4  }
0x164: {  	(v2sf) =	vpush v0, $0x0;
	_ =	sdelay $0xe  }
0x165: {  	s2 =	sadd.s32 $0xFFFFFFFF, s2;
	s4 =	spop (v2sf)  }
0x166: {  	p1 =	sne.s32 s2, $0x0;
	p0 =	sgt.u32 s4, $0x87FF  }
.Ltmp24:
0x167: {  	s5 =	sshrl.u32 @!p0 s4, $0x3;
	(pc) =	sbr.rel @!p1 .LBB3_26-.Ltmp24, $4  }
0x168: {  	s3 =	simm.s32 $0xE0;
	s4 =	sand.u32 @!p0 $0x7, s4;
	s5 =	sadd.s32 @!p0 s1, s5  }
0x169: {  	[hbm4b:s5+s4] =	stream.linear.scatter @!p0 [tilespmem:s3], [sflag:$0x5], $0x1, $0x38;
	[tilespmem:$0x4920] =	vst v63  }
0x16a: {  	s5 =	simm.s32 $0x0  }
0x16b: {  	s4 =	simm.s32 $0xC1;
	s5 =	simm.s32 @!p0 $0x4  }
.LBB3_25:
0x16c: {  	v0 =	vld.msk [tilespmem:s4+$0x0], $0x1;
	s2 =	sadd.s32 $0xFFFFFFFF, s2;
	s0 =	sadd.s32 s0, s5  }
0x16d: {  	p0 =	sne.s32 s2, $0x0;
	_ =	sdelay $0x3  }
0x16e: {  	(v2sf) =	vpush v0, $0x0;
	_ =	sdelay $0xe  }
.Ltmp25:
0x16f: {  	s6 =	spop (v2sf);
	(pc) =	sbr.rel @p0 .LBB3_25-.Ltmp25, $4  }
0x170: {  	s5 =	simm.s32 $0x0;
	p1 =	sgt.u32 s6, $0x87FF  }
0x171: {  	s3 =	sadd.s32 $0x1, s3;
	s5 =	simm.s32 @!p1 $0x4;
	s7 =	sshrl.u32 @!p1 s6, $0x3  }
0x172: {  	s4 =	sadd.s32 $0x1, s4;
	s6 =	sand.u32 @!p1 $0x7, s6;
	s7 =	sadd.s32 @!p1 s1, s7  }
0x173: {  	[hbm4b:s7+s6] =	stream.linear.scatter @!p1 [tilespmem:s3], [sflag:$0x5], $0x1, $0x38;
	[tilespmem:$0x4920] =	vst v63  }
.LBB3_26:
0x174: {  	s0 =	sadd.s32 s0, s5  }
0x175: {  	s0 =	sshrl.u32 s0, $0x2  }
.LBB3_27:
0x176: {  	s1 =	simm.s32 $0x5  }
0x177: {  	_ =	swait.ge [sflag:s1], s0  }
0x178: {  	s28 =	ssub.s32 $0x0, s0;
	[sflag:s1] =	ssyncset.done $0x0  }
0x179: {  	[sflag:s1] =	ssyncadd.s32 s28  }
0x17a: {  	[sflag:s1] =	ssyncpa.u1 $0x1  }
0x17b: {  	s29 =	simm.s32 $0x1;
	_ =	sfence  }
0x17c: {  	s30 =	simm.s32 $0x2;
	[sflag:s29] =	ssyncpa.u1 $0x1  }
0x17d: {  	[sflag:s30] =	ssyncpa.u1 $0x1  }
0x17e: {  	_ =	strace $0x9000004D  }
0x17f: {  	[bflag:$0x2] =	sbarrier.arrive $0xFFFF  }
0x180: {  	s31 =	rddreg [dreg:$0x2]  }
0x181: {  	s0 =	sadd.s32 $0x100000, s31  }
0x182: {  	[sflag:s0] =	ssyncadd.tile.s32 $0x1;
	_ =	shalt  }
.Lfunc_end3:
_tile_overlayer_lowered:
.L_overlay_start_3:
0x183: {  	(tag) =	ssettag $0x3  }
0x184: {  	s0 =	rddreg [dreg:$0x0];
	s2 =	stileid.u32  }
0x185: {  	s1 =	rddreg [dreg:$0x1];
	p0 =	sne.s32 s2, $0x0  }
0x186: {  	s3 =	rddreg [dreg:$0x2];
	[bflag:$0x3] =	sbarrier.arrive $0xFFFF;
	s2 =	simm.s32 @!p0 $0x1C01  }
0x187: {  	[timem:s3], [sflag:s2] =	dma.local @!p0 [hbm:s0], s1  }
0x188: {  	s0 =	simm.s32 @!p0 $0x1  }
0x189: {  	_ =	swait.ge @!p0 [sflag:s0], s1  }
0x18a: {  	s1 =	ssub.s32 @!p0 $0x0, s1;
	[sflag:s0] =	ssyncset.done @!p0 $0x0  }
0x18b: {  	[sflag:s0] =	ssyncadd.s32 @!p0 s1  }
0x18c: {  	[bflag:$0x3] =	sbarrier.arrive $0xFFFF  }
0x18d: {  	_ =	shalt  }

</sc_bundles>
